<compile_context>
chip_gen: v7x
topology: tpu7x:2x2x1
jax: 0.10.2.dev20260603
libtpu: 0.0.44.dev20260713+nightly
codegen_flags: <defaults>
</compile_context>

<pallas_src>
import functools

import jax
import jax.numpy as jnp
from jax import lax
from jax.experimental import pallas as pl
from jax.experimental.pallas import tpu as pltpu
from jax.experimental.pallas import tpu_sc as plsc

_NUM_WORKERS = 32
_LANES = 16
_BLK = 128


def _pick_chunk(total, cap):
    c = cap
    while c >= _LANES:
        if total % c == 0 and c % _LANES == 0:
            return c
        c -= _LANES
    raise ValueError(f"no chunk for {total}")


def _pick_cb(blocks_lo, cap):
    for cb in range(cap, 0, -1):
        if blocks_lo % cb == 0:
            return cb
    return 1


@functools.lru_cache(maxsize=None)
def _build(n_types_pad, n_atoms, n_pairs, interpret=False):
    assert n_pairs % _BLK == 0
    nb = n_pairs // _BLK
    blocks_lo = nb // _NUM_WORKERS
    n_tail = nb - blocks_lo * _NUM_WORKERS
    CB = min(16, blocks_lo)
    n_chunks = blocks_lo // CB
    rem_blocks = blocks_lo - n_chunks * CB
    CP = CB * _BLK
    NBUF = max(1, min(3, n_chunks))
    assert n_atoms % _LANES == 0
    n_grp = n_atoms // _LANES
    GS = -(-n_grp // 16)
    AC = GS * _LANES
    p1_chunks = []
    o = 0
    while o < AC:
        s = min(2 * CP, AC - o)
        p1_chunks.append((o, s))
        o += s

    mesh = plsc.VectorSubcoreMesh(core_axis_name="c", subcore_axis_name="s")

    @functools.partial(
        pl.kernel,
        out_type=jax.ShapeDtypeStruct((n_pairs,), jnp.float32),
        mesh=mesh,
        scratch_types=(
            [
                pltpu.VMEM((n_types_pad,), jnp.float32),
                pltpu.VMEM((n_atoms,), jnp.float32),
            ]
            + [pltpu.VMEM((2 * CP,), jnp.int32)
               for _ in range(NBUF)]
            + [pltpu.VMEM((CP,), jnp.float32)
               for _ in range(NBUF)]
            + [pltpu.VMEM((CP,), jnp.float32)
               for _ in range(NBUF)]
            + [pltpu.VMEM_SHARED((n_atoms,), jnp.float32)]
            + [pltpu.SemaphoreType.DMA for _ in range(2 * NBUF)]
        ),
        compiler_params=pltpu.CompilerParams(
            needs_layout_passes=False, use_tc_tiling_on_sc=False
        ),
        interpret=interpret,
    )
    def vdw_kernel(vdw_hbm, anum_hbm, idx_hbm, dist_hbm, out_hbm,
                   vdw_v, rad_v, *rest):
        idxs = rest[0:NBUF]
        dists = rest[NBUF:2 * NBUF]
        outs = rest[2 * NBUF:3 * NBUF]
        rad_sh = rest[3 * NBUF]
        sem_i = rest[3 * NBUF + 1:4 * NBUF + 1]
        sem_o = rest[4 * NBUF + 1:5 * NBUF + 1]
        idx_v = idxs[0]
        sid = lax.axis_index("s")
        wid = sid * 2 + lax.axis_index("c")
        pltpu.sync_copy(vdw_hbm, vdw_v)

        a0 = lax.min(sid * GS, n_grp - GS) * _LANES
        for p1_off, p1_sz in p1_chunks:
            pltpu.sync_copy(anum_hbm.at[pl.ds(a0 + p1_off, p1_sz)],
                            idx_v.at[pl.ds(0, p1_sz)])

            @plsc.parallel_loop(0, p1_sz // _LANES, unroll=4)
            def grp(g, _o=p1_off):
                nums = idx_v[pl.ds(g * _LANES, _LANES)]
                rad = plsc.load_gather(vdw_v, [nums])
                rad_v[pl.ds(a0 + _o + g * _LANES, _LANES)] = rad

        pltpu.sync_copy(rad_v.at[pl.ds(a0, AC)], rad_sh.at[pl.ds(a0, AC)])
        plsc.subcore_barrier()
        pltpu.sync_copy(rad_sh, rad_v)

        b0 = wid * blocks_lo + lax.min(wid, n_tail)
        bufs = tuple((idxs[k], dists[k], outs[k], sem_i[k], sem_o[k])
                     for k in range(NBUF))

        def in_copies(c, buf):
            iv, dv, _, si, _ = buf
            boff = b0 + c * CB
            return (
                pltpu.make_async_copy(
                    idx_hbm.at[pl.ds(boff * 2 * _BLK, 2 * CP)],
                    iv.at[pl.ds(0, 2 * CP)], si),
                pltpu.make_async_copy(
                    dist_hbm.at[pl.ds(boff * _BLK, CP)], dv, si),
            )

        def out_copy(c, buf):
            _, _, ov, _, so = buf
            boff = b0 + c * CB
            return pltpu.make_async_copy(
                ov, out_hbm.at[pl.ds(boff * _BLK, CP)], so)

        def start_in(c, buf):
            for cp in in_copies(c, buf):
                cp.start()

        def wait_in(c, buf):
            for cp in in_copies(c, buf):
                cp.wait()

        def do_blocks(buf, nblocks):
            iv, dv, ov, _, _ = buf
            @plsc.parallel_loop(0, nblocks, unroll=2)
            def blk(bb):
                ibase = bb * (2 * _BLK)
                pbase = bb * _BLK
                for r in range(_BLK // _LANES):
                    ii = iv[pl.ds(ibase + r * _LANES, _LANES)]
                    jj = iv[pl.ds(ibase + _BLK + r * _LANES, _LANES)]
                    ri = plsc.load_gather(rad_v, [ii])
                    rj = plsc.load_gather(rad_v, [jj])
                    d = dv[pl.ds(pbase + r * _LANES, _LANES)]
                    ov[pl.ds(pbase + r * _LANES, _LANES)] = (
                        (ri + rj) * 0.5 / d)

        def half(i, c, buf):
            wait_in(c, buf)
            @pl.when(i > 0)
            def _():
                out_copy(c, buf).wait()
            do_blocks(buf, CB)
            @pl.when(c + NBUF < n_chunks)
            def _():
                start_in(c + NBUF, buf)
            out_copy(c, buf).start()

        n_main = n_chunks // NBUF
        n_epi = n_chunks % NBUF
        for k in range(min(NBUF, n_chunks)):
            start_in(k, bufs[k])

        def ring_iter(i, _):
            for k in range(NBUF):
                half(i, i * NBUF + k, bufs[k])
            return 0
        lax.fori_loop(0, n_main, ring_iter, 0, unroll=False)

        for k in range(n_epi):
            c = n_main * NBUF + k
            wait_in(c, bufs[k])
            if c >= NBUF:
                out_copy(c, bufs[k]).wait()
            do_blocks(bufs[k], CB)
            out_copy(c, bufs[k]).start()

        for k in range(min(NBUF, n_chunks)):
            out_copy(0, bufs[k]).wait()

        if rem_blocks:
            boff_r = b0 + n_chunks * CB
            pltpu.sync_copy(
                idx_hbm.at[pl.ds(boff_r * 2 * _BLK, rem_blocks * 2 * _BLK)],
                idx_v.at[pl.ds(0, rem_blocks * 2 * _BLK)])
            pltpu.sync_copy(
                dist_hbm.at[pl.ds(boff_r * _BLK, rem_blocks * _BLK)],
                dists[0].at[pl.ds(0, rem_blocks * _BLK)])
            do_blocks(bufs[0], rem_blocks)
            pltpu.sync_copy(
                outs[0].at[pl.ds(0, rem_blocks * _BLK)],
                out_hbm.at[pl.ds(boff_r * _BLK, rem_blocks * _BLK)])

        @pl.when(wid < n_tail)
        def _tail():
            boff = b0 + blocks_lo
            pltpu.sync_copy(idx_hbm.at[pl.ds(boff * 2 * _BLK, 2 * _BLK)],
                            idx_v.at[pl.ds(0, 2 * _BLK)])
            pltpu.sync_copy(dist_hbm.at[pl.ds(boff * _BLK, _BLK)],
                            dists[0].at[pl.ds(0, _BLK)])
            do_blocks(bufs[0], 1)
            pltpu.sync_copy(outs[0].at[pl.ds(0, _BLK)],
                            out_hbm.at[pl.ds(boff * _BLK, _BLK)])

    return vdw_kernel


def kernel(atom_vdw, atoms_long, batch_atom_ij_idx, batch_dist_ij):
    n_types = atom_vdw.shape[0]
    n_pairs = batch_dist_ij.shape[0]
    n_types_pad = max(128, -(-n_types // 8) * 8)
    vdw_pad = jnp.zeros((n_types_pad,), jnp.float32).at[:n_types].set(atom_vdw)
    anum = atoms_long[:, 1]
    idx_flat = (
        batch_atom_ij_idx.reshape(n_pairs // _BLK, _BLK, 2)
        .transpose(0, 2, 1)
        .reshape(-1)
    )
    fn = _build(n_types_pad, atoms_long.shape[0], n_pairs)
    return fn(vdw_pad, anum, idx_flat, batch_dist_ij)

# --- scband reference (transcript-rebuilt; emitter-appended) ---
"""Pipeline reference for scband-vdwnormalized-reciprocal-distance-81827716923452 (READ-ONLY COPY).

The authoritative reference and input builder live on the scoring server;
editing this copy changes nothing except your own understanding.
"""

import jax, jax.numpy as jnp
import numpy as np

N_ATOMS = 100000
N_PAIRS = 6400000
N_TYPES = 100


def setup_inputs(seed: int = 0) -> dict:
    key = jax.random.key(seed)
    k1, k2, k3, k4 = jax.random.split(key, 4)
    # per-atomic-number van-der-Waals radii (lookup table, like data_set.atom_types.atom_vdw)
    atom_vdw = jax.random.uniform(k1, (N_TYPES,), dtype=jnp.float32) * 1.5 + 1.0
    # atoms_long[:, 1] holds the atomic number of each atom in the batch
    atoms_long = jax.random.randint(k2, (N_ATOMS, 2), 0, N_TYPES, dtype=jnp.int32)
    # pair index (i, j) into the atom list for every interacting pair
    batch_atom_ij_idx = jax.random.randint(k3, (N_PAIRS, 2), 0, N_ATOMS, dtype=jnp.int32)
    # pairwise distances, kept strictly positive to avoid div-by-zero
    batch_dist_ij = jax.random.uniform(k4, (N_PAIRS,), dtype=jnp.float32) * 4.0 + 0.5
    return {
        "atom_vdw": atom_vdw,
        "atoms_long": atoms_long,
        "batch_atom_ij_idx": batch_atom_ij_idx,
        "batch_dist_ij": batch_dist_ij,
    }


def reference(atom_vdw, atoms_long, batch_atom_ij_idx, batch_dist_ij):
    # atom_nums = data_set.atoms_long[:, 1]
    atom_nums = atoms_long[:, 1]
    # atom_nums[atom_ij_idx] -> [P, 2] atomic numbers for each pair
    pair_nums = jnp.take(atom_nums, batch_atom_ij_idx, axis=0)
    # atom_vdw lookup -> [P, 2], sum over the pair -> [P]
    vdw_sum = jnp.take(atom_vdw, pair_nums, axis=0).sum(-1)
    # (vdw(i)+vdw(j)) / (2 * dist_ij)
    dist_ij = vdw_sum / 2.0 / batch_dist_ij
    return dist_ij

if __name__ == "__main__":
    import jax
    _d = setup_inputs()
    print(jax.jit(kernel)(*tuple(_d.values())))

</pallas_src>

<mosaic_0001>
#map = affine_map<(d0, d1) -> (0)>
module attributes {stable_mosaic.version = 14 : i64} {
  func.func @vdw_kernel(%arg0: i32, %arg1: i32, %arg2: memref<128xf32, #tpu.memory_space<hbm>>, %arg3: memref<100000xi32, #tpu.memory_space<hbm>>, %arg4: memref<12800000xi32, #tpu.memory_space<hbm>>, %arg5: memref<6400000xf32, #tpu.memory_space<hbm>>, %arg6: memref<6400000xf32, #tpu.memory_space<hbm>>, %arg7: memref<128xf32, #tpu.memory_space<vmem>>, %arg8: memref<100000xf32, #tpu.memory_space<vmem>>, %arg9: memref<4096xi32, #tpu.memory_space<vmem>>, %arg10: memref<4096xi32, #tpu.memory_space<vmem>>, %arg11: memref<4096xi32, #tpu.memory_space<vmem>>, %arg12: memref<2048xf32, #tpu.memory_space<vmem>>, %arg13: memref<2048xf32, #tpu.memory_space<vmem>>, %arg14: memref<2048xf32, #tpu.memory_space<vmem>>, %arg15: memref<2048xf32, #tpu.memory_space<vmem>>, %arg16: memref<2048xf32, #tpu.memory_space<vmem>>, %arg17: memref<2048xf32, #tpu.memory_space<vmem>>, %arg18: memref<100000xf32, #tpu.memory_space<vmem_shared>>, %arg19: memref<!tpu.dma_semaphore, #tpu.memory_space<semaphore_mem>>, %arg20: memref<!tpu.dma_semaphore, #tpu.memory_space<semaphore_mem>>, %arg21: memref<!tpu.dma_semaphore, #tpu.memory_space<semaphore_mem>>, %arg22: memref<!tpu.dma_semaphore, #tpu.memory_space<semaphore_mem>>, %arg23: memref<!tpu.dma_semaphore, #tpu.memory_space<semaphore_mem>>, %arg24: memref<!tpu.dma_semaphore, #tpu.memory_space<semaphore_mem>>) attributes {dimension_semantics = [#tpu.dimension_semantics<core_parallel>, #tpu.dimension_semantics<subcore_parallel>], iteration_bounds = array<i64: 2, 16>, scalar_prefetch = 0 : i64, scratch_operands = 18 : i64, tpu.core_type = #tpu.core_type<sc_vector_subcore>, window_params = [{transform_indices = #map}, {transform_indices = #map}, {transform_indices = #map}, {transform_indices = #map}, {transform_indices = #map}]} {
    %mul3A = arith.constant 2 : i32
    %mul3A_0 = arith.muli %arg1, %mul3A : i32
    %add3A = arith.addi %mul3A_0, %arg0 : i32
    "tpu.region"() ({
      %run_scoped3A = tpu.sem_alloc : memref<!tpu.dma_semaphore, #tpu.memory_space<semaphore_mem>>
      tpu.enqueue_dma source(%arg2 : memref<128xf32, #tpu.memory_space<hbm>>) target(%arg7 : memref<128xf32, #tpu.memory_space<vmem>>) target_semaphore(%run_scoped3A : memref<!tpu.dma_semaphore, #tpu.memory_space<semaphore_mem>>)
      tpu.wait_dma2 semaphore(%run_scoped3A : memref<!tpu.dma_semaphore, #tpu.memory_space<semaphore_mem>>) src(%arg2 : memref<128xf32, #tpu.memory_space<hbm>>) dst(%arg7 : memref<128xf32, #tpu.memory_space<vmem>>)
      tpu.yield
    }) : () -> ()
    %mul3A_1 = arith.constant 391 : i32
    %mul3A_2 = arith.muli %arg1, %mul3A_1 : i32
    %min3A = arith.constant 5859 : i32
    %min3A_3 = arith.minsi %mul3A_2, %min3A : i32
    %mul3A_4 = arith.constant 16 : i32
    %mul3A_5 = arith.muli %min3A_3, %mul3A_4 : i32
    %add3A_6 = arith.constant 0 : i32
    %add3A_7 = arith.addi %mul3A_5, %add3A_6 : i32
    "tpu.region"() ({
      %run_scoped3A = tpu.sem_alloc : memref<!tpu.dma_semaphore, #tpu.memory_space<semaphore_mem>>
      %dma_start3A_136 = arith.constant 0 : i32
      %dma_start3A_137 = tpu.memref_slice %arg9[%dma_start3A_136] : memref<4096xi32, #tpu.memory_space<vmem>> -> memref<4096xi32, #tpu.memory_space<vmem>>
      %dma_start3A_138 = tpu.memref_slice %arg3[%add3A_7] : memref<100000xi32, #tpu.memory_space<hbm>> -> memref<4096xi32, #tpu.memory_space<hbm>>
      %dma_start3A_139 = arith.constant 0 : i32
      %dma_start3A_140 = tpu.memref_slice %arg9[%dma_start3A_139] : memref<4096xi32, #tpu.memory_space<vmem>> -> memref<4096xi32, #tpu.memory_space<vmem>>
      %dma_start3A_141 = tpu.memref_slice %arg3[%add3A_7] : memref<100000xi32, #tpu.memory_space<hbm>> -> memref<4096xi32, #tpu.memory_space<hbm>>
      tpu.enqueue_dma source(%dma_start3A_141 : memref<4096xi32, #tpu.memory_space<hbm>>) target(%dma_start3A_140 : memref<4096xi32, #tpu.memory_space<vmem>>) target_semaphore(%run_scoped3A : memref<!tpu.dma_semaphore, #tpu.memory_space<semaphore_mem>>)
      %dma_wait3A_142 = arith.constant 0 : i32
      %dma_wait3A_143 = tpu.memref_slice %arg9[%dma_wait3A_142] : memref<4096xi32, #tpu.memory_space<vmem>> -> memref<4096xi32, #tpu.memory_space<vmem>>
      %dma_wait3A_144 = tpu.memref_slice %arg3[%add3A_7] : memref<100000xi32, #tpu.memory_space<hbm>> -> memref<4096xi32, #tpu.memory_space<hbm>>
      %dma_wait3A_145 = arith.constant 0 : i32
      %dma_wait3A_146 = tpu.memref_slice %arg9[%dma_wait3A_145] : memref<4096xi32, #tpu.memory_space<vmem>> -> memref<4096xi32, #tpu.memory_space<vmem>>
      %dma_wait3A_147 = tpu.memref_slice %arg3[%add3A_7] : memref<100000xi32, #tpu.memory_space<hbm>> -> memref<4096xi32, #tpu.memory_space<hbm>>
      tpu.wait_dma2 semaphore(%run_scoped3A : memref<!tpu.dma_semaphore, #tpu.memory_space<semaphore_mem>>) src(%dma_wait3A_147 : memref<4096xi32, #tpu.memory_space<hbm>>) dst(%dma_wait3A_146 : memref<4096xi32, #tpu.memory_space<vmem>>)
      tpu.yield
    }) : () -> ()
    %parallel_loop3A = arith.constant 0 : i32
    %parallel_loop3A_8 = arith.constant 256 : i32
    %parallel_loop3A_9 = arith.constant 1 : i32
    scf.for %parallel_loop3A_136 = %parallel_loop3A to %parallel_loop3A_8 step %parallel_loop3A_9  : i32 {
      %parallel_loop3A_137 = arith.constant 16 : i32
      %parallel_loop3A_138 = arith.muli %parallel_loop3A_136, %parallel_loop3A_137 : i32
      %parallel_loop3A_139 = arith.index_cast %parallel_loop3A_138 : i32 to index
      %parallel_loop3A_140 = tpu.vector_load %arg9[%parallel_loop3A_139] {strides = array<i32>} : memref<4096xi32, #tpu.memory_space<vmem>>, vector<16xi32>,
      %parallel_loop3A_141 = tpu.vector_load_idx %arg7[%parallel_loop3A_140] : memref<128xf32, #tpu.memory_space<vmem>>[vector<16xi32>], vector<16xf32>,
      %parallel_loop3A_142 = arith.constant 0 : i32
      %parallel_loop3A_143 = arith.addi %mul3A_5, %parallel_loop3A_142 : i32
      %parallel_loop3A_144 = arith.constant 16 : i32
      %parallel_loop3A_145 = arith.muli %parallel_loop3A_136, %parallel_loop3A_144 : i32
      %parallel_loop3A_146 = arith.addi %parallel_loop3A_143, %parallel_loop3A_145 : i32
      %parallel_loop3A_147 = arith.index_cast %parallel_loop3A_146 : i32 to index
      %parallel_loop3A_148 = tpu.vector_load %arg8[%parallel_loop3A_147] {strides = array<i32>} : memref<100000xf32, #tpu.memory_space<vmem>>, vector<16xf32>,
      tpu.vector_store %arg8[%parallel_loop3A_147], %parallel_loop3A_141 {strides = array<i32>} : memref<100000xf32, #tpu.memory_space<vmem>>, vector<16xf32>,
    } {sc.loop_unroll_factor = 4 : i64, sc.parallel_access}
    %add3A_10 = arith.constant 4096 : i32
    %add3A_11 = arith.addi %mul3A_5, %add3A_10 : i32
    "tpu.region"() ({
      %run_scoped3A = tpu.sem_alloc : memref<!tpu.dma_semaphore, #tpu.memory_space<semaphore_mem>>
      %dma_start3A_136 = arith.constant 0 : i32
      %dma_start3A_137 = tpu.memref_slice %arg9[%dma_start3A_136] : memref<4096xi32, #tpu.memory_space<vmem>> -> memref<2160xi32, #tpu.memory_space<vmem>>
      %dma_start3A_138 = tpu.memref_slice %arg3[%add3A_11] : memref<100000xi32, #tpu.memory_space<hbm>> -> memref<2160xi32, #tpu.memory_space<hbm>>
      %dma_start3A_139 = arith.constant 0 : i32
      %dma_start3A_140 = tpu.memref_slice %arg9[%dma_start3A_139] : memref<4096xi32, #tpu.memory_space<vmem>> -> memref<2160xi32, #tpu.memory_space<vmem>>
      %dma_start3A_141 = tpu.memref_slice %arg3[%add3A_11] : memref<100000xi32, #tpu.memory_space<hbm>> -> memref<2160xi32, #tpu.memory_space<hbm>>
      tpu.enqueue_dma source(%dma_start3A_141 : memref<2160xi32, #tpu.memory_space<hbm>>) target(%dma_start3A_140 : memref<2160xi32, #tpu.memory_space<vmem>>) target_semaphore(%run_scoped3A : memref<!tpu.dma_semaphore, #tpu.memory_space<semaphore_mem>>)
      %dma_wait3A_142 = arith.constant 0 : i32
      %dma_wait3A_143 = tpu.memref_slice %arg9[%dma_wait3A_142] : memref<4096xi32, #tpu.memory_space<vmem>> -> memref<2160xi32, #tpu.memory_space<vmem>>
      %dma_wait3A_144 = tpu.memref_slice %arg3[%add3A_11] : memref<100000xi32, #tpu.memory_space<hbm>> -> memref<2160xi32, #tpu.memory_space<hbm>>
      %dma_wait3A_145 = arith.constant 0 : i32
      %dma_wait3A_146 = tpu.memref_slice %arg9[%dma_wait3A_145] : memref<4096xi32, #tpu.memory_space<vmem>> -> memref<2160xi32, #tpu.memory_space<vmem>>
      %dma_wait3A_147 = tpu.memref_slice %arg3[%add3A_11] : memref<100000xi32, #tpu.memory_space<hbm>> -> memref<2160xi32, #tpu.memory_space<hbm>>
      tpu.wait_dma2 semaphore(%run_scoped3A : memref<!tpu.dma_semaphore, #tpu.memory_space<semaphore_mem>>) src(%dma_wait3A_147 : memref<2160xi32, #tpu.memory_space<hbm>>) dst(%dma_wait3A_146 : memref<2160xi32, #tpu.memory_space<vmem>>)
      tpu.yield
    }) : () -> ()
    %parallel_loop3A_12 = arith.constant 0 : i32
    %parallel_loop3A_13 = arith.constant 135 : i32
    %parallel_loop3A_14 = arith.constant 1 : i32
    scf.for %parallel_loop3A_136 = %parallel_loop3A_12 to %parallel_loop3A_13 step %parallel_loop3A_14  : i32 {
      %parallel_loop3A_137 = arith.constant 16 : i32
      %parallel_loop3A_138 = arith.muli %parallel_loop3A_136, %parallel_loop3A_137 : i32
      %parallel_loop3A_139 = arith.index_cast %parallel_loop3A_138 : i32 to index
      %parallel_loop3A_140 = tpu.vector_load %arg9[%parallel_loop3A_139] {strides = array<i32>} : memref<4096xi32, #tpu.memory_space<vmem>>, vector<16xi32>,
      %parallel_loop3A_141 = tpu.vector_load_idx %arg7[%parallel_loop3A_140] : memref<128xf32, #tpu.memory_space<vmem>>[vector<16xi32>], vector<16xf32>,
      %parallel_loop3A_142 = arith.constant 4096 : i32
      %parallel_loop3A_143 = arith.addi %mul3A_5, %parallel_loop3A_142 : i32
      %parallel_loop3A_144 = arith.constant 16 : i32
      %parallel_loop3A_145 = arith.muli %parallel_loop3A_136, %parallel_loop3A_144 : i32
      %parallel_loop3A_146 = arith.addi %parallel_loop3A_143, %parallel_loop3A_145 : i32
      %parallel_loop3A_147 = arith.index_cast %parallel_loop3A_146 : i32 to index
      %parallel_loop3A_148 = tpu.vector_load %arg8[%parallel_loop3A_147] {strides = array<i32>} : memref<100000xf32, #tpu.memory_space<vmem>>, vector<16xf32>,
      tpu.vector_store %arg8[%parallel_loop3A_147], %parallel_loop3A_141 {strides = array<i32>} : memref<100000xf32, #tpu.memory_space<vmem>>, vector<16xf32>,
    } {sc.loop_unroll_factor = 4 : i64, sc.parallel_access}
    "tpu.region"() ({
      %run_scoped3A = tpu.sem_alloc : memref<!tpu.dma_semaphore, #tpu.memory_space<semaphore_mem>>
      %dma_start3A_136 = tpu.memref_slice %arg8[%mul3A_5] : memref<100000xf32, #tpu.memory_space<vmem>> -> memref<6256xf32, #tpu.memory_space<vmem>>
      %dma_start3A_137 = tpu.memref_slice %arg18[%mul3A_5] : memref<100000xf32, #tpu.memory_space<vmem_shared>> -> memref<6256xf32, #tpu.memory_space<vmem_shared>>
      %dma_start3A_138 = tpu.memref_slice %arg18[%mul3A_5] : memref<100000xf32, #tpu.memory_space<vmem_shared>> -> memref<6256xf32, #tpu.memory_space<vmem_shared>>
      %dma_start3A_139 = tpu.memref_slice %arg8[%mul3A_5] : memref<100000xf32, #tpu.memory_space<vmem>> -> memref<6256xf32, #tpu.memory_space<vmem>>
      tpu.enqueue_dma source(%dma_start3A_139 : memref<6256xf32, #tpu.memory_space<vmem>>) target(%dma_start3A_138 : memref<6256xf32, #tpu.memory_space<vmem_shared>>) target_semaphore(%run_scoped3A : memref<!tpu.dma_semaphore, #tpu.memory_space<semaphore_mem>>)
      %dma_wait3A_140 = tpu.memref_slice %arg8[%mul3A_5] : memref<100000xf32, #tpu.memory_space<vmem>> -> memref<6256xf32, #tpu.memory_space<vmem>>
      %dma_wait3A_141 = tpu.memref_slice %arg18[%mul3A_5] : memref<100000xf32, #tpu.memory_space<vmem_shared>> -> memref<6256xf32, #tpu.memory_space<vmem_shared>>
      %dma_wait3A_142 = tpu.memref_slice %arg18[%mul3A_5] : memref<100000xf32, #tpu.memory_space<vmem_shared>> -> memref<6256xf32, #tpu.memory_space<vmem_shared>>
      %dma_wait3A_143 = tpu.memref_slice %arg8[%mul3A_5] : memref<100000xf32, #tpu.memory_space<vmem>> -> memref<6256xf32, #tpu.memory_space<vmem>>
      tpu.wait_dma2 semaphore(%run_scoped3A : memref<!tpu.dma_semaphore, #tpu.memory_space<semaphore_mem>>) src(%dma_wait3A_143 : memref<6256xf32, #tpu.memory_space<vmem>>) dst(%dma_wait3A_142 : memref<6256xf32, #tpu.memory_space<vmem_shared>>)
      tpu.yield
    }) : () -> ()
    %barrier3A = arith.constant 0 : index
    tpu.barrier barrier_id(%barrier3A)
    "tpu.region"() ({
      %run_scoped3A = tpu.sem_alloc : memref<!tpu.dma_semaphore, #tpu.memory_space<semaphore_mem>>
      tpu.enqueue_dma source(%arg18 : memref<100000xf32, #tpu.memory_space<vmem_shared>>) target(%arg8 : memref<100000xf32, #tpu.memory_space<vmem>>) target_semaphore(%run_scoped3A : memref<!tpu.dma_semaphore, #tpu.memory_space<semaphore_mem>>)
      tpu.wait_dma2 semaphore(%run_scoped3A : memref<!tpu.dma_semaphore, #tpu.memory_space<semaphore_mem>>) src(%arg18 : memref<100000xf32, #tpu.memory_space<vmem_shared>>) dst(%arg8 : memref<100000xf32, #tpu.memory_space<vmem>>)
      tpu.yield
    }) : () -> ()
    %mul3A_15 = arith.constant 1562 : i32
    %mul3A_16 = arith.muli %add3A, %mul3A_15 : i32
    %min3A_17 = arith.constant 16 : i32
    %min3A_18 = arith.minsi %add3A, %min3A_17 : i32
    %add3A_19 = arith.addi %mul3A_16, %min3A_18 : i32
    %add3A_20 = arith.constant 0 : i32
    %add3A_21 = arith.addi %add3A_19, %add3A_20 : i32
    %mul3A_22 = arith.constant 2 : i32
    %mul3A_23 = arith.muli %add3A_21, %mul3A_22 : i32
    %mul3A_24 = arith.constant 128 : i32
    %mul3A_25 = arith.muli %mul3A_23, %mul3A_24 : i32
    %mul3A_26 = arith.constant 128 : i32
    %mul3A_27 = arith.muli %add3A_21, %mul3A_26 : i32
    %dma_start3A = arith.constant 0 : i32
    %dma_start3A_28 = tpu.memref_slice %arg9[%dma_start3A] : memref<4096xi32, #tpu.memory_space<vmem>> -> memref<4096xi32, #tpu.memory_space<vmem>>
    %dma_start3A_29 = tpu.memref_slice %arg4[%mul3A_25] : memref<12800000xi32, #tpu.memory_space<hbm>> -> memref<4096xi32, #tpu.memory_space<hbm>>
    %dma_start3A_30 = arith.constant 0 : i32
    %dma_start3A_31 = tpu.memref_slice %arg9[%dma_start3A_30] : memref<4096xi32, #tpu.memory_space<vmem>> -> memref<4096xi32, #tpu.memory_space<vmem>>
    %dma_start3A_32 = tpu.memref_slice %arg4[%mul3A_25] : memref<12800000xi32, #tpu.memory_space<hbm>> -> memref<4096xi32, #tpu.memory_space<hbm>>
    tpu.enqueue_dma source(%dma_start3A_32 : memref<4096xi32, #tpu.memory_space<hbm>>) target(%dma_start3A_31 : memref<4096xi32, #tpu.memory_space<vmem>>) target_semaphore(%arg19 : memref<!tpu.dma_semaphore, #tpu.memory_space<semaphore_mem>>)
    %dma_start3A_33 = tpu.memref_slice %arg5[%mul3A_27] : memref<6400000xf32, #tpu.memory_space<hbm>> -> memref<2048xf32, #tpu.memory_space<hbm>>
    %dma_start3A_34 = tpu.memref_slice %arg5[%mul3A_27] : memref<6400000xf32, #tpu.memory_space<hbm>> -> memref<2048xf32, #tpu.memory_space<hbm>>
    tpu.enqueue_dma source(%dma_start3A_34 : memref<2048xf32, #tpu.memory_space<hbm>>) target(%arg12 : memref<2048xf32, #tpu.memory_space<vmem>>) target_semaphore(%arg19 : memref<!tpu.dma_semaphore, #tpu.memory_space<semaphore_mem>>)
    %add3A_35 = arith.constant 16 : i32
    %add3A_36 = arith.addi %add3A_19, %add3A_35 : i32
    %mul3A_37 = arith.constant 2 : i32
    %mul3A_38 = arith.muli %add3A_36, %mul3A_37 : i32
    %mul3A_39 = arith.constant 128 : i32
    %mul3A_40 = arith.muli %mul3A_38, %mul3A_39 : i32
    %mul3A_41 = arith.constant 128 : i32
    %mul3A_42 = arith.muli %add3A_36, %mul3A_41 : i32
    %dma_start3A_43 = arith.constant 0 : i32
    %dma_start3A_44 = tpu.memref_slice %arg10[%dma_start3A_43] : memref<4096xi32, #tpu.memory_space<vmem>> -> memref<4096xi32, #tpu.memory_space<vmem>>
    %dma_start3A_45 = tpu.memref_slice %arg4[%mul3A_40] : memref<12800000xi32, #tpu.memory_space<hbm>> -> memref<4096xi32, #tpu.memory_space<hbm>>
    %dma_start3A_46 = arith.constant 0 : i32
    %dma_start3A_47 = tpu.memref_slice %arg10[%dma_start3A_46] : memref<4096xi32, #tpu.memory_space<vmem>> -> memref<4096xi32, #tpu.memory_space<vmem>>
    %dma_start3A_48 = tpu.memref_slice %arg4[%mul3A_40] : memref<12800000xi32, #tpu.memory_space<hbm>> -> memref<4096xi32, #tpu.memory_space<hbm>>
    tpu.enqueue_dma source(%dma_start3A_48 : memref<4096xi32, #tpu.memory_space<hbm>>) target(%dma_start3A_47 : memref<4096xi32, #tpu.memory_space<vmem>>) target_semaphore(%arg20 : memref<!tpu.dma_semaphore, #tpu.memory_space<semaphore_mem>>)
    %dma_start3A_49 = tpu.memref_slice %arg5[%mul3A_42] : memref<6400000xf32, #tpu.memory_space<hbm>> -> memref<2048xf32, #tpu.memory_space<hbm>>
    %dma_start3A_50 = tpu.memref_slice %arg5[%mul3A_42] : memref<6400000xf32, #tpu.memory_space<hbm>> -> memref<2048xf32, #tpu.memory_space<hbm>>
    tpu.enqueue_dma source(%dma_start3A_50 : memref<2048xf32, #tpu.memory_space<hbm>>) target(%arg13 : memref<2048xf32, #tpu.memory_space<vmem>>) target_semaphore(%arg20 : memref<!tpu.dma_semaphore, #tpu.memory_space<semaphore_mem>>)
    %add3A_51 = arith.constant 32 : i32
    %add3A_52 = arith.addi %add3A_19, %add3A_51 : i32
    %mul3A_53 = arith.constant 2 : i32
    %mul3A_54 = arith.muli %add3A_52, %mul3A_53 : i32
    %mul3A_55 = arith.constant 128 : i32
    %mul3A_56 = arith.muli %mul3A_54, %mul3A_55 : i32
    %mul3A_57 = arith.constant 128 : i32
    %mul3A_58 = arith.muli %add3A_52, %mul3A_57 : i32
    %dma_start3A_59 = arith.constant 0 : i32
    %dma_start3A_60 = tpu.memref_slice %arg11[%dma_start3A_59] : memref<4096xi32, #tpu.memory_space<vmem>> -> memref<4096xi32, #tpu.memory_space<vmem>>
    %dma_start3A_61 = tpu.memref_slice %arg4[%mul3A_56] : memref<12800000xi32, #tpu.memory_space<hbm>> -> memref<4096xi32, #tpu.memory_space<hbm>>
    %dma_start3A_62 = arith.constant 0 : i32
    %dma_start3A_63 = tpu.memref_slice %arg11[%dma_start3A_62] : memref<4096xi32, #tpu.memory_space<vmem>> -> memref<4096xi32, #tpu.memory_space<vmem>>
    %dma_start3A_64 = tpu.memref_slice %arg4[%mul3A_56] : memref<12800000xi32, #tpu.memory_space<hbm>> -> memref<4096xi32, #tpu.memory_space<hbm>>
    tpu.enqueue_dma source(%dma_start3A_64 : memref<4096xi32, #tpu.memory_space<hbm>>) target(%dma_start3A_63 : memref<4096xi32, #tpu.memory_space<vmem>>) target_semaphore(%arg21 : memref<!tpu.dma_semaphore, #tpu.memory_space<semaphore_mem>>)
    %dma_start3A_65 = tpu.memref_slice %arg5[%mul3A_58] : memref<6400000xf32, #tpu.memory_space<hbm>> -> memref<2048xf32, #tpu.memory_space<hbm>>
    %dma_start3A_66 = tpu.memref_slice %arg5[%mul3A_58] : memref<6400000xf32, #tpu.memory_space<hbm>> -> memref<2048xf32, #tpu.memory_space<hbm>>
    tpu.enqueue_dma source(%dma_start3A_66 : memref<2048xf32, #tpu.memory_space<hbm>>) target(%arg14 : memref<2048xf32, #tpu.memory_space<vmem>>) target_semaphore(%arg21 : memref<!tpu.dma_semaphore, #tpu.memory_space<semaphore_mem>>)
    %scan3A = arith.constant 0 : i32
    %scan3A_67 = arith.constant 0 : i32
    %scan3A_68 = arith.constant 32 : i32
    %scan3A_69 = arith.addi %scan3A_67, %scan3A_68 : i32
    %scan3A_70 = arith.constant 1 : i32
    %scan3A_71 = scf.for %scan3A_136 = %scan3A_67 to %scan3A_69 step %scan3A_70 iter_args(%scan3A_137 = %scan3A) -> (i32)  : i32 {
      %mul3A_138 = arith.constant 3 : i32
      %mul3A_139 = arith.muli %scan3A_136, %mul3A_138 : i32
      %add3A_140 = arith.constant 0 : i32
      %add3A_141 = arith.addi %mul3A_139, %add3A_140 : i32
      %mul3A_142 = arith.constant 16 : i32
      %mul3A_143 = arith.muli %add3A_141, %mul3A_142 : i32
      %add3A_144 = arith.addi %add3A_19, %mul3A_143 : i32
      %mul3A_145 = arith.constant 2 : i32
      %mul3A_146 = arith.muli %add3A_144, %mul3A_145 : i32
      %mul3A_147 = arith.constant 128 : i32
      %mul3A_148 = arith.muli %mul3A_146, %mul3A_147 : i32
      %mul3A_149 = arith.constant 128 : i32
      %mul3A_150 = arith.muli %add3A_144, %mul3A_149 : i32
      %dma_wait3A_151 = arith.constant 0 : i32
      %dma_wait3A_152 = tpu.memref_slice %arg9[%dma_wait3A_151] : memref<4096xi32, #tpu.memory_space<vmem>> -> memref<4096xi32, #tpu.memory_space<vmem>>
      %dma_wait3A_153 = tpu.memref_slice %arg4[%mul3A_148] : memref<12800000xi32, #tpu.memory_space<hbm>> -> memref<4096xi32, #tpu.memory_space<hbm>>
      %dma_wait3A_154 = arith.constant 0 : i32
      %dma_wait3A_155 = tpu.memref_slice %arg9[%dma_wait3A_154] : memref<4096xi32, #tpu.memory_space<vmem>> -> memref<4096xi32, #tpu.memory_space<vmem>>
      %dma_wait3A_156 = tpu.memref_slice %arg4[%mul3A_148] : memref<12800000xi32, #tpu.memory_space<hbm>> -> memref<4096xi32, #tpu.memory_space<hbm>>
      tpu.wait_dma2 semaphore(%arg19 : memref<!tpu.dma_semaphore, #tpu.memory_space<semaphore_mem>>) src(%dma_wait3A_156 : memref<4096xi32, #tpu.memory_space<hbm>>) dst(%dma_wait3A_155 : memref<4096xi32, #tpu.memory_space<vmem>>)
      %dma_wait3A_157 = tpu.memref_slice %arg5[%mul3A_150] : memref<6400000xf32, #tpu.memory_space<hbm>> -> memref<2048xf32, #tpu.memory_space<hbm>>
      %dma_wait3A_158 = tpu.memref_slice %arg5[%mul3A_150] : memref<6400000xf32, #tpu.memory_space<hbm>> -> memref<2048xf32, #tpu.memory_space<hbm>>
      tpu.wait_dma2 semaphore(%arg19 : memref<!tpu.dma_semaphore, #tpu.memory_space<semaphore_mem>>) src(%dma_wait3A_158 : memref<2048xf32, #tpu.memory_space<hbm>>) dst(%arg12 : memref<2048xf32, #tpu.memory_space<vmem>>)
      %gt3A = arith.constant 0 : i32
      %gt3A_159 = arith.cmpi sgt, %scan3A_136, %gt3A : i32
      %convert_element_type3A_160 = arith.extui %gt3A_159 : i1 to i32
      %cond3A_161 = arith.constant 0 : i32
      %cond3A_162 = arith.cmpi ne, %convert_element_type3A_160, %cond3A_161 : i32
      scf.if %cond3A_162 {
        %mul3A_267 = arith.constant 16 : i32
        %mul3A_268 = arith.muli %add3A_141, %mul3A_267 : i32
        %add3A_269 = arith.addi %add3A_19, %mul3A_268 : i32
        %mul3A_270 = arith.constant 128 : i32
        %mul3A_271 = arith.muli %add3A_269, %mul3A_270 : i32
        %dma_wait3A_272 = tpu.memref_slice %arg6[%mul3A_271] : memref<6400000xf32, #tpu.memory_space<hbm>> -> memref<2048xf32, #tpu.memory_space<hbm>>
        %dma_wait3A_273 = tpu.memref_slice %arg6[%mul3A_271] : memref<6400000xf32, #tpu.memory_space<hbm>> -> memref<2048xf32, #tpu.memory_space<hbm>>
        tpu.wait_dma2 semaphore(%arg22 : memref<!tpu.dma_semaphore, #tpu.memory_space<semaphore_mem>>) src(%arg15 : memref<2048xf32, #tpu.memory_space<vmem>>) dst(%dma_wait3A_273 : memref<2048xf32, #tpu.memory_space<hbm>>)
      } else {
      }
      %parallel_loop3A_163 = arith.constant 0 : i32
      %parallel_loop3A_164 = arith.constant 16 : i32
      %parallel_loop3A_165 = arith.constant 1 : i32
      scf.for %parallel_loop3A_267 = %parallel_loop3A_163 to %parallel_loop3A_164 step %parallel_loop3A_165  : i32 {
        %parallel_loop3A_268 = arith.constant 256 : i32
        %parallel_loop3A_269 = arith.muli %parallel_loop3A_267, %parallel_loop3A_268 : i32
        %parallel_loop3A_270 = arith.constant 128 : i32
        %parallel_loop3A_271 = arith.muli %parallel_loop3A_267, %parallel_loop3A_270 : i32
        %parallel_loop3A_272 = arith.constant 0 : i32
        %parallel_loop3A_273 = arith.addi %parallel_loop3A_269, %parallel_loop3A_272 : i32
        %parallel_loop3A_274 = arith.index_cast %parallel_loop3A_273 : i32 to index
        %parallel_loop3A_275 = tpu.vector_load %arg9[%parallel_loop3A_274] {strides = array<i32>} : memref<4096xi32, #tpu.memory_space<vmem>>, vector<16xi32>,
        %parallel_loop3A_276 = arith.constant 128 : i32
        %parallel_loop3A_277 = arith.addi %parallel_loop3A_269, %parallel_loop3A_276 : i32
        %parallel_loop3A_278 = arith.constant 0 : i32
        %parallel_loop3A_279 = arith.addi %parallel_loop3A_277, %parallel_loop3A_278 : i32
        %parallel_loop3A_280 = arith.index_cast %parallel_loop3A_279 : i32 to index
        %parallel_loop3A_281 = tpu.vector_load %arg9[%parallel_loop3A_280] {strides = array<i32>} : memref<4096xi32, #tpu.memory_space<vmem>>, vector<16xi32>,
        %parallel_loop3A_282 = tpu.vector_load_idx %arg8[%parallel_loop3A_275] : memref<100000xf32, #tpu.memory_space<vmem>>[vector<16xi32>], vector<16xf32>,
        %parallel_loop3A_283 = tpu.vector_load_idx %arg8[%parallel_loop3A_281] : memref<100000xf32, #tpu.memory_space<vmem>>[vector<16xi32>], vector<16xf32>,
        %parallel_loop3A_284 = arith.constant 0 : i32
        %parallel_loop3A_285 = arith.addi %parallel_loop3A_271, %parallel_loop3A_284 : i32
        %parallel_loop3A_286 = arith.index_cast %parallel_loop3A_285 : i32 to index
        %parallel_loop3A_287 = tpu.vector_load %arg12[%parallel_loop3A_286] {strides = array<i32>} : memref<2048xf32, #tpu.memory_space<vmem>>, vector<16xf32>,
        %parallel_loop3A_288 = arith.addf %parallel_loop3A_282, %parallel_loop3A_283 : vector<16xf32>
        %parallel_loop3A_289 = arith.constant 5.000000e-01 : f32
        %parallel_loop3A_290 = vector.broadcast %parallel_loop3A_289 : f32 to vector<16xf32>
        %parallel_loop3A_291 = arith.mulf %parallel_loop3A_288, %parallel_loop3A_290 : vector<16xf32>
        %parallel_loop3A_292 = arith.divf %parallel_loop3A_291, %parallel_loop3A_287 : vector<16xf32>
        %parallel_loop3A_293 = arith.constant 0 : i32
        %parallel_loop3A_294 = arith.addi %parallel_loop3A_271, %parallel_loop3A_293 : i32
        %parallel_loop3A_295 = arith.index_cast %parallel_loop3A_294 : i32 to index
        %parallel_loop3A_296 = tpu.vector_load %arg15[%parallel_loop3A_295] {strides = array<i32>} : memref<2048xf32, #tpu.memory_space<vmem>>, vector<16xf32>,
        tpu.vector_store %arg15[%parallel_loop3A_295], %parallel_loop3A_292 {strides = array<i32>} : memref<2048xf32, #tpu.memory_space<vmem>>, vector<16xf32>,
        %parallel_loop3A_297 = arith.constant 16 : i32
        %parallel_loop3A_298 = arith.addi %parallel_loop3A_269, %parallel_loop3A_297 : i32
        %parallel_loop3A_299 = arith.index_cast %parallel_loop3A_298 : i32 to index
        %parallel_loop3A_300 = tpu.vector_load %arg9[%parallel_loop3A_299] {strides = array<i32>} : memref<4096xi32, #tpu.memory_space<vmem>>, vector<16xi32>,
        %parallel_loop3A_301 = arith.constant 128 : i32
        %parallel_loop3A_302 = arith.addi %parallel_loop3A_269, %parallel_loop3A_301 : i32
        %parallel_loop3A_303 = arith.constant 16 : i32
        %parallel_loop3A_304 = arith.addi %parallel_loop3A_302, %parallel_loop3A_303 : i32
        %parallel_loop3A_305 = arith.index_cast %parallel_loop3A_304 : i32 to index
        %parallel_loop3A_306 = tpu.vector_load %arg9[%parallel_loop3A_305] {strides = array<i32>} : memref<4096xi32, #tpu.memory_space<vmem>>, vector<16xi32>,
        %parallel_loop3A_307 = tpu.vector_load_idx %arg8[%parallel_loop3A_300] : memref<100000xf32, #tpu.memory_space<vmem>>[vector<16xi32>], vector<16xf32>,
        %parallel_loop3A_308 = tpu.vector_load_idx %arg8[%parallel_loop3A_306] : memref<100000xf32, #tpu.memory_space<vmem>>[vector<16xi32>], vector<16xf32>,
        %parallel_loop3A_309 = arith.constant 16 : i32
        %parallel_loop3A_310 = arith.addi %parallel_loop3A_271, %parallel_loop3A_309 : i32
        %parallel_loop3A_311 = arith.index_cast %parallel_loop3A_310 : i32 to index
        %parallel_loop3A_312 = tpu.vector_load %arg12[%parallel_loop3A_311] {strides = array<i32>} : memref<2048xf32, #tpu.memory_space<vmem>>, vector<16xf32>,
        %parallel_loop3A_313 = arith.addf %parallel_loop3A_307, %parallel_loop3A_308 : vector<16xf32>
        %parallel_loop3A_314 = arith.constant 5.000000e-01 : f32
        %parallel_loop3A_315 = vector.broadcast %parallel_loop3A_314 : f32 to vector<16xf32>
        %parallel_loop3A_316 = arith.mulf %parallel_loop3A_313, %parallel_loop3A_315 : vector<16xf32>
        %parallel_loop3A_317 = arith.divf %parallel_loop3A_316, %parallel_loop3A_312 : vector<16xf32>
        %parallel_loop3A_318 = arith.constant 16 : i32
        %parallel_loop3A_319 = arith.addi %parallel_loop3A_271, %parallel_loop3A_318 : i32
        %parallel_loop3A_320 = arith.index_cast %parallel_loop3A_319 : i32 to index
        %parallel_loop3A_321 = tpu.vector_load %arg15[%parallel_loop3A_320] {strides = array<i32>} : memref<2048xf32, #tpu.memory_space<vmem>>, vector<16xf32>,
        tpu.vector_store %arg15[%parallel_loop3A_320], %parallel_loop3A_317 {strides = array<i32>} : memref<2048xf32, #tpu.memory_space<vmem>>, vector<16xf32>,
        %parallel_loop3A_322 = arith.constant 32 : i32
        %parallel_loop3A_323 = arith.addi %parallel_loop3A_269, %parallel_loop3A_322 : i32
        %parallel_loop3A_324 = arith.index_cast %parallel_loop3A_323 : i32 to index
        %parallel_loop3A_325 = tpu.vector_load %arg9[%parallel_loop3A_324] {strides = array<i32>} : memref<4096xi32, #tpu.memory_space<vmem>>, vector<16xi32>,
        %parallel_loop3A_326 = arith.constant 128 : i32
        %parallel_loop3A_327 = arith.addi %parallel_loop3A_269, %parallel_loop3A_326 : i32
        %parallel_loop3A_328 = arith.constant 32 : i32
        %parallel_loop3A_329 = arith.addi %parallel_loop3A_327, %parallel_loop3A_328 : i32
        %parallel_loop3A_330 = arith.index_cast %parallel_loop3A_329 : i32 to index
        %parallel_loop3A_331 = tpu.vector_load %arg9[%parallel_loop3A_330] {strides = array<i32>} : memref<4096xi32, #tpu.memory_space<vmem>>, vector<16xi32>,
        %parallel_loop3A_332 = tpu.vector_load_idx %arg8[%parallel_loop3A_325] : memref<100000xf32, #tpu.memory_space<vmem>>[vector<16xi32>], vector<16xf32>,
        %parallel_loop3A_333 = tpu.vector_load_idx %arg8[%parallel_loop3A_331] : memref<100000xf32, #tpu.memory_space<vmem>>[vector<16xi32>], vector<16xf32>,
        %parallel_loop3A_334 = arith.constant 32 : i32
        %parallel_loop3A_335 = arith.addi %parallel_loop3A_271, %parallel_loop3A_334 : i32
        %parallel_loop3A_336 = arith.index_cast %parallel_loop3A_335 : i32 to index
        %parallel_loop3A_337 = tpu.vector_load %arg12[%parallel_loop3A_336] {strides = array<i32>} : memref<2048xf32, #tpu.memory_space<vmem>>, vector<16xf32>,
        %parallel_loop3A_338 = arith.addf %parallel_loop3A_332, %parallel_loop3A_333 : vector<16xf32>
        %parallel_loop3A_339 = arith.constant 5.000000e-01 : f32
        %parallel_loop3A_340 = vector.broadcast %parallel_loop3A_339 : f32 to vector<16xf32>
        %parallel_loop3A_341 = arith.mulf %parallel_loop3A_338, %parallel_loop3A_340 : vector<16xf32>
        %parallel_loop3A_342 = arith.divf %parallel_loop3A_341, %parallel_loop3A_337 : vector<16xf32>
        %parallel_loop3A_343 = arith.constant 32 : i32
        %parallel_loop3A_344 = arith.addi %parallel_loop3A_271, %parallel_loop3A_343 : i32
        %parallel_loop3A_345 = arith.index_cast %parallel_loop3A_344 : i32 to index
        %parallel_loop3A_346 = tpu.vector_load %arg15[%parallel_loop3A_345] {strides = array<i32>} : memref<2048xf32, #tpu.memory_space<vmem>>, vector<16xf32>,
        tpu.vector_store %arg15[%parallel_loop3A_345], %parallel_loop3A_342 {strides = array<i32>} : memref<2048xf32, #tpu.memory_space<vmem>>, vector<16xf32>,
        %parallel_loop3A_347 = arith.constant 48 : i32
        %parallel_loop3A_348 = arith.addi %parallel_loop3A_269, %parallel_loop3A_347 : i32
        %parallel_loop3A_349 = arith.index_cast %parallel_loop3A_348 : i32 to index
        %parallel_loop3A_350 = tpu.vector_load %arg9[%parallel_loop3A_349] {strides = array<i32>} : memref<4096xi32, #tpu.memory_space<vmem>>, vector<16xi32>,
        %parallel_loop3A_351 = arith.constant 128 : i32
        %parallel_loop3A_352 = arith.addi %parallel_loop3A_269, %parallel_loop3A_351 : i32
        %parallel_loop3A_353 = arith.constant 48 : i32
        %parallel_loop3A_354 = arith.addi %parallel_loop3A_352, %parallel_loop3A_353 : i32
        %parallel_loop3A_355 = arith.index_cast %parallel_loop3A_354 : i32 to index
        %parallel_loop3A_356 = tpu.vector_load %arg9[%parallel_loop3A_355] {strides = array<i32>} : memref<4096xi32, #tpu.memory_space<vmem>>, vector<16xi32>,
        %parallel_loop3A_357 = tpu.vector_load_idx %arg8[%parallel_loop3A_350] : memref<100000xf32, #tpu.memory_space<vmem>>[vector<16xi32>], vector<16xf32>,
        %parallel_loop3A_358 = tpu.vector_load_idx %arg8[%parallel_loop3A_356] : memref<100000xf32, #tpu.memory_space<vmem>>[vector<16xi32>], vector<16xf32>,
        %parallel_loop3A_359 = arith.constant 48 : i32
        %parallel_loop3A_360 = arith.addi %parallel_loop3A_271, %parallel_loop3A_359 : i32
        %parallel_loop3A_361 = arith.index_cast %parallel_loop3A_360 : i32 to index
        %parallel_loop3A_362 = tpu.vector_load %arg12[%parallel_loop3A_361] {strides = array<i32>} : memref<2048xf32, #tpu.memory_space<vmem>>, vector<16xf32>,
        %parallel_loop3A_363 = arith.addf %parallel_loop3A_357, %parallel_loop3A_358 : vector<16xf32>
        %parallel_loop3A_364 = arith.constant 5.000000e-01 : f32
        %parallel_loop3A_365 = vector.broadcast %parallel_loop3A_364 : f32 to vector<16xf32>
        %parallel_loop3A_366 = arith.mulf %parallel_loop3A_363, %parallel_loop3A_365 : vector<16xf32>
        %parallel_loop3A_367 = arith.divf %parallel_loop3A_366, %parallel_loop3A_362 : vector<16xf32>
        %parallel_loop3A_368 = arith.constant 48 : i32
        %parallel_loop3A_369 = arith.addi %parallel_loop3A_271, %parallel_loop3A_368 : i32
        %parallel_loop3A_370 = arith.index_cast %parallel_loop3A_369 : i32 to index
        %parallel_loop3A_371 = tpu.vector_load %arg15[%parallel_loop3A_370] {strides = array<i32>} : memref<2048xf32, #tpu.memory_space<vmem>>, vector<16xf32>,
        tpu.vector_store %arg15[%parallel_loop3A_370], %parallel_loop3A_367 {strides = array<i32>} : memref<2048xf32, #tpu.memory_space<vmem>>, vector<16xf32>,
        %parallel_loop3A_372 = arith.constant 64 : i32
        %parallel_loop3A_373 = arith.addi %parallel_loop3A_269, %parallel_loop3A_372 : i32
        %parallel_loop3A_374 = arith.index_cast %parallel_loop3A_373 : i32 to index
        %parallel_loop3A_375 = tpu.vector_load %arg9[%parallel_loop3A_374] {strides = array<i32>} : memref<4096xi32, #tpu.memory_space<vmem>>, vector<16xi32>,
        %parallel_loop3A_376 = arith.constant 128 : i32
        %parallel_loop3A_377 = arith.addi %parallel_loop3A_269, %parallel_loop3A_376 : i32
        %parallel_loop3A_378 = arith.constant 64 : i32
        %parallel_loop3A_379 = arith.addi %parallel_loop3A_377, %parallel_loop3A_378 : i32
        %parallel_loop3A_380 = arith.index_cast %parallel_loop3A_379 : i32 to index
        %parallel_loop3A_381 = tpu.vector_load %arg9[%parallel_loop3A_380] {strides = array<i32>} : memref<4096xi32, #tpu.memory_space<vmem>>, vector<16xi32>,
        %parallel_loop3A_382 = tpu.vector_load_idx %arg8[%parallel_loop3A_375] : memref<100000xf32, #tpu.memory_space<vmem>>[vector<16xi32>], vector<16xf32>,
        %parallel_loop3A_383 = tpu.vector_load_idx %arg8[%parallel_loop3A_381] : memref<100000xf32, #tpu.memory_space<vmem>>[vector<16xi32>], vector<16xf32>,
        %parallel_loop3A_384 = arith.constant 64 : i32
        %parallel_loop3A_385 = arith.addi %parallel_loop3A_271, %parallel_loop3A_384 : i32
        %parallel_loop3A_386 = arith.index_cast %parallel_loop3A_385 : i32 to index
        %parallel_loop3A_387 = tpu.vector_load %arg12[%parallel_loop3A_386] {strides = array<i32>} : memref<2048xf32, #tpu.memory_space<vmem>>, vector<16xf32>,
        %parallel_loop3A_388 = arith.addf %parallel_loop3A_382, %parallel_loop3A_383 : vector<16xf32>
        %parallel_loop3A_389 = arith.constant 5.000000e-01 : f32
        %parallel_loop3A_390 = vector.broadcast %parallel_loop3A_389 : f32 to vector<16xf32>
        %parallel_loop3A_391 = arith.mulf %parallel_loop3A_388, %parallel_loop3A_390 : vector<16xf32>
        %parallel_loop3A_392 = arith.divf %parallel_loop3A_391, %parallel_loop3A_387 : vector<16xf32>
        %parallel_loop3A_393 = arith.constant 64 : i32
        %parallel_loop3A_394 = arith.addi %parallel_loop3A_271, %parallel_loop3A_393 : i32
        %parallel_loop3A_395 = arith.index_cast %parallel_loop3A_394 : i32 to index
        %parallel_loop3A_396 = tpu.vector_load %arg15[%parallel_loop3A_395] {strides = array<i32>} : memref<2048xf32, #tpu.memory_space<vmem>>, vector<16xf32>,
        tpu.vector_store %arg15[%parallel_loop3A_395], %parallel_loop3A_392 {strides = array<i32>} : memref<2048xf32, #tpu.memory_space<vmem>>, vector<16xf32>,
        %parallel_loop3A_397 = arith.constant 80 : i32
        %parallel_loop3A_398 = arith.addi %parallel_loop3A_269, %parallel_loop3A_397 : i32
        %parallel_loop3A_399 = arith.index_cast %parallel_loop3A_398 : i32 to index
        %parallel_loop3A_400 = tpu.vector_load %arg9[%parallel_loop3A_399] {strides = array<i32>} : memref<4096xi32, #tpu.memory_space<vmem>>, vector<16xi32>,
        %parallel_loop3A_401 = arith.constant 128 : i32
        %parallel_loop3A_402 = arith.addi %parallel_loop3A_269, %parallel_loop3A_401 : i32
        %parallel_loop3A_403 = arith.constant 80 : i32
        %parallel_loop3A_404 = arith.addi %parallel_loop3A_402, %parallel_loop3A_403 : i32
        %parallel_loop3A_405 = arith.index_cast %parallel_loop3A_404 : i32 to index
        %parallel_loop3A_406 = tpu.vector_load %arg9[%parallel_loop3A_405] {strides = array<i32>} : memref<4096xi32, #tpu.memory_space<vmem>>, vector<16xi32>,
        %parallel_loop3A_407 = tpu.vector_load_idx %arg8[%parallel_loop3A_400] : memref<100000xf32, #tpu.memory_space<vmem>>[vector<16xi32>], vector<16xf32>,
        %parallel_loop3A_408 = tpu.vector_load_idx %arg8[%parallel_loop3A_406] : memref<100000xf32, #tpu.memory_space<vmem>>[vector<16xi32>], vector<16xf32>,
        %parallel_loop3A_409 = arith.constant 80 : i32
        %parallel_loop3A_410 = arith.addi %parallel_loop3A_271, %parallel_loop3A_409 : i32
        %parallel_loop3A_411 = arith.index_cast %parallel_loop3A_410 : i32 to index
        %parallel_loop3A_412 = tpu.vector_load %arg12[%parallel_loop3A_411] {strides = array<i32>} : memref<2048xf32, #tpu.memory_space<vmem>>, vector<16xf32>,
        %parallel_loop3A_413 = arith.addf %parallel_loop3A_407, %parallel_loop3A_408 : vector<16xf32>
        %parallel_loop3A_414 = arith.constant 5.000000e-01 : f32
        %parallel_loop3A_415 = vector.broadcast %parallel_loop3A_414 : f32 to vector<16xf32>
        %parallel_loop3A_416 = arith.mulf %parallel_loop3A_413, %parallel_loop3A_415 : vector<16xf32>
        %parallel_loop3A_417 = arith.divf %parallel_loop3A_416, %parallel_loop3A_412 : vector<16xf32>
        %parallel_loop3A_418 = arith.constant 80 : i32
        %parallel_loop3A_419 = arith.addi %parallel_loop3A_271, %parallel_loop3A_418 : i32
        %parallel_loop3A_420 = arith.index_cast %parallel_loop3A_419 : i32 to index
        %parallel_loop3A_421 = tpu.vector_load %arg15[%parallel_loop3A_420] {strides = array<i32>} : memref<2048xf32, #tpu.memory_space<vmem>>, vector<16xf32>,
        tpu.vector_store %arg15[%parallel_loop3A_420], %parallel_loop3A_417 {strides = array<i32>} : memref<2048xf32, #tpu.memory_space<vmem>>, vector<16xf32>,
        %parallel_loop3A_422 = arith.constant 96 : i32
        %parallel_loop3A_423 = arith.addi %parallel_loop3A_269, %parallel_loop3A_422 : i32
        %parallel_loop3A_424 = arith.index_cast %parallel_loop3A_423 : i32 to index
        %parallel_loop3A_425 = tpu.vector_load %arg9[%parallel_loop3A_424] {strides = array<i32>} : memref<4096xi32, #tpu.memory_space<vmem>>, vector<16xi32>,
        %parallel_loop3A_426 = arith.constant 128 : i32
        %parallel_loop3A_427 = arith.addi %parallel_loop3A_269, %parallel_loop3A_426 : i32
        %parallel_loop3A_428 = arith.constant 96 : i32
        %parallel_loop3A_429 = arith.addi %parallel_loop3A_427, %parallel_loop3A_428 : i32
        %parallel_loop3A_430 = arith.index_cast %parallel_loop3A_429 : i32 to index
        %parallel_loop3A_431 = tpu.vector_load %arg9[%parallel_loop3A_430] {strides = array<i32>} : memref<4096xi32, #tpu.memory_space<vmem>>, vector<16xi32>,
        %parallel_loop3A_432 = tpu.vector_load_idx %arg8[%parallel_loop3A_425] : memref<100000xf32, #tpu.memory_space<vmem>>[vector<16xi32>], vector<16xf32>,
        %parallel_loop3A_433 = tpu.vector_load_idx %arg8[%parallel_loop3A_431] : memref<100000xf32, #tpu.memory_space<vmem>>[vector<16xi32>], vector<16xf32>,
        %parallel_loop3A_434 = arith.constant 96 : i32
        %parallel_loop3A_435 = arith.addi %parallel_loop3A_271, %parallel_loop3A_434 : i32
        %parallel_loop3A_436 = arith.index_cast %parallel_loop3A_435 : i32 to index
        %parallel_loop3A_437 = tpu.vector_load %arg12[%parallel_loop3A_436] {strides = array<i32>} : memref<2048xf32, #tpu.memory_space<vmem>>, vector<16xf32>,
        %parallel_loop3A_438 = arith.addf %parallel_loop3A_432, %parallel_loop3A_433 : vector<16xf32>
        %parallel_loop3A_439 = arith.constant 5.000000e-01 : f32
        %parallel_loop3A_440 = vector.broadcast %parallel_loop3A_439 : f32 to vector<16xf32>
        %parallel_loop3A_441 = arith.mulf %parallel_loop3A_438, %parallel_loop3A_440 : vector<16xf32>
        %parallel_loop3A_442 = arith.divf %parallel_loop3A_441, %parallel_loop3A_437 : vector<16xf32>
        %parallel_loop3A_443 = arith.constant 96 : i32
        %parallel_loop3A_444 = arith.addi %parallel_loop3A_271, %parallel_loop3A_443 : i32
        %parallel_loop3A_445 = arith.index_cast %parallel_loop3A_444 : i32 to index
        %parallel_loop3A_446 = tpu.vector_load %arg15[%parallel_loop3A_445] {strides = array<i32>} : memref<2048xf32, #tpu.memory_space<vmem>>, vector<16xf32>,
        tpu.vector_store %arg15[%parallel_loop3A_445], %parallel_loop3A_442 {strides = array<i32>} : memref<2048xf32, #tpu.memory_space<vmem>>, vector<16xf32>,
        %parallel_loop3A_447 = arith.constant 112 : i32
        %parallel_loop3A_448 = arith.addi %parallel_loop3A_269, %parallel_loop3A_447 : i32
        %parallel_loop3A_449 = arith.index_cast %parallel_loop3A_448 : i32 to index
        %parallel_loop3A_450 = tpu.vector_load %arg9[%parallel_loop3A_449] {strides = array<i32>} : memref<4096xi32, #tpu.memory_space<vmem>>, vector<16xi32>,
        %parallel_loop3A_451 = arith.constant 128 : i32
        %parallel_loop3A_452 = arith.addi %parallel_loop3A_269, %parallel_loop3A_451 : i32
        %parallel_loop3A_453 = arith.constant 112 : i32
        %parallel_loop3A_454 = arith.addi %parallel_loop3A_452, %parallel_loop3A_453 : i32
        %parallel_loop3A_455 = arith.index_cast %parallel_loop3A_454 : i32 to index
        %parallel_loop3A_456 = tpu.vector_load %arg9[%parallel_loop3A_455] {strides = array<i32>} : memref<4096xi32, #tpu.memory_space<vmem>>, vector<16xi32>,
        %parallel_loop3A_457 = tpu.vector_load_idx %arg8[%parallel_loop3A_450] : memref<100000xf32, #tpu.memory_space<vmem>>[vector<16xi32>], vector<16xf32>,
        %parallel_loop3A_458 = tpu.vector_load_idx %arg8[%parallel_loop3A_456] : memref<100000xf32, #tpu.memory_space<vmem>>[vector<16xi32>], vector<16xf32>,
        %parallel_loop3A_459 = arith.constant 112 : i32
        %parallel_loop3A_460 = arith.addi %parallel_loop3A_271, %parallel_loop3A_459 : i32
        %parallel_loop3A_461 = arith.index_cast %parallel_loop3A_460 : i32 to index
        %parallel_loop3A_462 = tpu.vector_load %arg12[%parallel_loop3A_461] {strides = array<i32>} : memref<2048xf32, #tpu.memory_space<vmem>>, vector<16xf32>,
        %parallel_loop3A_463 = arith.addf %parallel_loop3A_457, %parallel_loop3A_458 : vector<16xf32>
        %parallel_loop3A_464 = arith.constant 5.000000e-01 : f32
        %parallel_loop3A_465 = vector.broadcast %parallel_loop3A_464 : f32 to vector<16xf32>
        %parallel_loop3A_466 = arith.mulf %parallel_loop3A_463, %parallel_loop3A_465 : vector<16xf32>
        %parallel_loop3A_467 = arith.divf %parallel_loop3A_466, %parallel_loop3A_462 : vector<16xf32>
        %parallel_loop3A_468 = arith.constant 112 : i32
        %parallel_loop3A_469 = arith.addi %parallel_loop3A_271, %parallel_loop3A_468 : i32
        %parallel_loop3A_470 = arith.index_cast %parallel_loop3A_469 : i32 to index
        %parallel_loop3A_471 = tpu.vector_load %arg15[%parallel_loop3A_470] {strides = array<i32>} : memref<2048xf32, #tpu.memory_space<vmem>>, vector<16xf32>,
        tpu.vector_store %arg15[%parallel_loop3A_470], %parallel_loop3A_467 {strides = array<i32>} : memref<2048xf32, #tpu.memory_space<vmem>>, vector<16xf32>,
      } {sc.loop_unroll_factor = 2 : i64, sc.parallel_access}
      %add3A_166 = arith.constant 3 : i32
      %add3A_167 = arith.addi %add3A_141, %add3A_166 : i32
      %lt3A_168 = arith.constant 97 : i32
      %lt3A_169 = arith.cmpi slt, %add3A_167, %lt3A_168 : i32
      %convert_element_type3A_170 = arith.extui %lt3A_169 : i1 to i32
      %cond3A_171 = arith.constant 0 : i32
      %cond3A_172 = arith.cmpi ne, %convert_element_type3A_170, %cond3A_171 : i32
      scf.if %cond3A_172 {
        %add3A_267 = arith.constant 3 : i32
        %add3A_268 = arith.addi %add3A_141, %add3A_267 : i32
        %mul3A_269 = arith.constant 16 : i32
        %mul3A_270 = arith.muli %add3A_268, %mul3A_269 : i32
        %add3A_271 = arith.addi %add3A_19, %mul3A_270 : i32
        %mul3A_272 = arith.constant 2 : i32
        %mul3A_273 = arith.muli %add3A_271, %mul3A_272 : i32
        %mul3A_274 = arith.constant 128 : i32
        %mul3A_275 = arith.muli %mul3A_273, %mul3A_274 : i32
        %mul3A_276 = arith.constant 128 : i32
        %mul3A_277 = arith.muli %add3A_271, %mul3A_276 : i32
        %dma_start3A_278 = arith.constant 0 : i32
        %dma_start3A_279 = tpu.memref_slice %arg9[%dma_start3A_278] : memref<4096xi32, #tpu.memory_space<vmem>> -> memref<4096xi32, #tpu.memory_space<vmem>>
        %dma_start3A_280 = tpu.memref_slice %arg4[%mul3A_275] : memref<12800000xi32, #tpu.memory_space<hbm>> -> memref<4096xi32, #tpu.memory_space<hbm>>
        %dma_start3A_281 = arith.constant 0 : i32
        %dma_start3A_282 = tpu.memref_slice %arg9[%dma_start3A_281] : memref<4096xi32, #tpu.memory_space<vmem>> -> memref<4096xi32, #tpu.memory_space<vmem>>
        %dma_start3A_283 = tpu.memref_slice %arg4[%mul3A_275] : memref<12800000xi32, #tpu.memory_space<hbm>> -> memref<4096xi32, #tpu.memory_space<hbm>>
        tpu.enqueue_dma source(%dma_start3A_283 : memref<4096xi32, #tpu.memory_space<hbm>>) target(%dma_start3A_282 : memref<4096xi32, #tpu.memory_space<vmem>>) target_semaphore(%arg19 : memref<!tpu.dma_semaphore, #tpu.memory_space<semaphore_mem>>)
        %dma_start3A_284 = tpu.memref_slice %arg5[%mul3A_277] : memref<6400000xf32, #tpu.memory_space<hbm>> -> memref<2048xf32, #tpu.memory_space<hbm>>
        %dma_start3A_285 = tpu.memref_slice %arg5[%mul3A_277] : memref<6400000xf32, #tpu.memory_space<hbm>> -> memref<2048xf32, #tpu.memory_space<hbm>>
        tpu.enqueue_dma source(%dma_start3A_285 : memref<2048xf32, #tpu.memory_space<hbm>>) target(%arg12 : memref<2048xf32, #tpu.memory_space<vmem>>) target_semaphore(%arg19 : memref<!tpu.dma_semaphore, #tpu.memory_space<semaphore_mem>>)
      } else {
      }
      %mul3A_173 = arith.constant 16 : i32
      %mul3A_174 = arith.muli %add3A_141, %mul3A_173 : i32
      %add3A_175 = arith.addi %add3A_19, %mul3A_174 : i32
      %mul3A_176 = arith.constant 128 : i32
      %mul3A_177 = arith.muli %add3A_175, %mul3A_176 : i32
      %dma_start3A_178 = tpu.memref_slice %arg6[%mul3A_177] : memref<6400000xf32, #tpu.memory_space<hbm>> -> memref<2048xf32, #tpu.memory_space<hbm>>
      %dma_start3A_179 = tpu.memref_slice %arg6[%mul3A_177] : memref<6400000xf32, #tpu.memory_space<hbm>> -> memref<2048xf32, #tpu.memory_space<hbm>>
      tpu.enqueue_dma source(%arg15 : memref<2048xf32, #tpu.memory_space<vmem>>) target(%dma_start3A_179 : memref<2048xf32, #tpu.memory_space<hbm>>) target_semaphore(%arg22 : memref<!tpu.dma_semaphore, #tpu.memory_space<semaphore_mem>>)
      %mul3A_180 = arith.constant 3 : i32
      %mul3A_181 = arith.muli %scan3A_136, %mul3A_180 : i32
      %add3A_182 = arith.constant 1 : i32
      %add3A_183 = arith.addi %mul3A_181, %add3A_182 : i32
      %mul3A_184 = arith.constant 16 : i32
      %mul3A_185 = arith.muli %add3A_183, %mul3A_184 : i32
      %add3A_186 = arith.addi %add3A_19, %mul3A_185 : i32
      %mul3A_187 = arith.constant 2 : i32
      %mul3A_188 = arith.muli %add3A_186, %mul3A_187 : i32
      %mul3A_189 = arith.constant 128 : i32
      %mul3A_190 = arith.muli %mul3A_188, %mul3A_189 : i32
      %mul3A_191 = arith.constant 128 : i32
      %mul3A_192 = arith.muli %add3A_186, %mul3A_191 : i32
      %dma_wait3A_193 = arith.constant 0 : i32
      %dma_wait3A_194 = tpu.memref_slice %arg10[%dma_wait3A_193] : memref<4096xi32, #tpu.memory_space<vmem>> -> memref<4096xi32, #tpu.memory_space<vmem>>
      %dma_wait3A_195 = tpu.memref_slice %arg4[%mul3A_190] : memref<12800000xi32, #tpu.memory_space<hbm>> -> memref<4096xi32, #tpu.memory_space<hbm>>
      %dma_wait3A_196 = arith.constant 0 : i32
      %dma_wait3A_197 = tpu.memref_slice %arg10[%dma_wait3A_196] : memref<4096xi32, #tpu.memory_space<vmem>> -> memref<4096xi32, #tpu.memory_space<vmem>>
      %dma_wait3A_198 = tpu.memref_slice %arg4[%mul3A_190] : memref<12800000xi32, #tpu.memory_space<hbm>> -> memref<4096xi32, #tpu.memory_space<hbm>>
      tpu.wait_dma2 semaphore(%arg20 : memref<!tpu.dma_semaphore, #tpu.memory_space<semaphore_mem>>) src(%dma_wait3A_198 : memref<4096xi32, #tpu.memory_space<hbm>>) dst(%dma_wait3A_197 : memref<4096xi32, #tpu.memory_space<vmem>>)
      %dma_wait3A_199 = tpu.memref_slice %arg5[%mul3A_192] : memref<6400000xf32, #tpu.memory_space<hbm>> -> memref<2048xf32, #tpu.memory_space<hbm>>
      %dma_wait3A_200 = tpu.memref_slice %arg5[%mul3A_192] : memref<6400000xf32, #tpu.memory_space<hbm>> -> memref<2048xf32, #tpu.memory_space<hbm>>
      tpu.wait_dma2 semaphore(%arg20 : memref<!tpu.dma_semaphore, #tpu.memory_space<semaphore_mem>>) src(%dma_wait3A_200 : memref<2048xf32, #tpu.memory_space<hbm>>) dst(%arg13 : memref<2048xf32, #tpu.memory_space<vmem>>)
      %gt3A_201 = arith.constant 0 : i32
      %gt3A_202 = arith.cmpi sgt, %scan3A_136, %gt3A_201 : i32
      %convert_element_type3A_203 = arith.extui %gt3A_202 : i1 to i32
      %cond3A_204 = arith.constant 0 : i32
      %cond3A_205 = arith.cmpi ne, %convert_element_type3A_203, %cond3A_204 : i32
      scf.if %cond3A_205 {
        %mul3A_267 = arith.constant 16 : i32
        %mul3A_268 = arith.muli %add3A_183, %mul3A_267 : i32
        %add3A_269 = arith.addi %add3A_19, %mul3A_268 : i32
        %mul3A_270 = arith.constant 128 : i32
        %mul3A_271 = arith.muli %add3A_269, %mul3A_270 : i32
        %dma_wait3A_272 = tpu.memref_slice %arg6[%mul3A_271] : memref<6400000xf32, #tpu.memory_space<hbm>> -> memref<2048xf32, #tpu.memory_space<hbm>>
        %dma_wait3A_273 = tpu.memref_slice %arg6[%mul3A_271] : memref<6400000xf32, #tpu.memory_space<hbm>> -> memref<2048xf32, #tpu.memory_space<hbm>>
        tpu.wait_dma2 semaphore(%arg23 : memref<!tpu.dma_semaphore, #tpu.memory_space<semaphore_mem>>) src(%arg16 : memref<2048xf32, #tpu.memory_space<vmem>>) dst(%dma_wait3A_273 : memref<2048xf32, #tpu.memory_space<hbm>>)
      } else {
      }
      %parallel_loop3A_206 = arith.constant 0 : i32
      %parallel_loop3A_207 = arith.constant 16 : i32
      %parallel_loop3A_208 = arith.constant 1 : i32
      scf.for %parallel_loop3A_267 = %parallel_loop3A_206 to %parallel_loop3A_207 step %parallel_loop3A_208  : i32 {
        %parallel_loop3A_268 = arith.constant 256 : i32
        %parallel_loop3A_269 = arith.muli %parallel_loop3A_267, %parallel_loop3A_268 : i32
        %parallel_loop3A_270 = arith.constant 128 : i32
        %parallel_loop3A_271 = arith.muli %parallel_loop3A_267, %parallel_loop3A_270 : i32
        %parallel_loop3A_272 = arith.constant 0 : i32
        %parallel_loop3A_273 = arith.addi %parallel_loop3A_269, %parallel_loop3A_272 : i32
        %parallel_loop3A_274 = arith.index_cast %parallel_loop3A_273 : i32 to index
        %parallel_loop3A_275 = tpu.vector_load %arg10[%parallel_loop3A_274] {strides = array<i32>} : memref<4096xi32, #tpu.memory_space<vmem>>, vector<16xi32>,
        %parallel_loop3A_276 = arith.constant 128 : i32
        %parallel_loop3A_277 = arith.addi %parallel_loop3A_269, %parallel_loop3A_276 : i32
        %parallel_loop3A_278 = arith.constant 0 : i32
        %parallel_loop3A_279 = arith.addi %parallel_loop3A_277, %parallel_loop3A_278 : i32
        %parallel_loop3A_280 = arith.index_cast %parallel_loop3A_279 : i32 to index
        %parallel_loop3A_281 = tpu.vector_load %arg10[%parallel_loop3A_280] {strides = array<i32>} : memref<4096xi32, #tpu.memory_space<vmem>>, vector<16xi32>,
        %parallel_loop3A_282 = tpu.vector_load_idx %arg8[%parallel_loop3A_275] : memref<100000xf32, #tpu.memory_space<vmem>>[vector<16xi32>], vector<16xf32>,
        %parallel_loop3A_283 = tpu.vector_load_idx %arg8[%parallel_loop3A_281] : memref<100000xf32, #tpu.memory_space<vmem>>[vector<16xi32>], vector<16xf32>,
        %parallel_loop3A_284 = arith.constant 0 : i32
        %parallel_loop3A_285 = arith.addi %parallel_loop3A_271, %parallel_loop3A_284 : i32
        %parallel_loop3A_286 = arith.index_cast %parallel_loop3A_285 : i32 to index
        %parallel_loop3A_287 = tpu.vector_load %arg13[%parallel_loop3A_286] {strides = array<i32>} : memref<2048xf32, #tpu.memory_space<vmem>>, vector<16xf32>,
        %parallel_loop3A_288 = arith.addf %parallel_loop3A_282, %parallel_loop3A_283 : vector<16xf32>
        %parallel_loop3A_289 = arith.constant 5.000000e-01 : f32
        %parallel_loop3A_290 = vector.broadcast %parallel_loop3A_289 : f32 to vector<16xf32>
        %parallel_loop3A_291 = arith.mulf %parallel_loop3A_288, %parallel_loop3A_290 : vector<16xf32>
        %parallel_loop3A_292 = arith.divf %parallel_loop3A_291, %parallel_loop3A_287 : vector<16xf32>
        %parallel_loop3A_293 = arith.constant 0 : i32
        %parallel_loop3A_294 = arith.addi %parallel_loop3A_271, %parallel_loop3A_293 : i32
        %parallel_loop3A_295 = arith.index_cast %parallel_loop3A_294 : i32 to index
        %parallel_loop3A_296 = tpu.vector_load %arg16[%parallel_loop3A_295] {strides = array<i32>} : memref<2048xf32, #tpu.memory_space<vmem>>, vector<16xf32>,
        tpu.vector_store %arg16[%parallel_loop3A_295], %parallel_loop3A_292 {strides = array<i32>} : memref<2048xf32, #tpu.memory_space<vmem>>, vector<16xf32>,
        %parallel_loop3A_297 = arith.constant 16 : i32
        %parallel_loop3A_298 = arith.addi %parallel_loop3A_269, %parallel_loop3A_297 : i32
        %parallel_loop3A_299 = arith.index_cast %parallel_loop3A_298 : i32 to index
        %parallel_loop3A_300 = tpu.vector_load %arg10[%parallel_loop3A_299] {strides = array<i32>} : memref<4096xi32, #tpu.memory_space<vmem>>, vector<16xi32>,
        %parallel_loop3A_301 = arith.constant 128 : i32
        %parallel_loop3A_302 = arith.addi %parallel_loop3A_269, %parallel_loop3A_301 : i32
        %parallel_loop3A_303 = arith.constant 16 : i32
        %parallel_loop3A_304 = arith.addi %parallel_loop3A_302, %parallel_loop3A_303 : i32
        %parallel_loop3A_305 = arith.index_cast %parallel_loop3A_304 : i32 to index
        %parallel_loop3A_306 = tpu.vector_load %arg10[%parallel_loop3A_305] {strides = array<i32>} : memref<4096xi32, #tpu.memory_space<vmem>>, vector<16xi32>,
        %parallel_loop3A_307 = tpu.vector_load_idx %arg8[%parallel_loop3A_300] : memref<100000xf32, #tpu.memory_space<vmem>>[vector<16xi32>], vector<16xf32>,
        %parallel_loop3A_308 = tpu.vector_load_idx %arg8[%parallel_loop3A_306] : memref<100000xf32, #tpu.memory_space<vmem>>[vector<16xi32>], vector<16xf32>,
        %parallel_loop3A_309 = arith.constant 16 : i32
        %parallel_loop3A_310 = arith.addi %parallel_loop3A_271, %parallel_loop3A_309 : i32
        %parallel_loop3A_311 = arith.index_cast %parallel_loop3A_310 : i32 to index
        %parallel_loop3A_312 = tpu.vector_load %arg13[%parallel_loop3A_311] {strides = array<i32>} : memref<2048xf32, #tpu.memory_space<vmem>>, vector<16xf32>,
        %parallel_loop3A_313 = arith.addf %parallel_loop3A_307, %parallel_loop3A_308 : vector<16xf32>
        %parallel_loop3A_314 = arith.constant 5.000000e-01 : f32
        %parallel_loop3A_315 = vector.broadcast %parallel_loop3A_314 : f32 to vector<16xf32>
        %parallel_loop3A_316 = arith.mulf %parallel_loop3A_313, %parallel_loop3A_315 : vector<16xf32>
        %parallel_loop3A_317 = arith.divf %parallel_loop3A_316, %parallel_loop3A_312 : vector<16xf32>
        %parallel_loop3A_318 = arith.constant 16 : i32
        %parallel_loop3A_319 = arith.addi %parallel_loop3A_271, %parallel_loop3A_318 : i32
        %parallel_loop3A_320 = arith.index_cast %parallel_loop3A_319 : i32 to index
        %parallel_loop3A_321 = tpu.vector_load %arg16[%parallel_loop3A_320] {strides = array<i32>} : memref<2048xf32, #tpu.memory_space<vmem>>, vector<16xf32>,
        tpu.vector_store %arg16[%parallel_loop3A_320], %parallel_loop3A_317 {strides = array<i32>} : memref<2048xf32, #tpu.memory_space<vmem>>, vector<16xf32>,
        %parallel_loop3A_322 = arith.constant 32 : i32
        %parallel_loop3A_323 = arith.addi %parallel_loop3A_269, %parallel_loop3A_322 : i32
        %parallel_loop3A_324 = arith.index_cast %parallel_loop3A_323 : i32 to index
        %parallel_loop3A_325 = tpu.vector_load %arg10[%parallel_loop3A_324] {strides = array<i32>} : memref<4096xi32, #tpu.memory_space<vmem>>, vector<16xi32>,
        %parallel_loop3A_326 = arith.constant 128 : i32
        %parallel_loop3A_327 = arith.addi %parallel_loop3A_269, %parallel_loop3A_326 : i32
        %parallel_loop3A_328 = arith.constant 32 : i32
        %parallel_loop3A_329 = arith.addi %parallel_loop3A_327, %parallel_loop3A_328 : i32
        %parallel_loop3A_330 = arith.index_cast %parallel_loop3A_329 : i32 to index
        %parallel_loop3A_331 = tpu.vector_load %arg10[%parallel_loop3A_330] {strides = array<i32>} : memref<4096xi32, #tpu.memory_space<vmem>>, vector<16xi32>,
        %parallel_loop3A_332 = tpu.vector_load_idx %arg8[%parallel_loop3A_325] : memref<100000xf32, #tpu.memory_space<vmem>>[vector<16xi32>], vector<16xf32>,
        %parallel_loop3A_333 = tpu.vector_load_idx %arg8[%parallel_loop3A_331] : memref<100000xf32, #tpu.memory_space<vmem>>[vector<16xi32>], vector<16xf32>,
        %parallel_loop3A_334 = arith.constant 32 : i32
        %parallel_loop3A_335 = arith.addi %parallel_loop3A_271, %parallel_loop3A_334 : i32
        %parallel_loop3A_336 = arith.index_cast %parallel_loop3A_335 : i32 to index
        %parallel_loop3A_337 = tpu.vector_load %arg13[%parallel_loop3A_336] {strides = array<i32>} : memref<2048xf32, #tpu.memory_space<vmem>>, vector<16xf32>,
        %parallel_loop3A_338 = arith.addf %parallel_loop3A_332, %parallel_loop3A_333 : vector<16xf32>
        %parallel_loop3A_339 = arith.constant 5.000000e-01 : f32
        %parallel_loop3A_340 = vector.broadcast %parallel_loop3A_339 : f32 to vector<16xf32>
        %parallel_loop3A_341 = arith.mulf %parallel_loop3A_338, %parallel_loop3A_340 : vector<16xf32>
        %parallel_loop3A_342 = arith.divf %parallel_loop3A_341, %parallel_loop3A_337 : vector<16xf32>
        %parallel_loop3A_343 = arith.constant 32 : i32
        %parallel_loop3A_344 = arith.addi %parallel_loop3A_271, %parallel_loop3A_343 : i32
        %parallel_loop3A_345 = arith.index_cast %parallel_loop3A_344 : i32 to index
        %parallel_loop3A_346 = tpu.vector_load %arg16[%parallel_loop3A_345] {strides = array<i32>} : memref<2048xf32, #tpu.memory_space<vmem>>, vector<16xf32>,
        tpu.vector_store %arg16[%parallel_loop3A_345], %parallel_loop3A_342 {strides = array<i32>} : memref<2048xf32, #tpu.memory_space<vmem>>, vector<16xf32>,
        %parallel_loop3A_347 = arith.constant 48 : i32
        %parallel_loop3A_348 = arith.addi %parallel_loop3A_269, %parallel_loop3A_347 : i32
        %parallel_loop3A_349 = arith.index_cast %parallel_loop3A_348 : i32 to index
        %parallel_loop3A_350 = tpu.vector_load %arg10[%parallel_loop3A_349] {strides = array<i32>} : memref<4096xi32, #tpu.memory_space<vmem>>, vector<16xi32>,
        %parallel_loop3A_351 = arith.constant 128 : i32
        %parallel_loop3A_352 = arith.addi %parallel_loop3A_269, %parallel_loop3A_351 : i32
        %parallel_loop3A_353 = arith.constant 48 : i32
        %parallel_loop3A_354 = arith.addi %parallel_loop3A_352, %parallel_loop3A_353 : i32
        %parallel_loop3A_355 = arith.index_cast %parallel_loop3A_354 : i32 to index
        %parallel_loop3A_356 = tpu.vector_load %arg10[%parallel_loop3A_355] {strides = array<i32>} : memref<4096xi32, #tpu.memory_space<vmem>>, vector<16xi32>,
        %parallel_loop3A_357 = tpu.vector_load_idx %arg8[%parallel_loop3A_350] : memref<100000xf32, #tpu.memory_space<vmem>>[vector<16xi32>], vector<16xf32>,
        %parallel_loop3A_358 = tpu.vector_load_idx %arg8[%parallel_loop3A_356] : memref<100000xf32, #tpu.memory_space<vmem>>[vector<16xi32>], vector<16xf32>,
        %parallel_loop3A_359 = arith.constant 48 : i32
        %parallel_loop3A_360 = arith.addi %parallel_loop3A_271, %parallel_loop3A_359 : i32
        %parallel_loop3A_361 = arith.index_cast %parallel_loop3A_360 : i32 to index
        %parallel_loop3A_362 = tpu.vector_load %arg13[%parallel_loop3A_361] {strides = array<i32>} : memref<2048xf32, #tpu.memory_space<vmem>>, vector<16xf32>,
        %parallel_loop3A_363 = arith.addf %parallel_loop3A_357, %parallel_loop3A_358 : vector<16xf32>
        %parallel_loop3A_364 = arith.constant 5.000000e-01 : f32
        %parallel_loop3A_365 = vector.broadcast %parallel_loop3A_364 : f32 to vector<16xf32>
        %parallel_loop3A_366 = arith.mulf %parallel_loop3A_363, %parallel_loop3A_365 : vector<16xf32>
        %parallel_loop3A_367 = arith.divf %parallel_loop3A_366, %parallel_loop3A_362 : vector<16xf32>
        %parallel_loop3A_368 = arith.constant 48 : i32
        %parallel_loop3A_369 = arith.addi %parallel_loop3A_271, %parallel_loop3A_368 : i32
        %parallel_loop3A_370 = arith.index_cast %parallel_loop3A_369 : i32 to index
        %parallel_loop3A_371 = tpu.vector_load %arg16[%parallel_loop3A_370] {strides = array<i32>} : memref<2048xf32, #tpu.memory_space<vmem>>, vector<16xf32>,
        tpu.vector_store %arg16[%parallel_loop3A_370], %parallel_loop3A_367 {strides = array<i32>} : memref<2048xf32, #tpu.memory_space<vmem>>, vector<16xf32>,
        %parallel_loop3A_372 = arith.constant 64 : i32
        %parallel_loop3A_373 = arith.addi %parallel_loop3A_269, %parallel_loop3A_372 : i32
        %parallel_loop3A_374 = arith.index_cast %parallel_loop3A_373 : i32 to index
        %parallel_loop3A_375 = tpu.vector_load %arg10[%parallel_loop3A_374] {strides = array<i32>} : memref<4096xi32, #tpu.memory_space<vmem>>, vector<16xi32>,
        %parallel_loop3A_376 = arith.constant 128 : i32
        %parallel_loop3A_377 = arith.addi %parallel_loop3A_269, %parallel_loop3A_376 : i32
        %parallel_loop3A_378 = arith.constant 64 : i32
        %parallel_loop3A_379 = arith.addi %parallel_loop3A_377, %parallel_loop3A_378 : i32
        %parallel_loop3A_380 = arith.index_cast %parallel_loop3A_379 : i32 to index
        %parallel_loop3A_381 = tpu.vector_load %arg10[%parallel_loop3A_380] {strides = array<i32>} : memref<4096xi32, #tpu.memory_space<vmem>>, vector<16xi32>,
        %parallel_loop3A_382 = tpu.vector_load_idx %arg8[%parallel_loop3A_375] : memref<100000xf32, #tpu.memory_space<vmem>>[vector<16xi32>], vector<16xf32>,
        %parallel_loop3A_383 = tpu.vector_load_idx %arg8[%parallel_loop3A_381] : memref<100000xf32, #tpu.memory_space<vmem>>[vector<16xi32>], vector<16xf32>,
        %parallel_loop3A_384 = arith.constant 64 : i32
        %parallel_loop3A_385 = arith.addi %parallel_loop3A_271, %parallel_loop3A_384 : i32
        %parallel_loop3A_386 = arith.index_cast %parallel_loop3A_385 : i32 to index
        %parallel_loop3A_387 = tpu.vector_load %arg13[%parallel_loop3A_386] {strides = array<i32>} : memref<2048xf32, #tpu.memory_space<vmem>>, vector<16xf32>,
        %parallel_loop3A_388 = arith.addf %parallel_loop3A_382, %parallel_loop3A_383 : vector<16xf32>
        %parallel_loop3A_389 = arith.constant 5.000000e-01 : f32
        %parallel_loop3A_390 = vector.broadcast %parallel_loop3A_389 : f32 to vector<16xf32>
        %parallel_loop3A_391 = arith.mulf %parallel_loop3A_388, %parallel_loop3A_390 : vector<16xf32>
        %parallel_loop3A_392 = arith.divf %parallel_loop3A_391, %parallel_loop3A_387 : vector<16xf32>
        %parallel_loop3A_393 = arith.constant 64 : i32
        %parallel_loop3A_394 = arith.addi %parallel_loop3A_271, %parallel_loop3A_393 : i32
        %parallel_loop3A_395 = arith.index_cast %parallel_loop3A_394 : i32 to index
        %parallel_loop3A_396 = tpu.vector_load %arg16[%parallel_loop3A_395] {strides = array<i32>} : memref<2048xf32, #tpu.memory_space<vmem>>, vector<16xf32>,
        tpu.vector_store %arg16[%parallel_loop3A_395], %parallel_loop3A_392 {strides = array<i32>} : memref<2048xf32, #tpu.memory_space<vmem>>, vector<16xf32>,
        %parallel_loop3A_397 = arith.constant 80 : i32
        %parallel_loop3A_398 = arith.addi %parallel_loop3A_269, %parallel_loop3A_397 : i32
        %parallel_loop3A_399 = arith.index_cast %parallel_loop3A_398 : i32 to index
        %parallel_loop3A_400 = tpu.vector_load %arg10[%parallel_loop3A_399] {strides = array<i32>} : memref<4096xi32, #tpu.memory_space<vmem>>, vector<16xi32>,
        %parallel_loop3A_401 = arith.constant 128 : i32
        %parallel_loop3A_402 = arith.addi %parallel_loop3A_269, %parallel_loop3A_401 : i32
        %parallel_loop3A_403 = arith.constant 80 : i32
        %parallel_loop3A_404 = arith.addi %parallel_loop3A_402, %parallel_loop3A_403 : i32
        %parallel_loop3A_405 = arith.index_cast %parallel_loop3A_404 : i32 to index
        %parallel_loop3A_406 = tpu.vector_load %arg10[%parallel_loop3A_405] {strides = array<i32>} : memref<4096xi32, #tpu.memory_space<vmem>>, vector<16xi32>,
        %parallel_loop3A_407 = tpu.vector_load_idx %arg8[%parallel_loop3A_400] : memref<100000xf32, #tpu.memory_space<vmem>>[vector<16xi32>], vector<16xf32>,
        %parallel_loop3A_408 = tpu.vector_load_idx %arg8[%parallel_loop3A_406] : memref<100000xf32, #tpu.memory_space<vmem>>[vector<16xi32>], vector<16xf32>,
        %parallel_loop3A_409 = arith.constant 80 : i32
        %parallel_loop3A_410 = arith.addi %parallel_loop3A_271, %parallel_loop3A_409 : i32
        %parallel_loop3A_411 = arith.index_cast %parallel_loop3A_410 : i32 to index
        %parallel_loop3A_412 = tpu.vector_load %arg13[%parallel_loop3A_411] {strides = array<i32>} : memref<2048xf32, #tpu.memory_space<vmem>>, vector<16xf32>,
        %parallel_loop3A_413 = arith.addf %parallel_loop3A_407, %parallel_loop3A_408 : vector<16xf32>
        %parallel_loop3A_414 = arith.constant 5.000000e-01 : f32
        %parallel_loop3A_415 = vector.broadcast %parallel_loop3A_414 : f32 to vector<16xf32>
        %parallel_loop3A_416 = arith.mulf %parallel_loop3A_413, %parallel_loop3A_415 : vector<16xf32>
        %parallel_loop3A_417 = arith.divf %parallel_loop3A_416, %parallel_loop3A_412 : vector<16xf32>
        %parallel_loop3A_418 = arith.constant 80 : i32
        %parallel_loop3A_419 = arith.addi %parallel_loop3A_271, %parallel_loop3A_418 : i32
        %parallel_loop3A_420 = arith.index_cast %parallel_loop3A_419 : i32 to index
        %parallel_loop3A_421 = tpu.vector_load %arg16[%parallel_loop3A_420] {strides = array<i32>} : memref<2048xf32, #tpu.memory_space<vmem>>, vector<16xf32>,
        tpu.vector_store %arg16[%parallel_loop3A_420], %parallel_loop3A_417 {strides = array<i32>} : memref<2048xf32, #tpu.memory_space<vmem>>, vector<16xf32>,
        %parallel_loop3A_422 = arith.constant 96 : i32
        %parallel_loop3A_423 = arith.addi %parallel_loop3A_269, %parallel_loop3A_422 : i32
        %parallel_loop3A_424 = arith.index_cast %parallel_loop3A_423 : i32 to index
        %parallel_loop3A_425 = tpu.vector_load %arg10[%parallel_loop3A_424] {strides = array<i32>} : memref<4096xi32, #tpu.memory_space<vmem>>, vector<16xi32>,
        %parallel_loop3A_426 = arith.constant 128 : i32
        %parallel_loop3A_427 = arith.addi %parallel_loop3A_269, %parallel_loop3A_426 : i32
        %parallel_loop3A_428 = arith.constant 96 : i32
        %parallel_loop3A_429 = arith.addi %parallel_loop3A_427, %parallel_loop3A_428 : i32
        %parallel_loop3A_430 = arith.index_cast %parallel_loop3A_429 : i32 to index
        %parallel_loop3A_431 = tpu.vector_load %arg10[%parallel_loop3A_430] {strides = array<i32>} : memref<4096xi32, #tpu.memory_space<vmem>>, vector<16xi32>,
        %parallel_loop3A_432 = tpu.vector_load_idx %arg8[%parallel_loop3A_425] : memref<100000xf32, #tpu.memory_space<vmem>>[vector<16xi32>], vector<16xf32>,
        %parallel_loop3A_433 = tpu.vector_load_idx %arg8[%parallel_loop3A_431] : memref<100000xf32, #tpu.memory_space<vmem>>[vector<16xi32>], vector<16xf32>,
        %parallel_loop3A_434 = arith.constant 96 : i32
        %parallel_loop3A_435 = arith.addi %parallel_loop3A_271, %parallel_loop3A_434 : i32
        %parallel_loop3A_436 = arith.index_cast %parallel_loop3A_435 : i32 to index
        %parallel_loop3A_437 = tpu.vector_load %arg13[%parallel_loop3A_436] {strides = array<i32>} : memref<2048xf32, #tpu.memory_space<vmem>>, vector<16xf32>,
        %parallel_loop3A_438 = arith.addf %parallel_loop3A_432, %parallel_loop3A_433 : vector<16xf32>
        %parallel_loop3A_439 = arith.constant 5.000000e-01 : f32
        %parallel_loop3A_440 = vector.broadcast %parallel_loop3A_439 : f32 to vector<16xf32>
        %parallel_loop3A_441 = arith.mulf %parallel_loop3A_438, %parallel_loop3A_440 : vector<16xf32>
        %parallel_loop3A_442 = arith.divf %parallel_loop3A_441, %parallel_loop3A_437 : vector<16xf32>
        %parallel_loop3A_443 = arith.constant 96 : i32
        %parallel_loop3A_444 = arith.addi %parallel_loop3A_271, %parallel_loop3A_443 : i32
        %parallel_loop3A_445 = arith.index_cast %parallel_loop3A_444 : i32 to index
        %parallel_loop3A_446 = tpu.vector_load %arg16[%parallel_loop3A_445] {strides = array<i32>} : memref<2048xf32, #tpu.memory_space<vmem>>, vector<16xf32>,
        tpu.vector_store %arg16[%parallel_loop3A_445], %parallel_loop3A_442 {strides = array<i32>} : memref<2048xf32, #tpu.memory_space<vmem>>, vector<16xf32>,
        %parallel_loop3A_447 = arith.constant 112 : i32
        %parallel_loop3A_448 = arith.addi %parallel_loop3A_269, %parallel_loop3A_447 : i32
        %parallel_loop3A_449 = arith.index_cast %parallel_loop3A_448 : i32 to index
        %parallel_loop3A_450 = tpu.vector_load %arg10[%parallel_loop3A_449] {strides = array<i32>} : memref<4096xi32, #tpu.memory_space<vmem>>, vector<16xi32>,
        %parallel_loop3A_451 = arith.constant 128 : i32
        %parallel_loop3A_452 = arith.addi %parallel_loop3A_269, %parallel_loop3A_451 : i32
        %parallel_loop3A_453 = arith.constant 112 : i32
        %parallel_loop3A_454 = arith.addi %parallel_loop3A_452, %parallel_loop3A_453 : i32
        %parallel_loop3A_455 = arith.index_cast %parallel_loop3A_454 : i32 to index
        %parallel_loop3A_456 = tpu.vector_load %arg10[%parallel_loop3A_455] {strides = array<i32>} : memref<4096xi32, #tpu.memory_space<vmem>>, vector<16xi32>,
        %parallel_loop3A_457 = tpu.vector_load_idx %arg8[%parallel_loop3A_450] : memref<100000xf32, #tpu.memory_space<vmem>>[vector<16xi32>], vector<16xf32>,
        %parallel_loop3A_458 = tpu.vector_load_idx %arg8[%parallel_loop3A_456] : memref<100000xf32, #tpu.memory_space<vmem>>[vector<16xi32>], vector<16xf32>,
        %parallel_loop3A_459 = arith.constant 112 : i32
        %parallel_loop3A_460 = arith.addi %parallel_loop3A_271, %parallel_loop3A_459 : i32
        %parallel_loop3A_461 = arith.index_cast %parallel_loop3A_460 : i32 to index
        %parallel_loop3A_462 = tpu.vector_load %arg13[%parallel_loop3A_461] {strides = array<i32>} : memref<2048xf32, #tpu.memory_space<vmem>>, vector<16xf32>,
        %parallel_loop3A_463 = arith.addf %parallel_loop3A_457, %parallel_loop3A_458 : vector<16xf32>
        %parallel_loop3A_464 = arith.constant 5.000000e-01 : f32
        %parallel_loop3A_465 = vector.broadcast %parallel_loop3A_464 : f32 to vector<16xf32>
        %parallel_loop3A_466 = arith.mulf %parallel_loop3A_463, %parallel_loop3A_465 : vector<16xf32>
        %parallel_loop3A_467 = arith.divf %parallel_loop3A_466, %parallel_loop3A_462 : vector<16xf32>
        %parallel_loop3A_468 = arith.constant 112 : i32
        %parallel_loop3A_469 = arith.addi %parallel_loop3A_271, %parallel_loop3A_468 : i32
        %parallel_loop3A_470 = arith.index_cast %parallel_loop3A_469 : i32 to index
        %parallel_loop3A_471 = tpu.vector_load %arg16[%parallel_loop3A_470] {strides = array<i32>} : memref<2048xf32, #tpu.memory_space<vmem>>, vector<16xf32>,
        tpu.vector_store %arg16[%parallel_loop3A_470], %parallel_loop3A_467 {strides = array<i32>} : memref<2048xf32, #tpu.memory_space<vmem>>, vector<16xf32>,
      } {sc.loop_unroll_factor = 2 : i64, sc.parallel_access}
      %add3A_209 = arith.constant 3 : i32
      %add3A_210 = arith.addi %add3A_183, %add3A_209 : i32
      %lt3A_211 = arith.constant 97 : i32
      %lt3A_212 = arith.cmpi slt, %add3A_210, %lt3A_211 : i32
      %convert_element_type3A_213 = arith.extui %lt3A_212 : i1 to i32
      %cond3A_214 = arith.constant 0 : i32
      %cond3A_215 = arith.cmpi ne, %convert_element_type3A_213, %cond3A_214 : i32
      scf.if %cond3A_215 {
        %add3A_267 = arith.constant 3 : i32
        %add3A_268 = arith.addi %add3A_183, %add3A_267 : i32
        %mul3A_269 = arith.constant 16 : i32
        %mul3A_270 = arith.muli %add3A_268, %mul3A_269 : i32
        %add3A_271 = arith.addi %add3A_19, %mul3A_270 : i32
        %mul3A_272 = arith.constant 2 : i32
        %mul3A_273 = arith.muli %add3A_271, %mul3A_272 : i32
        %mul3A_274 = arith.constant 128 : i32
        %mul3A_275 = arith.muli %mul3A_273, %mul3A_274 : i32
        %mul3A_276 = arith.constant 128 : i32
        %mul3A_277 = arith.muli %add3A_271, %mul3A_276 : i32
        %dma_start3A_278 = arith.constant 0 : i32
        %dma_start3A_279 = tpu.memref_slice %arg10[%dma_start3A_278] : memref<4096xi32, #tpu.memory_space<vmem>> -> memref<4096xi32, #tpu.memory_space<vmem>>
        %dma_start3A_280 = tpu.memref_slice %arg4[%mul3A_275] : memref<12800000xi32, #tpu.memory_space<hbm>> -> memref<4096xi32, #tpu.memory_space<hbm>>
        %dma_start3A_281 = arith.constant 0 : i32
        %dma_start3A_282 = tpu.memref_slice %arg10[%dma_start3A_281] : memref<4096xi32, #tpu.memory_space<vmem>> -> memref<4096xi32, #tpu.memory_space<vmem>>
        %dma_start3A_283 = tpu.memref_slice %arg4[%mul3A_275] : memref<12800000xi32, #tpu.memory_space<hbm>> -> memref<4096xi32, #tpu.memory_space<hbm>>
        tpu.enqueue_dma source(%dma_start3A_283 : memref<4096xi32, #tpu.memory_space<hbm>>) target(%dma_start3A_282 : memref<4096xi32, #tpu.memory_space<vmem>>) target_semaphore(%arg20 : memref<!tpu.dma_semaphore, #tpu.memory_space<semaphore_mem>>)
        %dma_start3A_284 = tpu.memref_slice %arg5[%mul3A_277] : memref<6400000xf32, #tpu.memory_space<hbm>> -> memref<2048xf32, #tpu.memory_space<hbm>>
        %dma_start3A_285 = tpu.memref_slice %arg5[%mul3A_277] : memref<6400000xf32, #tpu.memory_space<hbm>> -> memref<2048xf32, #tpu.memory_space<hbm>>
        tpu.enqueue_dma source(%dma_start3A_285 : memref<2048xf32, #tpu.memory_space<hbm>>) target(%arg13 : memref<2048xf32, #tpu.memory_space<vmem>>) target_semaphore(%arg20 : memref<!tpu.dma_semaphore, #tpu.memory_space<semaphore_mem>>)
      } else {
      }
      %mul3A_216 = arith.constant 16 : i32
      %mul3A_217 = arith.muli %add3A_183, %mul3A_216 : i32
      %add3A_218 = arith.addi %add3A_19, %mul3A_217 : i32
      %mul3A_219 = arith.constant 128 : i32
      %mul3A_220 = arith.muli %add3A_218, %mul3A_219 : i32
      %dma_start3A_221 = tpu.memref_slice %arg6[%mul3A_220] : memref<6400000xf32, #tpu.memory_space<hbm>> -> memref<2048xf32, #tpu.memory_space<hbm>>
      %dma_start3A_222 = tpu.memref_slice %arg6[%mul3A_220] : memref<6400000xf32, #tpu.memory_space<hbm>> -> memref<2048xf32, #tpu.memory_space<hbm>>
      tpu.enqueue_dma source(%arg16 : memref<2048xf32, #tpu.memory_space<vmem>>) target(%dma_start3A_222 : memref<2048xf32, #tpu.memory_space<hbm>>) target_semaphore(%arg23 : memref<!tpu.dma_semaphore, #tpu.memory_space<semaphore_mem>>)
      %mul3A_223 = arith.constant 3 : i32
      %mul3A_224 = arith.muli %scan3A_136, %mul3A_223 : i32
      %add3A_225 = arith.constant 2 : i32
      %add3A_226 = arith.addi %mul3A_224, %add3A_225 : i32
      %mul3A_227 = arith.constant 16 : i32
      %mul3A_228 = arith.muli %add3A_226, %mul3A_227 : i32
      %add3A_229 = arith.addi %add3A_19, %mul3A_228 : i32
      %mul3A_230 = arith.constant 2 : i32
      %mul3A_231 = arith.muli %add3A_229, %mul3A_230 : i32
      %mul3A_232 = arith.constant 128 : i32
      %mul3A_233 = arith.muli %mul3A_231, %mul3A_232 : i32
      %mul3A_234 = arith.constant 128 : i32
      %mul3A_235 = arith.muli %add3A_229, %mul3A_234 : i32
      %dma_wait3A_236 = arith.constant 0 : i32
      %dma_wait3A_237 = tpu.memref_slice %arg11[%dma_wait3A_236] : memref<4096xi32, #tpu.memory_space<vmem>> -> memref<4096xi32, #tpu.memory_space<vmem>>
      %dma_wait3A_238 = tpu.memref_slice %arg4[%mul3A_233] : memref<12800000xi32, #tpu.memory_space<hbm>> -> memref<4096xi32, #tpu.memory_space<hbm>>
      %dma_wait3A_239 = arith.constant 0 : i32
      %dma_wait3A_240 = tpu.memref_slice %arg11[%dma_wait3A_239] : memref<4096xi32, #tpu.memory_space<vmem>> -> memref<4096xi32, #tpu.memory_space<vmem>>
      %dma_wait3A_241 = tpu.memref_slice %arg4[%mul3A_233] : memref<12800000xi32, #tpu.memory_space<hbm>> -> memref<4096xi32, #tpu.memory_space<hbm>>
      tpu.wait_dma2 semaphore(%arg21 : memref<!tpu.dma_semaphore, #tpu.memory_space<semaphore_mem>>) src(%dma_wait3A_241 : memref<4096xi32, #tpu.memory_space<hbm>>) dst(%dma_wait3A_240 : memref<4096xi32, #tpu.memory_space<vmem>>)
      %dma_wait3A_242 = tpu.memref_slice %arg5[%mul3A_235] : memref<6400000xf32, #tpu.memory_space<hbm>> -> memref<2048xf32, #tpu.memory_space<hbm>>
      %dma_wait3A_243 = tpu.memref_slice %arg5[%mul3A_235] : memref<6400000xf32, #tpu.memory_space<hbm>> -> memref<2048xf32, #tpu.memory_space<hbm>>
      tpu.wait_dma2 semaphore(%arg21 : memref<!tpu.dma_semaphore, #tpu.memory_space<semaphore_mem>>) src(%dma_wait3A_243 : memref<2048xf32, #tpu.memory_space<hbm>>) dst(%arg14 : memref<2048xf32, #tpu.memory_space<vmem>>)
      %gt3A_244 = arith.constant 0 : i32
      %gt3A_245 = arith.cmpi sgt, %scan3A_136, %gt3A_244 : i32
      %convert_element_type3A_246 = arith.extui %gt3A_245 : i1 to i32
      %cond3A_247 = arith.constant 0 : i32
      %cond3A_248 = arith.cmpi ne, %convert_element_type3A_246, %cond3A_247 : i32
      scf.if %cond3A_248 {
        %mul3A_267 = arith.constant 16 : i32
        %mul3A_268 = arith.muli %add3A_226, %mul3A_267 : i32
        %add3A_269 = arith.addi %add3A_19, %mul3A_268 : i32
        %mul3A_270 = arith.constant 128 : i32
        %mul3A_271 = arith.muli %add3A_269, %mul3A_270 : i32
        %dma_wait3A_272 = tpu.memref_slice %arg6[%mul3A_271] : memref<6400000xf32, #tpu.memory_space<hbm>> -> memref<2048xf32, #tpu.memory_space<hbm>>
        %dma_wait3A_273 = tpu.memref_slice %arg6[%mul3A_271] : memref<6400000xf32, #tpu.memory_space<hbm>> -> memref<2048xf32, #tpu.memory_space<hbm>>
        tpu.wait_dma2 semaphore(%arg24 : memref<!tpu.dma_semaphore, #tpu.memory_space<semaphore_mem>>) src(%arg17 : memref<2048xf32, #tpu.memory_space<vmem>>) dst(%dma_wait3A_273 : memref<2048xf32, #tpu.memory_space<hbm>>)
      } else {
      }
      %parallel_loop3A_249 = arith.constant 0 : i32
      %parallel_loop3A_250 = arith.constant 16 : i32
      %parallel_loop3A_251 = arith.constant 1 : i32
      scf.for %parallel_loop3A_267 = %parallel_loop3A_249 to %parallel_loop3A_250 step %parallel_loop3A_251  : i32 {
        %parallel_loop3A_268 = arith.constant 256 : i32
        %parallel_loop3A_269 = arith.muli %parallel_loop3A_267, %parallel_loop3A_268 : i32
        %parallel_loop3A_270 = arith.constant 128 : i32
        %parallel_loop3A_271 = arith.muli %parallel_loop3A_267, %parallel_loop3A_270 : i32
        %parallel_loop3A_272 = arith.constant 0 : i32
        %parallel_loop3A_273 = arith.addi %parallel_loop3A_269, %parallel_loop3A_272 : i32
        %parallel_loop3A_274 = arith.index_cast %parallel_loop3A_273 : i32 to index
        %parallel_loop3A_275 = tpu.vector_load %arg11[%parallel_loop3A_274] {strides = array<i32>} : memref<4096xi32, #tpu.memory_space<vmem>>, vector<16xi32>,
        %parallel_loop3A_276 = arith.constant 128 : i32
        %parallel_loop3A_277 = arith.addi %parallel_loop3A_269, %parallel_loop3A_276 : i32
        %parallel_loop3A_278 = arith.constant 0 : i32
        %parallel_loop3A_279 = arith.addi %parallel_loop3A_277, %parallel_loop3A_278 : i32
        %parallel_loop3A_280 = arith.index_cast %parallel_loop3A_279 : i32 to index
        %parallel_loop3A_281 = tpu.vector_load %arg11[%parallel_loop3A_280] {strides = array<i32>} : memref<4096xi32, #tpu.memory_space<vmem>>, vector<16xi32>,
        %parallel_loop3A_282 = tpu.vector_load_idx %arg8[%parallel_loop3A_275] : memref<100000xf32, #tpu.memory_space<vmem>>[vector<16xi32>], vector<16xf32>,
        %parallel_loop3A_283 = tpu.vector_load_idx %arg8[%parallel_loop3A_281] : memref<100000xf32, #tpu.memory_space<vmem>>[vector<16xi32>], vector<16xf32>,
        %parallel_loop3A_284 = arith.constant 0 : i32
        %parallel_loop3A_285 = arith.addi %parallel_loop3A_271, %parallel_loop3A_284 : i32
        %parallel_loop3A_286 = arith.index_cast %parallel_loop3A_285 : i32 to index
        %parallel_loop3A_287 = tpu.vector_load %arg14[%parallel_loop3A_286] {strides = array<i32>} : memref<2048xf32, #tpu.memory_space<vmem>>, vector<16xf32>,
        %parallel_loop3A_288 = arith.addf %parallel_loop3A_282, %parallel_loop3A_283 : vector<16xf32>
        %parallel_loop3A_289 = arith.constant 5.000000e-01 : f32
        %parallel_loop3A_290 = vector.broadcast %parallel_loop3A_289 : f32 to vector<16xf32>
        %parallel_loop3A_291 = arith.mulf %parallel_loop3A_288, %parallel_loop3A_290 : vector<16xf32>
        %parallel_loop3A_292 = arith.divf %parallel_loop3A_291, %parallel_loop3A_287 : vector<16xf32>
        %parallel_loop3A_293 = arith.constant 0 : i32
        %parallel_loop3A_294 = arith.addi %parallel_loop3A_271, %parallel_loop3A_293 : i32
        %parallel_loop3A_295 = arith.index_cast %parallel_loop3A_294 : i32 to index
        %parallel_loop3A_296 = tpu.vector_load %arg17[%parallel_loop3A_295] {strides = array<i32>} : memref<2048xf32, #tpu.memory_space<vmem>>, vector<16xf32>,
        tpu.vector_store %arg17[%parallel_loop3A_295], %parallel_loop3A_292 {strides = array<i32>} : memref<2048xf32, #tpu.memory_space<vmem>>, vector<16xf32>,
        %parallel_loop3A_297 = arith.constant 16 : i32
        %parallel_loop3A_298 = arith.addi %parallel_loop3A_269, %parallel_loop3A_297 : i32
        %parallel_loop3A_299 = arith.index_cast %parallel_loop3A_298 : i32 to index
        %parallel_loop3A_300 = tpu.vector_load %arg11[%parallel_loop3A_299] {strides = array<i32>} : memref<4096xi32, #tpu.memory_space<vmem>>, vector<16xi32>,
        %parallel_loop3A_301 = arith.constant 128 : i32
        %parallel_loop3A_302 = arith.addi %parallel_loop3A_269, %parallel_loop3A_301 : i32
        %parallel_loop3A_303 = arith.constant 16 : i32
        %parallel_loop3A_304 = arith.addi %parallel_loop3A_302, %parallel_loop3A_303 : i32
        %parallel_loop3A_305 = arith.index_cast %parallel_loop3A_304 : i32 to index
        %parallel_loop3A_306 = tpu.vector_load %arg11[%parallel_loop3A_305] {strides = array<i32>} : memref<4096xi32, #tpu.memory_space<vmem>>, vector<16xi32>,
        %parallel_loop3A_307 = tpu.vector_load_idx %arg8[%parallel_loop3A_300] : memref<100000xf32, #tpu.memory_space<vmem>>[vector<16xi32>], vector<16xf32>,
        %parallel_loop3A_308 = tpu.vector_load_idx %arg8[%parallel_loop3A_306] : memref<100000xf32, #tpu.memory_space<vmem>>[vector<16xi32>], vector<16xf32>,
        %parallel_loop3A_309 = arith.constant 16 : i32
        %parallel_loop3A_310 = arith.addi %parallel_loop3A_271, %parallel_loop3A_309 : i32
        %parallel_loop3A_311 = arith.index_cast %parallel_loop3A_310 : i32 to index
        %parallel_loop3A_312 = tpu.vector_load %arg14[%parallel_loop3A_311] {strides = array<i32>} : memref<2048xf32, #tpu.memory_space<vmem>>, vector<16xf32>,
        %parallel_loop3A_313 = arith.addf %parallel_loop3A_307, %parallel_loop3A_308 : vector<16xf32>
        %parallel_loop3A_314 = arith.constant 5.000000e-01 : f32
        %parallel_loop3A_315 = vector.broadcast %parallel_loop3A_314 : f32 to vector<16xf32>
        %parallel_loop3A_316 = arith.mulf %parallel_loop3A_313, %parallel_loop3A_315 : vector<16xf32>
        %parallel_loop3A_317 = arith.divf %parallel_loop3A_316, %parallel_loop3A_312 : vector<16xf32>
        %parallel_loop3A_318 = arith.constant 16 : i32
        %parallel_loop3A_319 = arith.addi %parallel_loop3A_271, %parallel_loop3A_318 : i32
        %parallel_loop3A_320 = arith.index_cast %parallel_loop3A_319 : i32 to index
        %parallel_loop3A_321 = tpu.vector_load %arg17[%parallel_loop3A_320] {strides = array<i32>} : memref<2048xf32, #tpu.memory_space<vmem>>, vector<16xf32>,
        tpu.vector_store %arg17[%parallel_loop3A_320], %parallel_loop3A_317 {strides = array<i32>} : memref<2048xf32, #tpu.memory_space<vmem>>, vector<16xf32>,
        %parallel_loop3A_322 = arith.constant 32 : i32
        %parallel_loop3A_323 = arith.addi %parallel_loop3A_269, %parallel_loop3A_322 : i32
        %parallel_loop3A_324 = arith.index_cast %parallel_loop3A_323 : i32 to index
        %parallel_loop3A_325 = tpu.vector_load %arg11[%parallel_loop3A_324] {strides = array<i32>} : memref<4096xi32, #tpu.memory_space<vmem>>, vector<16xi32>,
        %parallel_loop3A_326 = arith.constant 128 : i32
        %parallel_loop3A_327 = arith.addi %parallel_loop3A_269, %parallel_loop3A_326 : i32
        %parallel_loop3A_328 = arith.constant 32 : i32
        %parallel_loop3A_329 = arith.addi %parallel_loop3A_327, %parallel_loop3A_328 : i32
        %parallel_loop3A_330 = arith.index_cast %parallel_loop3A_329 : i32 to index
        %parallel_loop3A_331 = tpu.vector_load %arg11[%parallel_loop3A_330] {strides = array<i32>} : memref<4096xi32, #tpu.memory_space<vmem>>, vector<16xi32>,
        %parallel_loop3A_332 = tpu.vector_load_idx %arg8[%parallel_loop3A_325] : memref<100000xf32, #tpu.memory_space<vmem>>[vector<16xi32>], vector<16xf32>,
        %parallel_loop3A_333 = tpu.vector_load_idx %arg8[%parallel_loop3A_331] : memref<100000xf32, #tpu.memory_space<vmem>>[vector<16xi32>], vector<16xf32>,
        %parallel_loop3A_334 = arith.constant 32 : i32
        %parallel_loop3A_335 = arith.addi %parallel_loop3A_271, %parallel_loop3A_334 : i32
        %parallel_loop3A_336 = arith.index_cast %parallel_loop3A_335 : i32 to index
        %parallel_loop3A_337 = tpu.vector_load %arg14[%parallel_loop3A_336] {strides = array<i32>} : memref<2048xf32, #tpu.memory_space<vmem>>, vector<16xf32>,
        %parallel_loop3A_338 = arith.addf %parallel_loop3A_332, %parallel_loop3A_333 : vector<16xf32>
        %parallel_loop3A_339 = arith.constant 5.000000e-01 : f32
        %parallel_loop3A_340 = vector.broadcast %parallel_loop3A_339 : f32 to vector<16xf32>
        %parallel_loop3A_341 = arith.mulf %parallel_loop3A_338, %parallel_loop3A_340 : vector<16xf32>
        %parallel_loop3A_342 = arith.divf %parallel_loop3A_341, %parallel_loop3A_337 : vector<16xf32>
        %parallel_loop3A_343 = arith.constant 32 : i32
        %parallel_loop3A_344 = arith.addi %parallel_loop3A_271, %parallel_loop3A_343 : i32
        %parallel_loop3A_345 = arith.index_cast %parallel_loop3A_344 : i32 to index
        %parallel_loop3A_346 = tpu.vector_load %arg17[%parallel_loop3A_345] {strides = array<i32>} : memref<2048xf32, #tpu.memory_space<vmem>>, vector<16xf32>,
        tpu.vector_store %arg17[%parallel_loop3A_345], %parallel_loop3A_342 {strides = array<i32>} : memref<2048xf32, #tpu.memory_space<vmem>>, vector<16xf32>,
        %parallel_loop3A_347 = arith.constant 48 : i32
        %parallel_loop3A_348 = arith.addi %parallel_loop3A_269, %parallel_loop3A_347 : i32
        %parallel_loop3A_349 = arith.index_cast %parallel_loop3A_348 : i32 to index
        %parallel_loop3A_350 = tpu.vector_load %arg11[%parallel_loop3A_349] {strides = array<i32>} : memref<4096xi32, #tpu.memory_space<vmem>>, vector<16xi32>,
        %parallel_loop3A_351 = arith.constant 128 : i32
        %parallel_loop3A_352 = arith.addi %parallel_loop3A_269, %parallel_loop3A_351 : i32
        %parallel_loop3A_353 = arith.constant 48 : i32
        %parallel_loop3A_354 = arith.addi %parallel_loop3A_352, %parallel_loop3A_353 : i32
        %parallel_loop3A_355 = arith.index_cast %parallel_loop3A_354 : i32 to index
        %parallel_loop3A_356 = tpu.vector_load %arg11[%parallel_loop3A_355] {strides = array<i32>} : memref<4096xi32, #tpu.memory_space<vmem>>, vector<16xi32>,
        %parallel_loop3A_357 = tpu.vector_load_idx %arg8[%parallel_loop3A_350] : memref<100000xf32, #tpu.memory_space<vmem>>[vector<16xi32>], vector<16xf32>,
        %parallel_loop3A_358 = tpu.vector_load_idx %arg8[%parallel_loop3A_356] : memref<100000xf32, #tpu.memory_space<vmem>>[vector<16xi32>], vector<16xf32>,
        %parallel_loop3A_359 = arith.constant 48 : i32
        %parallel_loop3A_360 = arith.addi %parallel_loop3A_271, %parallel_loop3A_359 : i32
        %parallel_loop3A_361 = arith.index_cast %parallel_loop3A_360 : i32 to index
        %parallel_loop3A_362 = tpu.vector_load %arg14[%parallel_loop3A_361] {strides = array<i32>} : memref<2048xf32, #tpu.memory_space<vmem>>, vector<16xf32>,
        %parallel_loop3A_363 = arith.addf %parallel_loop3A_357, %parallel_loop3A_358 : vector<16xf32>
        %parallel_loop3A_364 = arith.constant 5.000000e-01 : f32
        %parallel_loop3A_365 = vector.broadcast %parallel_loop3A_364 : f32 to vector<16xf32>
        %parallel_loop3A_366 = arith.mulf %parallel_loop3A_363, %parallel_loop3A_365 : vector<16xf32>
        %parallel_loop3A_367 = arith.divf %parallel_loop3A_366, %parallel_loop3A_362 : vector<16xf32>
        %parallel_loop3A_368 = arith.constant 48 : i32
        %parallel_loop3A_369 = arith.addi %parallel_loop3A_271, %parallel_loop3A_368 : i32
        %parallel_loop3A_370 = arith.index_cast %parallel_loop3A_369 : i32 to index
        %parallel_loop3A_371 = tpu.vector_load %arg17[%parallel_loop3A_370] {strides = array<i32>} : memref<2048xf32, #tpu.memory_space<vmem>>, vector<16xf32>,
        tpu.vector_store %arg17[%parallel_loop3A_370], %parallel_loop3A_367 {strides = array<i32>} : memref<2048xf32, #tpu.memory_space<vmem>>, vector<16xf32>,
        %parallel_loop3A_372 = arith.constant 64 : i32
        %parallel_loop3A_373 = arith.addi %parallel_loop3A_269, %parallel_loop3A_372 : i32
        %parallel_loop3A_374 = arith.index_cast %parallel_loop3A_373 : i32 to index
        %parallel_loop3A_375 = tpu.vector_load %arg11[%parallel_loop3A_374] {strides = array<i32>} : memref<4096xi32, #tpu.memory_space<vmem>>, vector<16xi32>,
        %parallel_loop3A_376 = arith.constant 128 : i32
        %parallel_loop3A_377 = arith.addi %parallel_loop3A_269, %parallel_loop3A_376 : i32
        %parallel_loop3A_378 = arith.constant 64 : i32
        %parallel_loop3A_379 = arith.addi %parallel_loop3A_377, %parallel_loop3A_378 : i32
        %parallel_loop3A_380 = arith.index_cast %parallel_loop3A_379 : i32 to index
        %parallel_loop3A_381 = tpu.vector_load %arg11[%parallel_loop3A_380] {strides = array<i32>} : memref<4096xi32, #tpu.memory_space<vmem>>, vector<16xi32>,
        %parallel_loop3A_382 = tpu.vector_load_idx %arg8[%parallel_loop3A_375] : memref<100000xf32, #tpu.memory_space<vmem>>[vector<16xi32>], vector<16xf32>,
        %parallel_loop3A_383 = tpu.vector_load_idx %arg8[%parallel_loop3A_381] : memref<100000xf32, #tpu.memory_space<vmem>>[vector<16xi32>], vector<16xf32>,
        %parallel_loop3A_384 = arith.constant 64 : i32
        %parallel_loop3A_385 = arith.addi %parallel_loop3A_271, %parallel_loop3A_384 : i32
        %parallel_loop3A_386 = arith.index_cast %parallel_loop3A_385 : i32 to index
        %parallel_loop3A_387 = tpu.vector_load %arg14[%parallel_loop3A_386] {strides = array<i32>} : memref<2048xf32, #tpu.memory_space<vmem>>, vector<16xf32>,
        %parallel_loop3A_388 = arith.addf %parallel_loop3A_382, %parallel_loop3A_383 : vector<16xf32>
        %parallel_loop3A_389 = arith.constant 5.000000e-01 : f32
        %parallel_loop3A_390 = vector.broadcast %parallel_loop3A_389 : f32 to vector<16xf32>
        %parallel_loop3A_391 = arith.mulf %parallel_loop3A_388, %parallel_loop3A_390 : vector<16xf32>
        %parallel_loop3A_392 = arith.divf %parallel_loop3A_391, %parallel_loop3A_387 : vector<16xf32>
        %parallel_loop3A_393 = arith.constant 64 : i32
        %parallel_loop3A_394 = arith.addi %parallel_loop3A_271, %parallel_loop3A_393 : i32
        %parallel_loop3A_395 = arith.index_cast %parallel_loop3A_394 : i32 to index
        %parallel_loop3A_396 = tpu.vector_load %arg17[%parallel_loop3A_395] {strides = array<i32>} : memref<2048xf32, #tpu.memory_space<vmem>>, vector<16xf32>,
        tpu.vector_store %arg17[%parallel_loop3A_395], %parallel_loop3A_392 {strides = array<i32>} : memref<2048xf32, #tpu.memory_space<vmem>>, vector<16xf32>,
        %parallel_loop3A_397 = arith.constant 80 : i32
        %parallel_loop3A_398 = arith.addi %parallel_loop3A_269, %parallel_loop3A_397 : i32
        %parallel_loop3A_399 = arith.index_cast %parallel_loop3A_398 : i32 to index
        %parallel_loop3A_400 = tpu.vector_load %arg11[%parallel_loop3A_399] {strides = array<i32>} : memref<4096xi32, #tpu.memory_space<vmem>>, vector<16xi32>,
        %parallel_loop3A_401 = arith.constant 128 : i32
        %parallel_loop3A_402 = arith.addi %parallel_loop3A_269, %parallel_loop3A_401 : i32
        %parallel_loop3A_403 = arith.constant 80 : i32
        %parallel_loop3A_404 = arith.addi %parallel_loop3A_402, %parallel_loop3A_403 : i32
        %parallel_loop3A_405 = arith.index_cast %parallel_loop3A_404 : i32 to index
        %parallel_loop3A_406 = tpu.vector_load %arg11[%parallel_loop3A_405] {strides = array<i32>} : memref<4096xi32, #tpu.memory_space<vmem>>, vector<16xi32>,
        %parallel_loop3A_407 = tpu.vector_load_idx %arg8[%parallel_loop3A_400] : memref<100000xf32, #tpu.memory_space<vmem>>[vector<16xi32>], vector<16xf32>,
        %parallel_loop3A_408 = tpu.vector_load_idx %arg8[%parallel_loop3A_406] : memref<100000xf32, #tpu.memory_space<vmem>>[vector<16xi32>], vector<16xf32>,
        %parallel_loop3A_409 = arith.constant 80 : i32
        %parallel_loop3A_410 = arith.addi %parallel_loop3A_271, %parallel_loop3A_409 : i32
        %parallel_loop3A_411 = arith.index_cast %parallel_loop3A_410 : i32 to index
        %parallel_loop3A_412 = tpu.vector_load %arg14[%parallel_loop3A_411] {strides = array<i32>} : memref<2048xf32, #tpu.memory_space<vmem>>, vector<16xf32>,
        %parallel_loop3A_413 = arith.addf %parallel_loop3A_407, %parallel_loop3A_408 : vector<16xf32>
        %parallel_loop3A_414 = arith.constant 5.000000e-01 : f32
        %parallel_loop3A_415 = vector.broadcast %parallel_loop3A_414 : f32 to vector<16xf32>
        %parallel_loop3A_416 = arith.mulf %parallel_loop3A_413, %parallel_loop3A_415 : vector<16xf32>
        %parallel_loop3A_417 = arith.divf %parallel_loop3A_416, %parallel_loop3A_412 : vector<16xf32>
        %parallel_loop3A_418 = arith.constant 80 : i32
        %parallel_loop3A_419 = arith.addi %parallel_loop3A_271, %parallel_loop3A_418 : i32
        %parallel_loop3A_420 = arith.index_cast %parallel_loop3A_419 : i32 to index
        %parallel_loop3A_421 = tpu.vector_load %arg17[%parallel_loop3A_420] {strides = array<i32>} : memref<2048xf32, #tpu.memory_space<vmem>>, vector<16xf32>,
        tpu.vector_store %arg17[%parallel_loop3A_420], %parallel_loop3A_417 {strides = array<i32>} : memref<2048xf32, #tpu.memory_space<vmem>>, vector<16xf32>,
        %parallel_loop3A_422 = arith.constant 96 : i32
        %parallel_loop3A_423 = arith.addi %parallel_loop3A_269, %parallel_loop3A_422 : i32
        %parallel_loop3A_424 = arith.index_cast %parallel_loop3A_423 : i32 to index
        %parallel_loop3A_425 = tpu.vector_load %arg11[%parallel_loop3A_424] {strides = array<i32>} : memref<4096xi32, #tpu.memory_space<vmem>>, vector<16xi32>,
        %parallel_loop3A_426 = arith.constant 128 : i32
        %parallel_loop3A_427 = arith.addi %parallel_loop3A_269, %parallel_loop3A_426 : i32
        %parallel_loop3A_428 = arith.constant 96 : i32
        %parallel_loop3A_429 = arith.addi %parallel_loop3A_427, %parallel_loop3A_428 : i32
        %parallel_loop3A_430 = arith.index_cast %parallel_loop3A_429 : i32 to index
        %parallel_loop3A_431 = tpu.vector_load %arg11[%parallel_loop3A_430] {strides = array<i32>} : memref<4096xi32, #tpu.memory_space<vmem>>, vector<16xi32>,
        %parallel_loop3A_432 = tpu.vector_load_idx %arg8[%parallel_loop3A_425] : memref<100000xf32, #tpu.memory_space<vmem>>[vector<16xi32>], vector<16xf32>,
        %parallel_loop3A_433 = tpu.vector_load_idx %arg8[%parallel_loop3A_431] : memref<100000xf32, #tpu.memory_space<vmem>>[vector<16xi32>], vector<16xf32>,
        %parallel_loop3A_434 = arith.constant 96 : i32
        %parallel_loop3A_435 = arith.addi %parallel_loop3A_271, %parallel_loop3A_434 : i32
        %parallel_loop3A_436 = arith.index_cast %parallel_loop3A_435 : i32 to index
        %parallel_loop3A_437 = tpu.vector_load %arg14[%parallel_loop3A_436] {strides = array<i32>} : memref<2048xf32, #tpu.memory_space<vmem>>, vector<16xf32>,
        %parallel_loop3A_438 = arith.addf %parallel_loop3A_432, %parallel_loop3A_433 : vector<16xf32>
        %parallel_loop3A_439 = arith.constant 5.000000e-01 : f32
        %parallel_loop3A_440 = vector.broadcast %parallel_loop3A_439 : f32 to vector<16xf32>
        %parallel_loop3A_441 = arith.mulf %parallel_loop3A_438, %parallel_loop3A_440 : vector<16xf32>
        %parallel_loop3A_442 = arith.divf %parallel_loop3A_441, %parallel_loop3A_437 : vector<16xf32>
        %parallel_loop3A_443 = arith.constant 96 : i32
        %parallel_loop3A_444 = arith.addi %parallel_loop3A_271, %parallel_loop3A_443 : i32
        %parallel_loop3A_445 = arith.index_cast %parallel_loop3A_444 : i32 to index
        %parallel_loop3A_446 = tpu.vector_load %arg17[%parallel_loop3A_445] {strides = array<i32>} : memref<2048xf32, #tpu.memory_space<vmem>>, vector<16xf32>,
        tpu.vector_store %arg17[%parallel_loop3A_445], %parallel_loop3A_442 {strides = array<i32>} : memref<2048xf32, #tpu.memory_space<vmem>>, vector<16xf32>,
        %parallel_loop3A_447 = arith.constant 112 : i32
        %parallel_loop3A_448 = arith.addi %parallel_loop3A_269, %parallel_loop3A_447 : i32
        %parallel_loop3A_449 = arith.index_cast %parallel_loop3A_448 : i32 to index
        %parallel_loop3A_450 = tpu.vector_load %arg11[%parallel_loop3A_449] {strides = array<i32>} : memref<4096xi32, #tpu.memory_space<vmem>>, vector<16xi32>,
        %parallel_loop3A_451 = arith.constant 128 : i32
        %parallel_loop3A_452 = arith.addi %parallel_loop3A_269, %parallel_loop3A_451 : i32
        %parallel_loop3A_453 = arith.constant 112 : i32
        %parallel_loop3A_454 = arith.addi %parallel_loop3A_452, %parallel_loop3A_453 : i32
        %parallel_loop3A_455 = arith.index_cast %parallel_loop3A_454 : i32 to index
        %parallel_loop3A_456 = tpu.vector_load %arg11[%parallel_loop3A_455] {strides = array<i32>} : memref<4096xi32, #tpu.memory_space<vmem>>, vector<16xi32>,
        %parallel_loop3A_457 = tpu.vector_load_idx %arg8[%parallel_loop3A_450] : memref<100000xf32, #tpu.memory_space<vmem>>[vector<16xi32>], vector<16xf32>,
        %parallel_loop3A_458 = tpu.vector_load_idx %arg8[%parallel_loop3A_456] : memref<100000xf32, #tpu.memory_space<vmem>>[vector<16xi32>], vector<16xf32>,
        %parallel_loop3A_459 = arith.constant 112 : i32
        %parallel_loop3A_460 = arith.addi %parallel_loop3A_271, %parallel_loop3A_459 : i32
        %parallel_loop3A_461 = arith.index_cast %parallel_loop3A_460 : i32 to index
        %parallel_loop3A_462 = tpu.vector_load %arg14[%parallel_loop3A_461] {strides = array<i32>} : memref<2048xf32, #tpu.memory_space<vmem>>, vector<16xf32>,
        %parallel_loop3A_463 = arith.addf %parallel_loop3A_457, %parallel_loop3A_458 : vector<16xf32>
        %parallel_loop3A_464 = arith.constant 5.000000e-01 : f32
        %parallel_loop3A_465 = vector.broadcast %parallel_loop3A_464 : f32 to vector<16xf32>
        %parallel_loop3A_466 = arith.mulf %parallel_loop3A_463, %parallel_loop3A_465 : vector<16xf32>
        %parallel_loop3A_467 = arith.divf %parallel_loop3A_466, %parallel_loop3A_462 : vector<16xf32>
        %parallel_loop3A_468 = arith.constant 112 : i32
        %parallel_loop3A_469 = arith.addi %parallel_loop3A_271, %parallel_loop3A_468 : i32
        %parallel_loop3A_470 = arith.index_cast %parallel_loop3A_469 : i32 to index
        %parallel_loop3A_471 = tpu.vector_load %arg17[%parallel_loop3A_470] {strides = array<i32>} : memref<2048xf32, #tpu.memory_space<vmem>>, vector<16xf32>,
        tpu.vector_store %arg17[%parallel_loop3A_470], %parallel_loop3A_467 {strides = array<i32>} : memref<2048xf32, #tpu.memory_space<vmem>>, vector<16xf32>,
      } {sc.loop_unroll_factor = 2 : i64, sc.parallel_access}
      %add3A_252 = arith.constant 3 : i32
      %add3A_253 = arith.addi %add3A_226, %add3A_252 : i32
      %lt3A_254 = arith.constant 97 : i32
      %lt3A_255 = arith.cmpi slt, %add3A_253, %lt3A_254 : i32
      %convert_element_type3A_256 = arith.extui %lt3A_255 : i1 to i32
      %cond3A_257 = arith.constant 0 : i32
      %cond3A_258 = arith.cmpi ne, %convert_element_type3A_256, %cond3A_257 : i32
      scf.if %cond3A_258 {
        %add3A_267 = arith.constant 3 : i32
        %add3A_268 = arith.addi %add3A_226, %add3A_267 : i32
        %mul3A_269 = arith.constant 16 : i32
        %mul3A_270 = arith.muli %add3A_268, %mul3A_269 : i32
        %add3A_271 = arith.addi %add3A_19, %mul3A_270 : i32
        %mul3A_272 = arith.constant 2 : i32
        %mul3A_273 = arith.muli %add3A_271, %mul3A_272 : i32
        %mul3A_274 = arith.constant 128 : i32
        %mul3A_275 = arith.muli %mul3A_273, %mul3A_274 : i32
        %mul3A_276 = arith.constant 128 : i32
        %mul3A_277 = arith.muli %add3A_271, %mul3A_276 : i32
        %dma_start3A_278 = arith.constant 0 : i32
        %dma_start3A_279 = tpu.memref_slice %arg11[%dma_start3A_278] : memref<4096xi32, #tpu.memory_space<vmem>> -> memref<4096xi32, #tpu.memory_space<vmem>>
        %dma_start3A_280 = tpu.memref_slice %arg4[%mul3A_275] : memref<12800000xi32, #tpu.memory_space<hbm>> -> memref<4096xi32, #tpu.memory_space<hbm>>
        %dma_start3A_281 = arith.constant 0 : i32
        %dma_start3A_282 = tpu.memref_slice %arg11[%dma_start3A_281] : memref<4096xi32, #tpu.memory_space<vmem>> -> memref<4096xi32, #tpu.memory_space<vmem>>
        %dma_start3A_283 = tpu.memref_slice %arg4[%mul3A_275] : memref<12800000xi32, #tpu.memory_space<hbm>> -> memref<4096xi32, #tpu.memory_space<hbm>>
        tpu.enqueue_dma source(%dma_start3A_283 : memref<4096xi32, #tpu.memory_space<hbm>>) target(%dma_start3A_282 : memref<4096xi32, #tpu.memory_space<vmem>>) target_semaphore(%arg21 : memref<!tpu.dma_semaphore, #tpu.memory_space<semaphore_mem>>)
        %dma_start3A_284 = tpu.memref_slice %arg5[%mul3A_277] : memref<6400000xf32, #tpu.memory_space<hbm>> -> memref<2048xf32, #tpu.memory_space<hbm>>
        %dma_start3A_285 = tpu.memref_slice %arg5[%mul3A_277] : memref<6400000xf32, #tpu.memory_space<hbm>> -> memref<2048xf32, #tpu.memory_space<hbm>>
        tpu.enqueue_dma source(%dma_start3A_285 : memref<2048xf32, #tpu.memory_space<hbm>>) target(%arg14 : memref<2048xf32, #tpu.memory_space<vmem>>) target_semaphore(%arg21 : memref<!tpu.dma_semaphore, #tpu.memory_space<semaphore_mem>>)
      } else {
      }
      %mul3A_259 = arith.constant 16 : i32
      %mul3A_260 = arith.muli %add3A_226, %mul3A_259 : i32
      %add3A_261 = arith.addi %add3A_19, %mul3A_260 : i32
      %mul3A_262 = arith.constant 128 : i32
      %mul3A_263 = arith.muli %add3A_261, %mul3A_262 : i32
      %dma_start3A_264 = tpu.memref_slice %arg6[%mul3A_263] : memref<6400000xf32, #tpu.memory_space<hbm>> -> memref<2048xf32, #tpu.memory_space<hbm>>
      %dma_start3A_265 = tpu.memref_slice %arg6[%mul3A_263] : memref<6400000xf32, #tpu.memory_space<hbm>> -> memref<2048xf32, #tpu.memory_space<hbm>>
      tpu.enqueue_dma source(%arg17 : memref<2048xf32, #tpu.memory_space<vmem>>) target(%dma_start3A_265 : memref<2048xf32, #tpu.memory_space<hbm>>) target_semaphore(%arg24 : memref<!tpu.dma_semaphore, #tpu.memory_space<semaphore_mem>>)
      %scan3A_266 = arith.constant 0 : i32
      scf.yield %scan3A_266 : i32
    }
    %scan3A_72 = arith.constant 32 : i32
    %add3A_73 = arith.constant 1536 : i32
    %add3A_74 = arith.addi %add3A_19, %add3A_73 : i32
    %mul3A_75 = arith.constant 2 : i32
    %mul3A_76 = arith.muli %add3A_74, %mul3A_75 : i32
    %mul3A_77 = arith.constant 128 : i32
    %mul3A_78 = arith.muli %mul3A_76, %mul3A_77 : i32
    %mul3A_79 = arith.constant 128 : i32
    %mul3A_80 = arith.muli %add3A_74, %mul3A_79 : i32
    %dma_wait3A = arith.constant 0 : i32
    %dma_wait3A_81 = tpu.memref_slice %arg9[%dma_wait3A] : memref<4096xi32, #tpu.memory_space<vmem>> -> memref<4096xi32, #tpu.memory_space<vmem>>
    %dma_wait3A_82 = tpu.memref_slice %arg4[%mul3A_78] : memref<12800000xi32, #tpu.memory_space<hbm>> -> memref<4096xi32, #tpu.memory_space<hbm>>
    %dma_wait3A_83 = arith.constant 0 : i32
    %dma_wait3A_84 = tpu.memref_slice %arg9[%dma_wait3A_83] : memref<4096xi32, #tpu.memory_space<vmem>> -> memref<4096xi32, #tpu.memory_space<vmem>>
    %dma_wait3A_85 = tpu.memref_slice %arg4[%mul3A_78] : memref<12800000xi32, #tpu.memory_space<hbm>> -> memref<4096xi32, #tpu.memory_space<hbm>>
    tpu.wait_dma2 semaphore(%arg19 : memref<!tpu.dma_semaphore, #tpu.memory_space<semaphore_mem>>) src(%dma_wait3A_85 : memref<4096xi32, #tpu.memory_space<hbm>>) dst(%dma_wait3A_84 : memref<4096xi32, #tpu.memory_space<vmem>>)
    %dma_wait3A_86 = tpu.memref_slice %arg5[%mul3A_80] : memref<6400000xf32, #tpu.memory_space<hbm>> -> memref<2048xf32, #tpu.memory_space<hbm>>
    %dma_wait3A_87 = tpu.memref_slice %arg5[%mul3A_80] : memref<6400000xf32, #tpu.memory_space<hbm>> -> memref<2048xf32, #tpu.memory_space<hbm>>
    tpu.wait_dma2 semaphore(%arg19 : memref<!tpu.dma_semaphore, #tpu.memory_space<semaphore_mem>>) src(%dma_wait3A_87 : memref<2048xf32, #tpu.memory_space<hbm>>) dst(%arg12 : memref<2048xf32, #tpu.memory_space<vmem>>)
    %add3A_88 = arith.constant 1536 : i32
    %add3A_89 = arith.addi %add3A_19, %add3A_88 : i32
    %mul3A_90 = arith.constant 128 : i32
    %mul3A_91 = arith.muli %add3A_89, %mul3A_90 : i32
    %dma_wait3A_92 = tpu.memref_slice %arg6[%mul3A_91] : memref<6400000xf32, #tpu.memory_space<hbm>> -> memref<2048xf32, #tpu.memory_space<hbm>>
    %dma_wait3A_93 = tpu.memref_slice %arg6[%mul3A_91] : memref<6400000xf32, #tpu.memory_space<hbm>> -> memref<2048xf32, #tpu.memory_space<hbm>>
    tpu.wait_dma2 semaphore(%arg22 : memref<!tpu.dma_semaphore, #tpu.memory_space<semaphore_mem>>) src(%arg15 : memref<2048xf32, #tpu.memory_space<vmem>>) dst(%dma_wait3A_93 : memref<2048xf32, #tpu.memory_space<hbm>>)
    %parallel_loop3A_94 = arith.constant 0 : i32
    %parallel_loop3A_95 = arith.constant 16 : i32
    %parallel_loop3A_96 = arith.constant 1 : i32
    scf.for %parallel_loop3A_136 = %parallel_loop3A_94 to %parallel_loop3A_95 step %parallel_loop3A_96  : i32 {
      %parallel_loop3A_137 = arith.constant 256 : i32
      %parallel_loop3A_138 = arith.muli %parallel_loop3A_136, %parallel_loop3A_137 : i32
      %parallel_loop3A_139 = arith.constant 128 : i32
      %parallel_loop3A_140 = arith.muli %parallel_loop3A_136, %parallel_loop3A_139 : i32
      %parallel_loop3A_141 = arith.constant 0 : i32
      %parallel_loop3A_142 = arith.addi %parallel_loop3A_138, %parallel_loop3A_141 : i32
      %parallel_loop3A_143 = arith.index_cast %parallel_loop3A_142 : i32 to index
      %parallel_loop3A_144 = tpu.vector_load %arg9[%parallel_loop3A_143] {strides = array<i32>} : memref<4096xi32, #tpu.memory_space<vmem>>, vector<16xi32>,
      %parallel_loop3A_145 = arith.constant 128 : i32
      %parallel_loop3A_146 = arith.addi %parallel_loop3A_138, %parallel_loop3A_145 : i32
      %parallel_loop3A_147 = arith.constant 0 : i32
      %parallel_loop3A_148 = arith.addi %parallel_loop3A_146, %parallel_loop3A_147 : i32
      %parallel_loop3A_149 = arith.index_cast %parallel_loop3A_148 : i32 to index
      %parallel_loop3A_150 = tpu.vector_load %arg9[%parallel_loop3A_149] {strides = array<i32>} : memref<4096xi32, #tpu.memory_space<vmem>>, vector<16xi32>,
      %parallel_loop3A_151 = tpu.vector_load_idx %arg8[%parallel_loop3A_144] : memref<100000xf32, #tpu.memory_space<vmem>>[vector<16xi32>], vector<16xf32>,
      %parallel_loop3A_152 = tpu.vector_load_idx %arg8[%parallel_loop3A_150] : memref<100000xf32, #tpu.memory_space<vmem>>[vector<16xi32>], vector<16xf32>,
      %parallel_loop3A_153 = arith.constant 0 : i32
      %parallel_loop3A_154 = arith.addi %parallel_loop3A_140, %parallel_loop3A_153 : i32
      %parallel_loop3A_155 = arith.index_cast %parallel_loop3A_154 : i32 to index
      %parallel_loop3A_156 = tpu.vector_load %arg12[%parallel_loop3A_155] {strides = array<i32>} : memref<2048xf32, #tpu.memory_space<vmem>>, vector<16xf32>,
      %parallel_loop3A_157 = arith.addf %parallel_loop3A_151, %parallel_loop3A_152 : vector<16xf32>
      %parallel_loop3A_158 = arith.constant 5.000000e-01 : f32
      %parallel_loop3A_159 = vector.broadcast %parallel_loop3A_158 : f32 to vector<16xf32>
      %parallel_loop3A_160 = arith.mulf %parallel_loop3A_157, %parallel_loop3A_159 : vector<16xf32>
      %parallel_loop3A_161 = arith.divf %parallel_loop3A_160, %parallel_loop3A_156 : vector<16xf32>
      %parallel_loop3A_162 = arith.constant 0 : i32
      %parallel_loop3A_163 = arith.addi %parallel_loop3A_140, %parallel_loop3A_162 : i32
      %parallel_loop3A_164 = arith.index_cast %parallel_loop3A_163 : i32 to index
      %parallel_loop3A_165 = tpu.vector_load %arg15[%parallel_loop3A_164] {strides = array<i32>} : memref<2048xf32, #tpu.memory_space<vmem>>, vector<16xf32>,
      tpu.vector_store %arg15[%parallel_loop3A_164], %parallel_loop3A_161 {strides = array<i32>} : memref<2048xf32, #tpu.memory_space<vmem>>, vector<16xf32>,
      %parallel_loop3A_166 = arith.constant 16 : i32
      %parallel_loop3A_167 = arith.addi %parallel_loop3A_138, %parallel_loop3A_166 : i32
      %parallel_loop3A_168 = arith.index_cast %parallel_loop3A_167 : i32 to index
      %parallel_loop3A_169 = tpu.vector_load %arg9[%parallel_loop3A_168] {strides = array<i32>} : memref<4096xi32, #tpu.memory_space<vmem>>, vector<16xi32>,
      %parallel_loop3A_170 = arith.constant 128 : i32
      %parallel_loop3A_171 = arith.addi %parallel_loop3A_138, %parallel_loop3A_170 : i32
      %parallel_loop3A_172 = arith.constant 16 : i32
      %parallel_loop3A_173 = arith.addi %parallel_loop3A_171, %parallel_loop3A_172 : i32
      %parallel_loop3A_174 = arith.index_cast %parallel_loop3A_173 : i32 to index
      %parallel_loop3A_175 = tpu.vector_load %arg9[%parallel_loop3A_174] {strides = array<i32>} : memref<4096xi32, #tpu.memory_space<vmem>>, vector<16xi32>,
      %parallel_loop3A_176 = tpu.vector_load_idx %arg8[%parallel_loop3A_169] : memref<100000xf32, #tpu.memory_space<vmem>>[vector<16xi32>], vector<16xf32>,
      %parallel_loop3A_177 = tpu.vector_load_idx %arg8[%parallel_loop3A_175] : memref<100000xf32, #tpu.memory_space<vmem>>[vector<16xi32>], vector<16xf32>,
      %parallel_loop3A_178 = arith.constant 16 : i32
      %parallel_loop3A_179 = arith.addi %parallel_loop3A_140, %parallel_loop3A_178 : i32
      %parallel_loop3A_180 = arith.index_cast %parallel_loop3A_179 : i32 to index
      %parallel_loop3A_181 = tpu.vector_load %arg12[%parallel_loop3A_180] {strides = array<i32>} : memref<2048xf32, #tpu.memory_space<vmem>>, vector<16xf32>,
      %parallel_loop3A_182 = arith.addf %parallel_loop3A_176, %parallel_loop3A_177 : vector<16xf32>
      %parallel_loop3A_183 = arith.constant 5.000000e-01 : f32
      %parallel_loop3A_184 = vector.broadcast %parallel_loop3A_183 : f32 to vector<16xf32>
      %parallel_loop3A_185 = arith.mulf %parallel_loop3A_182, %parallel_loop3A_184 : vector<16xf32>
      %parallel_loop3A_186 = arith.divf %parallel_loop3A_185, %parallel_loop3A_181 : vector<16xf32>
      %parallel_loop3A_187 = arith.constant 16 : i32
      %parallel_loop3A_188 = arith.addi %parallel_loop3A_140, %parallel_loop3A_187 : i32
      %parallel_loop3A_189 = arith.index_cast %parallel_loop3A_188 : i32 to index
      %parallel_loop3A_190 = tpu.vector_load %arg15[%parallel_loop3A_189] {strides = array<i32>} : memref<2048xf32, #tpu.memory_space<vmem>>, vector<16xf32>,
      tpu.vector_store %arg15[%parallel_loop3A_189], %parallel_loop3A_186 {strides = array<i32>} : memref<2048xf32, #tpu.memory_space<vmem>>, vector<16xf32>,
      %parallel_loop3A_191 = arith.constant 32 : i32
      %parallel_loop3A_192 = arith.addi %parallel_loop3A_138, %parallel_loop3A_191 : i32
      %parallel_loop3A_193 = arith.index_cast %parallel_loop3A_192 : i32 to index
      %parallel_loop3A_194 = tpu.vector_load %arg9[%parallel_loop3A_193] {strides = array<i32>} : memref<4096xi32, #tpu.memory_space<vmem>>, vector<16xi32>,
      %parallel_loop3A_195 = arith.constant 128 : i32
      %parallel_loop3A_196 = arith.addi %parallel_loop3A_138, %parallel_loop3A_195 : i32
      %parallel_loop3A_197 = arith.constant 32 : i32
      %parallel_loop3A_198 = arith.addi %parallel_loop3A_196, %parallel_loop3A_197 : i32
      %parallel_loop3A_199 = arith.index_cast %parallel_loop3A_198 : i32 to index
      %parallel_loop3A_200 = tpu.vector_load %arg9[%parallel_loop3A_199] {strides = array<i32>} : memref<4096xi32, #tpu.memory_space<vmem>>, vector<16xi32>,
      %parallel_loop3A_201 = tpu.vector_load_idx %arg8[%parallel_loop3A_194] : memref<100000xf32, #tpu.memory_space<vmem>>[vector<16xi32>], vector<16xf32>,
      %parallel_loop3A_202 = tpu.vector_load_idx %arg8[%parallel_loop3A_200] : memref<100000xf32, #tpu.memory_space<vmem>>[vector<16xi32>], vector<16xf32>,
      %parallel_loop3A_203 = arith.constant 32 : i32
      %parallel_loop3A_204 = arith.addi %parallel_loop3A_140, %parallel_loop3A_203 : i32
      %parallel_loop3A_205 = arith.index_cast %parallel_loop3A_204 : i32 to index
      %parallel_loop3A_206 = tpu.vector_load %arg12[%parallel_loop3A_205] {strides = array<i32>} : memref<2048xf32, #tpu.memory_space<vmem>>, vector<16xf32>,
      %parallel_loop3A_207 = arith.addf %parallel_loop3A_201, %parallel_loop3A_202 : vector<16xf32>
      %parallel_loop3A_208 = arith.constant 5.000000e-01 : f32
      %parallel_loop3A_209 = vector.broadcast %parallel_loop3A_208 : f32 to vector<16xf32>
      %parallel_loop3A_210 = arith.mulf %parallel_loop3A_207, %parallel_loop3A_209 : vector<16xf32>
      %parallel_loop3A_211 = arith.divf %parallel_loop3A_210, %parallel_loop3A_206 : vector<16xf32>
      %parallel_loop3A_212 = arith.constant 32 : i32
      %parallel_loop3A_213 = arith.addi %parallel_loop3A_140, %parallel_loop3A_212 : i32
      %parallel_loop3A_214 = arith.index_cast %parallel_loop3A_213 : i32 to index
      %parallel_loop3A_215 = tpu.vector_load %arg15[%parallel_loop3A_214] {strides = array<i32>} : memref<2048xf32, #tpu.memory_space<vmem>>, vector<16xf32>,
      tpu.vector_store %arg15[%parallel_loop3A_214], %parallel_loop3A_211 {strides = array<i32>} : memref<2048xf32, #tpu.memory_space<vmem>>, vector<16xf32>,
      %parallel_loop3A_216 = arith.constant 48 : i32
      %parallel_loop3A_217 = arith.addi %parallel_loop3A_138, %parallel_loop3A_216 : i32
      %parallel_loop3A_218 = arith.index_cast %parallel_loop3A_217 : i32 to index
      %parallel_loop3A_219 = tpu.vector_load %arg9[%parallel_loop3A_218] {strides = array<i32>} : memref<4096xi32, #tpu.memory_space<vmem>>, vector<16xi32>,
      %parallel_loop3A_220 = arith.constant 128 : i32
      %parallel_loop3A_221 = arith.addi %parallel_loop3A_138, %parallel_loop3A_220 : i32
      %parallel_loop3A_222 = arith.constant 48 : i32
      %parallel_loop3A_223 = arith.addi %parallel_loop3A_221, %parallel_loop3A_222 : i32
      %parallel_loop3A_224 = arith.index_cast %parallel_loop3A_223 : i32 to index
      %parallel_loop3A_225 = tpu.vector_load %arg9[%parallel_loop3A_224] {strides = array<i32>} : memref<4096xi32, #tpu.memory_space<vmem>>, vector<16xi32>,
      %parallel_loop3A_226 = tpu.vector_load_idx %arg8[%parallel_loop3A_219] : memref<100000xf32, #tpu.memory_space<vmem>>[vector<16xi32>], vector<16xf32>,
      %parallel_loop3A_227 = tpu.vector_load_idx %arg8[%parallel_loop3A_225] : memref<100000xf32, #tpu.memory_space<vmem>>[vector<16xi32>], vector<16xf32>,
      %parallel_loop3A_228 = arith.constant 48 : i32
      %parallel_loop3A_229 = arith.addi %parallel_loop3A_140, %parallel_loop3A_228 : i32
      %parallel_loop3A_230 = arith.index_cast %parallel_loop3A_229 : i32 to index
      %parallel_loop3A_231 = tpu.vector_load %arg12[%parallel_loop3A_230] {strides = array<i32>} : memref<2048xf32, #tpu.memory_space<vmem>>, vector<16xf32>,
      %parallel_loop3A_232 = arith.addf %parallel_loop3A_226, %parallel_loop3A_227 : vector<16xf32>
      %parallel_loop3A_233 = arith.constant 5.000000e-01 : f32
      %parallel_loop3A_234 = vector.broadcast %parallel_loop3A_233 : f32 to vector<16xf32>
      %parallel_loop3A_235 = arith.mulf %parallel_loop3A_232, %parallel_loop3A_234 : vector<16xf32>
      %parallel_loop3A_236 = arith.divf %parallel_loop3A_235, %parallel_loop3A_231 : vector<16xf32>
      %parallel_loop3A_237 = arith.constant 48 : i32
      %parallel_loop3A_238 = arith.addi %parallel_loop3A_140, %parallel_loop3A_237 : i32
      %parallel_loop3A_239 = arith.index_cast %parallel_loop3A_238 : i32 to index
      %parallel_loop3A_240 = tpu.vector_load %arg15[%parallel_loop3A_239] {strides = array<i32>} : memref<2048xf32, #tpu.memory_space<vmem>>, vector<16xf32>,
      tpu.vector_store %arg15[%parallel_loop3A_239], %parallel_loop3A_236 {strides = array<i32>} : memref<2048xf32, #tpu.memory_space<vmem>>, vector<16xf32>,
      %parallel_loop3A_241 = arith.constant 64 : i32
      %parallel_loop3A_242 = arith.addi %parallel_loop3A_138, %parallel_loop3A_241 : i32
      %parallel_loop3A_243 = arith.index_cast %parallel_loop3A_242 : i32 to index
      %parallel_loop3A_244 = tpu.vector_load %arg9[%parallel_loop3A_243] {strides = array<i32>} : memref<4096xi32, #tpu.memory_space<vmem>>, vector<16xi32>,
      %parallel_loop3A_245 = arith.constant 128 : i32
      %parallel_loop3A_246 = arith.addi %parallel_loop3A_138, %parallel_loop3A_245 : i32
      %parallel_loop3A_247 = arith.constant 64 : i32
      %parallel_loop3A_248 = arith.addi %parallel_loop3A_246, %parallel_loop3A_247 : i32
      %parallel_loop3A_249 = arith.index_cast %parallel_loop3A_248 : i32 to index
      %parallel_loop3A_250 = tpu.vector_load %arg9[%parallel_loop3A_249] {strides = array<i32>} : memref<4096xi32, #tpu.memory_space<vmem>>, vector<16xi32>,
      %parallel_loop3A_251 = tpu.vector_load_idx %arg8[%parallel_loop3A_244] : memref<100000xf32, #tpu.memory_space<vmem>>[vector<16xi32>], vector<16xf32>,
      %parallel_loop3A_252 = tpu.vector_load_idx %arg8[%parallel_loop3A_250] : memref<100000xf32, #tpu.memory_space<vmem>>[vector<16xi32>], vector<16xf32>,
      %parallel_loop3A_253 = arith.constant 64 : i32
      %parallel_loop3A_254 = arith.addi %parallel_loop3A_140, %parallel_loop3A_253 : i32
      %parallel_loop3A_255 = arith.index_cast %parallel_loop3A_254 : i32 to index
      %parallel_loop3A_256 = tpu.vector_load %arg12[%parallel_loop3A_255] {strides = array<i32>} : memref<2048xf32, #tpu.memory_space<vmem>>, vector<16xf32>,
      %parallel_loop3A_257 = arith.addf %parallel_loop3A_251, %parallel_loop3A_252 : vector<16xf32>
      %parallel_loop3A_258 = arith.constant 5.000000e-01 : f32
      %parallel_loop3A_259 = vector.broadcast %parallel_loop3A_258 : f32 to vector<16xf32>
      %parallel_loop3A_260 = arith.mulf %parallel_loop3A_257, %parallel_loop3A_259 : vector<16xf32>
      %parallel_loop3A_261 = arith.divf %parallel_loop3A_260, %parallel_loop3A_256 : vector<16xf32>
      %parallel_loop3A_262 = arith.constant 64 : i32
      %parallel_loop3A_263 = arith.addi %parallel_loop3A_140, %parallel_loop3A_262 : i32
      %parallel_loop3A_264 = arith.index_cast %parallel_loop3A_263 : i32 to index
      %parallel_loop3A_265 = tpu.vector_load %arg15[%parallel_loop3A_264] {strides = array<i32>} : memref<2048xf32, #tpu.memory_space<vmem>>, vector<16xf32>,
      tpu.vector_store %arg15[%parallel_loop3A_264], %parallel_loop3A_261 {strides = array<i32>} : memref<2048xf32, #tpu.memory_space<vmem>>, vector<16xf32>,
      %parallel_loop3A_266 = arith.constant 80 : i32
      %parallel_loop3A_267 = arith.addi %parallel_loop3A_138, %parallel_loop3A_266 : i32
      %parallel_loop3A_268 = arith.index_cast %parallel_loop3A_267 : i32 to index
      %parallel_loop3A_269 = tpu.vector_load %arg9[%parallel_loop3A_268] {strides = array<i32>} : memref<4096xi32, #tpu.memory_space<vmem>>, vector<16xi32>,
      %parallel_loop3A_270 = arith.constant 128 : i32
      %parallel_loop3A_271 = arith.addi %parallel_loop3A_138, %parallel_loop3A_270 : i32
      %parallel_loop3A_272 = arith.constant 80 : i32
      %parallel_loop3A_273 = arith.addi %parallel_loop3A_271, %parallel_loop3A_272 : i32
      %parallel_loop3A_274 = arith.index_cast %parallel_loop3A_273 : i32 to index
      %parallel_loop3A_275 = tpu.vector_load %arg9[%parallel_loop3A_274] {strides = array<i32>} : memref<4096xi32, #tpu.memory_space<vmem>>, vector<16xi32>,
      %parallel_loop3A_276 = tpu.vector_load_idx %arg8[%parallel_loop3A_269] : memref<100000xf32, #tpu.memory_space<vmem>>[vector<16xi32>], vector<16xf32>,
      %parallel_loop3A_277 = tpu.vector_load_idx %arg8[%parallel_loop3A_275] : memref<100000xf32, #tpu.memory_space<vmem>>[vector<16xi32>], vector<16xf32>,
      %parallel_loop3A_278 = arith.constant 80 : i32
      %parallel_loop3A_279 = arith.addi %parallel_loop3A_140, %parallel_loop3A_278 : i32
      %parallel_loop3A_280 = arith.index_cast %parallel_loop3A_279 : i32 to index
      %parallel_loop3A_281 = tpu.vector_load %arg12[%parallel_loop3A_280] {strides = array<i32>} : memref<2048xf32, #tpu.memory_space<vmem>>, vector<16xf32>,
      %parallel_loop3A_282 = arith.addf %parallel_loop3A_276, %parallel_loop3A_277 : vector<16xf32>
      %parallel_loop3A_283 = arith.constant 5.000000e-01 : f32
      %parallel_loop3A_284 = vector.broadcast %parallel_loop3A_283 : f32 to vector<16xf32>
      %parallel_loop3A_285 = arith.mulf %parallel_loop3A_282, %parallel_loop3A_284 : vector<16xf32>
      %parallel_loop3A_286 = arith.divf %parallel_loop3A_285, %parallel_loop3A_281 : vector<16xf32>
      %parallel_loop3A_287 = arith.constant 80 : i32
      %parallel_loop3A_288 = arith.addi %parallel_loop3A_140, %parallel_loop3A_287 : i32
      %parallel_loop3A_289 = arith.index_cast %parallel_loop3A_288 : i32 to index
      %parallel_loop3A_290 = tpu.vector_load %arg15[%parallel_loop3A_289] {strides = array<i32>} : memref<2048xf32, #tpu.memory_space<vmem>>, vector<16xf32>,
      tpu.vector_store %arg15[%parallel_loop3A_289], %parallel_loop3A_286 {strides = array<i32>} : memref<2048xf32, #tpu.memory_space<vmem>>, vector<16xf32>,
      %parallel_loop3A_291 = arith.constant 96 : i32
      %parallel_loop3A_292 = arith.addi %parallel_loop3A_138, %parallel_loop3A_291 : i32
      %parallel_loop3A_293 = arith.index_cast %parallel_loop3A_292 : i32 to index
      %parallel_loop3A_294 = tpu.vector_load %arg9[%parallel_loop3A_293] {strides = array<i32>} : memref<4096xi32, #tpu.memory_space<vmem>>, vector<16xi32>,
      %parallel_loop3A_295 = arith.constant 128 : i32
      %parallel_loop3A_296 = arith.addi %parallel_loop3A_138, %parallel_loop3A_295 : i32
      %parallel_loop3A_297 = arith.constant 96 : i32
      %parallel_loop3A_298 = arith.addi %parallel_loop3A_296, %parallel_loop3A_297 : i32
      %parallel_loop3A_299 = arith.index_cast %parallel_loop3A_298 : i32 to index
      %parallel_loop3A_300 = tpu.vector_load %arg9[%parallel_loop3A_299] {strides = array<i32>} : memref<4096xi32, #tpu.memory_space<vmem>>, vector<16xi32>,
      %parallel_loop3A_301 = tpu.vector_load_idx %arg8[%parallel_loop3A_294] : memref<100000xf32, #tpu.memory_space<vmem>>[vector<16xi32>], vector<16xf32>,
      %parallel_loop3A_302 = tpu.vector_load_idx %arg8[%parallel_loop3A_300] : memref<100000xf32, #tpu.memory_space<vmem>>[vector<16xi32>], vector<16xf32>,
      %parallel_loop3A_303 = arith.constant 96 : i32
      %parallel_loop3A_304 = arith.addi %parallel_loop3A_140, %parallel_loop3A_303 : i32
      %parallel_loop3A_305 = arith.index_cast %parallel_loop3A_304 : i32 to index
      %parallel_loop3A_306 = tpu.vector_load %arg12[%parallel_loop3A_305] {strides = array<i32>} : memref<2048xf32, #tpu.memory_space<vmem>>, vector<16xf32>,
      %parallel_loop3A_307 = arith.addf %parallel_loop3A_301, %parallel_loop3A_302 : vector<16xf32>
      %parallel_loop3A_308 = arith.constant 5.000000e-01 : f32
      %parallel_loop3A_309 = vector.broadcast %parallel_loop3A_308 : f32 to vector<16xf32>
      %parallel_loop3A_310 = arith.mulf %parallel_loop3A_307, %parallel_loop3A_309 : vector<16xf32>
      %parallel_loop3A_311 = arith.divf %parallel_loop3A_310, %parallel_loop3A_306 : vector<16xf32>
      %parallel_loop3A_312 = arith.constant 96 : i32
      %parallel_loop3A_313 = arith.addi %parallel_loop3A_140, %parallel_loop3A_312 : i32
      %parallel_loop3A_314 = arith.index_cast %parallel_loop3A_313 : i32 to index
      %parallel_loop3A_315 = tpu.vector_load %arg15[%parallel_loop3A_314] {strides = array<i32>} : memref<2048xf32, #tpu.memory_space<vmem>>, vector<16xf32>,
      tpu.vector_store %arg15[%parallel_loop3A_314], %parallel_loop3A_311 {strides = array<i32>} : memref<2048xf32, #tpu.memory_space<vmem>>, vector<16xf32>,
      %parallel_loop3A_316 = arith.constant 112 : i32
      %parallel_loop3A_317 = arith.addi %parallel_loop3A_138, %parallel_loop3A_316 : i32
      %parallel_loop3A_318 = arith.index_cast %parallel_loop3A_317 : i32 to index
      %parallel_loop3A_319 = tpu.vector_load %arg9[%parallel_loop3A_318] {strides = array<i32>} : memref<4096xi32, #tpu.memory_space<vmem>>, vector<16xi32>,
      %parallel_loop3A_320 = arith.constant 128 : i32
      %parallel_loop3A_321 = arith.addi %parallel_loop3A_138, %parallel_loop3A_320 : i32
      %parallel_loop3A_322 = arith.constant 112 : i32
      %parallel_loop3A_323 = arith.addi %parallel_loop3A_321, %parallel_loop3A_322 : i32
      %parallel_loop3A_324 = arith.index_cast %parallel_loop3A_323 : i32 to index
      %parallel_loop3A_325 = tpu.vector_load %arg9[%parallel_loop3A_324] {strides = array<i32>} : memref<4096xi32, #tpu.memory_space<vmem>>, vector<16xi32>,
      %parallel_loop3A_326 = tpu.vector_load_idx %arg8[%parallel_loop3A_319] : memref<100000xf32, #tpu.memory_space<vmem>>[vector<16xi32>], vector<16xf32>,
      %parallel_loop3A_327 = tpu.vector_load_idx %arg8[%parallel_loop3A_325] : memref<100000xf32, #tpu.memory_space<vmem>>[vector<16xi32>], vector<16xf32>,
      %parallel_loop3A_328 = arith.constant 112 : i32
      %parallel_loop3A_329 = arith.addi %parallel_loop3A_140, %parallel_loop3A_328 : i32
      %parallel_loop3A_330 = arith.index_cast %parallel_loop3A_329 : i32 to index
      %parallel_loop3A_331 = tpu.vector_load %arg12[%parallel_loop3A_330] {strides = array<i32>} : memref<2048xf32, #tpu.memory_space<vmem>>, vector<16xf32>,
      %parallel_loop3A_332 = arith.addf %parallel_loop3A_326, %parallel_loop3A_327 : vector<16xf32>
      %parallel_loop3A_333 = arith.constant 5.000000e-01 : f32
      %parallel_loop3A_334 = vector.broadcast %parallel_loop3A_333 : f32 to vector<16xf32>
      %parallel_loop3A_335 = arith.mulf %parallel_loop3A_332, %parallel_loop3A_334 : vector<16xf32>
      %parallel_loop3A_336 = arith.divf %parallel_loop3A_335, %parallel_loop3A_331 : vector<16xf32>
      %parallel_loop3A_337 = arith.constant 112 : i32
      %parallel_loop3A_338 = arith.addi %parallel_loop3A_140, %parallel_loop3A_337 : i32
      %parallel_loop3A_339 = arith.index_cast %parallel_loop3A_338 : i32 to index
      %parallel_loop3A_340 = tpu.vector_load %arg15[%parallel_loop3A_339] {strides = array<i32>} : memref<2048xf32, #tpu.memory_space<vmem>>, vector<16xf32>,
      tpu.vector_store %arg15[%parallel_loop3A_339], %parallel_loop3A_336 {strides = array<i32>} : memref<2048xf32, #tpu.memory_space<vmem>>, vector<16xf32>,
    } {sc.loop_unroll_factor = 2 : i64, sc.parallel_access}
    %add3A_97 = arith.constant 1536 : i32
    %add3A_98 = arith.addi %add3A_19, %add3A_97 : i32
    %mul3A_99 = arith.constant 128 : i32
    %mul3A_100 = arith.muli %add3A_98, %mul3A_99 : i32
    %dma_start3A_101 = tpu.memref_slice %arg6[%mul3A_100] : memref<6400000xf32, #tpu.memory_space<hbm>> -> memref<2048xf32, #tpu.memory_space<hbm>>
    %dma_start3A_102 = tpu.memref_slice %arg6[%mul3A_100] : memref<6400000xf32, #tpu.memory_space<hbm>> -> memref<2048xf32, #tpu.memory_space<hbm>>
    tpu.enqueue_dma source(%arg15 : memref<2048xf32, #tpu.memory_space<vmem>>) target(%dma_start3A_102 : memref<2048xf32, #tpu.memory_space<hbm>>) target_semaphore(%arg22 : memref<!tpu.dma_semaphore, #tpu.memory_space<semaphore_mem>>)
    %add3A_103 = arith.constant 0 : i32
    %add3A_104 = arith.addi %add3A_19, %add3A_103 : i32
    %mul3A_105 = arith.constant 128 : i32
    %mul3A_106 = arith.muli %add3A_104, %mul3A_105 : i32
    %dma_wait3A_107 = tpu.memref_slice %arg6[%mul3A_106] : memref<6400000xf32, #tpu.memory_space<hbm>> -> memref<2048xf32, #tpu.memory_space<hbm>>
    %dma_wait3A_108 = tpu.memref_slice %arg6[%mul3A_106] : memref<6400000xf32, #tpu.memory_space<hbm>> -> memref<2048xf32, #tpu.memory_space<hbm>>
    tpu.wait_dma2 semaphore(%arg22 : memref<!tpu.dma_semaphore, #tpu.memory_space<semaphore_mem>>) src(%arg15 : memref<2048xf32, #tpu.memory_space<vmem>>) dst(%dma_wait3A_108 : memref<2048xf32, #tpu.memory_space<hbm>>)
    %add3A_109 = arith.constant 0 : i32
    %add3A_110 = arith.addi %add3A_19, %add3A_109 : i32
    %mul3A_111 = arith.constant 128 : i32
    %mul3A_112 = arith.muli %add3A_110, %mul3A_111 : i32
    %dma_wait3A_113 = tpu.memref_slice %arg6[%mul3A_112] : memref<6400000xf32, #tpu.memory_space<hbm>> -> memref<2048xf32, #tpu.memory_space<hbm>>
    %dma_wait3A_114 = tpu.memref_slice %arg6[%mul3A_112] : memref<6400000xf32, #tpu.memory_space<hbm>> -> memref<2048xf32, #tpu.memory_space<hbm>>
    tpu.wait_dma2 semaphore(%arg23 : memref<!tpu.dma_semaphore, #tpu.memory_space<semaphore_mem>>) src(%arg16 : memref<2048xf32, #tpu.memory_space<vmem>>) dst(%dma_wait3A_114 : memref<2048xf32, #tpu.memory_space<hbm>>)
    %add3A_115 = arith.constant 0 : i32
    %add3A_116 = arith.addi %add3A_19, %add3A_115 : i32
    %mul3A_117 = arith.constant 128 : i32
    %mul3A_118 = arith.muli %add3A_116, %mul3A_117 : i32
    %dma_wait3A_119 = tpu.memref_slice %arg6[%mul3A_118] : memref<6400000xf32, #tpu.memory_space<hbm>> -> memref<2048xf32, #tpu.memory_space<hbm>>
    %dma_wait3A_120 = tpu.memref_slice %arg6[%mul3A_118] : memref<6400000xf32, #tpu.memory_space<hbm>> -> memref<2048xf32, #tpu.memory_space<hbm>>
    tpu.wait_dma2 semaphore(%arg24 : memref<!tpu.dma_semaphore, #tpu.memory_space<semaphore_mem>>) src(%arg17 : memref<2048xf32, #tpu.memory_space<vmem>>) dst(%dma_wait3A_120 : memref<2048xf32, #tpu.memory_space<hbm>>)
    %add3A_121 = arith.constant 1552 : i32
    %add3A_122 = arith.addi %add3A_19, %add3A_121 : i32
    %mul3A_123 = arith.constant 2 : i32
    %mul3A_124 = arith.muli %add3A_122, %mul3A_123 : i32
    %mul3A_125 = arith.constant 128 : i32
    %mul3A_126 = arith.muli %mul3A_124, %mul3A_125 : i32
    "tpu.region"() ({
      %run_scoped3A = tpu.sem_alloc : memref<!tpu.dma_semaphore, #tpu.memory_space<semaphore_mem>>
      %dma_start3A_136 = arith.constant 0 : i32
      %dma_start3A_137 = tpu.memref_slice %arg9[%dma_start3A_136] : memref<4096xi32, #tpu.memory_space<vmem>> -> memref<2560xi32, #tpu.memory_space<vmem>>
      %dma_start3A_138 = tpu.memref_slice %arg4[%mul3A_126] : memref<12800000xi32, #tpu.memory_space<hbm>> -> memref<2560xi32, #tpu.memory_space<hbm>>
      %dma_start3A_139 = arith.constant 0 : i32
      %dma_start3A_140 = tpu.memref_slice %arg9[%dma_start3A_139] : memref<4096xi32, #tpu.memory_space<vmem>> -> memref<2560xi32, #tpu.memory_space<vmem>>
      %dma_start3A_141 = tpu.memref_slice %arg4[%mul3A_126] : memref<12800000xi32, #tpu.memory_space<hbm>> -> memref<2560xi32, #tpu.memory_space<hbm>>
      tpu.enqueue_dma source(%dma_start3A_141 : memref<2560xi32, #tpu.memory_space<hbm>>) target(%dma_start3A_140 : memref<2560xi32, #tpu.memory_space<vmem>>) target_semaphore(%run_scoped3A : memref<!tpu.dma_semaphore, #tpu.memory_space<semaphore_mem>>)
      %dma_wait3A_142 = arith.constant 0 : i32
      %dma_wait3A_143 = tpu.memref_slice %arg9[%dma_wait3A_142] : memref<4096xi32, #tpu.memory_space<vmem>> -> memref<2560xi32, #tpu.memory_space<vmem>>
      %dma_wait3A_144 = tpu.memref_slice %arg4[%mul3A_126] : memref<12800000xi32, #tpu.memory_space<hbm>> -> memref<2560xi32, #tpu.memory_space<hbm>>
      %dma_wait3A_145 = arith.constant 0 : i32
      %dma_wait3A_146 = tpu.memref_slice %arg9[%dma_wait3A_145] : memref<4096xi32, #tpu.memory_space<vmem>> -> memref<2560xi32, #tpu.memory_space<vmem>>
      %dma_wait3A_147 = tpu.memref_slice %arg4[%mul3A_126] : memref<12800000xi32, #tpu.memory_space<hbm>> -> memref<2560xi32, #tpu.memory_space<hbm>>
      tpu.wait_dma2 semaphore(%run_scoped3A : memref<!tpu.dma_semaphore, #tpu.memory_space<semaphore_mem>>) src(%dma_wait3A_147 : memref<2560xi32, #tpu.memory_space<hbm>>) dst(%dma_wait3A_146 : memref<2560xi32, #tpu.memory_space<vmem>>)
      tpu.yield
    }) : () -> ()
    %mul3A_127 = arith.constant 128 : i32
    %mul3A_128 = arith.muli %add3A_122, %mul3A_127 : i32
    "tpu.region"() ({
      %run_scoped3A = tpu.sem_alloc : memref<!tpu.dma_semaphore, #tpu.memory_space<semaphore_mem>>
      %dma_start3A_136 = arith.constant 0 : i32
      %dma_start3A_137 = tpu.memref_slice %arg12[%dma_start3A_136] : memref<2048xf32, #tpu.memory_space<vmem>> -> memref<1280xf32, #tpu.memory_space<vmem>>
      %dma_start3A_138 = tpu.memref_slice %arg5[%mul3A_128] : memref<6400000xf32, #tpu.memory_space<hbm>> -> memref<1280xf32, #tpu.memory_space<hbm>>
      %dma_start3A_139 = arith.constant 0 : i32
      %dma_start3A_140 = tpu.memref_slice %arg12[%dma_start3A_139] : memref<2048xf32, #tpu.memory_space<vmem>> -> memref<1280xf32, #tpu.memory_space<vmem>>
      %dma_start3A_141 = tpu.memref_slice %arg5[%mul3A_128] : memref<6400000xf32, #tpu.memory_space<hbm>> -> memref<1280xf32, #tpu.memory_space<hbm>>
      tpu.enqueue_dma source(%dma_start3A_141 : memref<1280xf32, #tpu.memory_space<hbm>>) target(%dma_start3A_140 : memref<1280xf32, #tpu.memory_space<vmem>>) target_semaphore(%run_scoped3A : memref<!tpu.dma_semaphore, #tpu.memory_space<semaphore_mem>>)
      %dma_wait3A_142 = arith.constant 0 : i32
      %dma_wait3A_143 = tpu.memref_slice %arg12[%dma_wait3A_142] : memref<2048xf32, #tpu.memory_space<vmem>> -> memref<1280xf32, #tpu.memory_space<vmem>>
      %dma_wait3A_144 = tpu.memref_slice %arg5[%mul3A_128] : memref<6400000xf32, #tpu.memory_space<hbm>> -> memref<1280xf32, #tpu.memory_space<hbm>>
      %dma_wait3A_145 = arith.constant 0 : i32
      %dma_wait3A_146 = tpu.memref_slice %arg12[%dma_wait3A_145] : memref<2048xf32, #tpu.memory_space<vmem>> -> memref<1280xf32, #tpu.memory_space<vmem>>
      %dma_wait3A_147 = tpu.memref_slice %arg5[%mul3A_128] : memref<6400000xf32, #tpu.memory_space<hbm>> -> memref<1280xf32, #tpu.memory_space<hbm>>
      tpu.wait_dma2 semaphore(%run_scoped3A : memref<!tpu.dma_semaphore, #tpu.memory_space<semaphore_mem>>) src(%dma_wait3A_147 : memref<1280xf32, #tpu.memory_space<hbm>>) dst(%dma_wait3A_146 : memref<1280xf32, #tpu.memory_space<vmem>>)
      tpu.yield
    }) : () -> ()
    %parallel_loop3A_129 = arith.constant 0 : i32
    %parallel_loop3A_130 = arith.constant 10 : i32
    %parallel_loop3A_131 = arith.constant 1 : i32
    scf.for %parallel_loop3A_136 = %parallel_loop3A_129 to %parallel_loop3A_130 step %parallel_loop3A_131  : i32 {
      %parallel_loop3A_137 = arith.constant 256 : i32
      %parallel_loop3A_138 = arith.muli %parallel_loop3A_136, %parallel_loop3A_137 : i32
      %parallel_loop3A_139 = arith.constant 128 : i32
      %parallel_loop3A_140 = arith.muli %parallel_loop3A_136, %parallel_loop3A_139 : i32
      %parallel_loop3A_141 = arith.constant 0 : i32
      %parallel_loop3A_142 = arith.addi %parallel_loop3A_138, %parallel_loop3A_141 : i32
      %parallel_loop3A_143 = arith.index_cast %parallel_loop3A_142 : i32 to index
      %parallel_loop3A_144 = tpu.vector_load %arg9[%parallel_loop3A_143] {strides = array<i32>} : memref<4096xi32, #tpu.memory_space<vmem>>, vector<16xi32>,
      %parallel_loop3A_145 = arith.constant 128 : i32
      %parallel_loop3A_146 = arith.addi %parallel_loop3A_138, %parallel_loop3A_145 : i32
      %parallel_loop3A_147 = arith.constant 0 : i32
      %parallel_loop3A_148 = arith.addi %parallel_loop3A_146, %parallel_loop3A_147 : i32
      %parallel_loop3A_149 = arith.index_cast %parallel_loop3A_148 : i32 to index
      %parallel_loop3A_150 = tpu.vector_load %arg9[%parallel_loop3A_149] {strides = array<i32>} : memref<4096xi32, #tpu.memory_space<vmem>>, vector<16xi32>,
      %parallel_loop3A_151 = tpu.vector_load_idx %arg8[%parallel_loop3A_144] : memref<100000xf32, #tpu.memory_space<vmem>>[vector<16xi32>], vector<16xf32>,
      %parallel_loop3A_152 = tpu.vector_load_idx %arg8[%parallel_loop3A_150] : memref<100000xf32, #tpu.memory_space<vmem>>[vector<16xi32>], vector<16xf32>,
      %parallel_loop3A_153 = arith.constant 0 : i32
      %parallel_loop3A_154 = arith.addi %parallel_loop3A_140, %parallel_loop3A_153 : i32
      %parallel_loop3A_155 = arith.index_cast %parallel_loop3A_154 : i32 to index
      %parallel_loop3A_156 = tpu.vector_load %arg12[%parallel_loop3A_155] {strides = array<i32>} : memref<2048xf32, #tpu.memory_space<vmem>>, vector<16xf32>,
      %parallel_loop3A_157 = arith.addf %parallel_loop3A_151, %parallel_loop3A_152 : vector<16xf32>
      %parallel_loop3A_158 = arith.constant 5.000000e-01 : f32
      %parallel_loop3A_159 = vector.broadcast %parallel_loop3A_158 : f32 to vector<16xf32>
      %parallel_loop3A_160 = arith.mulf %parallel_loop3A_157, %parallel_loop3A_159 : vector<16xf32>
      %parallel_loop3A_161 = arith.divf %parallel_loop3A_160, %parallel_loop3A_156 : vector<16xf32>
      %parallel_loop3A_162 = arith.constant 0 : i32
      %parallel_loop3A_163 = arith.addi %parallel_loop3A_140, %parallel_loop3A_162 : i32
      %parallel_loop3A_164 = arith.index_cast %parallel_loop3A_163 : i32 to index
      %parallel_loop3A_165 = tpu.vector_load %arg15[%parallel_loop3A_164] {strides = array<i32>} : memref<2048xf32, #tpu.memory_space<vmem>>, vector<16xf32>,
      tpu.vector_store %arg15[%parallel_loop3A_164], %parallel_loop3A_161 {strides = array<i32>} : memref<2048xf32, #tpu.memory_space<vmem>>, vector<16xf32>,
      %parallel_loop3A_166 = arith.constant 16 : i32
      %parallel_loop3A_167 = arith.addi %parallel_loop3A_138, %parallel_loop3A_166 : i32
      %parallel_loop3A_168 = arith.index_cast %parallel_loop3A_167 : i32 to index
      %parallel_loop3A_169 = tpu.vector_load %arg9[%parallel_loop3A_168] {strides = array<i32>} : memref<4096xi32, #tpu.memory_space<vmem>>, vector<16xi32>,
      %parallel_loop3A_170 = arith.constant 128 : i32
      %parallel_loop3A_171 = arith.addi %parallel_loop3A_138, %parallel_loop3A_170 : i32
      %parallel_loop3A_172 = arith.constant 16 : i32
      %parallel_loop3A_173 = arith.addi %parallel_loop3A_171, %parallel_loop3A_172 : i32
      %parallel_loop3A_174 = arith.index_cast %parallel_loop3A_173 : i32 to index
      %parallel_loop3A_175 = tpu.vector_load %arg9[%parallel_loop3A_174] {strides = array<i32>} : memref<4096xi32, #tpu.memory_space<vmem>>, vector<16xi32>,
      %parallel_loop3A_176 = tpu.vector_load_idx %arg8[%parallel_loop3A_169] : memref<100000xf32, #tpu.memory_space<vmem>>[vector<16xi32>], vector<16xf32>,
      %parallel_loop3A_177 = tpu.vector_load_idx %arg8[%parallel_loop3A_175] : memref<100000xf32, #tpu.memory_space<vmem>>[vector<16xi32>], vector<16xf32>,
      %parallel_loop3A_178 = arith.constant 16 : i32
      %parallel_loop3A_179 = arith.addi %parallel_loop3A_140, %parallel_loop3A_178 : i32
      %parallel_loop3A_180 = arith.index_cast %parallel_loop3A_179 : i32 to index
      %parallel_loop3A_181 = tpu.vector_load %arg12[%parallel_loop3A_180] {strides = array<i32>} : memref<2048xf32, #tpu.memory_space<vmem>>, vector<16xf32>,
      %parallel_loop3A_182 = arith.addf %parallel_loop3A_176, %parallel_loop3A_177 : vector<16xf32>
      %parallel_loop3A_183 = arith.constant 5.000000e-01 : f32
      %parallel_loop3A_184 = vector.broadcast %parallel_loop3A_183 : f32 to vector<16xf32>
      %parallel_loop3A_185 = arith.mulf %parallel_loop3A_182, %parallel_loop3A_184 : vector<16xf32>
      %parallel_loop3A_186 = arith.divf %parallel_loop3A_185, %parallel_loop3A_181 : vector<16xf32>
      %parallel_loop3A_187 = arith.constant 16 : i32
      %parallel_loop3A_188 = arith.addi %parallel_loop3A_140, %parallel_loop3A_187 : i32
      %parallel_loop3A_189 = arith.index_cast %parallel_loop3A_188 : i32 to index
      %parallel_loop3A_190 = tpu.vector_load %arg15[%parallel_loop3A_189] {strides = array<i32>} : memref<2048xf32, #tpu.memory_space<vmem>>, vector<16xf32>,
      tpu.vector_store %arg15[%parallel_loop3A_189], %parallel_loop3A_186 {strides = array<i32>} : memref<2048xf32, #tpu.memory_space<vmem>>, vector<16xf32>,
      %parallel_loop3A_191 = arith.constant 32 : i32
      %parallel_loop3A_192 = arith.addi %parallel_loop3A_138, %parallel_loop3A_191 : i32
      %parallel_loop3A_193 = arith.index_cast %parallel_loop3A_192 : i32 to index
      %parallel_loop3A_194 = tpu.vector_load %arg9[%parallel_loop3A_193] {strides = array<i32>} : memref<4096xi32, #tpu.memory_space<vmem>>, vector<16xi32>,
      %parallel_loop3A_195 = arith.constant 128 : i32
      %parallel_loop3A_196 = arith.addi %parallel_loop3A_138, %parallel_loop3A_195 : i32
      %parallel_loop3A_197 = arith.constant 32 : i32
      %parallel_loop3A_198 = arith.addi %parallel_loop3A_196, %parallel_loop3A_197 : i32
      %parallel_loop3A_199 = arith.index_cast %parallel_loop3A_198 : i32 to index
      %parallel_loop3A_200 = tpu.vector_load %arg9[%parallel_loop3A_199] {strides = array<i32>} : memref<4096xi32, #tpu.memory_space<vmem>>, vector<16xi32>,
      %parallel_loop3A_201 = tpu.vector_load_idx %arg8[%parallel_loop3A_194] : memref<100000xf32, #tpu.memory_space<vmem>>[vector<16xi32>], vector<16xf32>,
      %parallel_loop3A_202 = tpu.vector_load_idx %arg8[%parallel_loop3A_200] : memref<100000xf32, #tpu.memory_space<vmem>>[vector<16xi32>], vector<16xf32>,
      %parallel_loop3A_203 = arith.constant 32 : i32
      %parallel_loop3A_204 = arith.addi %parallel_loop3A_140, %parallel_loop3A_203 : i32
      %parallel_loop3A_205 = arith.index_cast %parallel_loop3A_204 : i32 to index
      %parallel_loop3A_206 = tpu.vector_load %arg12[%parallel_loop3A_205] {strides = array<i32>} : memref<2048xf32, #tpu.memory_space<vmem>>, vector<16xf32>,
      %parallel_loop3A_207 = arith.addf %parallel_loop3A_201, %parallel_loop3A_202 : vector<16xf32>
      %parallel_loop3A_208 = arith.constant 5.000000e-01 : f32
      %parallel_loop3A_209 = vector.broadcast %parallel_loop3A_208 : f32 to vector<16xf32>
      %parallel_loop3A_210 = arith.mulf %parallel_loop3A_207, %parallel_loop3A_209 : vector<16xf32>
      %parallel_loop3A_211 = arith.divf %parallel_loop3A_210, %parallel_loop3A_206 : vector<16xf32>
      %parallel_loop3A_212 = arith.constant 32 : i32
      %parallel_loop3A_213 = arith.addi %parallel_loop3A_140, %parallel_loop3A_212 : i32
      %parallel_loop3A_214 = arith.index_cast %parallel_loop3A_213 : i32 to index
      %parallel_loop3A_215 = tpu.vector_load %arg15[%parallel_loop3A_214] {strides = array<i32>} : memref<2048xf32, #tpu.memory_space<vmem>>, vector<16xf32>,
      tpu.vector_store %arg15[%parallel_loop3A_214], %parallel_loop3A_211 {strides = array<i32>} : memref<2048xf32, #tpu.memory_space<vmem>>, vector<16xf32>,
      %parallel_loop3A_216 = arith.constant 48 : i32
      %parallel_loop3A_217 = arith.addi %parallel_loop3A_138, %parallel_loop3A_216 : i32
      %parallel_loop3A_218 = arith.index_cast %parallel_loop3A_217 : i32 to index
      %parallel_loop3A_219 = tpu.vector_load %arg9[%parallel_loop3A_218] {strides = array<i32>} : memref<4096xi32, #tpu.memory_space<vmem>>, vector<16xi32>,
      %parallel_loop3A_220 = arith.constant 128 : i32
      %parallel_loop3A_221 = arith.addi %parallel_loop3A_138, %parallel_loop3A_220 : i32
      %parallel_loop3A_222 = arith.constant 48 : i32
      %parallel_loop3A_223 = arith.addi %parallel_loop3A_221, %parallel_loop3A_222 : i32
      %parallel_loop3A_224 = arith.index_cast %parallel_loop3A_223 : i32 to index
      %parallel_loop3A_225 = tpu.vector_load %arg9[%parallel_loop3A_224] {strides = array<i32>} : memref<4096xi32, #tpu.memory_space<vmem>>, vector<16xi32>,
      %parallel_loop3A_226 = tpu.vector_load_idx %arg8[%parallel_loop3A_219] : memref<100000xf32, #tpu.memory_space<vmem>>[vector<16xi32>], vector<16xf32>,
      %parallel_loop3A_227 = tpu.vector_load_idx %arg8[%parallel_loop3A_225] : memref<100000xf32, #tpu.memory_space<vmem>>[vector<16xi32>], vector<16xf32>,
      %parallel_loop3A_228 = arith.constant 48 : i32
      %parallel_loop3A_229 = arith.addi %parallel_loop3A_140, %parallel_loop3A_228 : i32
      %parallel_loop3A_230 = arith.index_cast %parallel_loop3A_229 : i32 to index
      %parallel_loop3A_231 = tpu.vector_load %arg12[%parallel_loop3A_230] {strides = array<i32>} : memref<2048xf32, #tpu.memory_space<vmem>>, vector<16xf32>,
      %parallel_loop3A_232 = arith.addf %parallel_loop3A_226, %parallel_loop3A_227 : vector<16xf32>
      %parallel_loop3A_233 = arith.constant 5.000000e-01 : f32
      %parallel_loop3A_234 = vector.broadcast %parallel_loop3A_233 : f32 to vector<16xf32>
      %parallel_loop3A_235 = arith.mulf %parallel_loop3A_232, %parallel_loop3A_234 : vector<16xf32>
      %parallel_loop3A_236 = arith.divf %parallel_loop3A_235, %parallel_loop3A_231 : vector<16xf32>
      %parallel_loop3A_237 = arith.constant 48 : i32
      %parallel_loop3A_238 = arith.addi %parallel_loop3A_140, %parallel_loop3A_237 : i32
      %parallel_loop3A_239 = arith.index_cast %parallel_loop3A_238 : i32 to index
      %parallel_loop3A_240 = tpu.vector_load %arg15[%parallel_loop3A_239] {strides = array<i32>} : memref<2048xf32, #tpu.memory_space<vmem>>, vector<16xf32>,
      tpu.vector_store %arg15[%parallel_loop3A_239], %parallel_loop3A_236 {strides = array<i32>} : memref<2048xf32, #tpu.memory_space<vmem>>, vector<16xf32>,
      %parallel_loop3A_241 = arith.constant 64 : i32
      %parallel_loop3A_242 = arith.addi %parallel_loop3A_138, %parallel_loop3A_241 : i32
      %parallel_loop3A_243 = arith.index_cast %parallel_loop3A_242 : i32 to index
      %parallel_loop3A_244 = tpu.vector_load %arg9[%parallel_loop3A_243] {strides = array<i32>} : memref<4096xi32, #tpu.memory_space<vmem>>, vector<16xi32>,
      %parallel_loop3A_245 = arith.constant 128 : i32
      %parallel_loop3A_246 = arith.addi %parallel_loop3A_138, %parallel_loop3A_245 : i32
      %parallel_loop3A_247 = arith.constant 64 : i32
      %parallel_loop3A_248 = arith.addi %parallel_loop3A_246, %parallel_loop3A_247 : i32
      %parallel_loop3A_249 = arith.index_cast %parallel_loop3A_248 : i32 to index
      %parallel_loop3A_250 = tpu.vector_load %arg9[%parallel_loop3A_249] {strides = array<i32>} : memref<4096xi32, #tpu.memory_space<vmem>>, vector<16xi32>,
      %parallel_loop3A_251 = tpu.vector_load_idx %arg8[%parallel_loop3A_244] : memref<100000xf32, #tpu.memory_space<vmem>>[vector<16xi32>], vector<16xf32>,
      %parallel_loop3A_252 = tpu.vector_load_idx %arg8[%parallel_loop3A_250] : memref<100000xf32, #tpu.memory_space<vmem>>[vector<16xi32>], vector<16xf32>,
      %parallel_loop3A_253 = arith.constant 64 : i32
      %parallel_loop3A_254 = arith.addi %parallel_loop3A_140, %parallel_loop3A_253 : i32
      %parallel_loop3A_255 = arith.index_cast %parallel_loop3A_254 : i32 to index
      %parallel_loop3A_256 = tpu.vector_load %arg12[%parallel_loop3A_255] {strides = array<i32>} : memref<2048xf32, #tpu.memory_space<vmem>>, vector<16xf32>,
      %parallel_loop3A_257 = arith.addf %parallel_loop3A_251, %parallel_loop3A_252 : vector<16xf32>
      %parallel_loop3A_258 = arith.constant 5.000000e-01 : f32
      %parallel_loop3A_259 = vector.broadcast %parallel_loop3A_258 : f32 to vector<16xf32>
      %parallel_loop3A_260 = arith.mulf %parallel_loop3A_257, %parallel_loop3A_259 : vector<16xf32>
      %parallel_loop3A_261 = arith.divf %parallel_loop3A_260, %parallel_loop3A_256 : vector<16xf32>
      %parallel_loop3A_262 = arith.constant 64 : i32
      %parallel_loop3A_263 = arith.addi %parallel_loop3A_140, %parallel_loop3A_262 : i32
      %parallel_loop3A_264 = arith.index_cast %parallel_loop3A_263 : i32 to index
      %parallel_loop3A_265 = tpu.vector_load %arg15[%parallel_loop3A_264] {strides = array<i32>} : memref<2048xf32, #tpu.memory_space<vmem>>, vector<16xf32>,
      tpu.vector_store %arg15[%parallel_loop3A_264], %parallel_loop3A_261 {strides = array<i32>} : memref<2048xf32, #tpu.memory_space<vmem>>, vector<16xf32>,
      %parallel_loop3A_266 = arith.constant 80 : i32
      %parallel_loop3A_267 = arith.addi %parallel_loop3A_138, %parallel_loop3A_266 : i32
      %parallel_loop3A_268 = arith.index_cast %parallel_loop3A_267 : i32 to index
      %parallel_loop3A_269 = tpu.vector_load %arg9[%parallel_loop3A_268] {strides = array<i32>} : memref<4096xi32, #tpu.memory_space<vmem>>, vector<16xi32>,
      %parallel_loop3A_270 = arith.constant 128 : i32
      %parallel_loop3A_271 = arith.addi %parallel_loop3A_138, %parallel_loop3A_270 : i32
      %parallel_loop3A_272 = arith.constant 80 : i32
      %parallel_loop3A_273 = arith.addi %parallel_loop3A_271, %parallel_loop3A_272 : i32
      %parallel_loop3A_274 = arith.index_cast %parallel_loop3A_273 : i32 to index
      %parallel_loop3A_275 = tpu.vector_load %arg9[%parallel_loop3A_274] {strides = array<i32>} : memref<4096xi32, #tpu.memory_space<vmem>>, vector<16xi32>,
      %parallel_loop3A_276 = tpu.vector_load_idx %arg8[%parallel_loop3A_269] : memref<100000xf32, #tpu.memory_space<vmem>>[vector<16xi32>], vector<16xf32>,
      %parallel_loop3A_277 = tpu.vector_load_idx %arg8[%parallel_loop3A_275] : memref<100000xf32, #tpu.memory_space<vmem>>[vector<16xi32>], vector<16xf32>,
      %parallel_loop3A_278 = arith.constant 80 : i32
      %parallel_loop3A_279 = arith.addi %parallel_loop3A_140, %parallel_loop3A_278 : i32
      %parallel_loop3A_280 = arith.index_cast %parallel_loop3A_279 : i32 to index
      %parallel_loop3A_281 = tpu.vector_load %arg12[%parallel_loop3A_280] {strides = array<i32>} : memref<2048xf32, #tpu.memory_space<vmem>>, vector<16xf32>,
      %parallel_loop3A_282 = arith.addf %parallel_loop3A_276, %parallel_loop3A_277 : vector<16xf32>
      %parallel_loop3A_283 = arith.constant 5.000000e-01 : f32
      %parallel_loop3A_284 = vector.broadcast %parallel_loop3A_283 : f32 to vector<16xf32>
      %parallel_loop3A_285 = arith.mulf %parallel_loop3A_282, %parallel_loop3A_284 : vector<16xf32>
      %parallel_loop3A_286 = arith.divf %parallel_loop3A_285, %parallel_loop3A_281 : vector<16xf32>
      %parallel_loop3A_287 = arith.constant 80 : i32
      %parallel_loop3A_288 = arith.addi %parallel_loop3A_140, %parallel_loop3A_287 : i32
      %parallel_loop3A_289 = arith.index_cast %parallel_loop3A_288 : i32 to index
      %parallel_loop3A_290 = tpu.vector_load %arg15[%parallel_loop3A_289] {strides = array<i32>} : memref<2048xf32, #tpu.memory_space<vmem>>, vector<16xf32>,
      tpu.vector_store %arg15[%parallel_loop3A_289], %parallel_loop3A_286 {strides = array<i32>} : memref<2048xf32, #tpu.memory_space<vmem>>, vector<16xf32>,
      %parallel_loop3A_291 = arith.constant 96 : i32
      %parallel_loop3A_292 = arith.addi %parallel_loop3A_138, %parallel_loop3A_291 : i32
      %parallel_loop3A_293 = arith.index_cast %parallel_loop3A_292 : i32 to index
      %parallel_loop3A_294 = tpu.vector_load %arg9[%parallel_loop3A_293] {strides = array<i32>} : memref<4096xi32, #tpu.memory_space<vmem>>, vector<16xi32>,
      %parallel_loop3A_295 = arith.constant 128 : i32
      %parallel_loop3A_296 = arith.addi %parallel_loop3A_138, %parallel_loop3A_295 : i32
      %parallel_loop3A_297 = arith.constant 96 : i32
      %parallel_loop3A_298 = arith.addi %parallel_loop3A_296, %parallel_loop3A_297 : i32
      %parallel_loop3A_299 = arith.index_cast %parallel_loop3A_298 : i32 to index
      %parallel_loop3A_300 = tpu.vector_load %arg9[%parallel_loop3A_299] {strides = array<i32>} : memref<4096xi32, #tpu.memory_space<vmem>>, vector<16xi32>,
      %parallel_loop3A_301 = tpu.vector_load_idx %arg8[%parallel_loop3A_294] : memref<100000xf32, #tpu.memory_space<vmem>>[vector<16xi32>], vector<16xf32>,
      %parallel_loop3A_302 = tpu.vector_load_idx %arg8[%parallel_loop3A_300] : memref<100000xf32, #tpu.memory_space<vmem>>[vector<16xi32>], vector<16xf32>,
      %parallel_loop3A_303 = arith.constant 96 : i32
      %parallel_loop3A_304 = arith.addi %parallel_loop3A_140, %parallel_loop3A_303 : i32
      %parallel_loop3A_305 = arith.index_cast %parallel_loop3A_304 : i32 to index
      %parallel_loop3A_306 = tpu.vector_load %arg12[%parallel_loop3A_305] {strides = array<i32>} : memref<2048xf32, #tpu.memory_space<vmem>>, vector<16xf32>,
      %parallel_loop3A_307 = arith.addf %parallel_loop3A_301, %parallel_loop3A_302 : vector<16xf32>
      %parallel_loop3A_308 = arith.constant 5.000000e-01 : f32
      %parallel_loop3A_309 = vector.broadcast %parallel_loop3A_308 : f32 to vector<16xf32>
      %parallel_loop3A_310 = arith.mulf %parallel_loop3A_307, %parallel_loop3A_309 : vector<16xf32>
      %parallel_loop3A_311 = arith.divf %parallel_loop3A_310, %parallel_loop3A_306 : vector<16xf32>
      %parallel_loop3A_312 = arith.constant 96 : i32
      %parallel_loop3A_313 = arith.addi %parallel_loop3A_140, %parallel_loop3A_312 : i32
      %parallel_loop3A_314 = arith.index_cast %parallel_loop3A_313 : i32 to index
      %parallel_loop3A_315 = tpu.vector_load %arg15[%parallel_loop3A_314] {strides = array<i32>} : memref<2048xf32, #tpu.memory_space<vmem>>, vector<16xf32>,
      tpu.vector_store %arg15[%parallel_loop3A_314], %parallel_loop3A_311 {strides = array<i32>} : memref<2048xf32, #tpu.memory_space<vmem>>, vector<16xf32>,
      %parallel_loop3A_316 = arith.constant 112 : i32
      %parallel_loop3A_317 = arith.addi %parallel_loop3A_138, %parallel_loop3A_316 : i32
      %parallel_loop3A_318 = arith.index_cast %parallel_loop3A_317 : i32 to index
      %parallel_loop3A_319 = tpu.vector_load %arg9[%parallel_loop3A_318] {strides = array<i32>} : memref<4096xi32, #tpu.memory_space<vmem>>, vector<16xi32>,
      %parallel_loop3A_320 = arith.constant 128 : i32
      %parallel_loop3A_321 = arith.addi %parallel_loop3A_138, %parallel_loop3A_320 : i32
      %parallel_loop3A_322 = arith.constant 112 : i32
      %parallel_loop3A_323 = arith.addi %parallel_loop3A_321, %parallel_loop3A_322 : i32
      %parallel_loop3A_324 = arith.index_cast %parallel_loop3A_323 : i32 to index
      %parallel_loop3A_325 = tpu.vector_load %arg9[%parallel_loop3A_324] {strides = array<i32>} : memref<4096xi32, #tpu.memory_space<vmem>>, vector<16xi32>,
      %parallel_loop3A_326 = tpu.vector_load_idx %arg8[%parallel_loop3A_319] : memref<100000xf32, #tpu.memory_space<vmem>>[vector<16xi32>], vector<16xf32>,
      %parallel_loop3A_327 = tpu.vector_load_idx %arg8[%parallel_loop3A_325] : memref<100000xf32, #tpu.memory_space<vmem>>[vector<16xi32>], vector<16xf32>,
      %parallel_loop3A_328 = arith.constant 112 : i32
      %parallel_loop3A_329 = arith.addi %parallel_loop3A_140, %parallel_loop3A_328 : i32
      %parallel_loop3A_330 = arith.index_cast %parallel_loop3A_329 : i32 to index
      %parallel_loop3A_331 = tpu.vector_load %arg12[%parallel_loop3A_330] {strides = array<i32>} : memref<2048xf32, #tpu.memory_space<vmem>>, vector<16xf32>,
      %parallel_loop3A_332 = arith.addf %parallel_loop3A_326, %parallel_loop3A_327 : vector<16xf32>
      %parallel_loop3A_333 = arith.constant 5.000000e-01 : f32
      %parallel_loop3A_334 = vector.broadcast %parallel_loop3A_333 : f32 to vector<16xf32>
      %parallel_loop3A_335 = arith.mulf %parallel_loop3A_332, %parallel_loop3A_334 : vector<16xf32>
      %parallel_loop3A_336 = arith.divf %parallel_loop3A_335, %parallel_loop3A_331 : vector<16xf32>
      %parallel_loop3A_337 = arith.constant 112 : i32
      %parallel_loop3A_338 = arith.addi %parallel_loop3A_140, %parallel_loop3A_337 : i32
      %parallel_loop3A_339 = arith.index_cast %parallel_loop3A_338 : i32 to index
      %parallel_loop3A_340 = tpu.vector_load %arg15[%parallel_loop3A_339] {strides = array<i32>} : memref<2048xf32, #tpu.memory_space<vmem>>, vector<16xf32>,
      tpu.vector_store %arg15[%parallel_loop3A_339], %parallel_loop3A_336 {strides = array<i32>} : memref<2048xf32, #tpu.memory_space<vmem>>, vector<16xf32>,
    } {sc.loop_unroll_factor = 2 : i64, sc.parallel_access}
    %mul3A_132 = arith.constant 128 : i32
    %mul3A_133 = arith.muli %add3A_122, %mul3A_132 : i32
    "tpu.region"() ({
      %run_scoped3A = tpu.sem_alloc : memref<!tpu.dma_semaphore, #tpu.memory_space<semaphore_mem>>
      %dma_start3A_136 = arith.constant 0 : i32
      %dma_start3A_137 = tpu.memref_slice %arg15[%dma_start3A_136] : memref<2048xf32, #tpu.memory_space<vmem>> -> memref<1280xf32, #tpu.memory_space<vmem>>
      %dma_start3A_138 = tpu.memref_slice %arg6[%mul3A_133] : memref<6400000xf32, #tpu.memory_space<hbm>> -> memref<1280xf32, #tpu.memory_space<hbm>>
      %dma_start3A_139 = tpu.memref_slice %arg6[%mul3A_133] : memref<6400000xf32, #tpu.memory_space<hbm>> -> memref<1280xf32, #tpu.memory_space<hbm>>
      %dma_start3A_140 = arith.constant 0 : i32
      %dma_start3A_141 = tpu.memref_slice %arg15[%dma_start3A_140] : memref<2048xf32, #tpu.memory_space<vmem>> -> memref<1280xf32, #tpu.memory_space<vmem>>
      tpu.enqueue_dma source(%dma_start3A_141 : memref<1280xf32, #tpu.memory_space<vmem>>) target(%dma_start3A_139 : memref<1280xf32, #tpu.memory_space<hbm>>) target_semaphore(%run_scoped3A : memref<!tpu.dma_semaphore, #tpu.memory_space<semaphore_mem>>)
      %dma_wait3A_142 = arith.constant 0 : i32
      %dma_wait3A_143 = tpu.memref_slice %arg15[%dma_wait3A_142] : memref<2048xf32, #tpu.memory_space<vmem>> -> memref<1280xf32, #tpu.memory_space<vmem>>
      %dma_wait3A_144 = tpu.memref_slice %arg6[%mul3A_133] : memref<6400000xf32, #tpu.memory_space<hbm>> -> memref<1280xf32, #tpu.memory_space<hbm>>
      %dma_wait3A_145 = tpu.memref_slice %arg6[%mul3A_133] : memref<6400000xf32, #tpu.memory_space<hbm>> -> memref<1280xf32, #tpu.memory_space<hbm>>
      %dma_wait3A_146 = arith.constant 0 : i32
      %dma_wait3A_147 = tpu.memref_slice %arg15[%dma_wait3A_146] : memref<2048xf32, #tpu.memory_space<vmem>> -> memref<1280xf32, #tpu.memory_space<vmem>>
      tpu.wait_dma2 semaphore(%run_scoped3A : memref<!tpu.dma_semaphore, #tpu.memory_space<semaphore_mem>>) src(%dma_wait3A_147 : memref<1280xf32, #tpu.memory_space<vmem>>) dst(%dma_wait3A_145 : memref<1280xf32, #tpu.memory_space<hbm>>)
      tpu.yield
    }) : () -> ()
    %lt3A = arith.constant 16 : i32
    %lt3A_134 = arith.cmpi slt, %add3A, %lt3A : i32
    %convert_element_type3A = arith.extui %lt3A_134 : i1 to i32
    %cond3A = arith.constant 0 : i32
    %cond3A_135 = arith.cmpi ne, %convert_element_type3A, %cond3A : i32
    scf.if %cond3A_135 {
      %add3A_136 = arith.constant 1562 : i32
      %add3A_137 = arith.addi %add3A_19, %add3A_136 : i32
      %mul3A_138 = arith.constant 2 : i32
      %mul3A_139 = arith.muli %add3A_137, %mul3A_138 : i32
      %mul3A_140 = arith.constant 128 : i32
      %mul3A_141 = arith.muli %mul3A_139, %mul3A_140 : i32
      "tpu.region"() ({
        %run_scoped3A = tpu.sem_alloc : memref<!tpu.dma_semaphore, #tpu.memory_space<semaphore_mem>>
        %dma_start3A_149 = arith.constant 0 : i32
        %dma_start3A_150 = tpu.memref_slice %arg9[%dma_start3A_149] : memref<4096xi32, #tpu.memory_space<vmem>> -> memref<256xi32, #tpu.memory_space<vmem>>
        %dma_start3A_151 = tpu.memref_slice %arg4[%mul3A_141] : memref<12800000xi32, #tpu.memory_space<hbm>> -> memref<256xi32, #tpu.memory_space<hbm>>
        %dma_start3A_152 = arith.constant 0 : i32
        %dma_start3A_153 = tpu.memref_slice %arg9[%dma_start3A_152] : memref<4096xi32, #tpu.memory_space<vmem>> -> memref<256xi32, #tpu.memory_space<vmem>>
        %dma_start3A_154 = tpu.memref_slice %arg4[%mul3A_141] : memref<12800000xi32, #tpu.memory_space<hbm>> -> memref<256xi32, #tpu.memory_space<hbm>>
        tpu.enqueue_dma source(%dma_start3A_154 : memref<256xi32, #tpu.memory_space<hbm>>) target(%dma_start3A_153 : memref<256xi32, #tpu.memory_space<vmem>>) target_semaphore(%run_scoped3A : memref<!tpu.dma_semaphore, #tpu.memory_space<semaphore_mem>>)
        %dma_wait3A_155 = arith.constant 0 : i32
        %dma_wait3A_156 = tpu.memref_slice %arg9[%dma_wait3A_155] : memref<4096xi32, #tpu.memory_space<vmem>> -> memref<256xi32, #tpu.memory_space<vmem>>
        %dma_wait3A_157 = tpu.memref_slice %arg4[%mul3A_141] : memref<12800000xi32, #tpu.memory_space<hbm>> -> memref<256xi32, #tpu.memory_space<hbm>>
        %dma_wait3A_158 = arith.constant 0 : i32
        %dma_wait3A_159 = tpu.memref_slice %arg9[%dma_wait3A_158] : memref<4096xi32, #tpu.memory_space<vmem>> -> memref<256xi32, #tpu.memory_space<vmem>>
        %dma_wait3A_160 = tpu.memref_slice %arg4[%mul3A_141] : memref<12800000xi32, #tpu.memory_space<hbm>> -> memref<256xi32, #tpu.memory_space<hbm>>
        tpu.wait_dma2 semaphore(%run_scoped3A : memref<!tpu.dma_semaphore, #tpu.memory_space<semaphore_mem>>) src(%dma_wait3A_160 : memref<256xi32, #tpu.memory_space<hbm>>) dst(%dma_wait3A_159 : memref<256xi32, #tpu.memory_space<vmem>>)
        tpu.yield
      }) : () -> ()
      %mul3A_142 = arith.constant 128 : i32
      %mul3A_143 = arith.muli %add3A_137, %mul3A_142 : i32
      "tpu.region"() ({
        %run_scoped3A = tpu.sem_alloc : memref<!tpu.dma_semaphore, #tpu.memory_space<semaphore_mem>>
        %dma_start3A_149 = arith.constant 0 : i32
        %dma_start3A_150 = tpu.memref_slice %arg12[%dma_start3A_149] : memref<2048xf32, #tpu.memory_space<vmem>> -> memref<128xf32, #tpu.memory_space<vmem>>
        %dma_start3A_151 = tpu.memref_slice %arg5[%mul3A_143] : memref<6400000xf32, #tpu.memory_space<hbm>> -> memref<128xf32, #tpu.memory_space<hbm>>
        %dma_start3A_152 = arith.constant 0 : i32
        %dma_start3A_153 = tpu.memref_slice %arg12[%dma_start3A_152] : memref<2048xf32, #tpu.memory_space<vmem>> -> memref<128xf32, #tpu.memory_space<vmem>>
        %dma_start3A_154 = tpu.memref_slice %arg5[%mul3A_143] : memref<6400000xf32, #tpu.memory_space<hbm>> -> memref<128xf32, #tpu.memory_space<hbm>>
        tpu.enqueue_dma source(%dma_start3A_154 : memref<128xf32, #tpu.memory_space<hbm>>) target(%dma_start3A_153 : memref<128xf32, #tpu.memory_space<vmem>>) target_semaphore(%run_scoped3A : memref<!tpu.dma_semaphore, #tpu.memory_space<semaphore_mem>>)
        %dma_wait3A_155 = arith.constant 0 : i32
        %dma_wait3A_156 = tpu.memref_slice %arg12[%dma_wait3A_155] : memref<2048xf32, #tpu.memory_space<vmem>> -> memref<128xf32, #tpu.memory_space<vmem>>
        %dma_wait3A_157 = tpu.memref_slice %arg5[%mul3A_143] : memref<6400000xf32, #tpu.memory_space<hbm>> -> memref<128xf32, #tpu.memory_space<hbm>>
        %dma_wait3A_158 = arith.constant 0 : i32
        %dma_wait3A_159 = tpu.memref_slice %arg12[%dma_wait3A_158] : memref<2048xf32, #tpu.memory_space<vmem>> -> memref<128xf32, #tpu.memory_space<vmem>>
        %dma_wait3A_160 = tpu.memref_slice %arg5[%mul3A_143] : memref<6400000xf32, #tpu.memory_space<hbm>> -> memref<128xf32, #tpu.memory_space<hbm>>
        tpu.wait_dma2 semaphore(%run_scoped3A : memref<!tpu.dma_semaphore, #tpu.memory_space<semaphore_mem>>) src(%dma_wait3A_160 : memref<128xf32, #tpu.memory_space<hbm>>) dst(%dma_wait3A_159 : memref<128xf32, #tpu.memory_space<vmem>>)
        tpu.yield
      }) : () -> ()
      %parallel_loop3A_144 = arith.constant 0 : i32
      %parallel_loop3A_145 = arith.constant 1 : i32
      %parallel_loop3A_146 = arith.constant 1 : i32
      scf.for %parallel_loop3A_149 = %parallel_loop3A_144 to %parallel_loop3A_145 step %parallel_loop3A_146  : i32 {
        %parallel_loop3A_150 = arith.constant 256 : i32
        %parallel_loop3A_151 = arith.muli %parallel_loop3A_149, %parallel_loop3A_150 : i32
        %parallel_loop3A_152 = arith.constant 128 : i32
        %parallel_loop3A_153 = arith.muli %parallel_loop3A_149, %parallel_loop3A_152 : i32
        %parallel_loop3A_154 = arith.constant 0 : i32
        %parallel_loop3A_155 = arith.addi %parallel_loop3A_151, %parallel_loop3A_154 : i32
        %parallel_loop3A_156 = arith.index_cast %parallel_loop3A_155 : i32 to index
        %parallel_loop3A_157 = tpu.vector_load %arg9[%parallel_loop3A_156] {strides = array<i32>} : memref<4096xi32, #tpu.memory_space<vmem>>, vector<16xi32>,
        %parallel_loop3A_158 = arith.constant 128 : i32
        %parallel_loop3A_159 = arith.addi %parallel_loop3A_151, %parallel_loop3A_158 : i32
        %parallel_loop3A_160 = arith.constant 0 : i32
        %parallel_loop3A_161 = arith.addi %parallel_loop3A_159, %parallel_loop3A_160 : i32
        %parallel_loop3A_162 = arith.index_cast %parallel_loop3A_161 : i32 to index
        %parallel_loop3A_163 = tpu.vector_load %arg9[%parallel_loop3A_162] {strides = array<i32>} : memref<4096xi32, #tpu.memory_space<vmem>>, vector<16xi32>,
        %parallel_loop3A_164 = tpu.vector_load_idx %arg8[%parallel_loop3A_157] : memref<100000xf32, #tpu.memory_space<vmem>>[vector<16xi32>], vector<16xf32>,
        %parallel_loop3A_165 = tpu.vector_load_idx %arg8[%parallel_loop3A_163] : memref<100000xf32, #tpu.memory_space<vmem>>[vector<16xi32>], vector<16xf32>,
        %parallel_loop3A_166 = arith.constant 0 : i32
        %parallel_loop3A_167 = arith.addi %parallel_loop3A_153, %parallel_loop3A_166 : i32
        %parallel_loop3A_168 = arith.index_cast %parallel_loop3A_167 : i32 to index
        %parallel_loop3A_169 = tpu.vector_load %arg12[%parallel_loop3A_168] {strides = array<i32>} : memref<2048xf32, #tpu.memory_space<vmem>>, vector<16xf32>,
        %parallel_loop3A_170 = arith.addf %parallel_loop3A_164, %parallel_loop3A_165 : vector<16xf32>
        %parallel_loop3A_171 = arith.constant 5.000000e-01 : f32
        %parallel_loop3A_172 = vector.broadcast %parallel_loop3A_171 : f32 to vector<16xf32>
        %parallel_loop3A_173 = arith.mulf %parallel_loop3A_170, %parallel_loop3A_172 : vector<16xf32>
        %parallel_loop3A_174 = arith.divf %parallel_loop3A_173, %parallel_loop3A_169 : vector<16xf32>
        %parallel_loop3A_175 = arith.constant 0 : i32
        %parallel_loop3A_176 = arith.addi %parallel_loop3A_153, %parallel_loop3A_175 : i32
        %parallel_loop3A_177 = arith.index_cast %parallel_loop3A_176 : i32 to index
        %parallel_loop3A_178 = tpu.vector_load %arg15[%parallel_loop3A_177] {strides = array<i32>} : memref<2048xf32, #tpu.memory_space<vmem>>, vector<16xf32>,
        tpu.vector_store %arg15[%parallel_loop3A_177], %parallel_loop3A_174 {strides = array<i32>} : memref<2048xf32, #tpu.memory_space<vmem>>, vector<16xf32>,
        %parallel_loop3A_179 = arith.constant 16 : i32
        %parallel_loop3A_180 = arith.addi %parallel_loop3A_151, %parallel_loop3A_179 : i32
        %parallel_loop3A_181 = arith.index_cast %parallel_loop3A_180 : i32 to index
        %parallel_loop3A_182 = tpu.vector_load %arg9[%parallel_loop3A_181] {strides = array<i32>} : memref<4096xi32, #tpu.memory_space<vmem>>, vector<16xi32>,
        %parallel_loop3A_183 = arith.constant 128 : i32
        %parallel_loop3A_184 = arith.addi %parallel_loop3A_151, %parallel_loop3A_183 : i32
        %parallel_loop3A_185 = arith.constant 16 : i32
        %parallel_loop3A_186 = arith.addi %parallel_loop3A_184, %parallel_loop3A_185 : i32
        %parallel_loop3A_187 = arith.index_cast %parallel_loop3A_186 : i32 to index
        %parallel_loop3A_188 = tpu.vector_load %arg9[%parallel_loop3A_187] {strides = array<i32>} : memref<4096xi32, #tpu.memory_space<vmem>>, vector<16xi32>,
        %parallel_loop3A_189 = tpu.vector_load_idx %arg8[%parallel_loop3A_182] : memref<100000xf32, #tpu.memory_space<vmem>>[vector<16xi32>], vector<16xf32>,
        %parallel_loop3A_190 = tpu.vector_load_idx %arg8[%parallel_loop3A_188] : memref<100000xf32, #tpu.memory_space<vmem>>[vector<16xi32>], vector<16xf32>,
        %parallel_loop3A_191 = arith.constant 16 : i32
        %parallel_loop3A_192 = arith.addi %parallel_loop3A_153, %parallel_loop3A_191 : i32
        %parallel_loop3A_193 = arith.index_cast %parallel_loop3A_192 : i32 to index
        %parallel_loop3A_194 = tpu.vector_load %arg12[%parallel_loop3A_193] {strides = array<i32>} : memref<2048xf32, #tpu.memory_space<vmem>>, vector<16xf32>,
        %parallel_loop3A_195 = arith.addf %parallel_loop3A_189, %parallel_loop3A_190 : vector<16xf32>
        %parallel_loop3A_196 = arith.constant 5.000000e-01 : f32
        %parallel_loop3A_197 = vector.broadcast %parallel_loop3A_196 : f32 to vector<16xf32>
        %parallel_loop3A_198 = arith.mulf %parallel_loop3A_195, %parallel_loop3A_197 : vector<16xf32>
        %parallel_loop3A_199 = arith.divf %parallel_loop3A_198, %parallel_loop3A_194 : vector<16xf32>
        %parallel_loop3A_200 = arith.constant 16 : i32
        %parallel_loop3A_201 = arith.addi %parallel_loop3A_153, %parallel_loop3A_200 : i32
        %parallel_loop3A_202 = arith.index_cast %parallel_loop3A_201 : i32 to index
        %parallel_loop3A_203 = tpu.vector_load %arg15[%parallel_loop3A_202] {strides = array<i32>} : memref<2048xf32, #tpu.memory_space<vmem>>, vector<16xf32>,
        tpu.vector_store %arg15[%parallel_loop3A_202], %parallel_loop3A_199 {strides = array<i32>} : memref<2048xf32, #tpu.memory_space<vmem>>, vector<16xf32>,
        %parallel_loop3A_204 = arith.constant 32 : i32
        %parallel_loop3A_205 = arith.addi %parallel_loop3A_151, %parallel_loop3A_204 : i32
        %parallel_loop3A_206 = arith.index_cast %parallel_loop3A_205 : i32 to index
        %parallel_loop3A_207 = tpu.vector_load %arg9[%parallel_loop3A_206] {strides = array<i32>} : memref<4096xi32, #tpu.memory_space<vmem>>, vector<16xi32>,
        %parallel_loop3A_208 = arith.constant 128 : i32
        %parallel_loop3A_209 = arith.addi %parallel_loop3A_151, %parallel_loop3A_208 : i32
        %parallel_loop3A_210 = arith.constant 32 : i32
        %parallel_loop3A_211 = arith.addi %parallel_loop3A_209, %parallel_loop3A_210 : i32
        %parallel_loop3A_212 = arith.index_cast %parallel_loop3A_211 : i32 to index
        %parallel_loop3A_213 = tpu.vector_load %arg9[%parallel_loop3A_212] {strides = array<i32>} : memref<4096xi32, #tpu.memory_space<vmem>>, vector<16xi32>,
        %parallel_loop3A_214 = tpu.vector_load_idx %arg8[%parallel_loop3A_207] : memref<100000xf32, #tpu.memory_space<vmem>>[vector<16xi32>], vector<16xf32>,
        %parallel_loop3A_215 = tpu.vector_load_idx %arg8[%parallel_loop3A_213] : memref<100000xf32, #tpu.memory_space<vmem>>[vector<16xi32>], vector<16xf32>,
        %parallel_loop3A_216 = arith.constant 32 : i32
        %parallel_loop3A_217 = arith.addi %parallel_loop3A_153, %parallel_loop3A_216 : i32
        %parallel_loop3A_218 = arith.index_cast %parallel_loop3A_217 : i32 to index
        %parallel_loop3A_219 = tpu.vector_load %arg12[%parallel_loop3A_218] {strides = array<i32>} : memref<2048xf32, #tpu.memory_space<vmem>>, vector<16xf32>,
        %parallel_loop3A_220 = arith.addf %parallel_loop3A_214, %parallel_loop3A_215 : vector<16xf32>
        %parallel_loop3A_221 = arith.constant 5.000000e-01 : f32
        %parallel_loop3A_222 = vector.broadcast %parallel_loop3A_221 : f32 to vector<16xf32>
        %parallel_loop3A_223 = arith.mulf %parallel_loop3A_220, %parallel_loop3A_222 : vector<16xf32>
        %parallel_loop3A_224 = arith.divf %parallel_loop3A_223, %parallel_loop3A_219 : vector<16xf32>
        %parallel_loop3A_225 = arith.constant 32 : i32
        %parallel_loop3A_226 = arith.addi %parallel_loop3A_153, %parallel_loop3A_225 : i32
        %parallel_loop3A_227 = arith.index_cast %parallel_loop3A_226 : i32 to index
        %parallel_loop3A_228 = tpu.vector_load %arg15[%parallel_loop3A_227] {strides = array<i32>} : memref<2048xf32, #tpu.memory_space<vmem>>, vector<16xf32>,
        tpu.vector_store %arg15[%parallel_loop3A_227], %parallel_loop3A_224 {strides = array<i32>} : memref<2048xf32, #tpu.memory_space<vmem>>, vector<16xf32>,
        %parallel_loop3A_229 = arith.constant 48 : i32
        %parallel_loop3A_230 = arith.addi %parallel_loop3A_151, %parallel_loop3A_229 : i32
        %parallel_loop3A_231 = arith.index_cast %parallel_loop3A_230 : i32 to index
        %parallel_loop3A_232 = tpu.vector_load %arg9[%parallel_loop3A_231] {strides = array<i32>} : memref<4096xi32, #tpu.memory_space<vmem>>, vector<16xi32>,
        %parallel_loop3A_233 = arith.constant 128 : i32
        %parallel_loop3A_234 = arith.addi %parallel_loop3A_151, %parallel_loop3A_233 : i32
        %parallel_loop3A_235 = arith.constant 48 : i32
        %parallel_loop3A_236 = arith.addi %parallel_loop3A_234, %parallel_loop3A_235 : i32
        %parallel_loop3A_237 = arith.index_cast %parallel_loop3A_236 : i32 to index
        %parallel_loop3A_238 = tpu.vector_load %arg9[%parallel_loop3A_237] {strides = array<i32>} : memref<4096xi32, #tpu.memory_space<vmem>>, vector<16xi32>,
        %parallel_loop3A_239 = tpu.vector_load_idx %arg8[%parallel_loop3A_232] : memref<100000xf32, #tpu.memory_space<vmem>>[vector<16xi32>], vector<16xf32>,
        %parallel_loop3A_240 = tpu.vector_load_idx %arg8[%parallel_loop3A_238] : memref<100000xf32, #tpu.memory_space<vmem>>[vector<16xi32>], vector<16xf32>,
        %parallel_loop3A_241 = arith.constant 48 : i32
        %parallel_loop3A_242 = arith.addi %parallel_loop3A_153, %parallel_loop3A_241 : i32
        %parallel_loop3A_243 = arith.index_cast %parallel_loop3A_242 : i32 to index
        %parallel_loop3A_244 = tpu.vector_load %arg12[%parallel_loop3A_243] {strides = array<i32>} : memref<2048xf32, #tpu.memory_space<vmem>>, vector<16xf32>,
        %parallel_loop3A_245 = arith.addf %parallel_loop3A_239, %parallel_loop3A_240 : vector<16xf32>
        %parallel_loop3A_246 = arith.constant 5.000000e-01 : f32
        %parallel_loop3A_247 = vector.broadcast %parallel_loop3A_246 : f32 to vector<16xf32>
        %parallel_loop3A_248 = arith.mulf %parallel_loop3A_245, %parallel_loop3A_247 : vector<16xf32>
        %parallel_loop3A_249 = arith.divf %parallel_loop3A_248, %parallel_loop3A_244 : vector<16xf32>
        %parallel_loop3A_250 = arith.constant 48 : i32
        %parallel_loop3A_251 = arith.addi %parallel_loop3A_153, %parallel_loop3A_250 : i32
        %parallel_loop3A_252 = arith.index_cast %parallel_loop3A_251 : i32 to index
        %parallel_loop3A_253 = tpu.vector_load %arg15[%parallel_loop3A_252] {strides = array<i32>} : memref<2048xf32, #tpu.memory_space<vmem>>, vector<16xf32>,
        tpu.vector_store %arg15[%parallel_loop3A_252], %parallel_loop3A_249 {strides = array<i32>} : memref<2048xf32, #tpu.memory_space<vmem>>, vector<16xf32>,
        %parallel_loop3A_254 = arith.constant 64 : i32
        %parallel_loop3A_255 = arith.addi %parallel_loop3A_151, %parallel_loop3A_254 : i32
        %parallel_loop3A_256 = arith.index_cast %parallel_loop3A_255 : i32 to index
        %parallel_loop3A_257 = tpu.vector_load %arg9[%parallel_loop3A_256] {strides = array<i32>} : memref<4096xi32, #tpu.memory_space<vmem>>, vector<16xi32>,
        %parallel_loop3A_258 = arith.constant 128 : i32
        %parallel_loop3A_259 = arith.addi %parallel_loop3A_151, %parallel_loop3A_258 : i32
        %parallel_loop3A_260 = arith.constant 64 : i32
        %parallel_loop3A_261 = arith.addi %parallel_loop3A_259, %parallel_loop3A_260 : i32
        %parallel_loop3A_262 = arith.index_cast %parallel_loop3A_261 : i32 to index
        %parallel_loop3A_263 = tpu.vector_load %arg9[%parallel_loop3A_262] {strides = array<i32>} : memref<4096xi32, #tpu.memory_space<vmem>>, vector<16xi32>,
        %parallel_loop3A_264 = tpu.vector_load_idx %arg8[%parallel_loop3A_257] : memref<100000xf32, #tpu.memory_space<vmem>>[vector<16xi32>], vector<16xf32>,
        %parallel_loop3A_265 = tpu.vector_load_idx %arg8[%parallel_loop3A_263] : memref<100000xf32, #tpu.memory_space<vmem>>[vector<16xi32>], vector<16xf32>,
        %parallel_loop3A_266 = arith.constant 64 : i32
        %parallel_loop3A_267 = arith.addi %parallel_loop3A_153, %parallel_loop3A_266 : i32
        %parallel_loop3A_268 = arith.index_cast %parallel_loop3A_267 : i32 to index
        %parallel_loop3A_269 = tpu.vector_load %arg12[%parallel_loop3A_268] {strides = array<i32>} : memref<2048xf32, #tpu.memory_space<vmem>>, vector<16xf32>,
        %parallel_loop3A_270 = arith.addf %parallel_loop3A_264, %parallel_loop3A_265 : vector<16xf32>
        %parallel_loop3A_271 = arith.constant 5.000000e-01 : f32
        %parallel_loop3A_272 = vector.broadcast %parallel_loop3A_271 : f32 to vector<16xf32>
        %parallel_loop3A_273 = arith.mulf %parallel_loop3A_270, %parallel_loop3A_272 : vector<16xf32>
        %parallel_loop3A_274 = arith.divf %parallel_loop3A_273, %parallel_loop3A_269 : vector<16xf32>
        %parallel_loop3A_275 = arith.constant 64 : i32
        %parallel_loop3A_276 = arith.addi %parallel_loop3A_153, %parallel_loop3A_275 : i32
        %parallel_loop3A_277 = arith.index_cast %parallel_loop3A_276 : i32 to index
        %parallel_loop3A_278 = tpu.vector_load %arg15[%parallel_loop3A_277] {strides = array<i32>} : memref<2048xf32, #tpu.memory_space<vmem>>, vector<16xf32>,
        tpu.vector_store %arg15[%parallel_loop3A_277], %parallel_loop3A_274 {strides = array<i32>} : memref<2048xf32, #tpu.memory_space<vmem>>, vector<16xf32>,
        %parallel_loop3A_279 = arith.constant 80 : i32
        %parallel_loop3A_280 = arith.addi %parallel_loop3A_151, %parallel_loop3A_279 : i32
        %parallel_loop3A_281 = arith.index_cast %parallel_loop3A_280 : i32 to index
        %parallel_loop3A_282 = tpu.vector_load %arg9[%parallel_loop3A_281] {strides = array<i32>} : memref<4096xi32, #tpu.memory_space<vmem>>, vector<16xi32>,
        %parallel_loop3A_283 = arith.constant 128 : i32
        %parallel_loop3A_284 = arith.addi %parallel_loop3A_151, %parallel_loop3A_283 : i32
        %parallel_loop3A_285 = arith.constant 80 : i32
        %parallel_loop3A_286 = arith.addi %parallel_loop3A_284, %parallel_loop3A_285 : i32
        %parallel_loop3A_287 = arith.index_cast %parallel_loop3A_286 : i32 to index
        %parallel_loop3A_288 = tpu.vector_load %arg9[%parallel_loop3A_287] {strides = array<i32>} : memref<4096xi32, #tpu.memory_space<vmem>>, vector<16xi32>,
        %parallel_loop3A_289 = tpu.vector_load_idx %arg8[%parallel_loop3A_282] : memref<100000xf32, #tpu.memory_space<vmem>>[vector<16xi32>], vector<16xf32>,
        %parallel_loop3A_290 = tpu.vector_load_idx %arg8[%parallel_loop3A_288] : memref<100000xf32, #tpu.memory_space<vmem>>[vector<16xi32>], vector<16xf32>,
        %parallel_loop3A_291 = arith.constant 80 : i32
        %parallel_loop3A_292 = arith.addi %parallel_loop3A_153, %parallel_loop3A_291 : i32
        %parallel_loop3A_293 = arith.index_cast %parallel_loop3A_292 : i32 to index
        %parallel_loop3A_294 = tpu.vector_load %arg12[%parallel_loop3A_293] {strides = array<i32>} : memref<2048xf32, #tpu.memory_space<vmem>>, vector<16xf32>,
        %parallel_loop3A_295 = arith.addf %parallel_loop3A_289, %parallel_loop3A_290 : vector<16xf32>
        %parallel_loop3A_296 = arith.constant 5.000000e-01 : f32
        %parallel_loop3A_297 = vector.broadcast %parallel_loop3A_296 : f32 to vector<16xf32>
        %parallel_loop3A_298 = arith.mulf %parallel_loop3A_295, %parallel_loop3A_297 : vector<16xf32>
        %parallel_loop3A_299 = arith.divf %parallel_loop3A_298, %parallel_loop3A_294 : vector<16xf32>
        %parallel_loop3A_300 = arith.constant 80 : i32
        %parallel_loop3A_301 = arith.addi %parallel_loop3A_153, %parallel_loop3A_300 : i32
        %parallel_loop3A_302 = arith.index_cast %parallel_loop3A_301 : i32 to index
        %parallel_loop3A_303 = tpu.vector_load %arg15[%parallel_loop3A_302] {strides = array<i32>} : memref<2048xf32, #tpu.memory_space<vmem>>, vector<16xf32>,
        tpu.vector_store %arg15[%parallel_loop3A_302], %parallel_loop3A_299 {strides = array<i32>} : memref<2048xf32, #tpu.memory_space<vmem>>, vector<16xf32>,
        %parallel_loop3A_304 = arith.constant 96 : i32
        %parallel_loop3A_305 = arith.addi %parallel_loop3A_151, %parallel_loop3A_304 : i32
        %parallel_loop3A_306 = arith.index_cast %parallel_loop3A_305 : i32 to index
        %parallel_loop3A_307 = tpu.vector_load %arg9[%parallel_loop3A_306] {strides = array<i32>} : memref<4096xi32, #tpu.memory_space<vmem>>, vector<16xi32>,
        %parallel_loop3A_308 = arith.constant 128 : i32
        %parallel_loop3A_309 = arith.addi %parallel_loop3A_151, %parallel_loop3A_308 : i32
        %parallel_loop3A_310 = arith.constant 96 : i32
        %parallel_loop3A_311 = arith.addi %parallel_loop3A_309, %parallel_loop3A_310 : i32
        %parallel_loop3A_312 = arith.index_cast %parallel_loop3A_311 : i32 to index
        %parallel_loop3A_313 = tpu.vector_load %arg9[%parallel_loop3A_312] {strides = array<i32>} : memref<4096xi32, #tpu.memory_space<vmem>>, vector<16xi32>,
        %parallel_loop3A_314 = tpu.vector_load_idx %arg8[%parallel_loop3A_307] : memref<100000xf32, #tpu.memory_space<vmem>>[vector<16xi32>], vector<16xf32>,
        %parallel_loop3A_315 = tpu.vector_load_idx %arg8[%parallel_loop3A_313] : memref<100000xf32, #tpu.memory_space<vmem>>[vector<16xi32>], vector<16xf32>,
        %parallel_loop3A_316 = arith.constant 96 : i32
        %parallel_loop3A_317 = arith.addi %parallel_loop3A_153, %parallel_loop3A_316 : i32
        %parallel_loop3A_318 = arith.index_cast %parallel_loop3A_317 : i32 to index
        %parallel_loop3A_319 = tpu.vector_load %arg12[%parallel_loop3A_318] {strides = array<i32>} : memref<2048xf32, #tpu.memory_space<vmem>>, vector<16xf32>,
        %parallel_loop3A_320 = arith.addf %parallel_loop3A_314, %parallel_loop3A_315 : vector<16xf32>
        %parallel_loop3A_321 = arith.constant 5.000000e-01 : f32
        %parallel_loop3A_322 = vector.broadcast %parallel_loop3A_321 : f32 to vector<16xf32>
        %parallel_loop3A_323 = arith.mulf %parallel_loop3A_320, %parallel_loop3A_322 : vector<16xf32>
        %parallel_loop3A_324 = arith.divf %parallel_loop3A_323, %parallel_loop3A_319 : vector<16xf32>
        %parallel_loop3A_325 = arith.constant 96 : i32
        %parallel_loop3A_326 = arith.addi %parallel_loop3A_153, %parallel_loop3A_325 : i32
        %parallel_loop3A_327 = arith.index_cast %parallel_loop3A_326 : i32 to index
        %parallel_loop3A_328 = tpu.vector_load %arg15[%parallel_loop3A_327] {strides = array<i32>} : memref<2048xf32, #tpu.memory_space<vmem>>, vector<16xf32>,
        tpu.vector_store %arg15[%parallel_loop3A_327], %parallel_loop3A_324 {strides = array<i32>} : memref<2048xf32, #tpu.memory_space<vmem>>, vector<16xf32>,
        %parallel_loop3A_329 = arith.constant 112 : i32
        %parallel_loop3A_330 = arith.addi %parallel_loop3A_151, %parallel_loop3A_329 : i32
        %parallel_loop3A_331 = arith.index_cast %parallel_loop3A_330 : i32 to index
        %parallel_loop3A_332 = tpu.vector_load %arg9[%parallel_loop3A_331] {strides = array<i32>} : memref<4096xi32, #tpu.memory_space<vmem>>, vector<16xi32>,
        %parallel_loop3A_333 = arith.constant 128 : i32
        %parallel_loop3A_334 = arith.addi %parallel_loop3A_151, %parallel_loop3A_333 : i32
        %parallel_loop3A_335 = arith.constant 112 : i32
        %parallel_loop3A_336 = arith.addi %parallel_loop3A_334, %parallel_loop3A_335 : i32
        %parallel_loop3A_337 = arith.index_cast %parallel_loop3A_336 : i32 to index
        %parallel_loop3A_338 = tpu.vector_load %arg9[%parallel_loop3A_337] {strides = array<i32>} : memref<4096xi32, #tpu.memory_space<vmem>>, vector<16xi32>,
        %parallel_loop3A_339 = tpu.vector_load_idx %arg8[%parallel_loop3A_332] : memref<100000xf32, #tpu.memory_space<vmem>>[vector<16xi32>], vector<16xf32>,
        %parallel_loop3A_340 = tpu.vector_load_idx %arg8[%parallel_loop3A_338] : memref<100000xf32, #tpu.memory_space<vmem>>[vector<16xi32>], vector<16xf32>,
        %parallel_loop3A_341 = arith.constant 112 : i32
        %parallel_loop3A_342 = arith.addi %parallel_loop3A_153, %parallel_loop3A_341 : i32
        %parallel_loop3A_343 = arith.index_cast %parallel_loop3A_342 : i32 to index
        %parallel_loop3A_344 = tpu.vector_load %arg12[%parallel_loop3A_343] {strides = array<i32>} : memref<2048xf32, #tpu.memory_space<vmem>>, vector<16xf32>,
        %parallel_loop3A_345 = arith.addf %parallel_loop3A_339, %parallel_loop3A_340 : vector<16xf32>
        %parallel_loop3A_346 = arith.constant 5.000000e-01 : f32
        %parallel_loop3A_347 = vector.broadcast %parallel_loop3A_346 : f32 to vector<16xf32>
        %parallel_loop3A_348 = arith.mulf %parallel_loop3A_345, %parallel_loop3A_347 : vector<16xf32>
        %parallel_loop3A_349 = arith.divf %parallel_loop3A_348, %parallel_loop3A_344 : vector<16xf32>
        %parallel_loop3A_350 = arith.constant 112 : i32
        %parallel_loop3A_351 = arith.addi %parallel_loop3A_153, %parallel_loop3A_350 : i32
        %parallel_loop3A_352 = arith.index_cast %parallel_loop3A_351 : i32 to index
        %parallel_loop3A_353 = tpu.vector_load %arg15[%parallel_loop3A_352] {strides = array<i32>} : memref<2048xf32, #tpu.memory_space<vmem>>, vector<16xf32>,
        tpu.vector_store %arg15[%parallel_loop3A_352], %parallel_loop3A_349 {strides = array<i32>} : memref<2048xf32, #tpu.memory_space<vmem>>, vector<16xf32>,
      } {sc.loop_unroll_factor = 2 : i64, sc.parallel_access}
      %mul3A_147 = arith.constant 128 : i32
      %mul3A_148 = arith.muli %add3A_137, %mul3A_147 : i32
      "tpu.region"() ({
        %run_scoped3A = tpu.sem_alloc : memref<!tpu.dma_semaphore, #tpu.memory_space<semaphore_mem>>
        %dma_start3A_149 = arith.constant 0 : i32
        %dma_start3A_150 = tpu.memref_slice %arg15[%dma_start3A_149] : memref<2048xf32, #tpu.memory_space<vmem>> -> memref<128xf32, #tpu.memory_space<vmem>>
        %dma_start3A_151 = tpu.memref_slice %arg6[%mul3A_148] : memref<6400000xf32, #tpu.memory_space<hbm>> -> memref<128xf32, #tpu.memory_space<hbm>>
        %dma_start3A_152 = tpu.memref_slice %arg6[%mul3A_148] : memref<6400000xf32, #tpu.memory_space<hbm>> -> memref<128xf32, #tpu.memory_space<hbm>>
        %dma_start3A_153 = arith.constant 0 : i32
        %dma_start3A_154 = tpu.memref_slice %arg15[%dma_start3A_153] : memref<2048xf32, #tpu.memory_space<vmem>> -> memref<128xf32, #tpu.memory_space<vmem>>
        tpu.enqueue_dma source(%dma_start3A_154 : memref<128xf32, #tpu.memory_space<vmem>>) target(%dma_start3A_152 : memref<128xf32, #tpu.memory_space<hbm>>) target_semaphore(%run_scoped3A : memref<!tpu.dma_semaphore, #tpu.memory_space<semaphore_mem>>)
        %dma_wait3A_155 = arith.constant 0 : i32
        %dma_wait3A_156 = tpu.memref_slice %arg15[%dma_wait3A_155] : memref<2048xf32, #tpu.memory_space<vmem>> -> memref<128xf32, #tpu.memory_space<vmem>>
        %dma_wait3A_157 = tpu.memref_slice %arg6[%mul3A_148] : memref<6400000xf32, #tpu.memory_space<hbm>> -> memref<128xf32, #tpu.memory_space<hbm>>
        %dma_wait3A_158 = tpu.memref_slice %arg6[%mul3A_148] : memref<6400000xf32, #tpu.memory_space<hbm>> -> memref<128xf32, #tpu.memory_space<hbm>>
        %dma_wait3A_159 = arith.constant 0 : i32
        %dma_wait3A_160 = tpu.memref_slice %arg15[%dma_wait3A_159] : memref<2048xf32, #tpu.memory_space<vmem>> -> memref<128xf32, #tpu.memory_space<vmem>>
        tpu.wait_dma2 semaphore(%run_scoped3A : memref<!tpu.dma_semaphore, #tpu.memory_space<semaphore_mem>>) src(%dma_wait3A_160 : memref<128xf32, #tpu.memory_space<vmem>>) dst(%dma_wait3A_158 : memref<128xf32, #tpu.memory_space<hbm>>)
        tpu.yield
      }) : () -> ()
    } else {
    }
    return
  }
}

</mosaic_0001>

<sc_bundles>
// kernel: kernel.3.cloned.1.call-start
scs
__scs_entry_jumppad:
0x0: {  	(pc) =	sbr.rel $0x88, $3  }
0x1: {  	(tag) =	ssettag $0x0;
	lr =	simm.s32 $0x1  }
0x2: {  	[smem:$0x3F9D] =	sst lr;
	_ =	strace $0xD0000000  }
0x3: {  	_ = 	snop  }
0x4: {  	_ = 	snop  }
0x5: {  	_ = 	snop  }
0x6: {  	_ = 	snop  }
0x7: {  	_ = 	snop  }
__scs_overlays_trampoline_lowered:
0x8: {  	[smem:$0x3FAC] =	sst s0  }
0x9: {  	[smem:$0x3FAD] =	sst s1  }
0xa: {  	[smem:$0x3FAE] =	sst s2  }
0xb: {  	[smem:$0x3FAF] =	sst s3  }
0xc: {  	[smem:$0x3FB0] =	sst s4  }
0xd: {  	[smem:$0x3FB1] =	sst s5  }
0xe: {  	[smem:$0x3FB2] =	sst s6  }
0xf: {  	[smem:$0x3FB3] =	sst s7  }
0x10: {  	[smem:$0x3FB4] =	sst s8  }
0x11: {  	[smem:$0x3FB5] =	sst s9;
	s0 =	simm.s32 @!p0 $0x0  }
0x12: {  	s1 =	sld [smem:$0x3F9B];
	s0 =	simm.s32 @p0 $0x1  }
0x13: {  	[smem:$0x3FB6] =	sst s0;
	s0 =	simm.s32 @!p1 $0x0  }
0x14: {  	s2 =	sld [smem:$0x3F9A];
	s0 =	simm.s32 @p1 $0x1  }
0x15: {  	[smem:$0x3FB7] =	sst s0;
	s0 =	simm.s32 @!p2 $0x0  }
0x16: {  	s3 =	sld [smem:$0x3FDB];
	s0 =	simm.s32 @p2 $0x1  }
0x17: {  	s4 =	simm.s32 $0x1BF5;
	[smem:$0x3FB9] =	sst s0  }
0x18: {  	s0 =	sld [smem:$0x3F9C];
	_ =	swait.ge [sflag:s4], $0x0  }
0x19: {  	s7 =	sld [smem:$0x3F9D]  }
0x1a: {  	s8 =	sadd.s32 $0xFFFFE003, lr  }
0x1b: {  	s9 =	sadd.s32 $0xFFFFFEF7, lr;
	s5 =	simm.s32 $0xFFFFFFFF;
	p2 =	slt.u32 s8, $0xFFFFF086  }
0x1c: {  	p1 =	slt.u32 s9, $0xF7A;
	s5 =	simm.s32 @!p2 $0x0  }
0x1d: {  	s5 =	simm.s32 @p1 $0x1;
	p0 =	seq.s32 s7, s2  }
0x1e: {  	s7 =	smul.u32 @!p0 $0xF7A, s2;
	p2 =	seq.s32 @!p0 s5, $0x0  }
0x1f: {  	s9 =	smul.u32 $0xF7A, s1;
	s8 =	simm.s32 @!p0 $0x1BF5;
	p2 =	por !p2, p0  }
0x20: {  	[sflag:s8] =	ssyncset.s32 @!p0 $0xFFFFF086;
	s6 =	sadd.s32 @!p0 s3, s7;
	s7 =	simm.s32 @!p0 $0x108  }
0x21: {  	s3 =	sadd.s32 s3, s9;
	s6 =	sadd.s32 @!p0 $0x88, s6;
	s7 =	simm.s32 @p2 $0x1082  }
0x22: {  	[simem:s7], [sflag:s8] =	dma.local @!p0 [hbm:s6], $0xF7A  }
0x23: {  	s9 =	sor.u32 $0xD0000000, s2;
	s6 =	simm.s32 $0x108;
	_ =	swait.ge @!p0 [sflag:s8], $0x0  }
0x24: {  	s3 =	sadd.s32 $0x88, s3;
	s6 =	simm.s32 @!p1 $0x1082;
	[sflag:s4] =	ssyncset.s32 $0xFFFFF086  }
0x25: {  	[simem:s6], [sflag:s4] =	dma.local [hbm:s3], $0xF7A  }
0x26: {  	[smem:$0x3F9D] =	sst s1;
	(tag) =	ssettag s2;
	_ =	strace s9  }
0x27: {  	s1 =	sld [smem:$0x3FAD]  }
0x28: {  	s2 =	sld [smem:$0x3FAE]  }
0x29: {  	s4 =	sld [smem:$0x3FB0]  }
0x2a: {  	p0 =	seq.s32 s5, $0x0;
	s5 =	sld [smem:$0x3FB1]  }
0x2b: {  	s6 =	sld [smem:$0x3FB2]  }
0x2c: {  	s7 =	sld [smem:$0x3FB3]  }
0x2d: {  	s3 =	simm.s32 $0x108;
	s8 =	sld [smem:$0x3FB4]  }
0x2e: {  	s3 =	simm.s32 @!p0 $0x1082;
	s9 =	sld [smem:$0x3FB5]  }
0x2f: {  	lr =	sadd.s32 s0, s3;
	s0 =	sld [smem:$0x3FAC]  }
0x30: {  	s3 =	sld [smem:$0x3FAF]  }
0x31: {  	[smem:$0x3FB8] =	sst s10  }
0x32: {  	s10 =	sld [smem:$0x3FB6];
	_ =	sdelay $0x3  }
0x33: {  	p0 =	seq.s32 s10, $0x1;
	s10 =	sld [smem:$0x3FB8];
	_ =	sdelay $0x3  }
0x34: {  	[smem:$0x3FB8] =	sst s10  }
0x35: {  	s10 =	sld [smem:$0x3FB7];
	_ =	sdelay $0x3  }
0x36: {  	p1 =	seq.s32 s10, $0x1;
	s10 =	sld [smem:$0x3FB8];
	_ =	sdelay $0x3  }
0x37: {  	[smem:$0x3FB8] =	sst s10  }
0x38: {  	s10 =	sld [smem:$0x3FB9]  }
0x39: {  	_ = 	snop;
	(pc) =	sbr.ind lr, $3  }
0x3a: {  	_ = 	snop  }
0x3b: {  	_ = 	snop  }
0x3c: {  	p2 =	seq.s32 s10, $0x1;
	s10 =	sld [smem:$0x3FB8]  }
0x3d: {  	_ =	shalt  }
0x3e: {  	_ =	shalt  }
0x3f: {  	_ =	shalt  }
0x40: {  	_ =	shalt  }
0x41: {  	_ =	shalt  }
0x42: {  	_ =	shalt  }
0x43: {  	_ =	shalt  }
0x44: {  	_ =	shalt  }
0x45: {  	_ =	shalt  }
0x46: {  	_ =	shalt  }
0x47: {  	_ =	shalt  }
0x48: {  	_ =	shalt  }
0x49: {  	_ =	shalt  }
0x4a: {  	_ =	shalt  }
0x4b: {  	_ =	shalt  }
0x4c: {  	_ =	shalt  }
0x4d: {  	_ =	shalt  }
0x4e: {  	_ =	shalt  }
0x4f: {  	_ =	shalt  }
0x50: {  	_ =	shalt  }
0x51: {  	_ =	shalt  }
0x52: {  	_ =	shalt  }
0x53: {  	_ =	shalt  }
0x54: {  	_ =	shalt  }
0x55: {  	_ =	shalt  }
0x56: {  	_ =	shalt  }
0x57: {  	_ =	shalt  }
0x58: {  	_ =	shalt  }
0x59: {  	_ =	shalt  }
0x5a: {  	_ =	shalt  }
0x5b: {  	_ =	shalt  }
0x5c: {  	_ =	shalt  }
0x5d: {  	_ =	shalt  }
0x5e: {  	_ =	shalt  }
0x5f: {  	_ =	shalt  }
0x60: {  	_ =	shalt  }
0x61: {  	_ =	shalt  }
0x62: {  	_ =	shalt  }
0x63: {  	_ =	shalt  }
0x64: {  	_ =	shalt  }
0x65: {  	_ =	shalt  }
0x66: {  	_ =	shalt  }
0x67: {  	_ =	shalt  }
0x68: {  	_ =	shalt  }
0x69: {  	_ =	shalt  }
0x6a: {  	_ =	shalt  }
0x6b: {  	_ =	shalt  }
0x6c: {  	_ =	shalt  }
0x6d: {  	_ =	shalt  }
0x6e: {  	_ =	shalt  }
0x6f: {  	_ =	shalt  }
0x70: {  	_ =	shalt  }
0x71: {  	_ =	shalt  }
0x72: {  	_ =	shalt  }
0x73: {  	_ =	shalt  }
0x74: {  	_ =	shalt  }
0x75: {  	_ =	shalt  }
0x76: {  	_ =	shalt  }
0x77: {  	_ =	shalt  }
0x78: {  	_ =	shalt  }
0x79: {  	_ =	shalt  }
0x7a: {  	_ =	shalt  }
0x7b: {  	_ =	shalt  }
0x7c: {  	_ =	shalt  }
0x7d: {  	_ =	shalt  }
0x7e: {  	_ =	shalt  }
0x7f: {  	_ =	shalt  }
0x80: {  	_ =	shalt  }
0x81: {  	_ =	shalt  }
0x82: {  	_ =	shalt  }
0x83: {  	_ =	shalt  }
0x84: {  	_ =	shalt  }
0x85: {  	_ =	shalt  }
0x86: {  	_ =	shalt  }
0x87: {  	_ =	shalt  }
.Lfunc_end0:
.L_simem_size_0:
called_computation_lowered:
.L_overlay_start_0:
0x88: {  	s2 =	sld [smem:$0x3FD9]  }
0x89: {  	s3 =	sld [smem:$0x3FFE];
	_ =	sdelay $0x1  }
0x8a: {  	s1 =	srdreg.scid  }
0x8b: {  	s0 =	sand.u32 $0x1, s1  }
0x8c: {  	s17 =	sshll.u32 s0, $0xA;
	s2 =	sadd.s32 s3, s2  }
0x8d: {  	s2 =	sadd.s32 s2, s17  }
0x8e: {  	[smem:$0x3FC4] =	sst s2  }
0x8f: {  	_ = 	snop  }
0x90: {  	s2 =	sld [smem:$0x3FC7]  }
0x91: {  	s18 =	sld [smem:$0x3FC6]  }
0x92: {  	s4 =	sld [smem:$0x3FD0];
	(tm) =	ssettm $0x1  }
0x93: {  	s5 =	sld [smem:$0x3FFB];
	_ =	sdelay $0x3  }
0x94: {  	_ =	strace s5  }
0x95: {  	s5 =	sld [smem:$0x3FFC];
	_ =	sdelay $0x3  }
0x96: {  	_ =	strace s5  }
0x97: {  	s5 =	sld [smem:$0x3FFD];
	_ =	sdelay $0x3  }
0x98: {  	_ =	strace s5  }
0x99: {  	_ =	strace $0x8FFFFFFF  }
0x9a: {  	s19 =	sld [smem:$0x3FDB];
	_ =	sdelay $0x1  }
0x9b: {  	s6 =	simm.s32 $_scs_section_size  }
0x9c: {  	s7 =	simm.s32 $_size__tile_overlayer_lowered;
	s8 =	simm.s32 $_tile_overlayer_lowered  }
0x9d: {  	s22 =	simm.s32 $0x1BFF;
	s21 =	sshll.u32 s8, $0x1;
	s5 =	sadd.s32 s6, s19  }
0x9e: {  	s9 =	simm.s32 $0x0;
	s20 =	sshll.u32 s7, $0x1;
	s7 =	sadd.s32 s21, s5  }
0x9f: {  	[timem:s9], [sflag:s22] =	dma.local [hbm:s7], s20  }
0xa0: {  	_ =	swait.ge [sflag:s22], s20  }
0xa1: {  	s6 =	ssub.s32 $0x0, s20;
	[sflag:s22] =	ssyncset.done $0x0  }
0xa2: {  	[sflag:s22] =	ssyncadd.s32 s6;
	_ =	sdelay $0x1  }
0xa3: {  	s23 =	simm.s32 $0x1B8B  }
0xa4: {  	_ =	swait.ge [sflag:s23], $0x1  }
0xa5: {  	[sflag:s23] =	ssyncset.done $0x0  }
0xa6: {  	s25 =	simm.s32 $0x1B8E;
	s24 =	sld [smem:$0x3FFE];
	[sflag:s23] =	ssyncadd.s32 $0xFFFFFFFF  }
0xa7: {  	s26 =	simm.s32 $execute0_lowered;
	[smem:$0x3FD2] =	sst s25  }
0xa8: {  	s7 =	sshll.u32 s26, $0x1;
	_ =	strace $0x80000046;
	[dreg:$0x1] =	wrdreg $0xFFFFFFFF  }
0xa9: {  	s28 =	simm.s32 $_size_execute0_lowered;
	s5 =	sadd.s32 s5, s7;
	[dreg:$0x0] =	wrdreg $0x0  }
0xaa: {  	s7 =	sshll.u32 s28, $0x1;
	[dreg:$0x2] =	wrdreg s5  }
0xab: {  	[dreg:$0x3] =	wrdreg s7  }
0xac: {  	[dreg:$0x4] =	wrdreg $0xC0  }
0xad: {  	_ =	task [dreg:s9], $0x5FFFF  }
0xae: {  	[dreg:$0x1] =	wrdreg $0xFFFFFFFF  }
0xaf: {  	[dreg:$0x0] =	wrdreg $0x60  }
0xb0: {  	[dreg:$0x2] =	wrdreg s24  }
0xb1: {  	[dreg:$0x3] =	wrdreg s2  }
0xb2: {  	[dreg:$0x4] =	wrdreg s18  }
0xb3: {  	[dreg:$0x5] =	wrdreg s4  }
0xb4: {  	[dreg:$0x6] =	wrdreg $0x1E7200  }
0xb5: {  	[dreg:$0x7] =	wrdreg $0x9  }
0xb6: {  	_ =	task.clear_ibuf [dreg:s9], $0x8FFFF;
	_ =	strace $0x90000046  }
0xb7: {  	s29 =	simm.s32 $0x9;
	_ =	strace $0x80000048  }
0xb8: {  	_ =	swait.ge [sflag:s29], $0x1  }
0xb9: {  	[sflag:s29] =	ssyncadd.s32 $0xFFFFFFFF  }
0xba: {  	_ =	strace $0x90000048  }
0xbb: {  	_ =	sfence  }
0xbc: {  	s30 =	sld [smem:$0x0];
	_ =	sdelay $0x2  }
0xbd: {  	s31 =	sshll.u32 s1, $0xD;
	s1 =	sshrl.u32 s1, $0x2  }
0xbe: {  	s3 =	sand.u32 $0x4000, s31;
	s1 =	sadd.s32 s1, s30  }
0xbf: {  	s0 =	sor.u32 s3, s0;
	s1 =	sshll.u32 s1, $0x11  }
0xc0: {  	s0 =	sor.u32 s1, s0  }
0xc1: {  	s0 =	sadd.s32 $0x8F2B, s0  }
0xc2: {  	[sflag:s0] =	ssyncadd.remote.s32 $0x1  }
0xc3: {  	_ =	sfence.sel $0xFFFF  }
0xc4: {  	[dreg:$0x0] =	wrdreg $0xFFFFFFFF;
	(pc) =	sbr.abs _section_cstart, $3  }
0xc5: {  	[dreg:$0x1] =	wrdreg $0xFFFFFFFF  }
0xc6: {  	_ =	task.clear_ibuf [dreg:s9], $0x2FFFF;
	_ =	strace $0x9FFFFFFF  }
0xc7: {  	(tm) =	ssettm $0x7FFFFFFF  }
tec
execute0_lowered:
.L_overlay_start_1:
0x0: {  	(tag) =	ssettag $0x1  }
0x1: {  	s0 =	rddreg [dreg:$0x0]  }
0x2: {  	s1 =	rddreg [dreg:$0x1]  }
0x3: {  	s2 =	rddreg [dreg:$0x2]  }
0x4: {  	s3 =	rddreg [dreg:$0x3]  }
0x5: {  	s15 =	rddreg [dreg:$0x4]  }
0x6: {  	s6 =	simm.s32 $0x0;
	s13 =	stileid.u32;
	s4 =	srdreg.scid  }
0x7: {  	[smem:$0x7FF] =	sst s6;
	s5 =	smul.u32 $0x187, s13;
	s7 =	sadd.s32 $0x3200, s0  }
0x8: {  	s4 =	sand.u32 $0x1, s4;
	s19 =	sshll.u32 s13, $0x1;
	p0 =	sgt.u32 s13, $0x7  }
0x9: {  	_ =	strace $0x80000047;
	[dreg:$0x6] =	wrdreg s7;
	s8 =	ssub.s32 $0x2, s4  }
0xa: {  	s4 =	sor.u32 s4, s19;
	s5 =	smin.u32 s5, $0x16E3;
	s20 =	sshrl.u32 s8, $0x1  }
0xb: {  	s10 =	smul.u32 $0x61A, s4;
	s4 =	smin.u32 s4, $0x10;
	s9 =	sshll.u32 s5, $0x4  }
0xc: {  	s7 =	ssub.s32 s8, s20;
	s5 =	sshll.u32 s5, $0x1;
	s21 =	sshrl.u32 s9, $0x3  }
0xd: {  	s8 =	sadd.s32 s4, s10;
	s11 =	sadd.s32 s0, s21;
	s0 =	sadd.s32 s0, s5  }
0xe: {  	s23 =	sshll.u32 s8, $0x5;
	s24 =	sshll.u32 s8, $0x4;
	s12 =	sadd.s32 $0x10, s8  }
0xf: {  	s14 =	sadd.s32 $0x20, s8;
	s18 =	sadd.s32 $0x61A, s8;
	[dreg:$0x7] =	wrdreg s0  }
0x10: {  	s22 =	sadd.s32 $0x200, s11;
	s0 =	sadd.s32 s1, s23;
	s25 =	sadd.s32 s2, s24  }
0x11: {  	s26 =	sshll.u32 s12, $0x5;
	s28 =	sshll.u32 s12, $0x4;
	[dreg:$0x8] =	wrdreg s22  }
0x12: {  	s29 =	sshll.u32 s14, $0x5;
	s10 =	sshll.u32 s14, $0x4;
	[dreg:$0x9] =	wrdreg s0  }
0x13: {  	s11 =	sadd.s32 $0x610, s8;
	s20 =	sshll.u32 s18, $0x5;
	[dreg:$0xa] =	wrdreg s25  }
0x14: {  	s4 =	sand.u32 $0x1FFFFFE0, s26;
	s30 =	sand.u32 $0x1FFFFFF0, s28;
	s31 =	sand.u32 $0x1FFFFFE0, s29  }
0x15: {  	s0 =	sadd.s32 s24, s3;
	s16 =	sshll.u32 s11, $0x5;
	s25 =	smax.u32 s7, $0x1  }
0x16: {  	s17 =	sshll.u32 s11, $0x4;
	s26 =	sadd.s32 $0x80, s9;
	[dreg:$0x16] =	wrdreg s25  }
0x17: {  	s28 =	sadd.s32 s9, s15;
	s29 =	sadd.s32 $0xA0, s9;
	[dreg:$0x17] =	wrdreg s26  }
0x18: {  	s11 =	simm.s32 $0x2;
	s15 =	simm.s32 $0x3;
	[dreg:$0x18] =	wrdreg s28  }
0x19: {  	s4 =	sadd.s32 s1, s4;
	s5 =	sadd.s32 s1, s31;
	[dreg:$0x19] =	wrdreg s29  }
0x1a: {  	s0 =	sadd.s32 $0x6000, s0;
	s19 =	sand.u32 $0x1FFFFFF0, s17;
	[dreg:$0xb] =	wrdreg s4  }
0x1b: {  	s31 =	sadd.s32 $0x18C0, s9;
	s25 =	simm.s32 $0x80;
	[dreg:$0xd] =	wrdreg s5  }
0x1c: {  	s4 =	sadd.s32 s2, s30;
	[dreg:$0xf] =	wrdreg s0;
	s0 =	sand.u32 $0x1FFFFFE0, s16  }
0x1d: {  	s5 =	sshll.u32 s18, $0x4;
	s21 =	sadd.s32 s2, s19;
	s30 =	sadd.s32 $0x10B0, s9  }
0x1e: {  	s9 =	simm.s32 $0x1;
	s16 =	simm.s32 $0x0;
	[dreg:$0xc] =	wrdreg s4  }
0x1f: {  	s4 =	sand.u32 $0x1FFFFFF0, s10;
	s0 =	sadd.s32 s1, s0;
	[dreg:$0x11] =	wrdreg s21  }
0x20: {  	s23 =	sand.u32 $0x1FFFFFF0, s5;
	[dreg:$0x1a] =	wrdreg s30;
	s5 =	sadd.s32 $0x50, s8  }
0x21: {  	s10 =	simm.s32 $0x1CF20;
	s4 =	sadd.s32 s2, s4;
	[dreg:$0x10] =	wrdreg s0  }
.Ltmp0:
0x22: {  	s0 =	sadd.s32 s3, s19;
	[dreg:$0xe] =	wrdreg s4;
	(pc) =	sbr.rel .LBB2_1-.Ltmp0, $4  }
0x23: {  	s24 =	sadd.s32 s2, s23;
	s4 =	sand.u32 $0x1FFFFFE0, s20;
	[dreg:$0x12] =	wrdreg s0  }
0x24: {  	[dreg:$0x14] =	wrdreg s24;
	s0 =	sadd.s32 s3, s23;
	s23 =	simm.s32 $0x7  }
0x25: {  	s24 =	simm.s32 $0x18720;
	s22 =	sadd.s32 s1, s4;
	[dreg:$0x15] =	wrdreg s0  }
0x26: {  	v0 =	vmov s31;
	s0 =	sadd.s32 $0x30, s8;
	s4 =	sadd.s32 $0x40, s8;
	[dreg:$0x13] =	wrdreg s22  }
.LBB2_21:
0x27: {  	s16 =	sadd.s32 $0x1, s16;
	s7 =	rddreg [dreg:$0x16]  }
0x28: {  	p1 =	sne.s32 s16, s7  }
.Ltmp1:
0x29: {  	_ = 	snop;
	(pc) =	sbr.rel @!p1 .LBB2_22-.Ltmp1, $1  }
0x2a: {  	_ =	sdelay $0x3  }
.LBB2_1:
0x2b: {  	[dreg:$0x1b] =	wrdreg s16  }
0x2c: {  	s7 =	rddreg [dreg:$0x6]  }
0x2d: {  	[tilespmem:s6], [sflag:$0x7] =	stream.linear.gather [hbm4b:s7+s6], $0x80, $0x38;
	[tilespmem:$0x1FF90] =	vst v63  }
0x2e: {  	_ =	swait.ge [sflag:s23], $0x80  }
0x2f: {  	[sflag:s23] =	ssyncset.done $0x0  }
0x30: {  	s29 =	rddreg [dreg:$0x7];
	[sflag:s23] =	ssyncadd.s32 $0xFFFFFF80  }
0x31: {  	[tilespmem:s24], [sflag:$0x7] =	stream.linear.gather [hbm4b:s29+s6], $0x1000, $0x38;
	[tilespmem:$0x1FF90] =	vst v63  }
0x32: {  	_ =	swait.ge [sflag:s23], $0x1000  }
0x33: {  	[sflag:s23] =	ssyncset.done $0x0  }
0x34: {  	s30 =	simm.s32 $0x18740;
	[sflag:s23] =	ssyncadd.s32 $0xFFFFF000  }
0x35: {  	v1 =	vld [tilespmem:s30+$0x10];
	_ =	sdelay $0x1  }
0x36: {  	v3 =	vld [tilespmem:s30+$0xFFFFFFE0]  }
0x37: {  	v4 =	vld [tilespmem:s30+$0xFFFFFFF0]  }
0x38: {  	s31 =	simm.s32 $0x18780;
	v8 =	vld [tilespmem:s30+$0x0]  }
0x39: {  	v9 =	vld [tilespmem:s31+$0x10]  }
0x3a: {  	v2 =	vld [tilespmem:s31+$0xFFFFFFF0]  }
0x3b: {  	v7 =	vld [tilespmem:s31+$0xFFFFFFE0]  }
0x3c: {  	v10 =	vld.idx.msk [tilespmem:v1+s6+$0x0], $0xffff  }
0x3d: {  	v1 =	vld [tilespmem:s31+$0x0]  }
0x3e: {  	v6 =	vld.idx.msk [tilespmem:v3+s6+$0x0], $0xffff  }
0x3f: {  	v5 =	vld.idx.msk [tilespmem:v4+s6+$0x0], $0xffff  }
0x40: {  	s7 =	rddreg [dreg:$0x19];
	v3 =	vld.idx.msk [tilespmem:v8+s6+$0x0], $0xffff  }
0x41: {  	s13 =	simm.s32 $0x4;
	s16 =	simm.s32 $0x187C0;
	v4 =	vld.idx.msk [tilespmem:v9+s6+$0x0], $0xffff;
	[tilespmem:s7+$0x10] =	vst v10  }
.LBB2_2:
0x42: {  	v8 =	vld [tilespmem:s16+$0x10];
	s13 =	sadd.s32 $0x4, s13  }
0x43: {  	v9 =	vld [tilespmem:s16+$0xFFFFFFF0];
	p1 =	slt.u32 s13, $0xFC;
	[tilespmem:s7+$0xFFFFFFE0] =	vst v6  }
0x44: {  	v10 =	vld [tilespmem:s16+$0x0];
	[tilespmem:s7+$0xFFFFFFF0] =	vst v5  }
0x45: {  	v11 =	vld [tilespmem:s16+$0xFFFFFFE0];
	[tilespmem:s7+$0x0] =	vst v3  }
.Ltmp2:
0x46: {  	s7 =	sadd.s32 $0x40, s7;
	v6 =	vld.idx.msk [tilespmem:v7+s6+$0x0], $0xffff;
	(pc) =	sbr.rel @p1 .LBB2_2-.Ltmp2, $4  }
0x47: {  	v5 =	vld.idx.msk [tilespmem:v2+s6+$0x0], $0xffff;
	[tilespmem:s7+$0x10] =	vst v4  }
0x48: {  	v3 =	vld.idx.msk [tilespmem:v1+s6+$0x0], $0xffff;
	v2 =	vmov v9  }
0x49: {  	v1 =	vmov v10  }
0x4a: {  	s16 =	sadd.s32 $0x40, s16;
	v4 =	vld.idx.msk [tilespmem:v8+s6+$0x0], $0xffff;
	v7 =	vmov v11  }
0x4b: {  	_ =	sdelay $0x3  }
0x4c: {  	v7 =	vld.idx.msk [tilespmem:v7+s6+$0x0], $0xffff  }
0x4d: {  	[tilespmem:s7+$0xFFFFFFE0] =	vst v6;
	v2 =	vld.idx.msk [tilespmem:v2+s6+$0x0], $0xffff  }
0x4e: {  	v1 =	vld.idx.msk [tilespmem:v1+s6+$0x0], $0xffff;
	[tilespmem:s7+$0xFFFFFFF0] =	vst v5  }
0x4f: {  	s30 =	sadd.s32 $0x40, s7;
	[tilespmem:s7+$0x0] =	vst v3  }
0x50: {  	[tilespmem:s30+$0x10] =	vst v4  }
0x51: {  	[tilespmem:s30+$0xFFFFFFE0] =	vst v7  }
0x52: {  	[tilespmem:s30+$0xFFFFFFF0] =	vst v2  }
0x53: {  	[tilespmem:s30+$0x0] =	vst v1  }
0x54: {  	s7 =	rddreg [dreg:$0x8]  }
0x55: {  	[tilespmem:s24], [sflag:$0x7] =	stream.linear.gather [hbm4b:s7+s6], $0x870, $0x38;
	[tilespmem:$0x1FF90] =	vst v63  }
0x56: {  	_ =	swait.ge [sflag:s23], $0x870  }
0x57: {  	[sflag:s23] =	ssyncset.done $0x0  }
0x58: {  	s31 =	simm.s32 $0x18740;
	[sflag:s23] =	ssyncadd.s32 $0xFFFFF790  }
0x59: {  	v1 =	vld [tilespmem:s31+$0x10];
	_ =	sdelay $0x1  }
0x5a: {  	v3 =	vld [tilespmem:s31+$0xFFFFFFE0]  }
0x5b: {  	v4 =	vld [tilespmem:s31+$0xFFFFFFF0]  }
0x5c: {  	s13 =	simm.s32 $0x18780;
	v8 =	vld [tilespmem:s31+$0x0]  }
0x5d: {  	v9 =	vld [tilespmem:s13+$0x10]  }
0x5e: {  	v2 =	vld [tilespmem:s13+$0xFFFFFFF0]  }
0x5f: {  	s7 =	simm.s32 $0x0;
	v7 =	vld [tilespmem:s13+$0xFFFFFFE0]  }
0x60: {  	v10 =	vld.idx.msk [tilespmem:v1+s7+$0x0], $0xffff  }
0x61: {  	v1 =	vld [tilespmem:s13+$0x0]  }
0x62: {  	v6 =	vld.idx.msk [tilespmem:v3+s7+$0x0], $0xffff  }
0x63: {  	v5 =	vld.idx.msk [tilespmem:v4+s7+$0x0], $0xffff  }
0x64: {  	v3 =	vld.idx.msk [tilespmem:v8+s7+$0x0], $0xffff;
	s13 =	rddreg [dreg:$0x1a]  }
0x65: {  	s16 =	simm.s32 $0x4;
	s17 =	simm.s32 $0x187C0;
	v4 =	vld.idx.msk [tilespmem:v9+s7+$0x0], $0xffff;
	[tilespmem:s13+$0x0] =	vst v10  }
.LBB2_4:
0x66: {  	v8 =	vld [tilespmem:s17+$0x10];
	s16 =	sadd.s32 $0x4, s16  }
0x67: {  	v9 =	vld [tilespmem:s17+$0xFFFFFFF0];
	p1 =	slt.u32 s16, $0x80;
	[tilespmem:s13+$0xFFFFFFD0] =	vst v6  }
0x68: {  	v10 =	vld [tilespmem:s17+$0x0];
	[tilespmem:s13+$0xFFFFFFE0] =	vst v5  }
0x69: {  	v11 =	vld [tilespmem:s17+$0xFFFFFFE0];
	[tilespmem:s13+$0xFFFFFFF0] =	vst v3  }
.Ltmp3:
0x6a: {  	s13 =	sadd.s32 $0x40, s13;
	v6 =	vld.idx.msk [tilespmem:v7+s7+$0x0], $0xffff;
	(pc) =	sbr.rel @p1 .LBB2_4-.Ltmp3, $4  }
0x6b: {  	v5 =	vld.idx.msk [tilespmem:v2+s7+$0x0], $0xffff;
	[tilespmem:s13+$0x0] =	vst v4  }
0x6c: {  	v3 =	vld.idx.msk [tilespmem:v1+s7+$0x0], $0xffff;
	v2 =	vmov v9  }
0x6d: {  	v1 =	vmov v10  }
0x6e: {  	s17 =	sadd.s32 $0x40, s17;
	v4 =	vld.idx.msk [tilespmem:v8+s7+$0x0], $0xffff;
	v7 =	vmov v11  }
0x6f: {  	_ =	sdelay $0x3  }
0x70: {  	v7 =	vld.idx.msk [tilespmem:v7+s7+$0x0], $0xffff  }
0x71: {  	[tilespmem:s13+$0xFFFFFFD0] =	vst v6;
	v2 =	vld.idx.msk [tilespmem:v2+s7+$0x0], $0xffff  }
0x72: {  	v1 =	vld.idx.msk [tilespmem:v1+s7+$0x0], $0xffff;
	[tilespmem:s13+$0xFFFFFFE0] =	vst v5  }
0x73: {  	s31 =	sadd.s32 $0x40, s13;
	[tilespmem:s13+$0xFFFFFFF0] =	vst v3  }
0x74: {  	[tilespmem:s31+$0x0] =	vst v4  }
0x75: {  	[tilespmem:s31+$0xFFFFFFD0] =	vst v7  }
0x76: {  	[tilespmem:s31+$0xFFFFFFE0] =	vst v2  }
0x77: {  	[tilespmem:s31+$0xFFFFFFF0] =	vst v1  }
.LBB2_6:
0x78: {  	s13 =	sshra.s32 s7, $0x2  }
0x79: {  	v1 =	vld [tilespmem:s13+$0x18F60];
	_ =	sdelay $0x7  }
0x7a: {  	p1 =	sne.s32 s7, $0x80;
	v1 =	vld.idx.msk [tilespmem:v1+s6+$0x0], $0xffff  }
.Ltmp4:
0x7b: {  	_ = 	snop;
	(pc) =	sbr.rel @p1 .LBB2_6-.Ltmp4, $2  }
0x7c: {  	_ =	sdelay $0x2  }
0x7d: {  	s7 =	sadd.s32 $0x40, s7;
	[tilespmem:v0+s13+$0x0 ss:$0x1] =	vst.idx.msk $0xffff, v1  }
0x7e: {  	s7 =	rddreg [dreg:$0x17]  }
0x7f: {  	s13 =	rddreg [dreg:$0x18]  }
0x80: {  	[spmem:s13] =	stream.linear.scatter [tilespmem:s7], [sflag:$0x7], $0x1870, $0x38;
	[tilespmem:$0x1FF90] =	vst v63  }
0x81: {  	_ =	swait.ge [sflag:s23], $0x1870  }
0x82: {  	[sflag:s23] =	ssyncset.done $0x0  }
0x83: {  	[sflag:s23] =	ssyncadd.s32 $0xFFFFE790  }
0x84: {  	[bflag:$0x0] =	sbarrier.arrive $0xFFFF  }
0x85: {  	s16 =	rddreg [dreg:$0x4]  }
0x86: {  	[tilespmem:s25], [sflag:$0x7] =	stream.linear.gather [spmem:s16], $0x186A0, $0x38;
	[tilespmem:$0x1FF90] =	vst v63  }
0x87: {  	_ =	swait.ge [sflag:s23], $0x186A0  }
0x88: {  	[sflag:s23] =	ssyncset.done $0x0  }
0x89: {  	s21 =	simm.s32 $0x0;
	s17 =	rddreg [dreg:$0x9];
	[sflag:s23] =	ssyncadd.s32 $0xFFFE7960  }
0x8a: {  	[tilespmem:s24], [sflag:$0x1] =	stream.linear.gather [hbm4b:s17+s21], $0x1000, $0x38;
	[tilespmem:$0x1FF90] =	vst v63  }
0x8b: {  	s19 =	simm.s32 $0x1B720;
	s18 =	rddreg [dreg:$0xa]  }
0x8c: {  	[tilespmem:s19], [sflag:$0x1] =	stream.linear.gather [hbm4b:s18+s21], $0x800, $0x38;
	[tilespmem:$0x1FF90] =	vst v63  }
0x8d: {  	s22 =	simm.s32 $0x19720;
	s20 =	rddreg [dreg:$0xb]  }
0x8e: {  	[tilespmem:s22], [sflag:$0x2] =	stream.linear.gather [hbm4b:s20+s21], $0x1000, $0x38;
	[tilespmem:$0x1FF90] =	vst v63  }
0x8f: {  	s26 =	simm.s32 $0x1BF20;
	s23 =	rddreg [dreg:$0xc]  }
0x90: {  	[tilespmem:s26], [sflag:$0x2] =	stream.linear.gather [hbm4b:s23+s21], $0x800, $0x38;
	[tilespmem:$0x1FF90] =	vst v63  }
0x91: {  	s29 =	simm.s32 $0x1A720;
	s28 =	rddreg [dreg:$0xd]  }
0x92: {  	[tilespmem:s29], [sflag:$0x3] =	stream.linear.gather [hbm4b:s28+s21], $0x1000, $0x38;
	[tilespmem:$0x1FF90] =	vst v63  }
0x93: {  	s31 =	simm.s32 $0x1C720;
	s30 =	rddreg [dreg:$0xe]  }
0x94: {  	[tilespmem:s31], [sflag:$0x3] =	stream.linear.gather [hbm4b:s30+s21], $0x800, $0x38;
	[tilespmem:$0x1FF90] =	vst v63  }
.LBB2_8:
0x95: {  	_ =	swait.ge [sflag:s9], $0x1000  }
0x96: {  	[sflag:s9] =	ssyncset.done $0x0  }
0x97: {  	[sflag:s9] =	ssyncadd.s32 $0xFFFFF000  }
0x98: {  	_ =	swait.ge [sflag:s9], $0x800  }
0x99: {  	p1 =	seq.s32 s21, $0x0;
	[sflag:s9] =	ssyncset.done $0x0  }
0x9a: {  	s7 =	simm.s32 @!p1 $0x4;
	[sflag:s9] =	ssyncadd.s32 $0xFFFFF800  }
0x9b: {  	_ =	swait.ge @!p1 [sflag:s7], $0x800  }
0x9c: {  	[sflag:s7] =	ssyncset.done @!p1 $0x0  }
0x9d: {  	s13 =	simm.s32 $0x18820;
	[sflag:s7] =	ssyncadd.s32 @!p1 $0xFFFFF800  }
0x9e: {  	v1 =	vld [tilespmem:s13+$0x0]  }
0x9f: {  	v2 =	vld [tilespmem:s13+$0x80]  }
0xa0: {  	s19 =	simm.s32 $0x1B7A0  }
0xa1: {  	v3 =	vld [tilespmem:s19+$0x0];
	_ =	sdelay $0x4  }
0xa2: {  	(erf) = vrcp.f32 v3;
	v1 =	vld.idx.msk [tilespmem:v1+s25+$0x0], $0xffff  }
0xa3: {  	v2 =	vld.idx.msk [tilespmem:v2+s25+$0x0], $0xffff;
	_ =	sdelay $0x4  }
0xa4: {  	v1 =	vadd.f32 v2, v1;
	_ =	sdelay $0x1  }
0xa5: {  	v3 =	vld [tilespmem:s13+$0xFFFFFF80];
	v1 =	vmul.f32 $5.000000000e-01, v1  }
0xa6: {  	v2 =	vpop (erf)  }
0xa7: {  	v1 =	vmul.f32 v2, v1;
	v2 =	vld [tilespmem:s13+$0xFFFFFF00];
	_ =	sdelay $0x1  }
0xa8: {  	s26 =	simm.s32 $0x1CFA0;
	v4 =	vld [tilespmem:s19+$0xFFFFFF80]  }
0xa9: {  	[tilespmem:s26+$0x0] =	vst v1  }
0xaa: {  	v1 =	vld [tilespmem:s13+$0x10]  }
0xab: {  	v5 =	vld [tilespmem:s13+$0x90]  }
0xac: {  	v3 =	vld.idx.msk [tilespmem:v3+s25+$0x0], $0xffff  }
0xad: {  	(erf) = vrcp.f32 v4;
	v6 =	vld [tilespmem:s19+$0x10]  }
0xae: {  	v2 =	vld.idx.msk [tilespmem:v2+s25+$0x0], $0xffff;
	_ =	sdelay $0x3  }
0xaf: {  	(erf) = vrcp.f32 v6;
	v1 =	vld.idx.msk [tilespmem:v1+s25+$0x0], $0xffff  }
0xb0: {  	v4 =	vld.idx.msk [tilespmem:v5+s25+$0x0], $0xffff;
	v2 =	vadd.f32 v3, v2;
	_ =	sdelay $0x1  }
0xb1: {  	v2 =	vmul.f32 $5.000000000e-01, v2  }
0xb2: {  	v3 =	vpop (erf)  }
0xb3: {  	v2 =	vmul.f32 v3, v2  }
0xb4: {  	v1 =	vadd.f32 v4, v1;
	_ =	sdelay $0x1  }
0xb5: {  	v1 =	vmul.f32 $5.000000000e-01, v1  }
0xb6: {  	[tilespmem:s26+$0xFFFFFF80] =	vst v2;
	v2 =	vpop (erf)  }
0xb7: {  	v3 =	vld [tilespmem:s13+$0xFFFFFF10];
	v1 =	vmul.f32 v2, v1  }
0xb8: {  	v4 =	vld [tilespmem:s19+$0xFFFFFF90]  }
0xb9: {  	v2 =	vld [tilespmem:s13+$0xFFFFFF90];
	[tilespmem:s26+$0x10] =	vst v1  }
0xba: {  	v1 =	vld [tilespmem:s13+$0x20]  }
0xbb: {  	v5 =	vld [tilespmem:s13+$0xA0];
	_ =	sdelay $0x1  }
0xbc: {  	v6 =	vld [tilespmem:s19+$0x20];
	_ =	sdelay $0x2  }
0xbd: {  	(erf) = vrcp.f32 v4;
	v3 =	vld.idx.msk [tilespmem:v3+s25+$0x0], $0xffff  }
0xbe: {  	v2 =	vld.idx.msk [tilespmem:v2+s25+$0x0], $0xffff  }
0xbf: {  	(erf) = vrcp.f32 v6;
	v1 =	vld.idx.msk [tilespmem:v1+s25+$0x0], $0xffff  }
0xc0: {  	v4 =	vld.idx.msk [tilespmem:v5+s25+$0x0], $0xffff;
	_ =	sdelay $0x2  }
0xc1: {  	v2 =	vadd.f32 v2, v3;
	_ =	sdelay $0x1  }
0xc2: {  	v2 =	vmul.f32 $5.000000000e-01, v2;
	v1 =	vadd.f32 v4, v1  }
0xc3: {  	v3 =	vpop (erf)  }
0xc4: {  	v2 =	vmul.f32 v3, v2;
	v1 =	vmul.f32 $5.000000000e-01, v1  }
0xc5: {  	v3 =	vpop (erf)  }
0xc6: {  	[tilespmem:s26+$0xFFFFFF90] =	vst v2;
	v1 =	vmul.f32 v3, v1  }
0xc7: {  	v2 =	vld [tilespmem:s13+$0xFFFFFF20]  }
0xc8: {  	v3 =	vld [tilespmem:s13+$0xFFFFFFA0];
	[tilespmem:s26+$0x20] =	vst v1  }
0xc9: {  	v1 =	vld [tilespmem:s13+$0x30]  }
0xca: {  	v4 =	vld [tilespmem:s13+$0xB0]  }
0xcb: {  	v5 =	vld [tilespmem:s19+$0xFFFFFFA0]  }
0xcc: {  	v6 =	vld [tilespmem:s19+$0x30];
	_ =	sdelay $0x2  }
0xcd: {  	s29 =	simm.s32 $0x18A20  }
0xce: {  	(erf) = vrcp.f32 v5;
	v5 =	vld [tilespmem:s29+$0x0]  }
0xcf: {  	(erf) = vrcp.f32 v6;
	v1 =	vld.idx.msk [tilespmem:v1+s25+$0x0], $0xffff  }
0xd0: {  	v4 =	vld.idx.msk [tilespmem:v4+s25+$0x0], $0xffff  }
0xd1: {  	v2 =	vld.idx.msk [tilespmem:v2+s25+$0x0], $0xffff  }
0xd2: {  	v3 =	vld.idx.msk [tilespmem:v3+s25+$0x0], $0xffff  }
0xd3: {  	v6 =	vld [tilespmem:s29+$0x80]  }
0xd4: {  	s28 =	simm.s32 $0x1B8A0  }
0xd5: {  	v7 =	vld [tilespmem:s28+$0x0];
	v1 =	vadd.f32 v4, v1  }
0xd6: {  	v8 =	vld [tilespmem:s29+$0xFFFFFF00]  }
0xd7: {  	v2 =	vadd.f32 v3, v2;
	v3 =	vpop (erf);
	v1 =	vmul.f32 $5.000000000e-01, v1  }
0xd8: {  	v10 =	vld [tilespmem:s28+$0xFFFFFF80];
	v9 =	vpop (erf)  }
0xd9: {  	v2 =	vmul.f32 $5.000000000e-01, v2;
	v4 =	vld [tilespmem:s29+$0xFFFFFF80];
	v1 =	vmul.f32 v9, v1  }
0xda: {  	v5 =	vld.idx.msk [tilespmem:v5+s25+$0x0], $0xffff;
	(erf) = vrcp.f32 v7  }
0xdb: {  	v2 =	vmul.f32 v3, v2;
	v3 =	vld.idx.msk [tilespmem:v6+s25+$0x0], $0xffff;
	[tilespmem:s26+$0x30] =	vst v1  }
0xdc: {  	v1 =	vld [tilespmem:s13+$0x40]  }
0xdd: {  	[tilespmem:s26+$0xFFFFFFA0] =	vst v2;
	v2 =	vld [tilespmem:s13+$0xC0]  }
0xde: {  	v8 =	vld.idx.msk [tilespmem:v8+s25+$0x0], $0xffff  }
0xdf: {  	v6 =	vld [tilespmem:s13+$0xFFFFFF30]  }
0xe0: {  	(erf) = vrcp.f32 v10;
	v3 =	vadd.f32 v3, v5;
	v7 =	vld [tilespmem:s19+$0x40]  }
0xe1: {  	v4 =	vld.idx.msk [tilespmem:v4+s25+$0x0], $0xffff  }
0xe2: {  	v9 =	vld [tilespmem:s19+$0xFFFFFFB0];
	v3 =	vmul.f32 $5.000000000e-01, v3  }
0xe3: {  	v5 =	vld [tilespmem:s13+$0xFFFFFFB0];
	v10 =	vpop (erf)  }
0xe4: {  	v3 =	vmul.f32 v10, v3;
	v1 =	vld.idx.msk [tilespmem:v1+s25+$0x0], $0xffff  }
0xe5: {  	s18 =	simm.s32 $0x1D0A0;
	(erf) = vrcp.f32 v7;
	v2 =	vld.idx.msk [tilespmem:v2+s25+$0x0], $0xffff  }
0xe6: {  	[tilespmem:s18+$0x0] =	vst v3;
	v3 =	vadd.f32 v4, v8;
	_ =	sdelay $0x1  }
0xe7: {  	v4 =	vld [tilespmem:s29+$0x10];
	v3 =	vmul.f32 $5.000000000e-01, v3  }
0xe8: {  	v8 =	vpop (erf);
	v7 =	vld [tilespmem:s29+$0x90]  }
0xe9: {  	v6 =	vld.idx.msk [tilespmem:v6+s25+$0x0], $0xffff;
	(erf) = vrcp.f32 v9;
	v1 =	vadd.f32 v2, v1;
	v2 =	vmul.f32 v8, v3  }
0xea: {  	v5 =	vld.idx.msk [tilespmem:v5+s25+$0x0], $0xffff  }
0xeb: {  	v3 =	vld [tilespmem:s28+$0x10]  }
0xec: {  	v1 =	vmul.f32 $5.000000000e-01, v1  }
0xed: {  	[tilespmem:s18+$0xFFFFFF80] =	vst v2;
	v2 =	vpop (erf)  }
0xee: {  	v8 =	vld [tilespmem:s29+$0xFFFFFF10];
	v1 =	vmul.f32 v2, v1  }
0xef: {  	v4 =	vld.idx.msk [tilespmem:v4+s25+$0x0], $0xffff;
	v2 =	vadd.f32 v5, v6  }
0xf0: {  	v5 =	vld.idx.msk [tilespmem:v7+s25+$0x0], $0xffff;
	(erf) = vrcp.f32 v3;
	[tilespmem:s26+$0x40] =	vst v1  }
0xf1: {  	v1 =	vmul.f32 $5.000000000e-01, v2;
	v2 =	vld [tilespmem:s13+$0x50]  }
0xf2: {  	v3 =	vpop (erf);
	v6 =	vld [tilespmem:s13+$0xD0]  }
0xf3: {  	v7 =	vld [tilespmem:s29+$0xFFFFFF90];
	v1 =	vmul.f32 v3, v1  }
0xf4: {  	v3 =	vld [tilespmem:s28+$0xFFFFFF90]  }
0xf5: {  	[tilespmem:s26+$0xFFFFFFB0] =	vst v1;
	v1 =	vld [tilespmem:s19+$0x50]  }
0xf6: {  	v4 =	vadd.f32 v5, v4;
	v5 =	vld.idx.msk [tilespmem:v8+s25+$0x0], $0xffff  }
0xf7: {  	v9 =	vld [tilespmem:s13+$0xFFFFFF40]  }
0xf8: {  	v4 =	vmul.f32 $5.000000000e-01, v4;
	v8 =	vld [tilespmem:s13+$0xFFFFFFC0]  }
0xf9: {  	(erf) = vrcp.f32 v3;
	v3 =	vpop (erf);
	v2 =	vld.idx.msk [tilespmem:v2+s25+$0x0], $0xffff  }
0xfa: {  	v3 =	vmul.f32 v3, v4;
	v4 =	vld.idx.msk [tilespmem:v6+s25+$0x0], $0xffff;
	(erf) = vrcp.f32 v1  }
0xfb: {  	v1 =	vld [tilespmem:s19+$0xFFFFFFC0]  }
0xfc: {  	v6 =	vld.idx.msk [tilespmem:v7+s25+$0x0], $0xffff;
	[tilespmem:s18+$0x10] =	vst v3  }
0xfd: {  	v3 =	vld [tilespmem:s29+$0x20]  }
0xfe: {  	v7 =	vld [tilespmem:s29+$0xA0]  }
0xff: {  	v9 =	vld.idx.msk [tilespmem:v9+s25+$0x0], $0xffff  }
0x100: {  	v2 =	vadd.f32 v4, v2;
	(erf) = vrcp.f32 v1;
	v1 =	vld [tilespmem:s28+$0x20]  }
0x101: {  	v4 =	vld.idx.msk [tilespmem:v8+s25+$0x0], $0xffff  }
0x102: {  	v5 =	vadd.f32 v6, v5;
	v6 =	vpop (erf);
	v2 =	vmul.f32 $5.000000000e-01, v2  }
0x103: {  	v8 =	vpop (erf)  }
0x104: {  	v5 =	vmul.f32 $5.000000000e-01, v5;
	v2 =	vmul.f32 v8, v2  }
0x105: {  	v3 =	vld.idx.msk [tilespmem:v3+s25+$0x0], $0xffff  }
0x106: {  	(erf) = vrcp.f32 v1;
	v1 =	vmul.f32 v6, v5;
	v5 =	vld.idx.msk [tilespmem:v7+s25+$0x0], $0xffff;
	v4 =	vadd.f32 v4, v9;
	[tilespmem:s26+$0x50] =	vst v2  }
0x107: {  	v2 =	vld [tilespmem:s13+$0x60]  }
0x108: {  	[tilespmem:s18+$0xFFFFFF90] =	vst v1;
	v1 =	vmul.f32 $5.000000000e-01, v4;
	v4 =	vld [tilespmem:s13+$0xE0]  }
0x109: {  	v6 =	vld [tilespmem:s29+$0xFFFFFF20]  }
0x10a: {  	v8 =	vld [tilespmem:s29+$0xFFFFFFA0]  }
0x10b: {  	s30 =	simm.s32 $0x18C20  }
0x10c: {  	v11 =	vld [tilespmem:s30+$0xFFFFFF80];
	v7 =	vpop (erf);
	v3 =	vadd.f32 v5, v3  }
0x10d: {  	v1 =	vmul.f32 v7, v1;
	v7 =	vld [tilespmem:s19+$0x60]  }
0x10e: {  	v5 =	vld [tilespmem:s28+$0xFFFFFFA0];
	v3 =	vmul.f32 $5.000000000e-01, v3  }
0x10f: {  	v10 =	vpop (erf);
	v2 =	vld.idx.msk [tilespmem:v2+s25+$0x0], $0xffff  }
0x110: {  	v3 =	vmul.f32 v10, v3;
	v4 =	vld.idx.msk [tilespmem:v4+s25+$0x0], $0xffff  }
0x111: {  	v6 =	vld.idx.msk [tilespmem:v6+s25+$0x0], $0xffff  }
0x112: {  	(erf) = vrcp.f32 v7;
	v8 =	vld.idx.msk [tilespmem:v8+s25+$0x0], $0xffff;
	[tilespmem:s18+$0x20] =	vst v3  }
0x113: {  	v3 =	vld [tilespmem:s29+$0x30]  }
0x114: {  	[tilespmem:s26+$0xFFFFFFC0] =	vst v1;
	(erf) = vrcp.f32 v5;
	v7 =	vld [tilespmem:s29+$0xB0]  }
0x115: {  	v5 =	vld [tilespmem:s19+$0xFFFFFFD0]  }
0x116: {  	v2 =	vadd.f32 v4, v2;
	v4 =	vld [tilespmem:s28+$0x30]  }
0x117: {  	v13 =	vld [tilespmem:s30+$0xFFFFFF00]  }
0x118: {  	v1 =	vld [tilespmem:s13+$0xFFFFFF50]  }
0x119: {  	v9 =	vld [tilespmem:s13+$0xFFFFFFD0]  }
0x11a: {  	(erf) = vrcp.f32 v5;
	v5 =	vadd.f32 v8, v6;
	v8 =	vld [tilespmem:s30+$0x0];
	v2 =	vmul.f32 $5.000000000e-01, v2  }
0x11b: {  	v10 =	vpop (erf);
	v3 =	vld.idx.msk [tilespmem:v3+s25+$0x0], $0xffff;
	(erf) = vrcp.f32 v4  }
0x11c: {  	v2 =	vmul.f32 v10, v2;
	v6 =	vld.idx.msk [tilespmem:v7+s25+$0x0], $0xffff;
	v4 =	vmul.f32 $5.000000000e-01, v5  }
0x11d: {  	v11 =	vld.idx.msk [tilespmem:v11+s25+$0x0], $0xffff;
	v7 =	vpop (erf)  }
0x11e: {  	[tilespmem:s26+$0x60] =	vst v2;
	v4 =	vmul.f32 v7, v4;
	v7 =	vld [tilespmem:s30+$0x80]  }
0x11f: {  	s31 =	simm.s32 $0x1B9A0;
	v10 =	vld [tilespmem:s19+$0x70]  }
0x120: {  	[tilespmem:s18+$0xFFFFFFA0] =	vst v4;
	v4 =	vld [tilespmem:s31+$0x0]  }
0x121: {  	v1 =	vld.idx.msk [tilespmem:v1+s25+$0x0], $0xffff;
	v3 =	vadd.f32 v6, v3  }
0x122: {  	v9 =	vld.idx.msk [tilespmem:v9+s25+$0x0], $0xffff  }
0x123: {  	v2 =	vld [tilespmem:s13+$0x70];
	v12 =	vpop (erf);
	v3 =	vmul.f32 $5.000000000e-01, v3  }
0x124: {  	v8 =	vld.idx.msk [tilespmem:v8+s25+$0x0], $0xffff;
	(erf) = vrcp.f32 v10;
	v14 =	vpop (erf)  }
0x125: {  	v6 =	vld [tilespmem:s29+$0xFFFFFF30];
	(erf) = vrcp.f32 v4;
	v3 =	vmul.f32 v14, v3  }
0x126: {  	v4 =	vld.idx.msk [tilespmem:v7+s25+$0x0], $0xffff  }
0x127: {  	v10 =	vld [tilespmem:s31+$0xFFFFFF80];
	[tilespmem:s18+$0x30] =	vst v3  }
0x128: {  	v7 =	vld [tilespmem:s29+$0x40]  }
0x129: {  	v50 =	vld [tilespmem:s29+$0xC0]  }
0x12a: {  	v5 =	vld [tilespmem:s13+$0xF0]  }
0x12b: {  	v15 =	vld [tilespmem:s28+$0x40];
	v4 =	vadd.f32 v4, v8  }
0x12c: {  	(erf) = vrcp.f32 v10;
	v8 =	vld [tilespmem:s29+$0xFFFFFFB0]  }
0x12d: {  	v10 =	vld.idx.msk [tilespmem:v13+s25+$0x0], $0xffff;
	v3 =	vpop (erf);
	v4 =	vmul.f32 $5.000000000e-01, v4  }
0x12e: {  	v1 =	vadd.f32 v9, v1;
	v9 =	vld [tilespmem:s28+$0xFFFFFFB0];
	v51 =	vpop (erf)  }
0x12f: {  	v6 =	vld.idx.msk [tilespmem:v6+s25+$0x0], $0xffff;
	v4 =	vmul.f32 v51, v4  }
0x130: {  	s23 =	simm.s32 $0x1D1A0;
	v1 =	vmul.f32 $5.000000000e-01, v1;
	v7 =	vld.idx.msk [tilespmem:v7+s25+$0x0], $0xffff  }
0x131: {  	(erf) = vrcp.f32 v15;
	v52 =	vld.idx.msk [tilespmem:v50+s25+$0x0], $0xffff;
	[tilespmem:s23+$0x0] =	vst v4  }
0x132: {  	v1 =	vmul.f32 v12, v1;
	v4 =	vadd.f32 v11, v10;
	v10 =	vld [tilespmem:s30+$0x10]  }
0x133: {  	(erf) = vrcp.f32 v9;
	v11 =	vld [tilespmem:s30+$0x90]  }
0x134: {  	[tilespmem:s26+$0xFFFFFFD0] =	vst v1;
	v1 =	vld.idx.msk [tilespmem:v8+s25+$0x0], $0xffff;
	v4 =	vmul.f32 $5.000000000e-01, v4  }
0x135: {  	v9 =	vld [tilespmem:s19+$0xFFFFFFE0];
	v8 =	vpop (erf)  }
0x136: {  	v53 =	vld [tilespmem:s13+$0xFFFFFF60];
	v4 =	vmul.f32 v8, v4  }
0x137: {  	v8 =	vld [tilespmem:s31+$0x10];
	v7 =	vadd.f32 v52, v7  }
0x138: {  	v54 =	vld [tilespmem:s13+$0xFFFFFFE0];
	[tilespmem:s23+$0xFFFFFF80] =	vst v4  }
0x139: {  	v7 =	vmul.f32 $5.000000000e-01, v7;
	v55 =	vld [tilespmem:s30+$0xFFFFFF10];
	v1 =	vadd.f32 v1, v6  }
0x13a: {  	v4 =	vpop (erf);
	(erf) = vrcp.f32 v9;
	v6 =	vld.idx.msk [tilespmem:v10+s25+$0x0], $0xffff  }
0x13b: {  	v4 =	vmul.f32 v4, v7;
	v7 =	vld.idx.msk [tilespmem:v11+s25+$0x0], $0xffff;
	v1 =	vmul.f32 $5.000000000e-01, v1  }
0x13c: {  	(erf) = vrcp.f32 v8;
	v8 =	vpop (erf);
	v10 =	vld [tilespmem:s30+$0xFFFFFF90]  }
0x13d: {  	[tilespmem:s18+$0x40] =	vst v4;
	v1 =	vmul.f32 v8, v1;
	v8 =	vld [tilespmem:s31+$0xFFFFFF90]  }
0x13e: {  	v4 =	vld [tilespmem:s29+$0x50]  }
0x13f: {  	v9 =	vld [tilespmem:s29+$0xD0]  }
0x140: {  	[tilespmem:s18+$0xFFFFFFB0] =	vst v1;
	v1 =	vld [tilespmem:s28+$0x50]  }
0x141: {  	v2 =	vld.idx.msk [tilespmem:v2+s25+$0x0], $0xffff  }
0x142: {  	v11 =	vld [tilespmem:s29+$0xFFFFFF40];
	v6 =	vadd.f32 v7, v6  }
0x143: {  	v56 =	vld [tilespmem:s29+$0xFFFFFFC0]  }
0x144: {  	v7 =	vld.idx.msk [tilespmem:v55+s25+$0x0], $0xffff;
	v6 =	vmul.f32 $5.000000000e-01, v6;
	v57 =	vpop (erf);
	(erf) = vrcp.f32 v8  }
0x145: {  	v8 =	vpop (erf);
	(erf) = vrcp.f32 v1;
	v1 =	vld [tilespmem:s28+$0xFFFFFFC0]  }
0x146: {  	v6 =	vmul.f32 v8, v6;
	v4 =	vld.idx.msk [tilespmem:v4+s25+$0x0], $0xffff  }
0x147: {  	v8 =	vld.idx.msk [tilespmem:v9+s25+$0x0], $0xffff  }
0x148: {  	v9 =	vld.idx.msk [tilespmem:v10+s25+$0x0], $0xffff;
	[tilespmem:s23+$0x10] =	vst v6  }
0x149: {  	v6 =	vld [tilespmem:s30+$0x20]  }
0x14a: {  	v10 =	vld [tilespmem:s30+$0xA0]  }
0x14b: {  	v11 =	vld.idx.msk [tilespmem:v11+s25+$0x0], $0xffff  }
0x14c: {  	v14 =	vld.idx.msk [tilespmem:v56+s25+$0x0], $0xffff;
	(erf) = vrcp.f32 v1;
	v4 =	vadd.f32 v8, v4  }
0x14d: {  	v1 =	vld [tilespmem:s31+$0x20]  }
0x14e: {  	v5 =	vld.idx.msk [tilespmem:v5+s25+$0x0], $0xffff;
	v7 =	vadd.f32 v9, v7;
	v8 =	vpop (erf);
	v4 =	vmul.f32 $5.000000000e-01, v4  }
0x14f: {  	v13 =	vld.idx.msk [tilespmem:v54+s25+$0x0], $0xffff;
	v58 =	vpop (erf)  }
0x150: {  	v9 =	vld.idx.msk [tilespmem:v53+s25+$0x0], $0xffff;
	v7 =	vmul.f32 $5.000000000e-01, v7;
	v4 =	vmul.f32 v58, v4  }
0x151: {  	v6 =	vld.idx.msk [tilespmem:v6+s25+$0x0], $0xffff  }
0x152: {  	(erf) = vrcp.f32 v1;
	v1 =	vadd.f32 v14, v11;
	v7 =	vmul.f32 v8, v7;
	v8 =	vld.idx.msk [tilespmem:v10+s25+$0x0], $0xffff;
	[tilespmem:s18+$0x50] =	vst v4  }
0x153: {  	v4 =	vld [tilespmem:s29+$0x60]  }
0x154: {  	v1 =	vmul.f32 $5.000000000e-01, v1;
	[tilespmem:s23+$0xFFFFFF90] =	vst v7;
	v7 =	vld [tilespmem:s29+$0xE0]  }
0x155: {  	v10 =	vld [tilespmem:s30+$0xFFFFFF20];
	v11 =	vpop (erf)  }
0x156: {  	v59 =	vld [tilespmem:s30+$0xFFFFFFA0];
	v1 =	vmul.f32 v11, v1  }
0x157: {  	v11 =	vld [tilespmem:s28+$0x60]  }
0x158: {  	v60 =	vld [tilespmem:s31+$0xFFFFFFA0];
	v6 =	vadd.f32 v8, v6;
	[tilespmem:s18+$0xFFFFFFC0] =	vst v1  }
0x159: {  	v1 =	vld [tilespmem:s29+$0xFFFFFF50]  }
0x15a: {  	v8 =	vld [tilespmem:s29+$0xFFFFFFD0];
	v6 =	vmul.f32 $5.000000000e-01, v6  }
0x15b: {  	v16 =	vpop (erf);
	v4 =	vld.idx.msk [tilespmem:v4+s25+$0x0], $0xffff  }
0x15c: {  	(erf) = vrcp.f32 v11;
	v6 =	vmul.f32 v16, v6;
	v7 =	vld.idx.msk [tilespmem:v7+s25+$0x0], $0xffff  }
0x15d: {  	v9 =	vadd.f32 v13, v9;
	v10 =	vld.idx.msk [tilespmem:v10+s25+$0x0], $0xffff  }
0x15e: {  	(erf) = vrcp.f32 v60;
	v11 =	vld.idx.msk [tilespmem:v59+s25+$0x0], $0xffff;
	[tilespmem:s23+$0x20] =	vst v6  }
0x15f: {  	v6 =	vmul.f32 $5.000000000e-01, v9;
	v9 =	vld [tilespmem:s30+$0x30]  }
0x160: {  	v61 =	vld [tilespmem:s30+$0xB0]  }
0x161: {  	v63 =	vld.idx.msk [tilespmem:v1+s25+$0x0], $0xffff;
	v1 =	vadd.f32 v7, v4  }
0x162: {  	v62 =	vld [tilespmem:s28+$0xFFFFFFD0];
	v6 =	vmul.f32 v57, v6  }
0x163: {  	v4 =	vld.idx.msk [tilespmem:v8+s25+$0x0], $0xffff;
	v7 =	vmul.f32 $5.000000000e-01, v1  }
0x164: {  	[tilespmem:s26+$0xFFFFFFE0] =	vst v6;
	v6 =	vadd.f32 v11, v10;
	v8 =	vld [tilespmem:s31+$0x30]  }
0x165: {  	v5 =	vadd.f32 v5, v2;
	v1 =	vld [tilespmem:s13+$0xFFFFFF70];
	v2 =	vpop (erf)  }
0x166: {  	v10 =	vmul.f32 $5.000000000e-01, v6;
	v11 =	vmul.f32 v2, v7;
	v2 =	vld [tilespmem:s13+$0xFFFFFFF0]  }
0x167: {  	v5 =	vmul.f32 $5.000000000e-01, v5;
	(erf) = vrcp.f32 v62;
	v6 =	vld.idx.msk [tilespmem:v9+s25+$0x0], $0xffff;
	v7 =	vpop (erf)  }
0x168: {  	[tilespmem:s18+$0x60] =	vst v11;
	v9 =	vmul.f32 v7, v10;
	v7 =	vld.idx.msk [tilespmem:v61+s25+$0x0], $0xffff  }
0x169: {  	s22 =	smul.u32 $0x30, s21;
	v5 =	vmul.f32 v3, v5;
	v10 =	vadd.f32 v4, v63;
	v3 =	vld [tilespmem:s29+$0x70]  }
0x16a: {  	s16 =	simm.s32 $0x4;
	s20 =	simm.s32 $0x1D1A0;
	(erf) = vrcp.f32 v8;
	v4 =	vld [tilespmem:s29+$0xF0];
	[tilespmem:s23+$0xFFFFFFA0] =	vst v9  }
0x16b: {  	s17 =	sadd.s32 s8, s22;
	s7 =	simm.s32 $0x18E20;
	[tilespmem:s26+$0x70] =	vst v5;
	s13 =	simm.s32 $0x1B9A0;
	v8 =	vmul.f32 $5.000000000e-01, v10;
	v5 =	vld [tilespmem:s30+$0xFFFFFF30]  }
.LBB2_9:
0x16c: {  	v9 =	vld [tilespmem:s7+$0x0]  }
0x16d: {  	v10 =	vld [tilespmem:s28+$0x70]  }
0x16e: {  	v11 =	vld [tilespmem:s7+$0x80]  }
0x16f: {  	s31 =	sadd.s32 $0x100, s31;
	v12 =	vld [tilespmem:s7+$0xFFFFFF80]  }
0x170: {  	v6 =	vadd.f32 v7, v6;
	v13 =	vld [tilespmem:s31+$0x0];
	v7 =	vpop (erf)  }
0x171: {  	v7 =	vmul.f32 v7, v8;
	v3 =	vld.idx.msk [tilespmem:v3+s25+$0x0], $0xffff  }
0x172: {  	v6 =	vmul.f32 $5.000000000e-01, v6;
	v4 =	vld.idx.msk [tilespmem:v4+s25+$0x0], $0xffff;
	(erf) = vrcp.f32 v10  }
0x173: {  	v8 =	vld [tilespmem:s7+$0xFFFFFF00];
	v10 =	vpop (erf);
	[tilespmem:s18+$0xFFFFFFD0] =	vst v7  }
0x174: {  	v7 =	vld [tilespmem:s31+$0xFFFFFF80];
	v6 =	vmul.f32 v10, v6  }
0x175: {  	v9 =	vld.idx.msk [tilespmem:v9+s25+$0x0], $0xffff  }
0x176: {  	v10 =	vld.idx.msk [tilespmem:v11+s25+$0x0], $0xffff;
	(erf) = vrcp.f32 v13;
	[tilespmem:s23+$0x30] =	vst v6  }
0x177: {  	s16 =	sadd.s32 $0x2, s16;
	v6 =	vld [tilespmem:s30+$0x40]  }
0x178: {  	p2 =	slt.u32 s16, $0xE;
	v3 =	vadd.f32 v4, v3;
	v11 =	vld [tilespmem:s30+$0xC0]  }
0x179: {  	v4 =	vld.idx.msk [tilespmem:v12+s25+$0x0], $0xffff;
	(erf) = vrcp.f32 v7  }
0x17a: {  	v3 =	vmul.f32 $5.000000000e-01, v3;
	v7 =	vld [tilespmem:s30+$0xFFFFFFB0]  }
0x17b: {  	v12 =	vld [tilespmem:s13+$0x40];
	v13 =	vpop (erf)  }
0x17c: {  	v9 =	vadd.f32 v10, v9;
	v8 =	vld.idx.msk [tilespmem:v8+s25+$0x0], $0xffff;
	v13 =	vmul.f32 v13, v3  }
0x17d: {  	v10 =	vld [tilespmem:s13+$0xFFFFFFB0]  }
0x17e: {  	v9 =	vmul.f32 $5.000000000e-01, v9;
	v5 =	vld.idx.msk [tilespmem:v5+s25+$0x0], $0xffff;
	[tilespmem:s18+$0x70] =	vst v13  }
0x17f: {  	v3 =	vpop (erf);
	v6 =	vld.idx.msk [tilespmem:v6+s25+$0x0], $0xffff  }
0x180: {  	v13 =	vmul.f32 v3, v9;
	v9 =	vld.idx.msk [tilespmem:v11+s25+$0x0], $0xffff;
	(erf) = vrcp.f32 v12  }
0x181: {  	s23 =	sadd.s32 $0x100, s23;
	v11 =	vld [tilespmem:s29+$0xFFFFFF60]  }
0x182: {  	v4 =	vadd.f32 v4, v8;
	[tilespmem:s23+$0x0] =	vst v13;
	v3 =	vpop (erf);
	v7 =	vld.idx.msk [tilespmem:v7+s25+$0x0], $0xffff;
	(erf) = vrcp.f32 v10  }
0x183: {  	v8 =	vld [tilespmem:s7+$0x10]  }
0x184: {  	v4 =	vmul.f32 $5.000000000e-01, v4;
	v10 =	vld [tilespmem:s7+$0x90]  }
0x185: {  	v12 =	vld [tilespmem:s29+$0xFFFFFFE0]  }
0x186: {  	v3 =	vmul.f32 v3, v4;
	v4 =	vadd.f32 v9, v6;
	v6 =	vld [tilespmem:s28+$0xFFFFFFE0]  }
0x187: {  	v9 =	vld [tilespmem:s31+$0x10]  }
0x188: {  	v4 =	vmul.f32 $5.000000000e-01, v4;
	[tilespmem:s23+$0xFFFFFF80] =	vst v3;
	v3 =	vadd.f32 v7, v5;
	v5 =	vld [tilespmem:s19+$0xFFFFFFF0];
	s19 =	smov.u32 s28;
	s28 =	smov.u32 s13;
	s13 =	smov.u32 s31  }
0x189: {  	v7 =	vld [tilespmem:s7+$0xFFFFFF10];
	v13 =	vpop (erf)  }
0x18a: {  	v14 =	vld [tilespmem:s7+$0xFFFFFF90];
	v3 =	vmul.f32 $5.000000000e-01, v3;
	v4 =	vmul.f32 v13, v4  }
0x18b: {  	v8 =	vld.idx.msk [tilespmem:v8+s25+$0x0], $0xffff;
	v13 =	vpop (erf);
	(erf) = vrcp.f32 v6  }
0x18c: {  	v6 =	vld.idx.msk [tilespmem:v10+s25+$0x0], $0xffff;
	(erf) = vrcp.f32 v9;
	v3 =	vmul.f32 v13, v3;
	[tilespmem:s20+$0x40] =	vst v4  }
0x18d: {  	v4 =	vld [tilespmem:s30+$0x50];
	(erf) = vrcp.f32 v5  }
0x18e: {  	[tilespmem:s20+$0xFFFFFFB0] =	vst v3;
	v3 =	vld [tilespmem:s30+$0xD0]  }
0x18f: {  	v5 =	vld [tilespmem:s31+$0xFFFFFF90]  }
0x190: {  	v9 =	vld [tilespmem:s30+$0xFFFFFF40]  }
0x191: {  	v10 =	vld [tilespmem:s28+$0x50]  }
0x192: {  	v6 =	vadd.f32 v6, v8;
	v7 =	vld.idx.msk [tilespmem:v7+s25+$0x0], $0xffff  }
0x193: {  	v8 =	vld.idx.msk [tilespmem:v14+s25+$0x0], $0xffff  }
0x194: {  	v6 =	vmul.f32 $5.000000000e-01, v6;
	(erf) = vrcp.f32 v5;
	v5 =	vld [tilespmem:s30+$0xFFFFFFC0];
	v13 =	vpop (erf)  }
0x195: {  	v14 =	vpop (erf);
	v4 =	vld.idx.msk [tilespmem:v4+s25+$0x0], $0xffff  }
0x196: {  	v6 =	vmul.f32 v14, v6;
	v3 =	vld.idx.msk [tilespmem:v3+s25+$0x0], $0xffff;
	(erf) = vrcp.f32 v10;
	v10 =	vpop (erf)  }
0x197: {  	v14 =	vld [tilespmem:s28+$0xFFFFFFC0]  }
0x198: {  	[tilespmem:s23+$0x10] =	vst v6;
	v6 =	vld.idx.msk [tilespmem:v9+s25+$0x0], $0xffff  }
0x199: {  	v7 =	vadd.f32 v8, v7;
	v8 =	vld [tilespmem:s7+$0x20]  }
0x19a: {  	v9 =	vld [tilespmem:s7+$0xA0]  }
0x19b: {  	v7 =	vmul.f32 $5.000000000e-01, v7;
	v11 =	vld.idx.msk [tilespmem:v11+s25+$0x0], $0xffff  }
0x19c: {  	v3 =	vadd.f32 v3, v4;
	v5 =	vld.idx.msk [tilespmem:v5+s25+$0x0], $0xffff;
	(erf) = vrcp.f32 v14  }
0x19d: {  	v4 =	vld [tilespmem:s31+$0x20];
	v14 =	vpop (erf)  }
0x19e: {  	v3 =	vmul.f32 $5.000000000e-01, v3;
	v7 =	vmul.f32 v14, v7;
	v12 =	vld.idx.msk [tilespmem:v12+s25+$0x0], $0xffff  }
0x19f: {  	v14 =	vpop (erf);
	v1 =	vld.idx.msk [tilespmem:v1+s25+$0x0], $0xffff  }
0x1a0: {  	[tilespmem:s23+$0xFFFFFF90] =	vst v7;
	v3 =	vmul.f32 v14, v3;
	v2 =	vld.idx.msk [tilespmem:v2+s25+$0x0], $0xffff  }
0x1a1: {  	v7 =	vld.idx.msk [tilespmem:v8+s25+$0x0], $0xffff  }
0x1a2: {  	v8 =	vld.idx.msk [tilespmem:v9+s25+$0x0], $0xffff;
	(erf) = vrcp.f32 v4;
	v4 =	vadd.f32 v5, v6;
	[tilespmem:s20+$0x50] =	vst v3  }
0x1a3: {  	v3 =	vld [tilespmem:s30+$0x60]  }
0x1a4: {  	v6 =	vadd.f32 v12, v11;
	v4 =	vmul.f32 $5.000000000e-01, v4;
	v5 =	vld [tilespmem:s30+$0xE0]  }
0x1a5: {  	v9 =	vld [tilespmem:s7+$0xFFFFFF20];
	v11 =	vpop (erf)  }
0x1a6: {  	v6 =	vmul.f32 $5.000000000e-01, v6;
	v1 =	vadd.f32 v2, v1;
	v12 =	vld [tilespmem:s7+$0xFFFFFFA0];
	v4 =	vmul.f32 v11, v4  }
0x1a7: {  	v2 =	vld [tilespmem:s28+$0x60]  }
0x1a8: {  	v7 =	vadd.f32 v8, v7;
	v13 =	vmul.f32 v13, v6;
	v1 =	vmul.f32 $5.000000000e-01, v1;
	v11 =	vld [tilespmem:s31+$0xFFFFFFA0];
	[tilespmem:s20+$0xFFFFFFC0] =	vst v4  }
0x1a9: {  	v6 =	vld [tilespmem:s30+$0xFFFFFF50]  }
0x1aa: {  	v7 =	vmul.f32 $5.000000000e-01, v7;
	v1 =	vmul.f32 v10, v1;
	v8 =	vld [tilespmem:s30+$0xFFFFFFD0];
	[tilespmem:s18+$0xFFFFFFE0] =	vst v13  }
0x1ab: {  	v4 =	vpop (erf);
	v3 =	vld.idx.msk [tilespmem:v3+s25+$0x0], $0xffff  }
0x1ac: {  	v4 =	vmul.f32 v4, v7;
	v5 =	vld.idx.msk [tilespmem:v5+s25+$0x0], $0xffff;
	(erf) = vrcp.f32 v2;
	[tilespmem:s26+$0xFFFFFFF0] =	vst v1;
	s26 =	smov.u32 s18;
	s18 =	smov.u32 s20;
	s20 =	smov.u32 s23  }
0x1ad: {  	v1 =	vld.idx.msk [tilespmem:v9+s25+$0x0], $0xffff;
	(erf) = vrcp.f32 v11  }
0x1ae: {  	v2 =	vld.idx.msk [tilespmem:v12+s25+$0x0], $0xffff;
	[tilespmem:s23+$0x20] =	vst v4  }
0x1af: {  	v4 =	vld [tilespmem:s7+$0x30]  }
0x1b0: {  	v7 =	vld [tilespmem:s7+$0xB0]  }
0x1b1: {  	v9 =	vld [tilespmem:s28+$0xFFFFFFD0]  }
0x1b2: {  	v3 =	vadd.f32 v5, v3;
	v10 =	vld.idx.msk [tilespmem:v6+s25+$0x0], $0xffff  }
0x1b3: {  	v5 =	vld.idx.msk [tilespmem:v8+s25+$0x0], $0xffff  }
0x1b4: {  	v2 =	vadd.f32 v2, v1;
	v3 =	vmul.f32 $5.000000000e-01, v3;
	v1 =	vld [tilespmem:s29+$0xFFFFFF70]  }
0x1b5: {  	v8 =	vld [tilespmem:s31+$0x30];
	v6 =	vpop (erf)  }
0x1b6: {  	v11 =	vmul.f32 $5.000000000e-01, v2;
	v12 =	vpop (erf);
	v3 =	vmul.f32 v6, v3;
	v2 =	vld [tilespmem:s29+$0xFFFFFFF0];
	s29 =	smov.u32 s30;
	s30 =	smov.u32 s7  }
.Ltmp5:
0x1b7: {  	v6 =	vld.idx.msk [tilespmem:v4+s25+$0x0], $0xffff;
	(erf) = vrcp.f32 v9;
	(pc) =	sbr.rel @p2 .LBB2_9-.Ltmp5, $4  }
0x1b8: {  	v4 =	vmul.f32 v12, v11;
	v7 =	vld.idx.msk [tilespmem:v7+s25+$0x0], $0xffff;
	[tilespmem:s18+$0x60] =	vst v3  }
0x1b9: {  	v9 =	vadd.f32 v5, v10;
	v3 =	vld [tilespmem:s29+$0x70]  }
0x1ba: {  	[tilespmem:s23+$0xFFFFFFA0] =	vst v4;
	(erf) = vrcp.f32 v8;
	v4 =	vld [tilespmem:s29+$0xF0]  }
0x1bb: {  	s7 =	sadd.s32 $0x200, s7;
	v8 =	vmul.f32 $5.000000000e-01, v9;
	v5 =	vld [tilespmem:s30+$0xFFFFFF30]  }
0x1bc: {  	_ =	sdelay $0x3  }
0x1bd: {  	v6 =	vadd.f32 v7, v6;
	_ =	sdelay $0x1  }
0x1be: {  	v6 =	vmul.f32 $5.000000000e-01, v6;
	v7 =	vpop (erf)  }
0x1bf: {  	v9 =	vpop (erf)  }
0x1c0: {  	v6 =	vmul.f32 v9, v6;
	_ =	sdelay $0x1  }
0x1c1: {  	v11 =	vld [tilespmem:s30+$0xFFFFFFB0];
	[tilespmem:s23+$0x30] =	vst v6  }
0x1c2: {  	v6 =	vld [tilespmem:s30+$0x40]  }
0x1c3: {  	v10 =	vld [tilespmem:s30+$0xC0]  }
0x1c4: {  	v9 =	vld [tilespmem:s28+$0x70]  }
0x1c5: {  	v12 =	vld [tilespmem:s13+$0x40];
	_ =	sdelay $0x1  }
0x1c6: {  	v13 =	vld [tilespmem:s13+$0xFFFFFFB0];
	_ =	sdelay $0x1  }
0x1c7: {  	(erf) = vrcp.f32 v9  }
0x1c8: {  	(erf) = vrcp.f32 v12;
	v6 =	vld.idx.msk [tilespmem:v6+s25+$0x0], $0xffff  }
0x1c9: {  	v9 =	vld.idx.msk [tilespmem:v10+s25+$0x0], $0xffff  }
0x1ca: {  	v5 =	vld.idx.msk [tilespmem:v5+s25+$0x0], $0xffff;
	(erf) = vrcp.f32 v13  }
0x1cb: {  	v10 =	vld.idx.msk [tilespmem:v11+s25+$0x0], $0xffff;
	_ =	sdelay $0x2  }
0x1cc: {  	v6 =	vadd.f32 v9, v6;
	_ =	sdelay $0x1  }
0x1cd: {  	v7 =	vmul.f32 v7, v8;
	v8 =	vpop (erf);
	v5 =	vadd.f32 v10, v5;
	v6 =	vmul.f32 $5.000000000e-01, v6  }
0x1ce: {  	v9 =	vpop (erf)  }
0x1cf: {  	[tilespmem:s18+$0xFFFFFFD0] =	vst v7;
	v5 =	vmul.f32 $5.000000000e-01, v5;
	v6 =	vmul.f32 v9, v6  }
0x1d0: {  	v7 =	vld [tilespmem:s28+$0xFFFFFFE0];
	v9 =	vpop (erf)  }
0x1d1: {  	v10 =	vld [tilespmem:s19+$0xFFFFFFF0];
	v5 =	vmul.f32 v9, v5;
	[tilespmem:s20+$0x40] =	vst v6  }
0x1d2: {  	v6 =	vld [tilespmem:s30+$0x50]  }
0x1d3: {  	[tilespmem:s20+$0xFFFFFFB0] =	vst v5;
	v5 =	vld [tilespmem:s30+$0xD0]  }
0x1d4: {  	v11 =	vld [tilespmem:s13+$0x50]  }
0x1d5: {  	v9 =	vld [tilespmem:s30+$0xFFFFFF40]  }
0x1d6: {  	v38 =	vld [tilespmem:s30+$0xFFFFFFC0];
	_ =	sdelay $0x1  }
0x1d7: {  	v39 =	vld [tilespmem:s13+$0xFFFFFFC0]  }
0x1d8: {  	(erf) = vrcp.f32 v7  }
0x1d9: {  	(erf) = vrcp.f32 v10  }
0x1da: {  	(erf) = vrcp.f32 v11;
	v6 =	vld.idx.msk [tilespmem:v6+s25+$0x0], $0xffff  }
0x1db: {  	v5 =	vld.idx.msk [tilespmem:v5+s25+$0x0], $0xffff  }
0x1dc: {  	(erf) = vrcp.f32 v39;
	v7 =	vld.idx.msk [tilespmem:v9+s25+$0x0], $0xffff  }
0x1dd: {  	v9 =	vld.idx.msk [tilespmem:v38+s25+$0x0], $0xffff;
	_ =	sdelay $0x2  }
0x1de: {  	v5 =	vadd.f32 v5, v6  }
0x1df: {  	v6 =	vpop (erf)  }
0x1e0: {  	v10 =	vpop (erf);
	v7 =	vadd.f32 v9, v7;
	v5 =	vmul.f32 $5.000000000e-01, v5  }
0x1e1: {  	v9 =	vpop (erf)  }
0x1e2: {  	v7 =	vmul.f32 $5.000000000e-01, v7;
	v5 =	vmul.f32 v9, v5  }
0x1e3: {  	v9 =	vpop (erf)  }
0x1e4: {  	[tilespmem:s20+$0x50] =	vst v5;
	v5 =	vmul.f32 v9, v7  }
0x1e5: {  	v7 =	vld [tilespmem:s30+$0x60]  }
0x1e6: {  	v9 =	vld [tilespmem:s30+$0xE0];
	[tilespmem:s20+$0xFFFFFFC0] =	vst v5  }
0x1e7: {  	v5 =	vld [tilespmem:s30+$0xFFFFFF50]  }
0x1e8: {  	v11 =	vld [tilespmem:s30+$0xFFFFFFD0]  }
0x1e9: {  	v40 =	vld [tilespmem:s13+$0x60]  }
0x1ea: {  	v41 =	vld [tilespmem:s13+$0xFFFFFFD0];
	_ =	sdelay $0x3  }
0x1eb: {  	(erf) = vrcp.f32 v40  }
0x1ec: {  	(erf) = vrcp.f32 v41;
	v5 =	vld.idx.msk [tilespmem:v5+s25+$0x0], $0xffff  }
0x1ed: {  	v11 =	vld.idx.msk [tilespmem:v11+s25+$0x0], $0xffff  }
0x1ee: {  	v7 =	vld.idx.msk [tilespmem:v7+s25+$0x0], $0xffff  }
0x1ef: {  	v9 =	vld.idx.msk [tilespmem:v9+s25+$0x0], $0xffff;
	_ =	sdelay $0x2  }
0x1f0: {  	v5 =	vadd.f32 v11, v5;
	_ =	sdelay $0x1  }
0x1f1: {  	v7 =	vadd.f32 v9, v7;
	v9 =	vpop (erf);
	v5 =	vmul.f32 $5.000000000e-01, v5  }
0x1f2: {  	v11 =	vpop (erf)  }
0x1f3: {  	v7 =	vmul.f32 $5.000000000e-01, v7;
	v5 =	vmul.f32 v11, v5  }
0x1f4: {  	v42 =	vld [tilespmem:s29+$0xFFFFFFE0]  }
0x1f5: {  	v7 =	vmul.f32 v9, v7;
	v11 =	vld [tilespmem:s29+$0xFFFFFF60];
	[tilespmem:s20+$0xFFFFFFD0] =	vst v5  }
0x1f6: {  	v5 =	vld [tilespmem:s30+$0xFFFFFF60]  }
0x1f7: {  	[tilespmem:s20+$0x60] =	vst v7;
	v7 =	vld [tilespmem:s30+$0xFFFFFFE0]  }
0x1f8: {  	v9 =	vld [tilespmem:s13+$0x70]  }
0x1f9: {  	v43 =	vld [tilespmem:s13+$0xFFFFFFE0];
	_ =	sdelay $0x2  }
0x1fa: {  	v12 =	vld.idx.msk [tilespmem:v42+s25+$0x0], $0xffff  }
0x1fb: {  	(erf) = vrcp.f32 v9;
	v11 =	vld.idx.msk [tilespmem:v11+s25+$0x0], $0xffff  }
0x1fc: {  	(erf) = vrcp.f32 v43;
	v5 =	vld.idx.msk [tilespmem:v5+s25+$0x0], $0xffff  }
0x1fd: {  	v7 =	vld.idx.msk [tilespmem:v7+s25+$0x0], $0xffff;
	_ =	sdelay $0x2  }
0x1fe: {  	v9 =	vadd.f32 v12, v11  }
0x1ff: {  	v1 =	vld.idx.msk [tilespmem:v1+s25+$0x0], $0xffff  }
0x200: {  	v2 =	vld.idx.msk [tilespmem:v2+s25+$0x0], $0xffff;
	v9 =	vmul.f32 $5.000000000e-01, v9;
	v5 =	vadd.f32 v7, v5  }
0x201: {  	v3 =	vld.idx.msk [tilespmem:v3+s25+$0x0], $0xffff  }
0x202: {  	v4 =	vld.idx.msk [tilespmem:v4+s25+$0x0], $0xffff;
	v7 =	vpop (erf);
	v6 =	vmul.f32 v6, v9;
	v5 =	vmul.f32 $5.000000000e-01, v5  }
0x203: {  	v9 =	vld [tilespmem:s30+$0x70];
	v11 =	vpop (erf)  }
0x204: {  	[tilespmem:s18+$0xFFFFFFE0] =	vst v6;
	v6 =	vld [tilespmem:s30+$0xF0];
	v5 =	vmul.f32 v11, v5  }
0x205: {  	v11 =	vld [tilespmem:s29+$0xFFFFFF70]  }
0x206: {  	v44 =	vld [tilespmem:s29+$0xFFFFFFF0];
	[tilespmem:s20+$0xFFFFFFE0] =	vst v5  }
0x207: {  	v5 =	vld [tilespmem:s30+$0xFFFFFF70]  }
0x208: {  	v45 =	vld [tilespmem:s30+$0xFFFFFFF0]  }
0x209: {  	v14 =	vld [tilespmem:s28+$0xFFFFFFF0]  }
0x20a: {  	v15 =	vld [tilespmem:s13+$0xFFFFFFF0]  }
0x20b: {  	v9 =	vld.idx.msk [tilespmem:v9+s25+$0x0], $0xffff  }
0x20c: {  	v6 =	vld.idx.msk [tilespmem:v6+s25+$0x0], $0xffff  }
0x20d: {  	v11 =	vld.idx.msk [tilespmem:v11+s25+$0x0], $0xffff  }
0x20e: {  	(erf) = vrcp.f32 v14;
	v12 =	vld.idx.msk [tilespmem:v44+s25+$0x0], $0xffff  }
0x20f: {  	v3 =	vadd.f32 v4, v3;
	(erf) = vrcp.f32 v15;
	v5 =	vld.idx.msk [tilespmem:v5+s25+$0x0], $0xffff  }
0x210: {  	v13 =	vld.idx.msk [tilespmem:v45+s25+$0x0], $0xffff  }
0x211: {  	v1 =	vadd.f32 v2, v1;
	v2 =	vmul.f32 $5.000000000e-01, v3;
	v3 =	vadd.f32 v6, v9;
	_ =	sdelay $0x1  }
0x212: {  	v3 =	vmul.f32 $5.000000000e-01, v3  }
0x213: {  	v1 =	vmul.f32 $5.000000000e-01, v1;
	v4 =	vadd.f32 v12, v11  }
0x214: {  	v2 =	vmul.f32 v8, v2;
	v5 =	vadd.f32 v13, v5  }
0x215: {  	v1 =	vmul.f32 v10, v1;
	v4 =	vmul.f32 $5.000000000e-01, v4  }
0x216: {  	[tilespmem:s18+$0x70] =	vst v2;
	v2 =	vmul.f32 v7, v3;
	v3 =	vpop (erf);
	v5 =	vmul.f32 $5.000000000e-01, v5  }
0x217: {  	s7 =	sadd.s32 s22, s0;
	[tilespmem:s26+$0xFFFFFFF0] =	vst v1;
	v1 =	vmul.f32 v3, v4;
	v3 =	vpop (erf)  }
0x218: {  	s16 =	sshll.u32 s7, $0x5;
	[tilespmem:s20+$0x70] =	vst v2;
	v2 =	vmul.f32 v3, v5  }
0x219: {  	s7 =	sshll.u32 s7, $0x4;
	s13 =	sand.u32 $0x1FFFFFE0, s16;
	[tilespmem:s18+$0xFFFFFFF0] =	vst v1  }
0x21a: {  	s7 =	sand.u32 $0x1FFFFFF0, s7;
	s13 =	sadd.s32 s1, s13;
	[tilespmem:s20+$0xFFFFFFF0] =	vst v2  }
0x21b: {  	[tilespmem:s24], [sflag:$0x1] =	stream.linear.gather [hbm4b:s13+s6], $0x1000, $0x38;
	[tilespmem:$0x1FF90] =	vst v63  }
0x21c: {  	s7 =	sadd.s32 s2, s7;
	s19 =	sshll.u32 s17, $0x4;
	s18 =	simm.s32 $0x1B720  }
0x21d: {  	[tilespmem:s18], [sflag:$0x1] =	stream.linear.gather [hbm4b:s7+s6], $0x800, $0x38;
	[tilespmem:$0x1FF90] =	vst v63  }
0x21e: {  	s7 =	sand.u32 $0x1FFFFFF0, s19  }
0x21f: {  	s7 =	sadd.s32 s3, s7  }
0x220: {  	[hbm4b:s7+s6] =	stream.linear.scatter [tilespmem:s10], [sflag:$0x4], $0x800, $0x38;
	[tilespmem:$0x1FF90] =	vst v63  }
0x221: {  	_ =	swait.ge [sflag:s11], $0x1000  }
0x222: {  	[sflag:s11] =	ssyncset.done $0x0  }
0x223: {  	[sflag:s11] =	ssyncadd.s32 $0xFFFFF000  }
0x224: {  	_ =	swait.ge [sflag:s11], $0x800  }
0x225: {  	[sflag:s11] =	ssyncset.done $0x0  }
0x226: {  	s7 =	simm.s32 @!p1 $0x5;
	[sflag:s11] =	ssyncadd.s32 $0xFFFFF800  }
0x227: {  	_ =	swait.ge @!p1 [sflag:s7], $0x800  }
0x228: {  	[sflag:s7] =	ssyncset.done @!p1 $0x0  }
0x229: {  	s20 =	simm.s32 $0x19820;
	[sflag:s7] =	ssyncadd.s32 @!p1 $0xFFFFF800  }
0x22a: {  	v1 =	vld [tilespmem:s20+$0x0]  }
0x22b: {  	v2 =	vld [tilespmem:s20+$0x80]  }
0x22c: {  	s19 =	simm.s32 $0x1BFA0  }
0x22d: {  	v3 =	vld [tilespmem:s19+$0x0];
	_ =	sdelay $0x4  }
0x22e: {  	(erf) = vrcp.f32 v3;
	v1 =	vld.idx.msk [tilespmem:v1+s25+$0x0], $0xffff  }
0x22f: {  	v2 =	vld.idx.msk [tilespmem:v2+s25+$0x0], $0xffff;
	_ =	sdelay $0x4  }
0x230: {  	v1 =	vadd.f32 v2, v1;
	_ =	sdelay $0x1  }
0x231: {  	v3 =	vld [tilespmem:s20+$0xFFFFFF80];
	v1 =	vmul.f32 $5.000000000e-01, v1  }
0x232: {  	v2 =	vpop (erf)  }
0x233: {  	v1 =	vmul.f32 v2, v1;
	v2 =	vld [tilespmem:s20+$0xFFFFFF00];
	_ =	sdelay $0x1  }
0x234: {  	s26 =	simm.s32 $0x1D7A0;
	v4 =	vld [tilespmem:s19+$0xFFFFFF80]  }
0x235: {  	[tilespmem:s26+$0x0] =	vst v1  }
0x236: {  	v1 =	vld [tilespmem:s20+$0x10]  }
0x237: {  	v5 =	vld [tilespmem:s20+$0x90]  }
0x238: {  	v3 =	vld.idx.msk [tilespmem:v3+s25+$0x0], $0xffff  }
0x239: {  	(erf) = vrcp.f32 v4;
	v6 =	vld [tilespmem:s19+$0x10]  }
0x23a: {  	v2 =	vld.idx.msk [tilespmem:v2+s25+$0x0], $0xffff;
	_ =	sdelay $0x3  }
0x23b: {  	(erf) = vrcp.f32 v6;
	v1 =	vld.idx.msk [tilespmem:v1+s25+$0x0], $0xffff  }
0x23c: {  	v4 =	vld.idx.msk [tilespmem:v5+s25+$0x0], $0xffff;
	v2 =	vadd.f32 v3, v2;
	_ =	sdelay $0x1  }
0x23d: {  	v2 =	vmul.f32 $5.000000000e-01, v2  }
0x23e: {  	v3 =	vpop (erf)  }
0x23f: {  	v2 =	vmul.f32 v3, v2  }
0x240: {  	v1 =	vadd.f32 v4, v1;
	_ =	sdelay $0x1  }
0x241: {  	v1 =	vmul.f32 $5.000000000e-01, v1  }
0x242: {  	[tilespmem:s26+$0xFFFFFF80] =	vst v2;
	v2 =	vpop (erf)  }
0x243: {  	v3 =	vld [tilespmem:s20+$0xFFFFFF10];
	v1 =	vmul.f32 v2, v1  }
0x244: {  	v4 =	vld [tilespmem:s19+$0xFFFFFF90]  }
0x245: {  	v2 =	vld [tilespmem:s20+$0xFFFFFF90];
	[tilespmem:s26+$0x10] =	vst v1  }
0x246: {  	v1 =	vld [tilespmem:s20+$0x20]  }
0x247: {  	v5 =	vld [tilespmem:s20+$0xA0];
	_ =	sdelay $0x1  }
0x248: {  	v6 =	vld [tilespmem:s19+$0x20];
	_ =	sdelay $0x2  }
0x249: {  	(erf) = vrcp.f32 v4;
	v3 =	vld.idx.msk [tilespmem:v3+s25+$0x0], $0xffff  }
0x24a: {  	v2 =	vld.idx.msk [tilespmem:v2+s25+$0x0], $0xffff  }
0x24b: {  	(erf) = vrcp.f32 v6;
	v1 =	vld.idx.msk [tilespmem:v1+s25+$0x0], $0xffff  }
0x24c: {  	v4 =	vld.idx.msk [tilespmem:v5+s25+$0x0], $0xffff;
	_ =	sdelay $0x2  }
0x24d: {  	v2 =	vadd.f32 v2, v3;
	_ =	sdelay $0x1  }
0x24e: {  	v2 =	vmul.f32 $5.000000000e-01, v2;
	v1 =	vadd.f32 v4, v1  }
0x24f: {  	v3 =	vpop (erf)  }
0x250: {  	v2 =	vmul.f32 v3, v2;
	v1 =	vmul.f32 $5.000000000e-01, v1  }
0x251: {  	v3 =	vpop (erf)  }
0x252: {  	[tilespmem:s26+$0xFFFFFF90] =	vst v2;
	v1 =	vmul.f32 v3, v1  }
0x253: {  	v2 =	vld [tilespmem:s20+$0xFFFFFF20]  }
0x254: {  	v3 =	vld [tilespmem:s20+$0xFFFFFFA0];
	[tilespmem:s26+$0x20] =	vst v1  }
0x255: {  	v1 =	vld [tilespmem:s20+$0x30]  }
0x256: {  	v4 =	vld [tilespmem:s20+$0xB0]  }
0x257: {  	v5 =	vld [tilespmem:s19+$0xFFFFFFA0]  }
0x258: {  	v6 =	vld [tilespmem:s19+$0x30];
	_ =	sdelay $0x2  }
0x259: {  	s29 =	simm.s32 $0x19A20  }
0x25a: {  	(erf) = vrcp.f32 v5;
	v5 =	vld [tilespmem:s29+$0x0]  }
0x25b: {  	(erf) = vrcp.f32 v6;
	v1 =	vld.idx.msk [tilespmem:v1+s25+$0x0], $0xffff  }
0x25c: {  	v4 =	vld.idx.msk [tilespmem:v4+s25+$0x0], $0xffff  }
0x25d: {  	v2 =	vld.idx.msk [tilespmem:v2+s25+$0x0], $0xffff  }
0x25e: {  	v3 =	vld.idx.msk [tilespmem:v3+s25+$0x0], $0xffff  }
0x25f: {  	v6 =	vld [tilespmem:s29+$0x80]  }
0x260: {  	s28 =	simm.s32 $0x1C0A0  }
0x261: {  	v7 =	vld [tilespmem:s28+$0x0];
	v1 =	vadd.f32 v4, v1  }
0x262: {  	v8 =	vld [tilespmem:s29+$0xFFFFFF00]  }
0x263: {  	v2 =	vadd.f32 v3, v2;
	v3 =	vpop (erf);
	v1 =	vmul.f32 $5.000000000e-01, v1  }
0x264: {  	v10 =	vld [tilespmem:s28+$0xFFFFFF80];
	v9 =	vpop (erf)  }
0x265: {  	v2 =	vmul.f32 $5.000000000e-01, v2;
	v4 =	vld [tilespmem:s29+$0xFFFFFF80];
	v1 =	vmul.f32 v9, v1  }
0x266: {  	v5 =	vld.idx.msk [tilespmem:v5+s25+$0x0], $0xffff;
	(erf) = vrcp.f32 v7  }
0x267: {  	v2 =	vmul.f32 v3, v2;
	v3 =	vld.idx.msk [tilespmem:v6+s25+$0x0], $0xffff;
	[tilespmem:s26+$0x30] =	vst v1  }
0x268: {  	v1 =	vld [tilespmem:s20+$0x40]  }
0x269: {  	[tilespmem:s26+$0xFFFFFFA0] =	vst v2;
	v2 =	vld [tilespmem:s20+$0xC0]  }
0x26a: {  	v8 =	vld.idx.msk [tilespmem:v8+s25+$0x0], $0xffff  }
0x26b: {  	v6 =	vld [tilespmem:s20+$0xFFFFFF30]  }
0x26c: {  	(erf) = vrcp.f32 v10;
	v3 =	vadd.f32 v3, v5;
	v7 =	vld [tilespmem:s19+$0x40]  }
0x26d: {  	v4 =	vld.idx.msk [tilespmem:v4+s25+$0x0], $0xffff  }
0x26e: {  	v9 =	vld [tilespmem:s19+$0xFFFFFFB0];
	v3 =	vmul.f32 $5.000000000e-01, v3  }
0x26f: {  	v5 =	vld [tilespmem:s20+$0xFFFFFFB0];
	v10 =	vpop (erf)  }
0x270: {  	v3 =	vmul.f32 v10, v3;
	v1 =	vld.idx.msk [tilespmem:v1+s25+$0x0], $0xffff  }
0x271: {  	s18 =	simm.s32 $0x1D8A0;
	(erf) = vrcp.f32 v7;
	v2 =	vld.idx.msk [tilespmem:v2+s25+$0x0], $0xffff  }
0x272: {  	[tilespmem:s18+$0x0] =	vst v3;
	v3 =	vadd.f32 v4, v8;
	_ =	sdelay $0x1  }
0x273: {  	v4 =	vld [tilespmem:s29+$0x10];
	v3 =	vmul.f32 $5.000000000e-01, v3  }
0x274: {  	v8 =	vpop (erf);
	v7 =	vld [tilespmem:s29+$0x90]  }
0x275: {  	v6 =	vld.idx.msk [tilespmem:v6+s25+$0x0], $0xffff;
	(erf) = vrcp.f32 v9;
	v1 =	vadd.f32 v2, v1;
	v2 =	vmul.f32 v8, v3  }
0x276: {  	v5 =	vld.idx.msk [tilespmem:v5+s25+$0x0], $0xffff  }
0x277: {  	v3 =	vld [tilespmem:s28+$0x10]  }
0x278: {  	v1 =	vmul.f32 $5.000000000e-01, v1  }
0x279: {  	[tilespmem:s18+$0xFFFFFF80] =	vst v2;
	v2 =	vpop (erf)  }
0x27a: {  	v8 =	vld [tilespmem:s29+$0xFFFFFF10];
	v1 =	vmul.f32 v2, v1  }
0x27b: {  	v4 =	vld.idx.msk [tilespmem:v4+s25+$0x0], $0xffff;
	v2 =	vadd.f32 v5, v6  }
0x27c: {  	v5 =	vld.idx.msk [tilespmem:v7+s25+$0x0], $0xffff;
	(erf) = vrcp.f32 v3;
	[tilespmem:s26+$0x40] =	vst v1  }
0x27d: {  	v1 =	vmul.f32 $5.000000000e-01, v2;
	v2 =	vld [tilespmem:s20+$0x50]  }
0x27e: {  	v3 =	vpop (erf);
	v6 =	vld [tilespmem:s20+$0xD0]  }
0x27f: {  	v7 =	vld [tilespmem:s29+$0xFFFFFF90];
	v1 =	vmul.f32 v3, v1  }
0x280: {  	v3 =	vld [tilespmem:s28+$0xFFFFFF90]  }
0x281: {  	[tilespmem:s26+$0xFFFFFFB0] =	vst v1;
	v1 =	vld [tilespmem:s19+$0x50]  }
0x282: {  	v4 =	vadd.f32 v5, v4;
	v5 =	vld.idx.msk [tilespmem:v8+s25+$0x0], $0xffff  }
0x283: {  	v9 =	vld [tilespmem:s20+$0xFFFFFF40]  }
0x284: {  	v4 =	vmul.f32 $5.000000000e-01, v4;
	v8 =	vld [tilespmem:s20+$0xFFFFFFC0]  }
0x285: {  	(erf) = vrcp.f32 v3;
	v3 =	vpop (erf);
	v2 =	vld.idx.msk [tilespmem:v2+s25+$0x0], $0xffff  }
0x286: {  	v3 =	vmul.f32 v3, v4;
	v4 =	vld.idx.msk [tilespmem:v6+s25+$0x0], $0xffff;
	(erf) = vrcp.f32 v1  }
0x287: {  	v1 =	vld [tilespmem:s19+$0xFFFFFFC0]  }
0x288: {  	v6 =	vld.idx.msk [tilespmem:v7+s25+$0x0], $0xffff;
	[tilespmem:s18+$0x10] =	vst v3  }
0x289: {  	v3 =	vld [tilespmem:s29+$0x20]  }
0x28a: {  	v7 =	vld [tilespmem:s29+$0xA0]  }
0x28b: {  	v9 =	vld.idx.msk [tilespmem:v9+s25+$0x0], $0xffff  }
0x28c: {  	v2 =	vadd.f32 v4, v2;
	(erf) = vrcp.f32 v1;
	v1 =	vld [tilespmem:s28+$0x20]  }
0x28d: {  	v4 =	vld.idx.msk [tilespmem:v8+s25+$0x0], $0xffff  }
0x28e: {  	v5 =	vadd.f32 v6, v5;
	v6 =	vpop (erf);
	v2 =	vmul.f32 $5.000000000e-01, v2  }
0x28f: {  	v8 =	vpop (erf)  }
0x290: {  	v5 =	vmul.f32 $5.000000000e-01, v5;
	v2 =	vmul.f32 v8, v2  }
0x291: {  	v3 =	vld.idx.msk [tilespmem:v3+s25+$0x0], $0xffff  }
0x292: {  	(erf) = vrcp.f32 v1;
	v1 =	vmul.f32 v6, v5;
	v5 =	vld.idx.msk [tilespmem:v7+s25+$0x0], $0xffff;
	v4 =	vadd.f32 v4, v9;
	[tilespmem:s26+$0x50] =	vst v2  }
0x293: {  	v2 =	vld [tilespmem:s20+$0x60]  }
0x294: {  	[tilespmem:s18+$0xFFFFFF90] =	vst v1;
	v1 =	vmul.f32 $5.000000000e-01, v4;
	v4 =	vld [tilespmem:s20+$0xE0]  }
0x295: {  	v6 =	vld [tilespmem:s29+$0xFFFFFF20]  }
0x296: {  	v8 =	vld [tilespmem:s29+$0xFFFFFFA0]  }
0x297: {  	s30 =	simm.s32 $0x19C20  }
0x298: {  	v11 =	vld [tilespmem:s30+$0xFFFFFF80];
	v7 =	vpop (erf);
	v3 =	vadd.f32 v5, v3  }
0x299: {  	v1 =	vmul.f32 v7, v1;
	v7 =	vld [tilespmem:s19+$0x60]  }
0x29a: {  	v5 =	vld [tilespmem:s28+$0xFFFFFFA0];
	v3 =	vmul.f32 $5.000000000e-01, v3  }
0x29b: {  	v10 =	vpop (erf);
	v2 =	vld.idx.msk [tilespmem:v2+s25+$0x0], $0xffff  }
0x29c: {  	v3 =	vmul.f32 v10, v3;
	v4 =	vld.idx.msk [tilespmem:v4+s25+$0x0], $0xffff  }
0x29d: {  	v6 =	vld.idx.msk [tilespmem:v6+s25+$0x0], $0xffff  }
0x29e: {  	(erf) = vrcp.f32 v7;
	v8 =	vld.idx.msk [tilespmem:v8+s25+$0x0], $0xffff;
	[tilespmem:s18+$0x20] =	vst v3  }
0x29f: {  	v3 =	vld [tilespmem:s29+$0x30]  }
0x2a0: {  	[tilespmem:s26+$0xFFFFFFC0] =	vst v1;
	(erf) = vrcp.f32 v5;
	v7 =	vld [tilespmem:s29+$0xB0]  }
0x2a1: {  	v5 =	vld [tilespmem:s19+$0xFFFFFFD0]  }
0x2a2: {  	v2 =	vadd.f32 v4, v2;
	v4 =	vld [tilespmem:s28+$0x30]  }
0x2a3: {  	v47 =	vld [tilespmem:s30+$0xFFFFFF00]  }
0x2a4: {  	v1 =	vld [tilespmem:s20+$0xFFFFFF50]  }
0x2a5: {  	v9 =	vld [tilespmem:s20+$0xFFFFFFD0]  }
0x2a6: {  	(erf) = vrcp.f32 v5;
	v5 =	vadd.f32 v8, v6;
	v8 =	vld [tilespmem:s30+$0x0];
	v2 =	vmul.f32 $5.000000000e-01, v2  }
0x2a7: {  	v10 =	vpop (erf);
	v3 =	vld.idx.msk [tilespmem:v3+s25+$0x0], $0xffff;
	(erf) = vrcp.f32 v4  }
0x2a8: {  	v2 =	vmul.f32 v10, v2;
	v6 =	vld.idx.msk [tilespmem:v7+s25+$0x0], $0xffff;
	v4 =	vmul.f32 $5.000000000e-01, v5  }
0x2a9: {  	v11 =	vld.idx.msk [tilespmem:v11+s25+$0x0], $0xffff;
	v7 =	vpop (erf)  }
0x2aa: {  	[tilespmem:s26+$0x60] =	vst v2;
	v4 =	vmul.f32 v7, v4;
	v7 =	vld [tilespmem:s30+$0x80]  }
0x2ab: {  	s31 =	simm.s32 $0x1C1A0;
	v10 =	vld [tilespmem:s19+$0x70]  }
0x2ac: {  	[tilespmem:s18+$0xFFFFFFA0] =	vst v4;
	v4 =	vld [tilespmem:s31+$0x0]  }
0x2ad: {  	v1 =	vld.idx.msk [tilespmem:v1+s25+$0x0], $0xffff;
	v3 =	vadd.f32 v6, v3  }
0x2ae: {  	v9 =	vld.idx.msk [tilespmem:v9+s25+$0x0], $0xffff  }
0x2af: {  	v2 =	vld [tilespmem:s20+$0x70];
	v46 =	vpop (erf);
	v3 =	vmul.f32 $5.000000000e-01, v3  }
0x2b0: {  	v8 =	vld.idx.msk [tilespmem:v8+s25+$0x0], $0xffff;
	(erf) = vrcp.f32 v10;
	v48 =	vpop (erf)  }
0x2b1: {  	v6 =	vld [tilespmem:s29+$0xFFFFFF30];
	(erf) = vrcp.f32 v4;
	v3 =	vmul.f32 v48, v3  }
0x2b2: {  	v4 =	vld.idx.msk [tilespmem:v7+s25+$0x0], $0xffff  }
0x2b3: {  	v10 =	vld [tilespmem:s31+$0xFFFFFF80];
	[tilespmem:s18+$0x30] =	vst v3  }
0x2b4: {  	v7 =	vld [tilespmem:s29+$0x40]  }
0x2b5: {  	v49 =	vld [tilespmem:s29+$0xC0]  }
0x2b6: {  	v5 =	vld [tilespmem:s20+$0xF0]  }
0x2b7: {  	v50 =	vld [tilespmem:s28+$0x40];
	v4 =	vadd.f32 v4, v8  }
0x2b8: {  	(erf) = vrcp.f32 v10;
	v8 =	vld [tilespmem:s29+$0xFFFFFFB0]  }
0x2b9: {  	v10 =	vld.idx.msk [tilespmem:v47+s25+$0x0], $0xffff;
	v3 =	vpop (erf);
	v4 =	vmul.f32 $5.000000000e-01, v4  }
0x2ba: {  	v1 =	vadd.f32 v9, v1;
	v9 =	vld [tilespmem:s28+$0xFFFFFFB0];
	v51 =	vpop (erf)  }
0x2bb: {  	v6 =	vld.idx.msk [tilespmem:v6+s25+$0x0], $0xffff;
	v4 =	vmul.f32 v51, v4  }
0x2bc: {  	s23 =	simm.s32 $0x1D9A0;
	v1 =	vmul.f32 $5.000000000e-01, v1;
	v7 =	vld.idx.msk [tilespmem:v7+s25+$0x0], $0xffff  }
0x2bd: {  	(erf) = vrcp.f32 v50;
	v52 =	vld.idx.msk [tilespmem:v49+s25+$0x0], $0xffff;
	[tilespmem:s23+$0x0] =	vst v4  }
0x2be: {  	v1 =	vmul.f32 v46, v1;
	v4 =	vadd.f32 v11, v10;
	v10 =	vld [tilespmem:s30+$0x10]  }
0x2bf: {  	(erf) = vrcp.f32 v9;
	v11 =	vld [tilespmem:s30+$0x90]  }
0x2c0: {  	[tilespmem:s26+$0xFFFFFFD0] =	vst v1;
	v1 =	vld.idx.msk [tilespmem:v8+s25+$0x0], $0xffff;
	v4 =	vmul.f32 $5.000000000e-01, v4  }
0x2c1: {  	v9 =	vld [tilespmem:s19+$0xFFFFFFE0];
	v8 =	vpop (erf)  }
0x2c2: {  	v53 =	vld [tilespmem:s20+$0xFFFFFF60];
	v4 =	vmul.f32 v8, v4  }
0x2c3: {  	v8 =	vld [tilespmem:s31+$0x10];
	v7 =	vadd.f32 v52, v7  }
0x2c4: {  	v54 =	vld [tilespmem:s20+$0xFFFFFFE0];
	[tilespmem:s23+$0xFFFFFF80] =	vst v4  }
0x2c5: {  	v7 =	vmul.f32 $5.000000000e-01, v7;
	v55 =	vld [tilespmem:s30+$0xFFFFFF10];
	v1 =	vadd.f32 v1, v6  }
0x2c6: {  	v4 =	vpop (erf);
	(erf) = vrcp.f32 v9;
	v6 =	vld.idx.msk [tilespmem:v10+s25+$0x0], $0xffff  }
0x2c7: {  	v4 =	vmul.f32 v4, v7;
	v7 =	vld.idx.msk [tilespmem:v11+s25+$0x0], $0xffff;
	v1 =	vmul.f32 $5.000000000e-01, v1  }
0x2c8: {  	(erf) = vrcp.f32 v8;
	v8 =	vpop (erf);
	v10 =	vld [tilespmem:s30+$0xFFFFFF90]  }
0x2c9: {  	[tilespmem:s18+$0x40] =	vst v4;
	v1 =	vmul.f32 v8, v1;
	v8 =	vld [tilespmem:s31+$0xFFFFFF90]  }
0x2ca: {  	v4 =	vld [tilespmem:s29+$0x50]  }
0x2cb: {  	v9 =	vld [tilespmem:s29+$0xD0]  }
0x2cc: {  	[tilespmem:s18+$0xFFFFFFB0] =	vst v1;
	v1 =	vld [tilespmem:s28+$0x50]  }
0x2cd: {  	v2 =	vld.idx.msk [tilespmem:v2+s25+$0x0], $0xffff  }
0x2ce: {  	v11 =	vld [tilespmem:s29+$0xFFFFFF40];
	v6 =	vadd.f32 v7, v6  }
0x2cf: {  	v56 =	vld [tilespmem:s29+$0xFFFFFFC0]  }
0x2d0: {  	v7 =	vld.idx.msk [tilespmem:v55+s25+$0x0], $0xffff;
	v6 =	vmul.f32 $5.000000000e-01, v6;
	v57 =	vpop (erf);
	(erf) = vrcp.f32 v8  }
0x2d1: {  	v8 =	vpop (erf);
	(erf) = vrcp.f32 v1;
	v1 =	vld [tilespmem:s28+$0xFFFFFFC0]  }
0x2d2: {  	v6 =	vmul.f32 v8, v6;
	v4 =	vld.idx.msk [tilespmem:v4+s25+$0x0], $0xffff  }
0x2d3: {  	v8 =	vld.idx.msk [tilespmem:v9+s25+$0x0], $0xffff  }
0x2d4: {  	v9 =	vld.idx.msk [tilespmem:v10+s25+$0x0], $0xffff;
	[tilespmem:s23+$0x10] =	vst v6  }
0x2d5: {  	v6 =	vld [tilespmem:s30+$0x20]  }
0x2d6: {  	v10 =	vld [tilespmem:s30+$0xA0]  }
0x2d7: {  	v11 =	vld.idx.msk [tilespmem:v11+s25+$0x0], $0xffff  }
0x2d8: {  	v14 =	vld.idx.msk [tilespmem:v56+s25+$0x0], $0xffff;
	(erf) = vrcp.f32 v1;
	v4 =	vadd.f32 v8, v4  }
0x2d9: {  	v1 =	vld [tilespmem:s31+$0x20]  }
0x2da: {  	v5 =	vld.idx.msk [tilespmem:v5+s25+$0x0], $0xffff;
	v7 =	vadd.f32 v9, v7;
	v8 =	vpop (erf);
	v4 =	vmul.f32 $5.000000000e-01, v4  }
0x2db: {  	v13 =	vld.idx.msk [tilespmem:v54+s25+$0x0], $0xffff;
	v58 =	vpop (erf)  }
0x2dc: {  	v9 =	vld.idx.msk [tilespmem:v53+s25+$0x0], $0xffff;
	v7 =	vmul.f32 $5.000000000e-01, v7;
	v4 =	vmul.f32 v58, v4  }
0x2dd: {  	v6 =	vld.idx.msk [tilespmem:v6+s25+$0x0], $0xffff  }
0x2de: {  	(erf) = vrcp.f32 v1;
	v1 =	vadd.f32 v14, v11;
	v7 =	vmul.f32 v8, v7;
	v8 =	vld.idx.msk [tilespmem:v10+s25+$0x0], $0xffff;
	[tilespmem:s18+$0x50] =	vst v4  }
0x2df: {  	v4 =	vld [tilespmem:s29+$0x60]  }
0x2e0: {  	v1 =	vmul.f32 $5.000000000e-01, v1;
	[tilespmem:s23+$0xFFFFFF90] =	vst v7;
	v7 =	vld [tilespmem:s29+$0xE0]  }
0x2e1: {  	v10 =	vld [tilespmem:s30+$0xFFFFFF20];
	v11 =	vpop (erf)  }
0x2e2: {  	v59 =	vld [tilespmem:s30+$0xFFFFFFA0];
	v1 =	vmul.f32 v11, v1  }
0x2e3: {  	v11 =	vld [tilespmem:s28+$0x60]  }
0x2e4: {  	v60 =	vld [tilespmem:s31+$0xFFFFFFA0];
	v6 =	vadd.f32 v8, v6;
	[tilespmem:s18+$0xFFFFFFC0] =	vst v1  }
0x2e5: {  	v1 =	vld [tilespmem:s29+$0xFFFFFF50]  }
0x2e6: {  	v8 =	vld [tilespmem:s29+$0xFFFFFFD0];
	v6 =	vmul.f32 $5.000000000e-01, v6  }
0x2e7: {  	v16 =	vpop (erf);
	v4 =	vld.idx.msk [tilespmem:v4+s25+$0x0], $0xffff  }
0x2e8: {  	(erf) = vrcp.f32 v11;
	v6 =	vmul.f32 v16, v6;
	v7 =	vld.idx.msk [tilespmem:v7+s25+$0x0], $0xffff  }
0x2e9: {  	v9 =	vadd.f32 v13, v9;
	v10 =	vld.idx.msk [tilespmem:v10+s25+$0x0], $0xffff  }
0x2ea: {  	(erf) = vrcp.f32 v60;
	v11 =	vld.idx.msk [tilespmem:v59+s25+$0x0], $0xffff;
	[tilespmem:s23+$0x20] =	vst v6  }
0x2eb: {  	v6 =	vmul.f32 $5.000000000e-01, v9;
	v9 =	vld [tilespmem:s30+$0x30]  }
0x2ec: {  	v61 =	vld [tilespmem:s30+$0xB0]  }
0x2ed: {  	v63 =	vld.idx.msk [tilespmem:v1+s25+$0x0], $0xffff;
	v1 =	vadd.f32 v7, v4  }
0x2ee: {  	v62 =	vld [tilespmem:s28+$0xFFFFFFD0];
	v6 =	vmul.f32 v57, v6  }
0x2ef: {  	v4 =	vld.idx.msk [tilespmem:v8+s25+$0x0], $0xffff;
	v7 =	vmul.f32 $5.000000000e-01, v1  }
0x2f0: {  	[tilespmem:s26+$0xFFFFFFE0] =	vst v6;
	v6 =	vadd.f32 v11, v10;
	v8 =	vld [tilespmem:s31+$0x30]  }
0x2f1: {  	v5 =	vadd.f32 v5, v2;
	v1 =	vld [tilespmem:s20+$0xFFFFFF70];
	v2 =	vpop (erf)  }
0x2f2: {  	v10 =	vmul.f32 $5.000000000e-01, v6;
	v11 =	vmul.f32 v2, v7;
	v2 =	vld [tilespmem:s20+$0xFFFFFFF0]  }
0x2f3: {  	v5 =	vmul.f32 $5.000000000e-01, v5;
	(erf) = vrcp.f32 v62;
	v6 =	vld.idx.msk [tilespmem:v9+s25+$0x0], $0xffff;
	v7 =	vpop (erf)  }
0x2f4: {  	[tilespmem:s18+$0x60] =	vst v11;
	v9 =	vmul.f32 v7, v10;
	v7 =	vld.idx.msk [tilespmem:v61+s25+$0x0], $0xffff  }
0x2f5: {  	v5 =	vmul.f32 v3, v5;
	v10 =	vadd.f32 v4, v63;
	v3 =	vld [tilespmem:s29+$0x70]  }
0x2f6: {  	s17 =	sadd.s32 s22, s12;
	s16 =	simm.s32 $0x4;
	(erf) = vrcp.f32 v8;
	v4 =	vld [tilespmem:s29+$0xF0];
	[tilespmem:s23+$0xFFFFFFA0] =	vst v9  }
0x2f7: {  	s13 =	simm.s32 $0x1C1A0;
	s7 =	simm.s32 $0x19E20;
	[tilespmem:s26+$0x70] =	vst v5;
	s20 =	simm.s32 $0x1D9A0;
	v8 =	vmul.f32 $5.000000000e-01, v10;
	v5 =	vld [tilespmem:s30+$0xFFFFFF30]  }
.LBB2_11:
0x2f8: {  	v9 =	vld [tilespmem:s7+$0x0]  }
0x2f9: {  	v10 =	vld [tilespmem:s28+$0x70]  }
0x2fa: {  	v11 =	vld [tilespmem:s7+$0x80]  }
0x2fb: {  	s31 =	sadd.s32 $0x100, s31;
	v12 =	vld [tilespmem:s7+$0xFFFFFF80]  }
0x2fc: {  	v6 =	vadd.f32 v7, v6;
	v13 =	vld [tilespmem:s31+$0x0];
	v7 =	vpop (erf)  }
0x2fd: {  	v7 =	vmul.f32 v7, v8;
	v3 =	vld.idx.msk [tilespmem:v3+s25+$0x0], $0xffff  }
0x2fe: {  	v6 =	vmul.f32 $5.000000000e-01, v6;
	v4 =	vld.idx.msk [tilespmem:v4+s25+$0x0], $0xffff;
	(erf) = vrcp.f32 v10  }
0x2ff: {  	v8 =	vld [tilespmem:s7+$0xFFFFFF00];
	v10 =	vpop (erf);
	[tilespmem:s18+$0xFFFFFFD0] =	vst v7  }
0x300: {  	v7 =	vld [tilespmem:s31+$0xFFFFFF80];
	v6 =	vmul.f32 v10, v6  }
0x301: {  	v9 =	vld.idx.msk [tilespmem:v9+s25+$0x0], $0xffff  }
0x302: {  	v10 =	vld.idx.msk [tilespmem:v11+s25+$0x0], $0xffff;
	(erf) = vrcp.f32 v13;
	[tilespmem:s23+$0x30] =	vst v6  }
0x303: {  	s16 =	sadd.s32 $0x2, s16;
	v6 =	vld [tilespmem:s30+$0x40]  }
0x304: {  	p2 =	slt.u32 s16, $0xE;
	v3 =	vadd.f32 v4, v3;
	v11 =	vld [tilespmem:s30+$0xC0]  }
0x305: {  	v4 =	vld.idx.msk [tilespmem:v12+s25+$0x0], $0xffff;
	(erf) = vrcp.f32 v7  }
0x306: {  	v3 =	vmul.f32 $5.000000000e-01, v3;
	v7 =	vld [tilespmem:s30+$0xFFFFFFB0]  }
0x307: {  	v12 =	vld [tilespmem:s13+$0x40];
	v13 =	vpop (erf)  }
0x308: {  	v9 =	vadd.f32 v10, v9;
	v8 =	vld.idx.msk [tilespmem:v8+s25+$0x0], $0xffff;
	v13 =	vmul.f32 v13, v3  }
0x309: {  	v10 =	vld [tilespmem:s13+$0xFFFFFFB0]  }
0x30a: {  	v9 =	vmul.f32 $5.000000000e-01, v9;
	v5 =	vld.idx.msk [tilespmem:v5+s25+$0x0], $0xffff;
	[tilespmem:s18+$0x70] =	vst v13  }
0x30b: {  	v3 =	vpop (erf);
	v6 =	vld.idx.msk [tilespmem:v6+s25+$0x0], $0xffff  }
0x30c: {  	v13 =	vmul.f32 v3, v9;
	v9 =	vld.idx.msk [tilespmem:v11+s25+$0x0], $0xffff;
	(erf) = vrcp.f32 v12  }
0x30d: {  	s23 =	sadd.s32 $0x100, s23;
	v11 =	vld [tilespmem:s29+$0xFFFFFF60]  }
0x30e: {  	v4 =	vadd.f32 v4, v8;
	[tilespmem:s23+$0x0] =	vst v13;
	v3 =	vpop (erf);
	v7 =	vld.idx.msk [tilespmem:v7+s25+$0x0], $0xffff;
	(erf) = vrcp.f32 v10  }
0x30f: {  	v8 =	vld [tilespmem:s7+$0x10]  }
0x310: {  	v4 =	vmul.f32 $5.000000000e-01, v4;
	v10 =	vld [tilespmem:s7+$0x90]  }
0x311: {  	v12 =	vld [tilespmem:s29+$0xFFFFFFE0]  }
0x312: {  	v3 =	vmul.f32 v3, v4;
	v4 =	vadd.f32 v9, v6;
	v6 =	vld [tilespmem:s28+$0xFFFFFFE0]  }
0x313: {  	v9 =	vld [tilespmem:s31+$0x10]  }
0x314: {  	v4 =	vmul.f32 $5.000000000e-01, v4;
	[tilespmem:s23+$0xFFFFFF80] =	vst v3;
	v3 =	vadd.f32 v7, v5;
	v5 =	vld [tilespmem:s19+$0xFFFFFFF0];
	s19 =	smov.u32 s28;
	s28 =	smov.u32 s13;
	s13 =	smov.u32 s31  }
0x315: {  	v7 =	vld [tilespmem:s7+$0xFFFFFF10];
	v13 =	vpop (erf)  }
0x316: {  	v14 =	vld [tilespmem:s7+$0xFFFFFF90];
	v3 =	vmul.f32 $5.000000000e-01, v3;
	v4 =	vmul.f32 v13, v4  }
0x317: {  	v8 =	vld.idx.msk [tilespmem:v8+s25+$0x0], $0xffff;
	v13 =	vpop (erf);
	(erf) = vrcp.f32 v6  }
0x318: {  	v6 =	vld.idx.msk [tilespmem:v10+s25+$0x0], $0xffff;
	(erf) = vrcp.f32 v9;
	v3 =	vmul.f32 v13, v3;
	[tilespmem:s20+$0x40] =	vst v4  }
0x319: {  	v4 =	vld [tilespmem:s30+$0x50];
	(erf) = vrcp.f32 v5  }
0x31a: {  	[tilespmem:s20+$0xFFFFFFB0] =	vst v3;
	v3 =	vld [tilespmem:s30+$0xD0]  }
0x31b: {  	v5 =	vld [tilespmem:s31+$0xFFFFFF90]  }
0x31c: {  	v9 =	vld [tilespmem:s30+$0xFFFFFF40]  }
0x31d: {  	v10 =	vld [tilespmem:s28+$0x50]  }
0x31e: {  	v6 =	vadd.f32 v6, v8;
	v7 =	vld.idx.msk [tilespmem:v7+s25+$0x0], $0xffff  }
0x31f: {  	v8 =	vld.idx.msk [tilespmem:v14+s25+$0x0], $0xffff  }
0x320: {  	v6 =	vmul.f32 $5.000000000e-01, v6;
	(erf) = vrcp.f32 v5;
	v5 =	vld [tilespmem:s30+$0xFFFFFFC0];
	v13 =	vpop (erf)  }
0x321: {  	v14 =	vpop (erf);
	v4 =	vld.idx.msk [tilespmem:v4+s25+$0x0], $0xffff  }
0x322: {  	v6 =	vmul.f32 v14, v6;
	v3 =	vld.idx.msk [tilespmem:v3+s25+$0x0], $0xffff;
	(erf) = vrcp.f32 v10;
	v10 =	vpop (erf)  }
0x323: {  	v14 =	vld [tilespmem:s28+$0xFFFFFFC0]  }
0x324: {  	[tilespmem:s23+$0x10] =	vst v6;
	v6 =	vld.idx.msk [tilespmem:v9+s25+$0x0], $0xffff  }
0x325: {  	v7 =	vadd.f32 v8, v7;
	v8 =	vld [tilespmem:s7+$0x20]  }
0x326: {  	v9 =	vld [tilespmem:s7+$0xA0]  }
0x327: {  	v7 =	vmul.f32 $5.000000000e-01, v7;
	v11 =	vld.idx.msk [tilespmem:v11+s25+$0x0], $0xffff  }
0x328: {  	v3 =	vadd.f32 v3, v4;
	v5 =	vld.idx.msk [tilespmem:v5+s25+$0x0], $0xffff;
	(erf) = vrcp.f32 v14  }
0x329: {  	v4 =	vld [tilespmem:s31+$0x20];
	v14 =	vpop (erf)  }
0x32a: {  	v3 =	vmul.f32 $5.000000000e-01, v3;
	v7 =	vmul.f32 v14, v7;
	v12 =	vld.idx.msk [tilespmem:v12+s25+$0x0], $0xffff  }
0x32b: {  	v14 =	vpop (erf);
	v1 =	vld.idx.msk [tilespmem:v1+s25+$0x0], $0xffff  }
0x32c: {  	[tilespmem:s23+$0xFFFFFF90] =	vst v7;
	v3 =	vmul.f32 v14, v3;
	v2 =	vld.idx.msk [tilespmem:v2+s25+$0x0], $0xffff  }
0x32d: {  	v7 =	vld.idx.msk [tilespmem:v8+s25+$0x0], $0xffff  }
0x32e: {  	v8 =	vld.idx.msk [tilespmem:v9+s25+$0x0], $0xffff;
	(erf) = vrcp.f32 v4;
	v4 =	vadd.f32 v5, v6;
	[tilespmem:s20+$0x50] =	vst v3  }
0x32f: {  	v3 =	vld [tilespmem:s30+$0x60]  }
0x330: {  	v6 =	vadd.f32 v12, v11;
	v4 =	vmul.f32 $5.000000000e-01, v4;
	v5 =	vld [tilespmem:s30+$0xE0]  }
0x331: {  	v9 =	vld [tilespmem:s7+$0xFFFFFF20];
	v11 =	vpop (erf)  }
0x332: {  	v6 =	vmul.f32 $5.000000000e-01, v6;
	v1 =	vadd.f32 v2, v1;
	v12 =	vld [tilespmem:s7+$0xFFFFFFA0];
	v4 =	vmul.f32 v11, v4  }
0x333: {  	v2 =	vld [tilespmem:s28+$0x60]  }
0x334: {  	v7 =	vadd.f32 v8, v7;
	v13 =	vmul.f32 v13, v6;
	v1 =	vmul.f32 $5.000000000e-01, v1;
	v11 =	vld [tilespmem:s31+$0xFFFFFFA0];
	[tilespmem:s20+$0xFFFFFFC0] =	vst v4  }
0x335: {  	v6 =	vld [tilespmem:s30+$0xFFFFFF50]  }
0x336: {  	v7 =	vmul.f32 $5.000000000e-01, v7;
	v1 =	vmul.f32 v10, v1;
	v8 =	vld [tilespmem:s30+$0xFFFFFFD0];
	[tilespmem:s18+$0xFFFFFFE0] =	vst v13  }
0x337: {  	v4 =	vpop (erf);
	v3 =	vld.idx.msk [tilespmem:v3+s25+$0x0], $0xffff  }
0x338: {  	v4 =	vmul.f32 v4, v7;
	v5 =	vld.idx.msk [tilespmem:v5+s25+$0x0], $0xffff;
	(erf) = vrcp.f32 v2;
	[tilespmem:s26+$0xFFFFFFF0] =	vst v1;
	s26 =	smov.u32 s18;
	s18 =	smov.u32 s20;
	s20 =	smov.u32 s23  }
0x339: {  	v1 =	vld.idx.msk [tilespmem:v9+s25+$0x0], $0xffff;
	(erf) = vrcp.f32 v11  }
0x33a: {  	v2 =	vld.idx.msk [tilespmem:v12+s25+$0x0], $0xffff;
	[tilespmem:s23+$0x20] =	vst v4  }
0x33b: {  	v4 =	vld [tilespmem:s7+$0x30]  }
0x33c: {  	v7 =	vld [tilespmem:s7+$0xB0]  }
0x33d: {  	v9 =	vld [tilespmem:s28+$0xFFFFFFD0]  }
0x33e: {  	v3 =	vadd.f32 v5, v3;
	v10 =	vld.idx.msk [tilespmem:v6+s25+$0x0], $0xffff  }
0x33f: {  	v5 =	vld.idx.msk [tilespmem:v8+s25+$0x0], $0xffff  }
0x340: {  	v2 =	vadd.f32 v2, v1;
	v3 =	vmul.f32 $5.000000000e-01, v3;
	v1 =	vld [tilespmem:s29+$0xFFFFFF70]  }
0x341: {  	v8 =	vld [tilespmem:s31+$0x30];
	v6 =	vpop (erf)  }
0x342: {  	v11 =	vmul.f32 $5.000000000e-01, v2;
	v12 =	vpop (erf);
	v3 =	vmul.f32 v6, v3;
	v2 =	vld [tilespmem:s29+$0xFFFFFFF0];
	s29 =	smov.u32 s30;
	s30 =	smov.u32 s7  }
.Ltmp6:
0x343: {  	v6 =	vld.idx.msk [tilespmem:v4+s25+$0x0], $0xffff;
	(erf) = vrcp.f32 v9;
	(pc) =	sbr.rel @p2 .LBB2_11-.Ltmp6, $4  }
0x344: {  	v4 =	vmul.f32 v12, v11;
	v7 =	vld.idx.msk [tilespmem:v7+s25+$0x0], $0xffff;
	[tilespmem:s18+$0x60] =	vst v3  }
0x345: {  	v9 =	vadd.f32 v5, v10;
	v3 =	vld [tilespmem:s29+$0x70]  }
0x346: {  	[tilespmem:s23+$0xFFFFFFA0] =	vst v4;
	(erf) = vrcp.f32 v8;
	v4 =	vld [tilespmem:s29+$0xF0]  }
0x347: {  	s7 =	sadd.s32 $0x200, s7;
	v8 =	vmul.f32 $5.000000000e-01, v9;
	v5 =	vld [tilespmem:s30+$0xFFFFFF30]  }
0x348: {  	_ =	sdelay $0x3  }
0x349: {  	v6 =	vadd.f32 v7, v6;
	_ =	sdelay $0x1  }
0x34a: {  	v6 =	vmul.f32 $5.000000000e-01, v6;
	v7 =	vpop (erf)  }
0x34b: {  	v9 =	vpop (erf)  }
0x34c: {  	v6 =	vmul.f32 v9, v6;
	_ =	sdelay $0x1  }
0x34d: {  	v11 =	vld [tilespmem:s30+$0xFFFFFFB0];
	[tilespmem:s23+$0x30] =	vst v6  }
0x34e: {  	v6 =	vld [tilespmem:s30+$0x40]  }
0x34f: {  	v10 =	vld [tilespmem:s30+$0xC0]  }
0x350: {  	v9 =	vld [tilespmem:s28+$0x70]  }
0x351: {  	v12 =	vld [tilespmem:s13+$0x40];
	_ =	sdelay $0x1  }
0x352: {  	v13 =	vld [tilespmem:s13+$0xFFFFFFB0];
	_ =	sdelay $0x1  }
0x353: {  	(erf) = vrcp.f32 v9  }
0x354: {  	(erf) = vrcp.f32 v12;
	v6 =	vld.idx.msk [tilespmem:v6+s25+$0x0], $0xffff  }
0x355: {  	v9 =	vld.idx.msk [tilespmem:v10+s25+$0x0], $0xffff  }
0x356: {  	v5 =	vld.idx.msk [tilespmem:v5+s25+$0x0], $0xffff;
	(erf) = vrcp.f32 v13  }
0x357: {  	v10 =	vld.idx.msk [tilespmem:v11+s25+$0x0], $0xffff;
	_ =	sdelay $0x2  }
0x358: {  	v6 =	vadd.f32 v9, v6;
	_ =	sdelay $0x1  }
0x359: {  	v7 =	vmul.f32 v7, v8;
	v8 =	vpop (erf);
	v5 =	vadd.f32 v10, v5;
	v6 =	vmul.f32 $5.000000000e-01, v6  }
0x35a: {  	v9 =	vpop (erf)  }
0x35b: {  	[tilespmem:s18+$0xFFFFFFD0] =	vst v7;
	v5 =	vmul.f32 $5.000000000e-01, v5;
	v6 =	vmul.f32 v9, v6  }
0x35c: {  	v7 =	vld [tilespmem:s28+$0xFFFFFFE0];
	v9 =	vpop (erf)  }
0x35d: {  	v10 =	vld [tilespmem:s19+$0xFFFFFFF0];
	v5 =	vmul.f32 v9, v5;
	[tilespmem:s20+$0x40] =	vst v6  }
0x35e: {  	v6 =	vld [tilespmem:s30+$0x50]  }
0x35f: {  	[tilespmem:s20+$0xFFFFFFB0] =	vst v5;
	v5 =	vld [tilespmem:s30+$0xD0]  }
0x360: {  	v11 =	vld [tilespmem:s13+$0x50]  }
0x361: {  	v9 =	vld [tilespmem:s30+$0xFFFFFF40]  }
0x362: {  	v38 =	vld [tilespmem:s30+$0xFFFFFFC0];
	_ =	sdelay $0x1  }
0x363: {  	v39 =	vld [tilespmem:s13+$0xFFFFFFC0]  }
0x364: {  	(erf) = vrcp.f32 v7  }
0x365: {  	(erf) = vrcp.f32 v10  }
0x366: {  	(erf) = vrcp.f32 v11;
	v6 =	vld.idx.msk [tilespmem:v6+s25+$0x0], $0xffff  }
0x367: {  	v5 =	vld.idx.msk [tilespmem:v5+s25+$0x0], $0xffff  }
0x368: {  	(erf) = vrcp.f32 v39;
	v7 =	vld.idx.msk [tilespmem:v9+s25+$0x0], $0xffff  }
0x369: {  	v9 =	vld.idx.msk [tilespmem:v38+s25+$0x0], $0xffff;
	_ =	sdelay $0x2  }
0x36a: {  	v5 =	vadd.f32 v5, v6  }
0x36b: {  	v6 =	vpop (erf)  }
0x36c: {  	v10 =	vpop (erf);
	v7 =	vadd.f32 v9, v7;
	v5 =	vmul.f32 $5.000000000e-01, v5  }
0x36d: {  	v9 =	vpop (erf)  }
0x36e: {  	v7 =	vmul.f32 $5.000000000e-01, v7;
	v5 =	vmul.f32 v9, v5  }
0x36f: {  	v9 =	vpop (erf)  }
0x370: {  	[tilespmem:s20+$0x50] =	vst v5;
	v5 =	vmul.f32 v9, v7  }
0x371: {  	v7 =	vld [tilespmem:s30+$0x60]  }
0x372: {  	v9 =	vld [tilespmem:s30+$0xE0];
	[tilespmem:s20+$0xFFFFFFC0] =	vst v5  }
0x373: {  	v5 =	vld [tilespmem:s30+$0xFFFFFF50]  }
0x374: {  	v11 =	vld [tilespmem:s30+$0xFFFFFFD0]  }
0x375: {  	v40 =	vld [tilespmem:s13+$0x60]  }
0x376: {  	v41 =	vld [tilespmem:s13+$0xFFFFFFD0];
	_ =	sdelay $0x3  }
0x377: {  	(erf) = vrcp.f32 v40  }
0x378: {  	(erf) = vrcp.f32 v41;
	v5 =	vld.idx.msk [tilespmem:v5+s25+$0x0], $0xffff  }
0x379: {  	v11 =	vld.idx.msk [tilespmem:v11+s25+$0x0], $0xffff  }
0x37a: {  	v7 =	vld.idx.msk [tilespmem:v7+s25+$0x0], $0xffff  }
0x37b: {  	v9 =	vld.idx.msk [tilespmem:v9+s25+$0x0], $0xffff;
	_ =	sdelay $0x2  }
0x37c: {  	v5 =	vadd.f32 v11, v5;
	_ =	sdelay $0x1  }
0x37d: {  	v7 =	vadd.f32 v9, v7;
	v9 =	vpop (erf);
	v5 =	vmul.f32 $5.000000000e-01, v5  }
0x37e: {  	v11 =	vpop (erf)  }
0x37f: {  	v7 =	vmul.f32 $5.000000000e-01, v7;
	v5 =	vmul.f32 v11, v5  }
0x380: {  	v42 =	vld [tilespmem:s29+$0xFFFFFFE0]  }
0x381: {  	v7 =	vmul.f32 v9, v7;
	v11 =	vld [tilespmem:s29+$0xFFFFFF60];
	[tilespmem:s20+$0xFFFFFFD0] =	vst v5  }
0x382: {  	v5 =	vld [tilespmem:s30+$0xFFFFFF60]  }
0x383: {  	[tilespmem:s20+$0x60] =	vst v7;
	v7 =	vld [tilespmem:s30+$0xFFFFFFE0]  }
0x384: {  	v9 =	vld [tilespmem:s13+$0x70]  }
0x385: {  	v43 =	vld [tilespmem:s13+$0xFFFFFFE0];
	_ =	sdelay $0x2  }
0x386: {  	v12 =	vld.idx.msk [tilespmem:v42+s25+$0x0], $0xffff  }
0x387: {  	(erf) = vrcp.f32 v9;
	v11 =	vld.idx.msk [tilespmem:v11+s25+$0x0], $0xffff  }
0x388: {  	(erf) = vrcp.f32 v43;
	v5 =	vld.idx.msk [tilespmem:v5+s25+$0x0], $0xffff  }
0x389: {  	v7 =	vld.idx.msk [tilespmem:v7+s25+$0x0], $0xffff;
	_ =	sdelay $0x2  }
0x38a: {  	v9 =	vadd.f32 v12, v11  }
0x38b: {  	v1 =	vld.idx.msk [tilespmem:v1+s25+$0x0], $0xffff  }
0x38c: {  	v2 =	vld.idx.msk [tilespmem:v2+s25+$0x0], $0xffff;
	v9 =	vmul.f32 $5.000000000e-01, v9;
	v5 =	vadd.f32 v7, v5  }
0x38d: {  	v3 =	vld.idx.msk [tilespmem:v3+s25+$0x0], $0xffff  }
0x38e: {  	v4 =	vld.idx.msk [tilespmem:v4+s25+$0x0], $0xffff;
	v7 =	vpop (erf);
	v6 =	vmul.f32 v6, v9;
	v5 =	vmul.f32 $5.000000000e-01, v5  }
0x38f: {  	v9 =	vld [tilespmem:s30+$0x70];
	v11 =	vpop (erf)  }
0x390: {  	[tilespmem:s18+$0xFFFFFFE0] =	vst v6;
	v6 =	vld [tilespmem:s30+$0xF0];
	v5 =	vmul.f32 v11, v5  }
0x391: {  	v11 =	vld [tilespmem:s29+$0xFFFFFF70]  }
0x392: {  	v44 =	vld [tilespmem:s29+$0xFFFFFFF0];
	[tilespmem:s20+$0xFFFFFFE0] =	vst v5  }
0x393: {  	v5 =	vld [tilespmem:s30+$0xFFFFFF70]  }
0x394: {  	v45 =	vld [tilespmem:s30+$0xFFFFFFF0]  }
0x395: {  	v14 =	vld [tilespmem:s28+$0xFFFFFFF0]  }
0x396: {  	v15 =	vld [tilespmem:s13+$0xFFFFFFF0]  }
0x397: {  	v9 =	vld.idx.msk [tilespmem:v9+s25+$0x0], $0xffff  }
0x398: {  	v6 =	vld.idx.msk [tilespmem:v6+s25+$0x0], $0xffff  }
0x399: {  	v11 =	vld.idx.msk [tilespmem:v11+s25+$0x0], $0xffff  }
0x39a: {  	(erf) = vrcp.f32 v14;
	v12 =	vld.idx.msk [tilespmem:v44+s25+$0x0], $0xffff  }
0x39b: {  	v3 =	vadd.f32 v4, v3;
	(erf) = vrcp.f32 v15;
	v5 =	vld.idx.msk [tilespmem:v5+s25+$0x0], $0xffff  }
0x39c: {  	v13 =	vld.idx.msk [tilespmem:v45+s25+$0x0], $0xffff  }
0x39d: {  	v1 =	vadd.f32 v2, v1;
	v2 =	vmul.f32 $5.000000000e-01, v3;
	v3 =	vadd.f32 v6, v9;
	_ =	sdelay $0x1  }
0x39e: {  	v3 =	vmul.f32 $5.000000000e-01, v3  }
0x39f: {  	v1 =	vmul.f32 $5.000000000e-01, v1;
	v4 =	vadd.f32 v12, v11  }
0x3a0: {  	v2 =	vmul.f32 v8, v2;
	v5 =	vadd.f32 v13, v5  }
0x3a1: {  	v1 =	vmul.f32 v10, v1;
	v4 =	vmul.f32 $5.000000000e-01, v4  }
0x3a2: {  	p2 =	seq.s32 s21, $0x1F;
	[tilespmem:s18+$0x70] =	vst v2;
	v2 =	vmul.f32 v7, v3;
	v3 =	vpop (erf);
	v5 =	vmul.f32 $5.000000000e-01, v5  }
0x3a3: {  	s7 =	sadd.s32 @!p2 s22, s4;
	[tilespmem:s26+$0xFFFFFFF0] =	vst v1;
	v1 =	vmul.f32 v3, v4;
	v3 =	vpop (erf)  }
0x3a4: {  	s13 =	sshll.u32 @!p2 s7, $0x5;
	[tilespmem:s20+$0x70] =	vst v2;
	v2 =	vmul.f32 v3, v5  }
0x3a5: {  	s16 =	simm.s32 @!p2 $0x0;
	s7 =	sshll.u32 @!p2 s7, $0x4;
	s13 =	sand.u32 @!p2 $0x1FFFFFE0, s13;
	[tilespmem:s18+$0xFFFFFFF0] =	vst v1  }
0x3a6: {  	s7 =	sand.u32 @!p2 $0x1FFFFFF0, s7;
	s13 =	sadd.s32 @!p2 s1, s13;
	s18 =	simm.s32 @!p2 $0x19720;
	[tilespmem:s20+$0xFFFFFFF0] =	vst v2  }
0x3a7: {  	[tilespmem:s18], [sflag:$0x2] =	stream.linear.gather @!p2 [hbm4b:s13+s16], $0x1000, $0x38;
	[tilespmem:$0x1FF90] =	vst v63  }
0x3a8: {  	s7 =	sadd.s32 @!p2 s2, s7;
	s13 =	simm.s32 @!p2 $0x1BF20;
	s18 =	sshll.u32 s17, $0x4  }
0x3a9: {  	[tilespmem:s13], [sflag:$0x2] =	stream.linear.gather @!p2 [hbm4b:s7+s16], $0x800, $0x38;
	[tilespmem:$0x1FF90] =	vst v63  }
0x3aa: {  	s7 =	sand.u32 $0x1FFFFFF0, s18  }
0x3ab: {  	s19 =	simm.s32 $0x1D720;
	s7 =	sadd.s32 s3, s7  }
0x3ac: {  	[hbm4b:s7+s6] =	stream.linear.scatter [tilespmem:s19], [sflag:$0x5], $0x800, $0x38;
	[tilespmem:$0x1FF90] =	vst v63  }
0x3ad: {  	_ =	swait.ge [sflag:s15], $0x1000  }
0x3ae: {  	[sflag:s15] =	ssyncset.done $0x0  }
0x3af: {  	[sflag:s15] =	ssyncadd.s32 $0xFFFFF000  }
0x3b0: {  	_ =	swait.ge [sflag:s15], $0x800  }
0x3b1: {  	[sflag:s15] =	ssyncset.done $0x0  }
0x3b2: {  	s7 =	simm.s32 @!p1 $0x6;
	[sflag:s15] =	ssyncadd.s32 $0xFFFFF800  }
0x3b3: {  	_ =	swait.ge @!p1 [sflag:s7], $0x800  }
0x3b4: {  	[sflag:s7] =	ssyncset.done @!p1 $0x0  }
0x3b5: {  	s20 =	simm.s32 $0x1A820;
	[sflag:s7] =	ssyncadd.s32 @!p1 $0xFFFFF800  }
0x3b6: {  	v1 =	vld [tilespmem:s20+$0x0]  }
0x3b7: {  	v2 =	vld [tilespmem:s20+$0x80]  }
0x3b8: {  	s19 =	simm.s32 $0x1C7A0  }
0x3b9: {  	v3 =	vld [tilespmem:s19+$0x0];
	_ =	sdelay $0x4  }
0x3ba: {  	(erf) = vrcp.f32 v3;
	v1 =	vld.idx.msk [tilespmem:v1+s25+$0x0], $0xffff  }
0x3bb: {  	v2 =	vld.idx.msk [tilespmem:v2+s25+$0x0], $0xffff;
	_ =	sdelay $0x4  }
0x3bc: {  	v1 =	vadd.f32 v2, v1;
	_ =	sdelay $0x1  }
0x3bd: {  	v3 =	vld [tilespmem:s20+$0xFFFFFF80];
	v1 =	vmul.f32 $5.000000000e-01, v1  }
0x3be: {  	v2 =	vpop (erf)  }
0x3bf: {  	v1 =	vmul.f32 v2, v1;
	v2 =	vld [tilespmem:s20+$0xFFFFFF00];
	_ =	sdelay $0x1  }
0x3c0: {  	s26 =	simm.s32 $0x1DFA0;
	v4 =	vld [tilespmem:s19+$0xFFFFFF80]  }
0x3c1: {  	[tilespmem:s26+$0x0] =	vst v1  }
0x3c2: {  	v1 =	vld [tilespmem:s20+$0x10]  }
0x3c3: {  	v5 =	vld [tilespmem:s20+$0x90]  }
0x3c4: {  	v3 =	vld.idx.msk [tilespmem:v3+s25+$0x0], $0xffff  }
0x3c5: {  	(erf) = vrcp.f32 v4;
	v6 =	vld [tilespmem:s19+$0x10]  }
0x3c6: {  	v2 =	vld.idx.msk [tilespmem:v2+s25+$0x0], $0xffff;
	_ =	sdelay $0x3  }
0x3c7: {  	(erf) = vrcp.f32 v6;
	v1 =	vld.idx.msk [tilespmem:v1+s25+$0x0], $0xffff  }
0x3c8: {  	v4 =	vld.idx.msk [tilespmem:v5+s25+$0x0], $0xffff;
	v2 =	vadd.f32 v3, v2;
	_ =	sdelay $0x1  }
0x3c9: {  	v2 =	vmul.f32 $5.000000000e-01, v2  }
0x3ca: {  	v3 =	vpop (erf)  }
0x3cb: {  	v2 =	vmul.f32 v3, v2  }
0x3cc: {  	v1 =	vadd.f32 v4, v1;
	_ =	sdelay $0x1  }
0x3cd: {  	v1 =	vmul.f32 $5.000000000e-01, v1  }
0x3ce: {  	[tilespmem:s26+$0xFFFFFF80] =	vst v2;
	v2 =	vpop (erf)  }
0x3cf: {  	v3 =	vld [tilespmem:s20+$0xFFFFFF10];
	v1 =	vmul.f32 v2, v1  }
0x3d0: {  	v4 =	vld [tilespmem:s19+$0xFFFFFF90]  }
0x3d1: {  	v2 =	vld [tilespmem:s20+$0xFFFFFF90];
	[tilespmem:s26+$0x10] =	vst v1  }
0x3d2: {  	v1 =	vld [tilespmem:s20+$0x20]  }
0x3d3: {  	v5 =	vld [tilespmem:s20+$0xA0];
	_ =	sdelay $0x1  }
0x3d4: {  	v6 =	vld [tilespmem:s19+$0x20];
	_ =	sdelay $0x2  }
0x3d5: {  	(erf) = vrcp.f32 v4;
	v3 =	vld.idx.msk [tilespmem:v3+s25+$0x0], $0xffff  }
0x3d6: {  	v2 =	vld.idx.msk [tilespmem:v2+s25+$0x0], $0xffff  }
0x3d7: {  	(erf) = vrcp.f32 v6;
	v1 =	vld.idx.msk [tilespmem:v1+s25+$0x0], $0xffff  }
0x3d8: {  	v4 =	vld.idx.msk [tilespmem:v5+s25+$0x0], $0xffff;
	_ =	sdelay $0x2  }
0x3d9: {  	v2 =	vadd.f32 v2, v3;
	_ =	sdelay $0x1  }
0x3da: {  	v2 =	vmul.f32 $5.000000000e-01, v2;
	v1 =	vadd.f32 v4, v1  }
0x3db: {  	v3 =	vpop (erf)  }
0x3dc: {  	v2 =	vmul.f32 v3, v2;
	v1 =	vmul.f32 $5.000000000e-01, v1  }
0x3dd: {  	v3 =	vpop (erf)  }
0x3de: {  	[tilespmem:s26+$0xFFFFFF90] =	vst v2;
	v1 =	vmul.f32 v3, v1  }
0x3df: {  	v2 =	vld [tilespmem:s20+$0xFFFFFF20]  }
0x3e0: {  	v3 =	vld [tilespmem:s20+$0xFFFFFFA0];
	[tilespmem:s26+$0x20] =	vst v1  }
0x3e1: {  	v1 =	vld [tilespmem:s20+$0x30]  }
0x3e2: {  	v4 =	vld [tilespmem:s20+$0xB0]  }
0x3e3: {  	v5 =	vld [tilespmem:s19+$0xFFFFFFA0]  }
0x3e4: {  	v6 =	vld [tilespmem:s19+$0x30];
	_ =	sdelay $0x2  }
0x3e5: {  	s18 =	simm.s32 $0x1AA20  }
0x3e6: {  	(erf) = vrcp.f32 v5;
	v5 =	vld [tilespmem:s18+$0x0]  }
0x3e7: {  	(erf) = vrcp.f32 v6;
	v1 =	vld.idx.msk [tilespmem:v1+s25+$0x0], $0xffff  }
0x3e8: {  	v4 =	vld.idx.msk [tilespmem:v4+s25+$0x0], $0xffff  }
0x3e9: {  	v2 =	vld.idx.msk [tilespmem:v2+s25+$0x0], $0xffff  }
0x3ea: {  	v3 =	vld.idx.msk [tilespmem:v3+s25+$0x0], $0xffff  }
0x3eb: {  	v6 =	vld [tilespmem:s18+$0x80]  }
0x3ec: {  	s28 =	simm.s32 $0x1C8A0  }
0x3ed: {  	v7 =	vld [tilespmem:s28+$0x0];
	v1 =	vadd.f32 v4, v1  }
0x3ee: {  	v8 =	vld [tilespmem:s18+$0xFFFFFF00]  }
0x3ef: {  	v2 =	vadd.f32 v3, v2;
	v3 =	vpop (erf);
	v1 =	vmul.f32 $5.000000000e-01, v1  }
0x3f0: {  	v10 =	vld [tilespmem:s28+$0xFFFFFF80];
	v9 =	vpop (erf)  }
0x3f1: {  	v2 =	vmul.f32 $5.000000000e-01, v2;
	v4 =	vld [tilespmem:s18+$0xFFFFFF80];
	v1 =	vmul.f32 v9, v1  }
0x3f2: {  	v5 =	vld.idx.msk [tilespmem:v5+s25+$0x0], $0xffff;
	(erf) = vrcp.f32 v7  }
0x3f3: {  	v2 =	vmul.f32 v3, v2;
	v3 =	vld.idx.msk [tilespmem:v6+s25+$0x0], $0xffff;
	[tilespmem:s26+$0x30] =	vst v1  }
0x3f4: {  	v1 =	vld [tilespmem:s20+$0x40]  }
0x3f5: {  	[tilespmem:s26+$0xFFFFFFA0] =	vst v2;
	v2 =	vld [tilespmem:s20+$0xC0]  }
0x3f6: {  	v8 =	vld.idx.msk [tilespmem:v8+s25+$0x0], $0xffff  }
0x3f7: {  	v6 =	vld [tilespmem:s20+$0xFFFFFF30]  }
0x3f8: {  	(erf) = vrcp.f32 v10;
	v3 =	vadd.f32 v3, v5;
	v7 =	vld [tilespmem:s19+$0x40]  }
0x3f9: {  	v4 =	vld.idx.msk [tilespmem:v4+s25+$0x0], $0xffff  }
0x3fa: {  	v9 =	vld [tilespmem:s19+$0xFFFFFFB0];
	v3 =	vmul.f32 $5.000000000e-01, v3  }
0x3fb: {  	v5 =	vld [tilespmem:s20+$0xFFFFFFB0];
	v10 =	vpop (erf)  }
0x3fc: {  	v3 =	vmul.f32 v10, v3;
	v1 =	vld.idx.msk [tilespmem:v1+s25+$0x0], $0xffff  }
0x3fd: {  	s29 =	simm.s32 $0x1E0A0;
	(erf) = vrcp.f32 v7;
	v2 =	vld.idx.msk [tilespmem:v2+s25+$0x0], $0xffff  }
0x3fe: {  	[tilespmem:s29+$0x0] =	vst v3;
	v3 =	vadd.f32 v4, v8;
	_ =	sdelay $0x1  }
0x3ff: {  	v4 =	vld [tilespmem:s18+$0x10];
	v3 =	vmul.f32 $5.000000000e-01, v3  }
0x400: {  	v8 =	vpop (erf);
	v7 =	vld [tilespmem:s18+$0x90]  }
0x401: {  	v6 =	vld.idx.msk [tilespmem:v6+s25+$0x0], $0xffff;
	(erf) = vrcp.f32 v9;
	v1 =	vadd.f32 v2, v1;
	v2 =	vmul.f32 v8, v3  }
0x402: {  	v5 =	vld.idx.msk [tilespmem:v5+s25+$0x0], $0xffff  }
0x403: {  	v3 =	vld [tilespmem:s28+$0x10]  }
0x404: {  	v1 =	vmul.f32 $5.000000000e-01, v1  }
0x405: {  	[tilespmem:s29+$0xFFFFFF80] =	vst v2;
	v2 =	vpop (erf)  }
0x406: {  	v8 =	vld [tilespmem:s18+$0xFFFFFF10];
	v1 =	vmul.f32 v2, v1  }
0x407: {  	v4 =	vld.idx.msk [tilespmem:v4+s25+$0x0], $0xffff;
	v2 =	vadd.f32 v5, v6  }
0x408: {  	v5 =	vld.idx.msk [tilespmem:v7+s25+$0x0], $0xffff;
	(erf) = vrcp.f32 v3;
	[tilespmem:s26+$0x40] =	vst v1  }
0x409: {  	v1 =	vmul.f32 $5.000000000e-01, v2;
	v2 =	vld [tilespmem:s20+$0x50]  }
0x40a: {  	v3 =	vpop (erf);
	v6 =	vld [tilespmem:s20+$0xD0]  }
0x40b: {  	v7 =	vld [tilespmem:s18+$0xFFFFFF90];
	v1 =	vmul.f32 v3, v1  }
0x40c: {  	v3 =	vld [tilespmem:s28+$0xFFFFFF90]  }
0x40d: {  	[tilespmem:s26+$0xFFFFFFB0] =	vst v1;
	v1 =	vld [tilespmem:s19+$0x50]  }
0x40e: {  	v4 =	vadd.f32 v5, v4;
	v5 =	vld.idx.msk [tilespmem:v8+s25+$0x0], $0xffff  }
0x40f: {  	v9 =	vld [tilespmem:s20+$0xFFFFFF40]  }
0x410: {  	v4 =	vmul.f32 $5.000000000e-01, v4;
	v8 =	vld [tilespmem:s20+$0xFFFFFFC0]  }
0x411: {  	(erf) = vrcp.f32 v3;
	v3 =	vpop (erf);
	v2 =	vld.idx.msk [tilespmem:v2+s25+$0x0], $0xffff  }
0x412: {  	v3 =	vmul.f32 v3, v4;
	v4 =	vld.idx.msk [tilespmem:v6+s25+$0x0], $0xffff;
	(erf) = vrcp.f32 v1  }
0x413: {  	v1 =	vld [tilespmem:s19+$0xFFFFFFC0]  }
0x414: {  	v6 =	vld.idx.msk [tilespmem:v7+s25+$0x0], $0xffff;
	[tilespmem:s29+$0x10] =	vst v3  }
0x415: {  	v3 =	vld [tilespmem:s18+$0x20]  }
0x416: {  	v7 =	vld [tilespmem:s18+$0xA0]  }
0x417: {  	v9 =	vld.idx.msk [tilespmem:v9+s25+$0x0], $0xffff  }
0x418: {  	v2 =	vadd.f32 v4, v2;
	(erf) = vrcp.f32 v1;
	v1 =	vld [tilespmem:s28+$0x20]  }
0x419: {  	v4 =	vld.idx.msk [tilespmem:v8+s25+$0x0], $0xffff  }
0x41a: {  	v5 =	vadd.f32 v6, v5;
	v6 =	vpop (erf);
	v2 =	vmul.f32 $5.000000000e-01, v2  }
0x41b: {  	v8 =	vpop (erf)  }
0x41c: {  	v5 =	vmul.f32 $5.000000000e-01, v5;
	v2 =	vmul.f32 v8, v2  }
0x41d: {  	v3 =	vld.idx.msk [tilespmem:v3+s25+$0x0], $0xffff  }
0x41e: {  	(erf) = vrcp.f32 v1;
	v1 =	vmul.f32 v6, v5;
	v5 =	vld.idx.msk [tilespmem:v7+s25+$0x0], $0xffff;
	v4 =	vadd.f32 v4, v9;
	[tilespmem:s26+$0x50] =	vst v2  }
0x41f: {  	v2 =	vld [tilespmem:s20+$0x60]  }
0x420: {  	[tilespmem:s29+$0xFFFFFF90] =	vst v1;
	v1 =	vmul.f32 $5.000000000e-01, v4;
	v4 =	vld [tilespmem:s20+$0xE0]  }
0x421: {  	v6 =	vld [tilespmem:s18+$0xFFFFFF20]  }
0x422: {  	v8 =	vld [tilespmem:s18+$0xFFFFFFA0]  }
0x423: {  	s30 =	simm.s32 $0x1AC20  }
0x424: {  	v11 =	vld [tilespmem:s30+$0xFFFFFF80];
	v7 =	vpop (erf);
	v3 =	vadd.f32 v5, v3  }
0x425: {  	v1 =	vmul.f32 v7, v1;
	v7 =	vld [tilespmem:s19+$0x60]  }
0x426: {  	v5 =	vld [tilespmem:s28+$0xFFFFFFA0];
	v3 =	vmul.f32 $5.000000000e-01, v3  }
0x427: {  	v10 =	vpop (erf);
	v2 =	vld.idx.msk [tilespmem:v2+s25+$0x0], $0xffff  }
0x428: {  	v3 =	vmul.f32 v10, v3;
	v4 =	vld.idx.msk [tilespmem:v4+s25+$0x0], $0xffff  }
0x429: {  	v6 =	vld.idx.msk [tilespmem:v6+s25+$0x0], $0xffff  }
0x42a: {  	(erf) = vrcp.f32 v7;
	v8 =	vld.idx.msk [tilespmem:v8+s25+$0x0], $0xffff;
	[tilespmem:s29+$0x20] =	vst v3  }
0x42b: {  	v3 =	vld [tilespmem:s18+$0x30]  }
0x42c: {  	[tilespmem:s26+$0xFFFFFFC0] =	vst v1;
	(erf) = vrcp.f32 v5;
	v7 =	vld [tilespmem:s18+$0xB0]  }
0x42d: {  	v5 =	vld [tilespmem:s19+$0xFFFFFFD0]  }
0x42e: {  	v2 =	vadd.f32 v4, v2;
	v4 =	vld [tilespmem:s28+$0x30]  }
0x42f: {  	v47 =	vld [tilespmem:s30+$0xFFFFFF00]  }
0x430: {  	v1 =	vld [tilespmem:s20+$0xFFFFFF50]  }
0x431: {  	v9 =	vld [tilespmem:s20+$0xFFFFFFD0]  }
0x432: {  	(erf) = vrcp.f32 v5;
	v5 =	vadd.f32 v8, v6;
	v8 =	vld [tilespmem:s30+$0x0];
	v2 =	vmul.f32 $5.000000000e-01, v2  }
0x433: {  	v10 =	vpop (erf);
	v3 =	vld.idx.msk [tilespmem:v3+s25+$0x0], $0xffff;
	(erf) = vrcp.f32 v4  }
0x434: {  	v2 =	vmul.f32 v10, v2;
	v6 =	vld.idx.msk [tilespmem:v7+s25+$0x0], $0xffff;
	v4 =	vmul.f32 $5.000000000e-01, v5  }
0x435: {  	v11 =	vld.idx.msk [tilespmem:v11+s25+$0x0], $0xffff;
	v7 =	vpop (erf)  }
0x436: {  	[tilespmem:s26+$0x60] =	vst v2;
	v4 =	vmul.f32 v7, v4;
	v7 =	vld [tilespmem:s30+$0x80]  }
0x437: {  	s31 =	simm.s32 $0x1C9A0;
	v10 =	vld [tilespmem:s19+$0x70]  }
0x438: {  	[tilespmem:s29+$0xFFFFFFA0] =	vst v4;
	v4 =	vld [tilespmem:s31+$0x0]  }
0x439: {  	v1 =	vld.idx.msk [tilespmem:v1+s25+$0x0], $0xffff;
	v3 =	vadd.f32 v6, v3  }
0x43a: {  	v9 =	vld.idx.msk [tilespmem:v9+s25+$0x0], $0xffff  }
0x43b: {  	v2 =	vld [tilespmem:s20+$0x70];
	v46 =	vpop (erf);
	v3 =	vmul.f32 $5.000000000e-01, v3  }
0x43c: {  	v8 =	vld.idx.msk [tilespmem:v8+s25+$0x0], $0xffff;
	(erf) = vrcp.f32 v10;
	v48 =	vpop (erf)  }
0x43d: {  	v6 =	vld [tilespmem:s18+$0xFFFFFF30];
	(erf) = vrcp.f32 v4;
	v3 =	vmul.f32 v48, v3  }
0x43e: {  	v4 =	vld.idx.msk [tilespmem:v7+s25+$0x0], $0xffff  }
0x43f: {  	v10 =	vld [tilespmem:s31+$0xFFFFFF80];
	[tilespmem:s29+$0x30] =	vst v3  }
0x440: {  	v7 =	vld [tilespmem:s18+$0x40]  }
0x441: {  	v49 =	vld [tilespmem:s18+$0xC0]  }
0x442: {  	v5 =	vld [tilespmem:s20+$0xF0]  }
0x443: {  	v50 =	vld [tilespmem:s28+$0x40];
	v4 =	vadd.f32 v4, v8  }
0x444: {  	(erf) = vrcp.f32 v10;
	v8 =	vld [tilespmem:s18+$0xFFFFFFB0]  }
0x445: {  	v10 =	vld.idx.msk [tilespmem:v47+s25+$0x0], $0xffff;
	v3 =	vpop (erf);
	v4 =	vmul.f32 $5.000000000e-01, v4  }
0x446: {  	v1 =	vadd.f32 v9, v1;
	v9 =	vld [tilespmem:s28+$0xFFFFFFB0];
	v51 =	vpop (erf)  }
0x447: {  	v6 =	vld.idx.msk [tilespmem:v6+s25+$0x0], $0xffff;
	v4 =	vmul.f32 v51, v4  }
0x448: {  	s23 =	simm.s32 $0x1E1A0;
	v1 =	vmul.f32 $5.000000000e-01, v1;
	v7 =	vld.idx.msk [tilespmem:v7+s25+$0x0], $0xffff  }
0x449: {  	(erf) = vrcp.f32 v50;
	v52 =	vld.idx.msk [tilespmem:v49+s25+$0x0], $0xffff;
	[tilespmem:s23+$0x0] =	vst v4  }
0x44a: {  	v1 =	vmul.f32 v46, v1;
	v4 =	vadd.f32 v11, v10;
	v10 =	vld [tilespmem:s30+$0x10]  }
0x44b: {  	(erf) = vrcp.f32 v9;
	v11 =	vld [tilespmem:s30+$0x90]  }
0x44c: {  	[tilespmem:s26+$0xFFFFFFD0] =	vst v1;
	v1 =	vld.idx.msk [tilespmem:v8+s25+$0x0], $0xffff;
	v4 =	vmul.f32 $5.000000000e-01, v4  }
0x44d: {  	v9 =	vld [tilespmem:s19+$0xFFFFFFE0];
	v8 =	vpop (erf)  }
0x44e: {  	v53 =	vld [tilespmem:s20+$0xFFFFFF60];
	v4 =	vmul.f32 v8, v4  }
0x44f: {  	v8 =	vld [tilespmem:s31+$0x10];
	v7 =	vadd.f32 v52, v7  }
0x450: {  	v54 =	vld [tilespmem:s20+$0xFFFFFFE0];
	[tilespmem:s23+$0xFFFFFF80] =	vst v4  }
0x451: {  	v7 =	vmul.f32 $5.000000000e-01, v7;
	v55 =	vld [tilespmem:s30+$0xFFFFFF10];
	v1 =	vadd.f32 v1, v6  }
0x452: {  	v4 =	vpop (erf);
	(erf) = vrcp.f32 v9;
	v6 =	vld.idx.msk [tilespmem:v10+s25+$0x0], $0xffff  }
0x453: {  	v4 =	vmul.f32 v4, v7;
	v7 =	vld.idx.msk [tilespmem:v11+s25+$0x0], $0xffff;
	v1 =	vmul.f32 $5.000000000e-01, v1  }
0x454: {  	(erf) = vrcp.f32 v8;
	v8 =	vpop (erf);
	v10 =	vld [tilespmem:s30+$0xFFFFFF90]  }
0x455: {  	[tilespmem:s29+$0x40] =	vst v4;
	v1 =	vmul.f32 v8, v1;
	v8 =	vld [tilespmem:s31+$0xFFFFFF90]  }
0x456: {  	v4 =	vld [tilespmem:s18+$0x50]  }
0x457: {  	v9 =	vld [tilespmem:s18+$0xD0]  }
0x458: {  	[tilespmem:s29+$0xFFFFFFB0] =	vst v1;
	v1 =	vld [tilespmem:s28+$0x50]  }
0x459: {  	v2 =	vld.idx.msk [tilespmem:v2+s25+$0x0], $0xffff  }
0x45a: {  	v11 =	vld [tilespmem:s18+$0xFFFFFF40];
	v6 =	vadd.f32 v7, v6  }
0x45b: {  	v56 =	vld [tilespmem:s18+$0xFFFFFFC0]  }
0x45c: {  	v7 =	vld.idx.msk [tilespmem:v55+s25+$0x0], $0xffff;
	v6 =	vmul.f32 $5.000000000e-01, v6;
	v57 =	vpop (erf);
	(erf) = vrcp.f32 v8  }
0x45d: {  	v8 =	vpop (erf);
	(erf) = vrcp.f32 v1;
	v1 =	vld [tilespmem:s28+$0xFFFFFFC0]  }
0x45e: {  	v6 =	vmul.f32 v8, v6;
	v4 =	vld.idx.msk [tilespmem:v4+s25+$0x0], $0xffff  }
0x45f: {  	v8 =	vld.idx.msk [tilespmem:v9+s25+$0x0], $0xffff  }
0x460: {  	v9 =	vld.idx.msk [tilespmem:v10+s25+$0x0], $0xffff;
	[tilespmem:s23+$0x10] =	vst v6  }
0x461: {  	v6 =	vld [tilespmem:s30+$0x20]  }
0x462: {  	v10 =	vld [tilespmem:s30+$0xA0]  }
0x463: {  	v11 =	vld.idx.msk [tilespmem:v11+s25+$0x0], $0xffff  }
0x464: {  	v14 =	vld.idx.msk [tilespmem:v56+s25+$0x0], $0xffff;
	(erf) = vrcp.f32 v1;
	v4 =	vadd.f32 v8, v4  }
0x465: {  	v1 =	vld [tilespmem:s31+$0x20]  }
0x466: {  	v5 =	vld.idx.msk [tilespmem:v5+s25+$0x0], $0xffff;
	v7 =	vadd.f32 v9, v7;
	v8 =	vpop (erf);
	v4 =	vmul.f32 $5.000000000e-01, v4  }
0x467: {  	v13 =	vld.idx.msk [tilespmem:v54+s25+$0x0], $0xffff;
	v58 =	vpop (erf)  }
0x468: {  	v9 =	vld.idx.msk [tilespmem:v53+s25+$0x0], $0xffff;
	v7 =	vmul.f32 $5.000000000e-01, v7;
	v4 =	vmul.f32 v58, v4  }
0x469: {  	v6 =	vld.idx.msk [tilespmem:v6+s25+$0x0], $0xffff  }
0x46a: {  	(erf) = vrcp.f32 v1;
	v1 =	vadd.f32 v14, v11;
	v7 =	vmul.f32 v8, v7;
	v8 =	vld.idx.msk [tilespmem:v10+s25+$0x0], $0xffff;
	[tilespmem:s29+$0x50] =	vst v4  }
0x46b: {  	v4 =	vld [tilespmem:s18+$0x60]  }
0x46c: {  	v1 =	vmul.f32 $5.000000000e-01, v1;
	[tilespmem:s23+$0xFFFFFF90] =	vst v7;
	v7 =	vld [tilespmem:s18+$0xE0]  }
0x46d: {  	v10 =	vld [tilespmem:s30+$0xFFFFFF20];
	v11 =	vpop (erf)  }
0x46e: {  	v59 =	vld [tilespmem:s30+$0xFFFFFFA0];
	v1 =	vmul.f32 v11, v1  }
0x46f: {  	v11 =	vld [tilespmem:s28+$0x60]  }
0x470: {  	v60 =	vld [tilespmem:s31+$0xFFFFFFA0];
	v6 =	vadd.f32 v8, v6;
	[tilespmem:s29+$0xFFFFFFC0] =	vst v1  }
0x471: {  	v1 =	vld [tilespmem:s18+$0xFFFFFF50]  }
0x472: {  	v8 =	vld [tilespmem:s18+$0xFFFFFFD0];
	v6 =	vmul.f32 $5.000000000e-01, v6  }
0x473: {  	v16 =	vpop (erf);
	v4 =	vld.idx.msk [tilespmem:v4+s25+$0x0], $0xffff  }
0x474: {  	(erf) = vrcp.f32 v11;
	v6 =	vmul.f32 v16, v6;
	v7 =	vld.idx.msk [tilespmem:v7+s25+$0x0], $0xffff  }
0x475: {  	v9 =	vadd.f32 v13, v9;
	v10 =	vld.idx.msk [tilespmem:v10+s25+$0x0], $0xffff  }
0x476: {  	(erf) = vrcp.f32 v60;
	v11 =	vld.idx.msk [tilespmem:v59+s25+$0x0], $0xffff;
	[tilespmem:s23+$0x20] =	vst v6  }
0x477: {  	v6 =	vmul.f32 $5.000000000e-01, v9;
	v9 =	vld [tilespmem:s30+$0x30]  }
0x478: {  	v61 =	vld [tilespmem:s30+$0xB0]  }
0x479: {  	v63 =	vld.idx.msk [tilespmem:v1+s25+$0x0], $0xffff;
	v1 =	vadd.f32 v7, v4  }
0x47a: {  	v62 =	vld [tilespmem:s28+$0xFFFFFFD0];
	v6 =	vmul.f32 v57, v6  }
0x47b: {  	v4 =	vld.idx.msk [tilespmem:v8+s25+$0x0], $0xffff;
	v7 =	vmul.f32 $5.000000000e-01, v1  }
0x47c: {  	[tilespmem:s26+$0xFFFFFFE0] =	vst v6;
	v6 =	vadd.f32 v11, v10;
	v8 =	vld [tilespmem:s31+$0x30]  }
0x47d: {  	v5 =	vadd.f32 v5, v2;
	v1 =	vld [tilespmem:s20+$0xFFFFFF70];
	v2 =	vpop (erf)  }
0x47e: {  	v10 =	vmul.f32 $5.000000000e-01, v6;
	v11 =	vmul.f32 v2, v7;
	v2 =	vld [tilespmem:s20+$0xFFFFFFF0]  }
0x47f: {  	v5 =	vmul.f32 $5.000000000e-01, v5;
	(erf) = vrcp.f32 v62;
	v6 =	vld.idx.msk [tilespmem:v9+s25+$0x0], $0xffff;
	v7 =	vpop (erf)  }
0x480: {  	[tilespmem:s29+$0x60] =	vst v11;
	v9 =	vmul.f32 v7, v10;
	v7 =	vld.idx.msk [tilespmem:v61+s25+$0x0], $0xffff  }
0x481: {  	v5 =	vmul.f32 v3, v5;
	v10 =	vadd.f32 v4, v63;
	v3 =	vld [tilespmem:s18+$0x70]  }
0x482: {  	s17 =	sadd.s32 s22, s14;
	s16 =	simm.s32 $0x4;
	(erf) = vrcp.f32 v8;
	v4 =	vld [tilespmem:s18+$0xF0];
	[tilespmem:s23+$0xFFFFFFA0] =	vst v9  }
0x483: {  	s13 =	simm.s32 $0x1C9A0;
	s7 =	simm.s32 $0x1AE20;
	[tilespmem:s26+$0x70] =	vst v5;
	s20 =	simm.s32 $0x1E1A0;
	v8 =	vmul.f32 $5.000000000e-01, v10;
	v5 =	vld [tilespmem:s30+$0xFFFFFF30]  }
.LBB2_13:
0x484: {  	v9 =	vld [tilespmem:s7+$0x0]  }
0x485: {  	v10 =	vld [tilespmem:s28+$0x70]  }
0x486: {  	v11 =	vld [tilespmem:s7+$0x80]  }
0x487: {  	s31 =	sadd.s32 $0x100, s31;
	v12 =	vld [tilespmem:s7+$0xFFFFFF80]  }
0x488: {  	v6 =	vadd.f32 v7, v6;
	v13 =	vld [tilespmem:s31+$0x0];
	v7 =	vpop (erf)  }
0x489: {  	v7 =	vmul.f32 v7, v8;
	v3 =	vld.idx.msk [tilespmem:v3+s25+$0x0], $0xffff  }
0x48a: {  	v6 =	vmul.f32 $5.000000000e-01, v6;
	v4 =	vld.idx.msk [tilespmem:v4+s25+$0x0], $0xffff;
	(erf) = vrcp.f32 v10  }
0x48b: {  	v8 =	vld [tilespmem:s7+$0xFFFFFF00];
	v10 =	vpop (erf);
	[tilespmem:s29+$0xFFFFFFD0] =	vst v7  }
0x48c: {  	v7 =	vld [tilespmem:s31+$0xFFFFFF80];
	v6 =	vmul.f32 v10, v6  }
0x48d: {  	v9 =	vld.idx.msk [tilespmem:v9+s25+$0x0], $0xffff  }
0x48e: {  	v10 =	vld.idx.msk [tilespmem:v11+s25+$0x0], $0xffff;
	(erf) = vrcp.f32 v13;
	[tilespmem:s23+$0x30] =	vst v6  }
0x48f: {  	s16 =	sadd.s32 $0x2, s16;
	v6 =	vld [tilespmem:s30+$0x40]  }
0x490: {  	p1 =	slt.u32 s16, $0xE;
	v3 =	vadd.f32 v4, v3;
	v11 =	vld [tilespmem:s30+$0xC0]  }
0x491: {  	v4 =	vld.idx.msk [tilespmem:v12+s25+$0x0], $0xffff;
	(erf) = vrcp.f32 v7  }
0x492: {  	v3 =	vmul.f32 $5.000000000e-01, v3;
	v7 =	vld [tilespmem:s30+$0xFFFFFFB0]  }
0x493: {  	v12 =	vld [tilespmem:s13+$0x40];
	v13 =	vpop (erf)  }
0x494: {  	v9 =	vadd.f32 v10, v9;
	v8 =	vld.idx.msk [tilespmem:v8+s25+$0x0], $0xffff;
	v13 =	vmul.f32 v13, v3  }
0x495: {  	v10 =	vld [tilespmem:s13+$0xFFFFFFB0]  }
0x496: {  	v9 =	vmul.f32 $5.000000000e-01, v9;
	v5 =	vld.idx.msk [tilespmem:v5+s25+$0x0], $0xffff;
	[tilespmem:s29+$0x70] =	vst v13  }
0x497: {  	v3 =	vpop (erf);
	v6 =	vld.idx.msk [tilespmem:v6+s25+$0x0], $0xffff  }
0x498: {  	v13 =	vmul.f32 v3, v9;
	v9 =	vld.idx.msk [tilespmem:v11+s25+$0x0], $0xffff;
	(erf) = vrcp.f32 v12  }
0x499: {  	s23 =	sadd.s32 $0x100, s23;
	v11 =	vld [tilespmem:s18+$0xFFFFFF60]  }
0x49a: {  	v4 =	vadd.f32 v4, v8;
	[tilespmem:s23+$0x0] =	vst v13;
	v3 =	vpop (erf);
	v7 =	vld.idx.msk [tilespmem:v7+s25+$0x0], $0xffff;
	(erf) = vrcp.f32 v10  }
0x49b: {  	v8 =	vld [tilespmem:s7+$0x10]  }
0x49c: {  	v4 =	vmul.f32 $5.000000000e-01, v4;
	v10 =	vld [tilespmem:s7+$0x90]  }
0x49d: {  	v12 =	vld [tilespmem:s18+$0xFFFFFFE0]  }
0x49e: {  	v3 =	vmul.f32 v3, v4;
	v4 =	vadd.f32 v9, v6;
	v6 =	vld [tilespmem:s28+$0xFFFFFFE0]  }
0x49f: {  	v9 =	vld [tilespmem:s31+$0x10]  }
0x4a0: {  	v4 =	vmul.f32 $5.000000000e-01, v4;
	[tilespmem:s23+$0xFFFFFF80] =	vst v3;
	v3 =	vadd.f32 v7, v5;
	v5 =	vld [tilespmem:s19+$0xFFFFFFF0];
	s19 =	smov.u32 s28;
	s28 =	smov.u32 s13;
	s13 =	smov.u32 s31  }
0x4a1: {  	v7 =	vld [tilespmem:s7+$0xFFFFFF10];
	v13 =	vpop (erf)  }
0x4a2: {  	v14 =	vld [tilespmem:s7+$0xFFFFFF90];
	v3 =	vmul.f32 $5.000000000e-01, v3;
	v4 =	vmul.f32 v13, v4  }
0x4a3: {  	v8 =	vld.idx.msk [tilespmem:v8+s25+$0x0], $0xffff;
	v13 =	vpop (erf);
	(erf) = vrcp.f32 v6  }
0x4a4: {  	v6 =	vld.idx.msk [tilespmem:v10+s25+$0x0], $0xffff;
	(erf) = vrcp.f32 v9;
	v3 =	vmul.f32 v13, v3;
	[tilespmem:s20+$0x40] =	vst v4  }
0x4a5: {  	v4 =	vld [tilespmem:s30+$0x50];
	(erf) = vrcp.f32 v5  }
0x4a6: {  	[tilespmem:s20+$0xFFFFFFB0] =	vst v3;
	v3 =	vld [tilespmem:s30+$0xD0]  }
0x4a7: {  	v5 =	vld [tilespmem:s31+$0xFFFFFF90]  }
0x4a8: {  	v9 =	vld [tilespmem:s30+$0xFFFFFF40]  }
0x4a9: {  	v10 =	vld [tilespmem:s28+$0x50]  }
0x4aa: {  	v6 =	vadd.f32 v6, v8;
	v7 =	vld.idx.msk [tilespmem:v7+s25+$0x0], $0xffff  }
0x4ab: {  	v8 =	vld.idx.msk [tilespmem:v14+s25+$0x0], $0xffff  }
0x4ac: {  	v6 =	vmul.f32 $5.000000000e-01, v6;
	(erf) = vrcp.f32 v5;
	v5 =	vld [tilespmem:s30+$0xFFFFFFC0];
	v13 =	vpop (erf)  }
0x4ad: {  	v14 =	vpop (erf);
	v4 =	vld.idx.msk [tilespmem:v4+s25+$0x0], $0xffff  }
0x4ae: {  	v6 =	vmul.f32 v14, v6;
	v3 =	vld.idx.msk [tilespmem:v3+s25+$0x0], $0xffff;
	(erf) = vrcp.f32 v10;
	v10 =	vpop (erf)  }
0x4af: {  	v14 =	vld [tilespmem:s28+$0xFFFFFFC0]  }
0x4b0: {  	[tilespmem:s23+$0x10] =	vst v6;
	v6 =	vld.idx.msk [tilespmem:v9+s25+$0x0], $0xffff  }
0x4b1: {  	v7 =	vadd.f32 v8, v7;
	v8 =	vld [tilespmem:s7+$0x20]  }
0x4b2: {  	v9 =	vld [tilespmem:s7+$0xA0]  }
0x4b3: {  	v7 =	vmul.f32 $5.000000000e-01, v7;
	v11 =	vld.idx.msk [tilespmem:v11+s25+$0x0], $0xffff  }
0x4b4: {  	v3 =	vadd.f32 v3, v4;
	v5 =	vld.idx.msk [tilespmem:v5+s25+$0x0], $0xffff;
	(erf) = vrcp.f32 v14  }
0x4b5: {  	v4 =	vld [tilespmem:s31+$0x20];
	v14 =	vpop (erf)  }
0x4b6: {  	v3 =	vmul.f32 $5.000000000e-01, v3;
	v7 =	vmul.f32 v14, v7;
	v12 =	vld.idx.msk [tilespmem:v12+s25+$0x0], $0xffff  }
0x4b7: {  	v14 =	vpop (erf);
	v1 =	vld.idx.msk [tilespmem:v1+s25+$0x0], $0xffff  }
0x4b8: {  	[tilespmem:s23+$0xFFFFFF90] =	vst v7;
	v3 =	vmul.f32 v14, v3;
	v2 =	vld.idx.msk [tilespmem:v2+s25+$0x0], $0xffff  }
0x4b9: {  	v7 =	vld.idx.msk [tilespmem:v8+s25+$0x0], $0xffff  }
0x4ba: {  	v8 =	vld.idx.msk [tilespmem:v9+s25+$0x0], $0xffff;
	(erf) = vrcp.f32 v4;
	v4 =	vadd.f32 v5, v6;
	[tilespmem:s20+$0x50] =	vst v3  }
0x4bb: {  	v3 =	vld [tilespmem:s30+$0x60]  }
0x4bc: {  	v6 =	vadd.f32 v12, v11;
	v4 =	vmul.f32 $5.000000000e-01, v4;
	v5 =	vld [tilespmem:s30+$0xE0]  }
0x4bd: {  	v9 =	vld [tilespmem:s7+$0xFFFFFF20];
	v11 =	vpop (erf)  }
0x4be: {  	v6 =	vmul.f32 $5.000000000e-01, v6;
	v1 =	vadd.f32 v2, v1;
	v12 =	vld [tilespmem:s7+$0xFFFFFFA0];
	v4 =	vmul.f32 v11, v4  }
0x4bf: {  	v2 =	vld [tilespmem:s28+$0x60]  }
0x4c0: {  	v7 =	vadd.f32 v8, v7;
	v13 =	vmul.f32 v13, v6;
	v1 =	vmul.f32 $5.000000000e-01, v1;
	v11 =	vld [tilespmem:s31+$0xFFFFFFA0];
	[tilespmem:s20+$0xFFFFFFC0] =	vst v4  }
0x4c1: {  	v6 =	vld [tilespmem:s30+$0xFFFFFF50]  }
0x4c2: {  	v7 =	vmul.f32 $5.000000000e-01, v7;
	v1 =	vmul.f32 v10, v1;
	v8 =	vld [tilespmem:s30+$0xFFFFFFD0];
	[tilespmem:s29+$0xFFFFFFE0] =	vst v13  }
0x4c3: {  	v4 =	vpop (erf);
	v3 =	vld.idx.msk [tilespmem:v3+s25+$0x0], $0xffff  }
0x4c4: {  	v4 =	vmul.f32 v4, v7;
	v5 =	vld.idx.msk [tilespmem:v5+s25+$0x0], $0xffff;
	(erf) = vrcp.f32 v2;
	[tilespmem:s26+$0xFFFFFFF0] =	vst v1;
	s26 =	smov.u32 s29;
	s29 =	smov.u32 s20;
	s20 =	smov.u32 s23  }
0x4c5: {  	v1 =	vld.idx.msk [tilespmem:v9+s25+$0x0], $0xffff;
	(erf) = vrcp.f32 v11  }
0x4c6: {  	v2 =	vld.idx.msk [tilespmem:v12+s25+$0x0], $0xffff;
	[tilespmem:s23+$0x20] =	vst v4  }
0x4c7: {  	v4 =	vld [tilespmem:s7+$0x30]  }
0x4c8: {  	v7 =	vld [tilespmem:s7+$0xB0]  }
0x4c9: {  	v9 =	vld [tilespmem:s28+$0xFFFFFFD0]  }
0x4ca: {  	v3 =	vadd.f32 v5, v3;
	v10 =	vld.idx.msk [tilespmem:v6+s25+$0x0], $0xffff  }
0x4cb: {  	v5 =	vld.idx.msk [tilespmem:v8+s25+$0x0], $0xffff  }
0x4cc: {  	v2 =	vadd.f32 v2, v1;
	v3 =	vmul.f32 $5.000000000e-01, v3;
	v1 =	vld [tilespmem:s18+$0xFFFFFF70]  }
0x4cd: {  	v8 =	vld [tilespmem:s31+$0x30];
	v6 =	vpop (erf)  }
0x4ce: {  	v11 =	vmul.f32 $5.000000000e-01, v2;
	v12 =	vpop (erf);
	v3 =	vmul.f32 v6, v3;
	v2 =	vld [tilespmem:s18+$0xFFFFFFF0];
	s18 =	smov.u32 s30;
	s30 =	smov.u32 s7  }
.Ltmp7:
0x4cf: {  	v6 =	vld.idx.msk [tilespmem:v4+s25+$0x0], $0xffff;
	(erf) = vrcp.f32 v9;
	(pc) =	sbr.rel @p1 .LBB2_13-.Ltmp7, $4  }
0x4d0: {  	v4 =	vmul.f32 v12, v11;
	v7 =	vld.idx.msk [tilespmem:v7+s25+$0x0], $0xffff;
	[tilespmem:s29+$0x60] =	vst v3  }
0x4d1: {  	v9 =	vadd.f32 v5, v10;
	v3 =	vld [tilespmem:s18+$0x70]  }
0x4d2: {  	[tilespmem:s23+$0xFFFFFFA0] =	vst v4;
	(erf) = vrcp.f32 v8;
	v4 =	vld [tilespmem:s18+$0xF0]  }
0x4d3: {  	s7 =	sadd.s32 $0x200, s7;
	v8 =	vmul.f32 $5.000000000e-01, v9;
	v5 =	vld [tilespmem:s30+$0xFFFFFF30]  }
0x4d4: {  	_ =	sdelay $0x3  }
0x4d5: {  	v6 =	vadd.f32 v7, v6;
	_ =	sdelay $0x1  }
0x4d6: {  	v6 =	vmul.f32 $5.000000000e-01, v6;
	v24 =	vpop (erf)  }
0x4d7: {  	v9 =	vpop (erf)  }
0x4d8: {  	v25 =	vld [tilespmem:s28+$0x70];
	v6 =	vmul.f32 v9, v6  }
0x4d9: {  	v11 =	vld [tilespmem:s30+$0xFFFFFFB0]  }
0x4da: {  	v13 =	vld [tilespmem:s13+$0xFFFFFFB0];
	[tilespmem:s23+$0x30] =	vst v6  }
0x4db: {  	v6 =	vld [tilespmem:s30+$0x40]  }
0x4dc: {  	v12 =	vld [tilespmem:s13+$0x40]  }
0x4dd: {  	v10 =	vld [tilespmem:s30+$0xC0];
	_ =	sdelay $0x2  }
0x4de: {  	(erf) = vrcp.f32 v25  }
0x4df: {  	(erf) = vrcp.f32 v12  }
0x4e0: {  	v5 =	vld.idx.msk [tilespmem:v5+s25+$0x0], $0xffff;
	(erf) = vrcp.f32 v13  }
0x4e1: {  	v27 =	vld.idx.msk [tilespmem:v11+s25+$0x0], $0xffff  }
0x4e2: {  	v6 =	vld.idx.msk [tilespmem:v6+s25+$0x0], $0xffff  }
0x4e3: {  	v26 =	vld.idx.msk [tilespmem:v10+s25+$0x0], $0xffff;
	_ =	sdelay $0x2  }
0x4e4: {  	v5 =	vadd.f32 v27, v5  }
0x4e5: {  	v28 =	vpop (erf)  }
0x4e6: {  	v5 =	vmul.f32 $5.000000000e-01, v5;
	v6 =	vadd.f32 v26, v6;
	v29 =	vpop (erf)  }
0x4e7: {  	v7 =	vmul.f32 v24, v8;
	v30 =	vpop (erf)  }
0x4e8: {  	v6 =	vmul.f32 $5.000000000e-01, v6;
	v5 =	vmul.f32 v30, v5  }
0x4e9: {  	v31 =	vld [tilespmem:s19+$0xFFFFFFF0];
	[tilespmem:s29+$0xFFFFFFD0] =	vst v7  }
0x4ea: {  	v7 =	vld [tilespmem:s28+$0xFFFFFFE0];
	v6 =	vmul.f32 v29, v6;
	[tilespmem:s20+$0xFFFFFFB0] =	vst v5  }
0x4eb: {  	v33 =	vld [tilespmem:s30+$0xFFFFFF40]  }
0x4ec: {  	[tilespmem:s20+$0x40] =	vst v6;
	v35 =	vld [tilespmem:s30+$0xFFFFFFC0]  }
0x4ed: {  	v6 =	vld [tilespmem:s30+$0x50]  }
0x4ee: {  	v32 =	vld [tilespmem:s30+$0xD0]  }
0x4ef: {  	v34 =	vld [tilespmem:s13+$0x50]  }
0x4f0: {  	v36 =	vld [tilespmem:s13+$0xFFFFFFC0];
	_ =	sdelay $0x1  }
0x4f1: {  	(erf) = vrcp.f32 v7  }
0x4f2: {  	(erf) = vrcp.f32 v31  }
0x4f3: {  	(erf) = vrcp.f32 v34;
	v37 =	vld.idx.msk [tilespmem:v33+s25+$0x0], $0xffff  }
0x4f4: {  	(erf) = vrcp.f32 v36;
	v38 =	vld.idx.msk [tilespmem:v35+s25+$0x0], $0xffff  }
0x4f5: {  	v6 =	vld.idx.msk [tilespmem:v6+s25+$0x0], $0xffff  }
0x4f6: {  	v5 =	vld.idx.msk [tilespmem:v32+s25+$0x0], $0xffff;
	_ =	sdelay $0x3  }
0x4f7: {  	v39 =	vpop (erf);
	v7 =	vadd.f32 v38, v37  }
0x4f8: {  	v10 =	vpop (erf);
	v5 =	vadd.f32 v5, v6  }
0x4f9: {  	v40 =	vpop (erf);
	v7 =	vmul.f32 $5.000000000e-01, v7  }
0x4fa: {  	v5 =	vmul.f32 $5.000000000e-01, v5;
	v41 =	vpop (erf)  }
0x4fb: {  	v42 =	vmul.f32 v41, v7  }
0x4fc: {  	v5 =	vmul.f32 v40, v5  }
0x4fd: {  	[tilespmem:s20+$0xFFFFFFC0] =	vst v42  }
0x4fe: {  	[tilespmem:s20+$0x50] =	vst v5;
	v5 =	vld [tilespmem:s30+$0xFFFFFF50]  }
0x4ff: {  	v45 =	vld [tilespmem:s30+$0xFFFFFFD0]  }
0x500: {  	v47 =	vld [tilespmem:s13+$0xFFFFFFD0]  }
0x501: {  	v43 =	vld [tilespmem:s30+$0x60]  }
0x502: {  	v46 =	vld [tilespmem:s13+$0x60]  }
0x503: {  	v44 =	vld [tilespmem:s30+$0xE0];
	_ =	sdelay $0x3  }
0x504: {  	(erf) = vrcp.f32 v46  }
0x505: {  	(erf) = vrcp.f32 v47;
	v5 =	vld.idx.msk [tilespmem:v5+s25+$0x0], $0xffff  }
0x506: {  	v11 =	vld.idx.msk [tilespmem:v45+s25+$0x0], $0xffff  }
0x507: {  	v7 =	vld.idx.msk [tilespmem:v43+s25+$0x0], $0xffff  }
0x508: {  	v9 =	vld.idx.msk [tilespmem:v44+s25+$0x0], $0xffff;
	_ =	sdelay $0x2  }
0x509: {  	v5 =	vadd.f32 v11, v5;
	_ =	sdelay $0x1  }
0x50a: {  	v7 =	vadd.f32 v9, v7;
	v48 =	vpop (erf);
	v5 =	vmul.f32 $5.000000000e-01, v5  }
0x50b: {  	v49 =	vpop (erf)  }
0x50c: {  	v7 =	vmul.f32 $5.000000000e-01, v7;
	v5 =	vmul.f32 v49, v5  }
0x50d: {  	v51 =	vld [tilespmem:s18+$0xFFFFFFE0]  }
0x50e: {  	v50 =	vld [tilespmem:s18+$0xFFFFFF60];
	v7 =	vmul.f32 v48, v7;
	[tilespmem:s20+$0xFFFFFFD0] =	vst v5  }
0x50f: {  	v5 =	vld [tilespmem:s30+$0xFFFFFF60]  }
0x510: {  	[tilespmem:s20+$0x60] =	vst v7;
	v52 =	vld [tilespmem:s30+$0xFFFFFFE0]  }
0x511: {  	v53 =	vld [tilespmem:s13+$0x70]  }
0x512: {  	v54 =	vld [tilespmem:s13+$0xFFFFFFE0];
	_ =	sdelay $0x2  }
0x513: {  	v12 =	vld.idx.msk [tilespmem:v51+s25+$0x0], $0xffff  }
0x514: {  	v11 =	vld.idx.msk [tilespmem:v50+s25+$0x0], $0xffff;
	(erf) = vrcp.f32 v53  }
0x515: {  	(erf) = vrcp.f32 v54;
	v5 =	vld.idx.msk [tilespmem:v5+s25+$0x0], $0xffff  }
0x516: {  	v7 =	vld.idx.msk [tilespmem:v52+s25+$0x0], $0xffff;
	_ =	sdelay $0x2  }
0x517: {  	v55 =	vadd.f32 v12, v11  }
0x518: {  	v1 =	vld.idx.msk [tilespmem:v1+s25+$0x0], $0xffff  }
0x519: {  	v2 =	vld.idx.msk [tilespmem:v2+s25+$0x0], $0xffff;
	v9 =	vmul.f32 $5.000000000e-01, v55;
	v5 =	vadd.f32 v7, v5  }
0x51a: {  	v3 =	vld.idx.msk [tilespmem:v3+s25+$0x0], $0xffff  }
0x51b: {  	v4 =	vld.idx.msk [tilespmem:v4+s25+$0x0], $0xffff;
	v6 =	vmul.f32 v39, v9;
	v56 =	vpop (erf);
	v5 =	vmul.f32 $5.000000000e-01, v5  }
0x51c: {  	v57 =	vld [tilespmem:s30+$0x70];
	v58 =	vpop (erf)  }
0x51d: {  	v59 =	vld [tilespmem:s30+$0xF0];
	[tilespmem:s29+$0xFFFFFFE0] =	vst v6;
	v5 =	vmul.f32 v58, v5  }
0x51e: {  	v60 =	vld [tilespmem:s18+$0xFFFFFF70]  }
0x51f: {  	v61 =	vld [tilespmem:s18+$0xFFFFFFF0];
	[tilespmem:s20+$0xFFFFFFE0] =	vst v5  }
0x520: {  	v5 =	vld [tilespmem:s30+$0xFFFFFF70]  }
0x521: {  	v62 =	vld [tilespmem:s30+$0xFFFFFFF0]  }
0x522: {  	v14 =	vld [tilespmem:s28+$0xFFFFFFF0]  }
0x523: {  	v15 =	vld [tilespmem:s13+$0xFFFFFFF0]  }
0x524: {  	v9 =	vld.idx.msk [tilespmem:v57+s25+$0x0], $0xffff  }
0x525: {  	v6 =	vld.idx.msk [tilespmem:v59+s25+$0x0], $0xffff  }
0x526: {  	v11 =	vld.idx.msk [tilespmem:v60+s25+$0x0], $0xffff  }
0x527: {  	v12 =	vld.idx.msk [tilespmem:v61+s25+$0x0], $0xffff;
	(erf) = vrcp.f32 v14  }
0x528: {  	v3 =	vadd.f32 v4, v3;
	(erf) = vrcp.f32 v15;
	v5 =	vld.idx.msk [tilespmem:v5+s25+$0x0], $0xffff  }
0x529: {  	v13 =	vld.idx.msk [tilespmem:v62+s25+$0x0], $0xffff  }
0x52a: {  	v1 =	vadd.f32 v2, v1;
	v2 =	vmul.f32 $5.000000000e-01, v3;
	v3 =	vadd.f32 v6, v9;
	_ =	sdelay $0x1  }
0x52b: {  	v3 =	vmul.f32 $5.000000000e-01, v3  }
0x52c: {  	v1 =	vmul.f32 $5.000000000e-01, v1;
	v63 =	vadd.f32 v12, v11  }
0x52d: {  	v2 =	vmul.f32 v28, v2;
	v5 =	vadd.f32 v13, v5  }
0x52e: {  	v1 =	vmul.f32 v10, v1;
	v4 =	vmul.f32 $5.000000000e-01, v63  }
0x52f: {  	[tilespmem:s29+$0x70] =	vst v2;
	v2 =	vmul.f32 v56, v3;
	v3 =	vpop (erf);
	v5 =	vmul.f32 $5.000000000e-01, v5  }
0x530: {  	s7 =	sadd.s32 @!p2 s22, s5;
	s21 =	sadd.s32 $0x1, s21;
	[tilespmem:s26+$0xFFFFFFF0] =	vst v1;
	v1 =	vmul.f32 v3, v4;
	v3 =	vpop (erf)  }
0x531: {  	s16 =	simm.s32 @!p2 $0x0;
	p1 =	sne.s32 s21, $0x20;
	[tilespmem:s20+$0x70] =	vst v2;
	s13 =	sshll.u32 @!p2 s7, $0x5;
	v2 =	vmul.f32 v3, v5  }
0x532: {  	s18 =	simm.s32 @!p2 $0x1A720;
	s7 =	sshll.u32 @!p2 s7, $0x4;
	s13 =	sand.u32 @!p2 $0x1FFFFFE0, s13;
	[tilespmem:s29+$0xFFFFFFF0] =	vst v1  }
0x533: {  	s30 =	sshll.u32 s17, $0x4;
	s7 =	sand.u32 @!p2 $0x1FFFFFF0, s7;
	s13 =	sadd.s32 @!p2 s1, s13;
	[tilespmem:s20+$0xFFFFFFF0] =	vst v2  }
0x534: {  	[tilespmem:s18], [sflag:$0x3] =	stream.linear.gather @!p2 [hbm4b:s13+s16], $0x1000, $0x38;
	[tilespmem:$0x1FF90] =	vst v63  }
.Ltmp8:
0x535: {  	s7 =	sadd.s32 @!p2 s2, s7;
	s13 =	simm.s32 @!p2 $0x1C720;
	(pc) =	sbr.rel @p1 .LBB2_8-.Ltmp8, $4  }
0x536: {  	[tilespmem:s13], [sflag:$0x3] =	stream.linear.gather @!p2 [hbm4b:s7+s16], $0x800, $0x38;
	[tilespmem:$0x1FF90] =	vst v63  }
0x537: {  	s7 =	sand.u32 $0x1FFFFFF0, s30  }
0x538: {  	s31 =	simm.s32 $0x1DF20;
	s7 =	sadd.s32 s3, s7  }
0x539: {  	[hbm4b:s7+s6] =	stream.linear.scatter [tilespmem:s31], [sflag:$0x6], $0x800, $0x38;
	[tilespmem:$0x1FF90] =	vst v63  }
0x53a: {  	_ =	swait.ge [sflag:s9], $0x1000  }
0x53b: {  	[sflag:s9] =	ssyncset.done $0x0  }
0x53c: {  	[sflag:s9] =	ssyncadd.s32 $0xFFFFF000  }
0x53d: {  	_ =	swait.ge [sflag:s9], $0x800  }
0x53e: {  	[sflag:s9] =	ssyncset.done $0x0  }
0x53f: {  	s23 =	simm.s32 $0x4;
	[sflag:s9] =	ssyncadd.s32 $0xFFFFF800  }
0x540: {  	_ =	swait.ge [sflag:s23], $0x800  }
0x541: {  	[sflag:s23] =	ssyncset.done $0x0  }
0x542: {  	s13 =	simm.s32 $0x18820;
	[sflag:s23] =	ssyncadd.s32 $0xFFFFF800  }
0x543: {  	v1 =	vld [tilespmem:s13+$0x0]  }
0x544: {  	v2 =	vld [tilespmem:s13+$0x80]  }
0x545: {  	s19 =	simm.s32 $0x1B7A0  }
0x546: {  	v3 =	vld [tilespmem:s19+$0x0];
	_ =	sdelay $0x4  }
0x547: {  	(erf) = vrcp.f32 v3;
	v1 =	vld.idx.msk [tilespmem:v1+s25+$0x0], $0xffff  }
0x548: {  	v2 =	vld.idx.msk [tilespmem:v2+s25+$0x0], $0xffff;
	_ =	sdelay $0x4  }
0x549: {  	v1 =	vadd.f32 v2, v1;
	_ =	sdelay $0x1  }
0x54a: {  	v3 =	vld [tilespmem:s13+$0xFFFFFF80];
	v1 =	vmul.f32 $5.000000000e-01, v1  }
0x54b: {  	v2 =	vpop (erf)  }
0x54c: {  	v1 =	vmul.f32 v2, v1;
	v2 =	vld [tilespmem:s13+$0xFFFFFF00];
	_ =	sdelay $0x1  }
0x54d: {  	s21 =	simm.s32 $0x1CFA0;
	v4 =	vld [tilespmem:s19+$0xFFFFFF80]  }
0x54e: {  	[tilespmem:s21+$0x0] =	vst v1  }
0x54f: {  	v1 =	vld [tilespmem:s13+$0x10]  }
0x550: {  	v5 =	vld [tilespmem:s13+$0x90]  }
0x551: {  	v3 =	vld.idx.msk [tilespmem:v3+s25+$0x0], $0xffff  }
0x552: {  	(erf) = vrcp.f32 v4;
	v6 =	vld [tilespmem:s19+$0x10]  }
0x553: {  	v2 =	vld.idx.msk [tilespmem:v2+s25+$0x0], $0xffff;
	_ =	sdelay $0x3  }
0x554: {  	(erf) = vrcp.f32 v6;
	v1 =	vld.idx.msk [tilespmem:v1+s25+$0x0], $0xffff  }
0x555: {  	v4 =	vld.idx.msk [tilespmem:v5+s25+$0x0], $0xffff;
	v2 =	vadd.f32 v3, v2;
	_ =	sdelay $0x1  }
0x556: {  	v2 =	vmul.f32 $5.000000000e-01, v2  }
0x557: {  	v3 =	vpop (erf)  }
0x558: {  	v2 =	vmul.f32 v3, v2  }
0x559: {  	v1 =	vadd.f32 v4, v1;
	_ =	sdelay $0x1  }
0x55a: {  	v1 =	vmul.f32 $5.000000000e-01, v1  }
0x55b: {  	[tilespmem:s21+$0xFFFFFF80] =	vst v2;
	v2 =	vpop (erf)  }
0x55c: {  	v3 =	vld [tilespmem:s13+$0xFFFFFF10];
	v1 =	vmul.f32 v2, v1  }
0x55d: {  	v4 =	vld [tilespmem:s19+$0xFFFFFF90]  }
0x55e: {  	v2 =	vld [tilespmem:s13+$0xFFFFFF90];
	[tilespmem:s21+$0x10] =	vst v1  }
0x55f: {  	v1 =	vld [tilespmem:s13+$0x20]  }
0x560: {  	v5 =	vld [tilespmem:s13+$0xA0];
	_ =	sdelay $0x1  }
0x561: {  	v6 =	vld [tilespmem:s19+$0x20];
	_ =	sdelay $0x2  }
0x562: {  	(erf) = vrcp.f32 v4;
	v3 =	vld.idx.msk [tilespmem:v3+s25+$0x0], $0xffff  }
0x563: {  	v2 =	vld.idx.msk [tilespmem:v2+s25+$0x0], $0xffff  }
0x564: {  	(erf) = vrcp.f32 v6;
	v1 =	vld.idx.msk [tilespmem:v1+s25+$0x0], $0xffff  }
0x565: {  	v4 =	vld.idx.msk [tilespmem:v5+s25+$0x0], $0xffff;
	_ =	sdelay $0x2  }
0x566: {  	v2 =	vadd.f32 v2, v3;
	_ =	sdelay $0x1  }
0x567: {  	v2 =	vmul.f32 $5.000000000e-01, v2;
	v1 =	vadd.f32 v4, v1  }
0x568: {  	v3 =	vpop (erf)  }
0x569: {  	v2 =	vmul.f32 v3, v2;
	v1 =	vmul.f32 $5.000000000e-01, v1  }
0x56a: {  	v3 =	vpop (erf)  }
0x56b: {  	[tilespmem:s21+$0xFFFFFF90] =	vst v2;
	v1 =	vmul.f32 v3, v1  }
0x56c: {  	v2 =	vld [tilespmem:s13+$0xFFFFFF20]  }
0x56d: {  	v3 =	vld [tilespmem:s13+$0xFFFFFFA0];
	[tilespmem:s21+$0x20] =	vst v1  }
0x56e: {  	v1 =	vld [tilespmem:s13+$0x30]  }
0x56f: {  	v4 =	vld [tilespmem:s13+$0xB0]  }
0x570: {  	v5 =	vld [tilespmem:s19+$0xFFFFFFA0]  }
0x571: {  	v6 =	vld [tilespmem:s19+$0x30];
	_ =	sdelay $0x2  }
0x572: {  	s22 =	simm.s32 $0x18A20  }
0x573: {  	(erf) = vrcp.f32 v5;
	v5 =	vld [tilespmem:s22+$0x0]  }
0x574: {  	(erf) = vrcp.f32 v6;
	v1 =	vld.idx.msk [tilespmem:v1+s25+$0x0], $0xffff  }
0x575: {  	v4 =	vld.idx.msk [tilespmem:v4+s25+$0x0], $0xffff  }
0x576: {  	v2 =	vld.idx.msk [tilespmem:v2+s25+$0x0], $0xffff  }
0x577: {  	v3 =	vld.idx.msk [tilespmem:v3+s25+$0x0], $0xffff  }
0x578: {  	v6 =	vld [tilespmem:s22+$0x80]  }
0x579: {  	s18 =	simm.s32 $0x1B8A0  }
0x57a: {  	v7 =	vld [tilespmem:s18+$0x0];
	v1 =	vadd.f32 v4, v1  }
0x57b: {  	v8 =	vld [tilespmem:s22+$0xFFFFFF00]  }
0x57c: {  	v2 =	vadd.f32 v3, v2;
	v3 =	vpop (erf);
	v1 =	vmul.f32 $5.000000000e-01, v1  }
0x57d: {  	v10 =	vld [tilespmem:s18+$0xFFFFFF80];
	v9 =	vpop (erf)  }
0x57e: {  	v2 =	vmul.f32 $5.000000000e-01, v2;
	v4 =	vld [tilespmem:s22+$0xFFFFFF80];
	v1 =	vmul.f32 v9, v1  }
0x57f: {  	v5 =	vld.idx.msk [tilespmem:v5+s25+$0x0], $0xffff;
	(erf) = vrcp.f32 v7  }
0x580: {  	v2 =	vmul.f32 v3, v2;
	v3 =	vld.idx.msk [tilespmem:v6+s25+$0x0], $0xffff;
	[tilespmem:s21+$0x30] =	vst v1  }
0x581: {  	v1 =	vld [tilespmem:s13+$0x40]  }
0x582: {  	[tilespmem:s21+$0xFFFFFFA0] =	vst v2;
	v2 =	vld [tilespmem:s13+$0xC0]  }
0x583: {  	v8 =	vld.idx.msk [tilespmem:v8+s25+$0x0], $0xffff  }
0x584: {  	v6 =	vld [tilespmem:s13+$0xFFFFFF30]  }
0x585: {  	(erf) = vrcp.f32 v10;
	v3 =	vadd.f32 v3, v5;
	v7 =	vld [tilespmem:s19+$0x40]  }
0x586: {  	v4 =	vld.idx.msk [tilespmem:v4+s25+$0x0], $0xffff  }
0x587: {  	v9 =	vld [tilespmem:s19+$0xFFFFFFB0];
	v3 =	vmul.f32 $5.000000000e-01, v3  }
0x588: {  	v5 =	vld [tilespmem:s13+$0xFFFFFFB0];
	v10 =	vpop (erf)  }
0x589: {  	v3 =	vmul.f32 v10, v3;
	v1 =	vld.idx.msk [tilespmem:v1+s25+$0x0], $0xffff  }
0x58a: {  	s26 =	simm.s32 $0x1D0A0;
	(erf) = vrcp.f32 v7;
	v2 =	vld.idx.msk [tilespmem:v2+s25+$0x0], $0xffff  }
0x58b: {  	[tilespmem:s26+$0x0] =	vst v3;
	v3 =	vadd.f32 v4, v8;
	_ =	sdelay $0x1  }
0x58c: {  	v4 =	vld [tilespmem:s22+$0x10];
	v3 =	vmul.f32 $5.000000000e-01, v3  }
0x58d: {  	v8 =	vpop (erf);
	v7 =	vld [tilespmem:s22+$0x90]  }
0x58e: {  	v6 =	vld.idx.msk [tilespmem:v6+s25+$0x0], $0xffff;
	(erf) = vrcp.f32 v9;
	v1 =	vadd.f32 v2, v1;
	v2 =	vmul.f32 v8, v3  }
0x58f: {  	v5 =	vld.idx.msk [tilespmem:v5+s25+$0x0], $0xffff  }
0x590: {  	v3 =	vld [tilespmem:s18+$0x10]  }
0x591: {  	v1 =	vmul.f32 $5.000000000e-01, v1  }
0x592: {  	[tilespmem:s26+$0xFFFFFF80] =	vst v2;
	v2 =	vpop (erf)  }
0x593: {  	v8 =	vld [tilespmem:s22+$0xFFFFFF10];
	v1 =	vmul.f32 v2, v1  }
0x594: {  	v4 =	vld.idx.msk [tilespmem:v4+s25+$0x0], $0xffff;
	v2 =	vadd.f32 v5, v6  }
0x595: {  	v5 =	vld.idx.msk [tilespmem:v7+s25+$0x0], $0xffff;
	(erf) = vrcp.f32 v3;
	[tilespmem:s21+$0x40] =	vst v1  }
0x596: {  	v1 =	vmul.f32 $5.000000000e-01, v2;
	v2 =	vld [tilespmem:s13+$0x50]  }
0x597: {  	v3 =	vpop (erf);
	v6 =	vld [tilespmem:s13+$0xD0]  }
0x598: {  	v7 =	vld [tilespmem:s22+$0xFFFFFF90];
	v1 =	vmul.f32 v3, v1  }
0x599: {  	v3 =	vld [tilespmem:s18+$0xFFFFFF90]  }
0x59a: {  	[tilespmem:s21+$0xFFFFFFB0] =	vst v1;
	v1 =	vld [tilespmem:s19+$0x50]  }
0x59b: {  	v4 =	vadd.f32 v5, v4;
	v5 =	vld.idx.msk [tilespmem:v8+s25+$0x0], $0xffff  }
0x59c: {  	v9 =	vld [tilespmem:s13+$0xFFFFFF40]  }
0x59d: {  	v4 =	vmul.f32 $5.000000000e-01, v4;
	v8 =	vld [tilespmem:s13+$0xFFFFFFC0]  }
0x59e: {  	(erf) = vrcp.f32 v3;
	v3 =	vpop (erf);
	v2 =	vld.idx.msk [tilespmem:v2+s25+$0x0], $0xffff  }
0x59f: {  	v3 =	vmul.f32 v3, v4;
	v4 =	vld.idx.msk [tilespmem:v6+s25+$0x0], $0xffff;
	(erf) = vrcp.f32 v1  }
0x5a0: {  	v1 =	vld [tilespmem:s19+$0xFFFFFFC0]  }
0x5a1: {  	v6 =	vld.idx.msk [tilespmem:v7+s25+$0x0], $0xffff;
	[tilespmem:s26+$0x10] =	vst v3  }
0x5a2: {  	v3 =	vld [tilespmem:s22+$0x20]  }
0x5a3: {  	v7 =	vld [tilespmem:s22+$0xA0]  }
0x5a4: {  	v9 =	vld.idx.msk [tilespmem:v9+s25+$0x0], $0xffff  }
0x5a5: {  	v2 =	vadd.f32 v4, v2;
	(erf) = vrcp.f32 v1;
	v1 =	vld [tilespmem:s18+$0x20]  }
0x5a6: {  	v4 =	vld.idx.msk [tilespmem:v8+s25+$0x0], $0xffff  }
0x5a7: {  	v5 =	vadd.f32 v6, v5;
	v6 =	vpop (erf);
	v2 =	vmul.f32 $5.000000000e-01, v2  }
0x5a8: {  	v8 =	vpop (erf)  }
0x5a9: {  	v5 =	vmul.f32 $5.000000000e-01, v5;
	v2 =	vmul.f32 v8, v2  }
0x5aa: {  	v3 =	vld.idx.msk [tilespmem:v3+s25+$0x0], $0xffff  }
0x5ab: {  	(erf) = vrcp.f32 v1;
	v1 =	vmul.f32 v6, v5;
	v5 =	vld.idx.msk [tilespmem:v7+s25+$0x0], $0xffff;
	v4 =	vadd.f32 v4, v9;
	[tilespmem:s21+$0x50] =	vst v2  }
0x5ac: {  	v2 =	vld [tilespmem:s13+$0x60]  }
0x5ad: {  	[tilespmem:s26+$0xFFFFFF90] =	vst v1;
	v1 =	vmul.f32 $5.000000000e-01, v4;
	v4 =	vld [tilespmem:s13+$0xE0]  }
0x5ae: {  	v6 =	vld [tilespmem:s22+$0xFFFFFF20]  }
0x5af: {  	v8 =	vld [tilespmem:s22+$0xFFFFFFA0]  }
0x5b0: {  	s28 =	simm.s32 $0x18C20  }
0x5b1: {  	v11 =	vld [tilespmem:s28+$0xFFFFFF80];
	v7 =	vpop (erf);
	v3 =	vadd.f32 v5, v3  }
0x5b2: {  	v1 =	vmul.f32 v7, v1;
	v7 =	vld [tilespmem:s19+$0x60]  }
0x5b3: {  	v5 =	vld [tilespmem:s18+$0xFFFFFFA0];
	v3 =	vmul.f32 $5.000000000e-01, v3  }
0x5b4: {  	v10 =	vpop (erf);
	v2 =	vld.idx.msk [tilespmem:v2+s25+$0x0], $0xffff  }
0x5b5: {  	v3 =	vmul.f32 v10, v3;
	v4 =	vld.idx.msk [tilespmem:v4+s25+$0x0], $0xffff  }
0x5b6: {  	v6 =	vld.idx.msk [tilespmem:v6+s25+$0x0], $0xffff  }
0x5b7: {  	(erf) = vrcp.f32 v7;
	v8 =	vld.idx.msk [tilespmem:v8+s25+$0x0], $0xffff;
	[tilespmem:s26+$0x20] =	vst v3  }
0x5b8: {  	v3 =	vld [tilespmem:s22+$0x30]  }
0x5b9: {  	[tilespmem:s21+$0xFFFFFFC0] =	vst v1;
	(erf) = vrcp.f32 v5;
	v7 =	vld [tilespmem:s22+$0xB0]  }
0x5ba: {  	v5 =	vld [tilespmem:s19+$0xFFFFFFD0]  }
0x5bb: {  	v2 =	vadd.f32 v4, v2;
	v4 =	vld [tilespmem:s18+$0x30]  }
0x5bc: {  	v13 =	vld [tilespmem:s28+$0xFFFFFF00]  }
0x5bd: {  	v1 =	vld [tilespmem:s13+$0xFFFFFF50]  }
0x5be: {  	v9 =	vld [tilespmem:s13+$0xFFFFFFD0]  }
0x5bf: {  	(erf) = vrcp.f32 v5;
	v5 =	vadd.f32 v8, v6;
	v8 =	vld [tilespmem:s28+$0x0];
	v2 =	vmul.f32 $5.000000000e-01, v2  }
0x5c0: {  	v10 =	vpop (erf);
	v3 =	vld.idx.msk [tilespmem:v3+s25+$0x0], $0xffff;
	(erf) = vrcp.f32 v4  }
0x5c1: {  	v2 =	vmul.f32 v10, v2;
	v6 =	vld.idx.msk [tilespmem:v7+s25+$0x0], $0xffff;
	v4 =	vmul.f32 $5.000000000e-01, v5  }
0x5c2: {  	v11 =	vld.idx.msk [tilespmem:v11+s25+$0x0], $0xffff;
	v7 =	vpop (erf)  }
0x5c3: {  	[tilespmem:s21+$0x60] =	vst v2;
	v4 =	vmul.f32 v7, v4;
	v7 =	vld [tilespmem:s28+$0x80]  }
0x5c4: {  	s29 =	simm.s32 $0x1B9A0;
	v10 =	vld [tilespmem:s19+$0x70]  }
0x5c5: {  	[tilespmem:s26+$0xFFFFFFA0] =	vst v4;
	v4 =	vld [tilespmem:s29+$0x0]  }
0x5c6: {  	v1 =	vld.idx.msk [tilespmem:v1+s25+$0x0], $0xffff;
	v3 =	vadd.f32 v6, v3  }
0x5c7: {  	v9 =	vld.idx.msk [tilespmem:v9+s25+$0x0], $0xffff  }
0x5c8: {  	v2 =	vld [tilespmem:s13+$0x70];
	v12 =	vpop (erf);
	v3 =	vmul.f32 $5.000000000e-01, v3  }
0x5c9: {  	v8 =	vld.idx.msk [tilespmem:v8+s25+$0x0], $0xffff;
	(erf) = vrcp.f32 v10;
	v14 =	vpop (erf)  }
0x5ca: {  	v6 =	vld [tilespmem:s22+$0xFFFFFF30];
	(erf) = vrcp.f32 v4;
	v3 =	vmul.f32 v14, v3  }
0x5cb: {  	v4 =	vld.idx.msk [tilespmem:v7+s25+$0x0], $0xffff  }
0x5cc: {  	v10 =	vld [tilespmem:s29+$0xFFFFFF80];
	[tilespmem:s26+$0x30] =	vst v3  }
0x5cd: {  	v7 =	vld [tilespmem:s22+$0x40]  }
0x5ce: {  	v50 =	vld [tilespmem:s22+$0xC0]  }
0x5cf: {  	v5 =	vld [tilespmem:s13+$0xF0]  }
0x5d0: {  	v15 =	vld [tilespmem:s18+$0x40];
	v4 =	vadd.f32 v4, v8  }
0x5d1: {  	(erf) = vrcp.f32 v10;
	v8 =	vld [tilespmem:s22+$0xFFFFFFB0]  }
0x5d2: {  	v10 =	vld.idx.msk [tilespmem:v13+s25+$0x0], $0xffff;
	v3 =	vpop (erf);
	v4 =	vmul.f32 $5.000000000e-01, v4  }
0x5d3: {  	v1 =	vadd.f32 v9, v1;
	v9 =	vld [tilespmem:s18+$0xFFFFFFB0];
	v51 =	vpop (erf)  }
0x5d4: {  	v6 =	vld.idx.msk [tilespmem:v6+s25+$0x0], $0xffff;
	v4 =	vmul.f32 v51, v4  }
0x5d5: {  	s20 =	simm.s32 $0x1D1A0;
	v1 =	vmul.f32 $5.000000000e-01, v1;
	v7 =	vld.idx.msk [tilespmem:v7+s25+$0x0], $0xffff  }
0x5d6: {  	(erf) = vrcp.f32 v15;
	v52 =	vld.idx.msk [tilespmem:v50+s25+$0x0], $0xffff;
	[tilespmem:s20+$0x0] =	vst v4  }
0x5d7: {  	v1 =	vmul.f32 v12, v1;
	v4 =	vadd.f32 v11, v10;
	v10 =	vld [tilespmem:s28+$0x10]  }
0x5d8: {  	(erf) = vrcp.f32 v9;
	v11 =	vld [tilespmem:s28+$0x90]  }
0x5d9: {  	[tilespmem:s21+$0xFFFFFFD0] =	vst v1;
	v1 =	vld.idx.msk [tilespmem:v8+s25+$0x0], $0xffff;
	v4 =	vmul.f32 $5.000000000e-01, v4  }
0x5da: {  	v9 =	vld [tilespmem:s19+$0xFFFFFFE0];
	v8 =	vpop (erf)  }
0x5db: {  	v53 =	vld [tilespmem:s13+$0xFFFFFF60];
	v4 =	vmul.f32 v8, v4  }
0x5dc: {  	v8 =	vld [tilespmem:s29+$0x10];
	v7 =	vadd.f32 v52, v7  }
0x5dd: {  	v54 =	vld [tilespmem:s13+$0xFFFFFFE0];
	[tilespmem:s20+$0xFFFFFF80] =	vst v4  }
0x5de: {  	v7 =	vmul.f32 $5.000000000e-01, v7;
	v55 =	vld [tilespmem:s28+$0xFFFFFF10];
	v1 =	vadd.f32 v1, v6  }
0x5df: {  	v4 =	vpop (erf);
	(erf) = vrcp.f32 v9;
	v6 =	vld.idx.msk [tilespmem:v10+s25+$0x0], $0xffff  }
0x5e0: {  	v4 =	vmul.f32 v4, v7;
	v7 =	vld.idx.msk [tilespmem:v11+s25+$0x0], $0xffff;
	v1 =	vmul.f32 $5.000000000e-01, v1  }
0x5e1: {  	(erf) = vrcp.f32 v8;
	v8 =	vpop (erf);
	v10 =	vld [tilespmem:s28+$0xFFFFFF90]  }
0x5e2: {  	[tilespmem:s26+$0x40] =	vst v4;
	v1 =	vmul.f32 v8, v1;
	v8 =	vld [tilespmem:s29+$0xFFFFFF90]  }
0x5e3: {  	v4 =	vld [tilespmem:s22+$0x50]  }
0x5e4: {  	v9 =	vld [tilespmem:s22+$0xD0]  }
0x5e5: {  	[tilespmem:s26+$0xFFFFFFB0] =	vst v1;
	v1 =	vld [tilespmem:s18+$0x50]  }
0x5e6: {  	v2 =	vld.idx.msk [tilespmem:v2+s25+$0x0], $0xffff  }
0x5e7: {  	v11 =	vld [tilespmem:s22+$0xFFFFFF40];
	v6 =	vadd.f32 v7, v6  }
0x5e8: {  	v56 =	vld [tilespmem:s22+$0xFFFFFFC0]  }
0x5e9: {  	v7 =	vld.idx.msk [tilespmem:v55+s25+$0x0], $0xffff;
	v6 =	vmul.f32 $5.000000000e-01, v6;
	v57 =	vpop (erf);
	(erf) = vrcp.f32 v8  }
0x5ea: {  	v8 =	vpop (erf);
	(erf) = vrcp.f32 v1;
	v1 =	vld [tilespmem:s18+$0xFFFFFFC0]  }
0x5eb: {  	v6 =	vmul.f32 v8, v6;
	v4 =	vld.idx.msk [tilespmem:v4+s25+$0x0], $0xffff  }
0x5ec: {  	v8 =	vld.idx.msk [tilespmem:v9+s25+$0x0], $0xffff  }
0x5ed: {  	v9 =	vld.idx.msk [tilespmem:v10+s25+$0x0], $0xffff;
	[tilespmem:s20+$0x10] =	vst v6  }
0x5ee: {  	v6 =	vld [tilespmem:s28+$0x20]  }
0x5ef: {  	v10 =	vld [tilespmem:s28+$0xA0]  }
0x5f0: {  	v11 =	vld.idx.msk [tilespmem:v11+s25+$0x0], $0xffff  }
0x5f1: {  	v14 =	vld.idx.msk [tilespmem:v56+s25+$0x0], $0xffff;
	(erf) = vrcp.f32 v1;
	v4 =	vadd.f32 v8, v4  }
0x5f2: {  	v1 =	vld [tilespmem:s29+$0x20]  }
0x5f3: {  	v5 =	vld.idx.msk [tilespmem:v5+s25+$0x0], $0xffff;
	v7 =	vadd.f32 v9, v7;
	v8 =	vpop (erf);
	v4 =	vmul.f32 $5.000000000e-01, v4  }
0x5f4: {  	v13 =	vld.idx.msk [tilespmem:v54+s25+$0x0], $0xffff;
	v58 =	vpop (erf)  }
0x5f5: {  	v9 =	vld.idx.msk [tilespmem:v53+s25+$0x0], $0xffff;
	v7 =	vmul.f32 $5.000000000e-01, v7;
	v4 =	vmul.f32 v58, v4  }
0x5f6: {  	v6 =	vld.idx.msk [tilespmem:v6+s25+$0x0], $0xffff  }
0x5f7: {  	(erf) = vrcp.f32 v1;
	v1 =	vadd.f32 v14, v11;
	v7 =	vmul.f32 v8, v7;
	v8 =	vld.idx.msk [tilespmem:v10+s25+$0x0], $0xffff;
	[tilespmem:s26+$0x50] =	vst v4  }
0x5f8: {  	v4 =	vld [tilespmem:s22+$0x60]  }
0x5f9: {  	v1 =	vmul.f32 $5.000000000e-01, v1;
	[tilespmem:s20+$0xFFFFFF90] =	vst v7;
	v7 =	vld [tilespmem:s22+$0xE0]  }
0x5fa: {  	v10 =	vld [tilespmem:s28+$0xFFFFFF20];
	v11 =	vpop (erf)  }
0x5fb: {  	v59 =	vld [tilespmem:s28+$0xFFFFFFA0];
	v1 =	vmul.f32 v11, v1  }
0x5fc: {  	v11 =	vld [tilespmem:s18+$0x60]  }
0x5fd: {  	v60 =	vld [tilespmem:s29+$0xFFFFFFA0];
	v6 =	vadd.f32 v8, v6;
	[tilespmem:s26+$0xFFFFFFC0] =	vst v1  }
0x5fe: {  	v1 =	vld [tilespmem:s22+$0xFFFFFF50]  }
0x5ff: {  	v8 =	vld [tilespmem:s22+$0xFFFFFFD0];
	v6 =	vmul.f32 $5.000000000e-01, v6  }
0x600: {  	v16 =	vpop (erf);
	v4 =	vld.idx.msk [tilespmem:v4+s25+$0x0], $0xffff  }
0x601: {  	(erf) = vrcp.f32 v11;
	v6 =	vmul.f32 v16, v6;
	v7 =	vld.idx.msk [tilespmem:v7+s25+$0x0], $0xffff  }
0x602: {  	v9 =	vadd.f32 v13, v9;
	v10 =	vld.idx.msk [tilespmem:v10+s25+$0x0], $0xffff  }
0x603: {  	(erf) = vrcp.f32 v60;
	v11 =	vld.idx.msk [tilespmem:v59+s25+$0x0], $0xffff;
	[tilespmem:s20+$0x20] =	vst v6  }
0x604: {  	v6 =	vmul.f32 $5.000000000e-01, v9;
	v9 =	vld [tilespmem:s28+$0x30]  }
0x605: {  	v61 =	vld [tilespmem:s28+$0xB0]  }
0x606: {  	v63 =	vld.idx.msk [tilespmem:v1+s25+$0x0], $0xffff;
	v1 =	vadd.f32 v7, v4  }
0x607: {  	v62 =	vld [tilespmem:s18+$0xFFFFFFD0];
	v6 =	vmul.f32 v57, v6  }
0x608: {  	v4 =	vld.idx.msk [tilespmem:v8+s25+$0x0], $0xffff;
	v7 =	vmul.f32 $5.000000000e-01, v1  }
0x609: {  	[tilespmem:s21+$0xFFFFFFE0] =	vst v6;
	v6 =	vadd.f32 v11, v10;
	v8 =	vld [tilespmem:s29+$0x30]  }
0x60a: {  	v5 =	vadd.f32 v5, v2;
	v1 =	vld [tilespmem:s13+$0xFFFFFF70];
	v2 =	vpop (erf)  }
0x60b: {  	v10 =	vmul.f32 $5.000000000e-01, v6;
	v11 =	vmul.f32 v2, v7;
	v2 =	vld [tilespmem:s13+$0xFFFFFFF0]  }
0x60c: {  	v5 =	vmul.f32 $5.000000000e-01, v5;
	(erf) = vrcp.f32 v62;
	v6 =	vld.idx.msk [tilespmem:v9+s25+$0x0], $0xffff;
	v7 =	vpop (erf)  }
0x60d: {  	[tilespmem:s26+$0x60] =	vst v11;
	v9 =	vmul.f32 v7, v10;
	v7 =	vld.idx.msk [tilespmem:v61+s25+$0x0], $0xffff  }
0x60e: {  	v5 =	vmul.f32 v3, v5;
	v10 =	vadd.f32 v4, v63;
	v3 =	vld [tilespmem:s22+$0x70]  }
0x60f: {  	s16 =	simm.s32 $0x4;
	(erf) = vrcp.f32 v8;
	v4 =	vld [tilespmem:s22+$0xF0];
	[tilespmem:s20+$0xFFFFFFA0] =	vst v9  }
0x610: {  	s7 =	simm.s32 $0x18E20;
	s17 =	simm.s32 $0x1D1A0;
	[tilespmem:s21+$0x70] =	vst v5;
	s13 =	simm.s32 $0x1B9A0;
	v8 =	vmul.f32 $5.000000000e-01, v10;
	v5 =	vld [tilespmem:s28+$0xFFFFFF30]  }
.LBB2_16:
0x611: {  	v9 =	vld [tilespmem:s7+$0x0]  }
0x612: {  	v10 =	vld [tilespmem:s18+$0x70]  }
0x613: {  	v11 =	vld [tilespmem:s7+$0x80]  }
0x614: {  	s29 =	sadd.s32 $0x100, s29;
	v12 =	vld [tilespmem:s7+$0xFFFFFF80]  }
0x615: {  	v6 =	vadd.f32 v7, v6;
	v13 =	vld [tilespmem:s29+$0x0];
	v7 =	vpop (erf)  }
0x616: {  	v7 =	vmul.f32 v7, v8;
	v3 =	vld.idx.msk [tilespmem:v3+s25+$0x0], $0xffff  }
0x617: {  	v6 =	vmul.f32 $5.000000000e-01, v6;
	v4 =	vld.idx.msk [tilespmem:v4+s25+$0x0], $0xffff;
	(erf) = vrcp.f32 v10  }
0x618: {  	v8 =	vld [tilespmem:s7+$0xFFFFFF00];
	v10 =	vpop (erf);
	[tilespmem:s26+$0xFFFFFFD0] =	vst v7  }
0x619: {  	v7 =	vld [tilespmem:s29+$0xFFFFFF80];
	v6 =	vmul.f32 v10, v6  }
0x61a: {  	v9 =	vld.idx.msk [tilespmem:v9+s25+$0x0], $0xffff  }
0x61b: {  	v10 =	vld.idx.msk [tilespmem:v11+s25+$0x0], $0xffff;
	(erf) = vrcp.f32 v13;
	[tilespmem:s20+$0x30] =	vst v6  }
0x61c: {  	s16 =	sadd.s32 $0x2, s16;
	v6 =	vld [tilespmem:s28+$0x40]  }
0x61d: {  	p1 =	slt.u32 s16, $0xE;
	v3 =	vadd.f32 v4, v3;
	v11 =	vld [tilespmem:s28+$0xC0]  }
0x61e: {  	v4 =	vld.idx.msk [tilespmem:v12+s25+$0x0], $0xffff;
	(erf) = vrcp.f32 v7  }
0x61f: {  	v3 =	vmul.f32 $5.000000000e-01, v3;
	v7 =	vld [tilespmem:s28+$0xFFFFFFB0]  }
0x620: {  	v12 =	vld [tilespmem:s13+$0x40];
	v13 =	vpop (erf)  }
0x621: {  	v9 =	vadd.f32 v10, v9;
	v8 =	vld.idx.msk [tilespmem:v8+s25+$0x0], $0xffff;
	v13 =	vmul.f32 v13, v3  }
0x622: {  	v10 =	vld [tilespmem:s13+$0xFFFFFFB0]  }
0x623: {  	v9 =	vmul.f32 $5.000000000e-01, v9;
	v5 =	vld.idx.msk [tilespmem:v5+s25+$0x0], $0xffff;
	[tilespmem:s26+$0x70] =	vst v13  }
0x624: {  	v3 =	vpop (erf);
	v6 =	vld.idx.msk [tilespmem:v6+s25+$0x0], $0xffff  }
0x625: {  	v13 =	vmul.f32 v3, v9;
	v9 =	vld.idx.msk [tilespmem:v11+s25+$0x0], $0xffff;
	(erf) = vrcp.f32 v12  }
0x626: {  	s20 =	sadd.s32 $0x100, s20;
	v11 =	vld [tilespmem:s22+$0xFFFFFF60]  }
0x627: {  	v4 =	vadd.f32 v4, v8;
	[tilespmem:s20+$0x0] =	vst v13;
	v3 =	vpop (erf);
	v7 =	vld.idx.msk [tilespmem:v7+s25+$0x0], $0xffff;
	(erf) = vrcp.f32 v10  }
0x628: {  	v8 =	vld [tilespmem:s7+$0x10]  }
0x629: {  	v4 =	vmul.f32 $5.000000000e-01, v4;
	v10 =	vld [tilespmem:s7+$0x90]  }
0x62a: {  	v12 =	vld [tilespmem:s22+$0xFFFFFFE0]  }
0x62b: {  	v3 =	vmul.f32 v3, v4;
	v4 =	vadd.f32 v9, v6;
	v6 =	vld [tilespmem:s18+$0xFFFFFFE0]  }
0x62c: {  	v9 =	vld [tilespmem:s29+$0x10]  }
0x62d: {  	v4 =	vmul.f32 $5.000000000e-01, v4;
	[tilespmem:s20+$0xFFFFFF80] =	vst v3;
	v3 =	vadd.f32 v7, v5;
	v5 =	vld [tilespmem:s19+$0xFFFFFFF0];
	s19 =	smov.u32 s18;
	s18 =	smov.u32 s13;
	s13 =	smov.u32 s29  }
0x62e: {  	v7 =	vld [tilespmem:s7+$0xFFFFFF10];
	v13 =	vpop (erf)  }
0x62f: {  	v14 =	vld [tilespmem:s7+$0xFFFFFF90];
	v3 =	vmul.f32 $5.000000000e-01, v3;
	v4 =	vmul.f32 v13, v4  }
0x630: {  	v8 =	vld.idx.msk [tilespmem:v8+s25+$0x0], $0xffff;
	v13 =	vpop (erf);
	(erf) = vrcp.f32 v6  }
0x631: {  	v6 =	vld.idx.msk [tilespmem:v10+s25+$0x0], $0xffff;
	(erf) = vrcp.f32 v9;
	v3 =	vmul.f32 v13, v3;
	[tilespmem:s17+$0x40] =	vst v4  }
0x632: {  	v4 =	vld [tilespmem:s28+$0x50];
	(erf) = vrcp.f32 v5  }
0x633: {  	[tilespmem:s17+$0xFFFFFFB0] =	vst v3;
	v3 =	vld [tilespmem:s28+$0xD0]  }
0x634: {  	v5 =	vld [tilespmem:s29+$0xFFFFFF90]  }
0x635: {  	v9 =	vld [tilespmem:s28+$0xFFFFFF40]  }
0x636: {  	v10 =	vld [tilespmem:s18+$0x50]  }
0x637: {  	v6 =	vadd.f32 v6, v8;
	v7 =	vld.idx.msk [tilespmem:v7+s25+$0x0], $0xffff  }
0x638: {  	v8 =	vld.idx.msk [tilespmem:v14+s25+$0x0], $0xffff  }
0x639: {  	v6 =	vmul.f32 $5.000000000e-01, v6;
	(erf) = vrcp.f32 v5;
	v5 =	vld [tilespmem:s28+$0xFFFFFFC0];
	v13 =	vpop (erf)  }
0x63a: {  	v14 =	vpop (erf);
	v4 =	vld.idx.msk [tilespmem:v4+s25+$0x0], $0xffff  }
0x63b: {  	v6 =	vmul.f32 v14, v6;
	v3 =	vld.idx.msk [tilespmem:v3+s25+$0x0], $0xffff;
	(erf) = vrcp.f32 v10;
	v10 =	vpop (erf)  }
0x63c: {  	v14 =	vld [tilespmem:s18+$0xFFFFFFC0]  }
0x63d: {  	[tilespmem:s20+$0x10] =	vst v6;
	v6 =	vld.idx.msk [tilespmem:v9+s25+$0x0], $0xffff  }
0x63e: {  	v7 =	vadd.f32 v8, v7;
	v8 =	vld [tilespmem:s7+$0x20]  }
0x63f: {  	v9 =	vld [tilespmem:s7+$0xA0]  }
0x640: {  	v7 =	vmul.f32 $5.000000000e-01, v7;
	v11 =	vld.idx.msk [tilespmem:v11+s25+$0x0], $0xffff  }
0x641: {  	v3 =	vadd.f32 v3, v4;
	v5 =	vld.idx.msk [tilespmem:v5+s25+$0x0], $0xffff;
	(erf) = vrcp.f32 v14  }
0x642: {  	v4 =	vld [tilespmem:s29+$0x20];
	v14 =	vpop (erf)  }
0x643: {  	v3 =	vmul.f32 $5.000000000e-01, v3;
	v7 =	vmul.f32 v14, v7;
	v12 =	vld.idx.msk [tilespmem:v12+s25+$0x0], $0xffff  }
0x644: {  	v14 =	vpop (erf);
	v1 =	vld.idx.msk [tilespmem:v1+s25+$0x0], $0xffff  }
0x645: {  	[tilespmem:s20+$0xFFFFFF90] =	vst v7;
	v3 =	vmul.f32 v14, v3;
	v2 =	vld.idx.msk [tilespmem:v2+s25+$0x0], $0xffff  }
0x646: {  	v7 =	vld.idx.msk [tilespmem:v8+s25+$0x0], $0xffff  }
0x647: {  	v8 =	vld.idx.msk [tilespmem:v9+s25+$0x0], $0xffff;
	(erf) = vrcp.f32 v4;
	v4 =	vadd.f32 v5, v6;
	[tilespmem:s17+$0x50] =	vst v3  }
0x648: {  	v3 =	vld [tilespmem:s28+$0x60]  }
0x649: {  	v6 =	vadd.f32 v12, v11;
	v4 =	vmul.f32 $5.000000000e-01, v4;
	v5 =	vld [tilespmem:s28+$0xE0]  }
0x64a: {  	v9 =	vld [tilespmem:s7+$0xFFFFFF20];
	v11 =	vpop (erf)  }
0x64b: {  	v6 =	vmul.f32 $5.000000000e-01, v6;
	v1 =	vadd.f32 v2, v1;
	v12 =	vld [tilespmem:s7+$0xFFFFFFA0];
	v4 =	vmul.f32 v11, v4  }
0x64c: {  	v2 =	vld [tilespmem:s18+$0x60]  }
0x64d: {  	v7 =	vadd.f32 v8, v7;
	v13 =	vmul.f32 v13, v6;
	v1 =	vmul.f32 $5.000000000e-01, v1;
	v11 =	vld [tilespmem:s29+$0xFFFFFFA0];
	[tilespmem:s17+$0xFFFFFFC0] =	vst v4  }
0x64e: {  	v6 =	vld [tilespmem:s28+$0xFFFFFF50]  }
0x64f: {  	v7 =	vmul.f32 $5.000000000e-01, v7;
	v1 =	vmul.f32 v10, v1;
	v8 =	vld [tilespmem:s28+$0xFFFFFFD0];
	[tilespmem:s26+$0xFFFFFFE0] =	vst v13  }
0x650: {  	v4 =	vpop (erf);
	v3 =	vld.idx.msk [tilespmem:v3+s25+$0x0], $0xffff  }
0x651: {  	v4 =	vmul.f32 v4, v7;
	v5 =	vld.idx.msk [tilespmem:v5+s25+$0x0], $0xffff;
	(erf) = vrcp.f32 v2;
	[tilespmem:s21+$0xFFFFFFF0] =	vst v1;
	s21 =	smov.u32 s26;
	s26 =	smov.u32 s17;
	s17 =	smov.u32 s20  }
0x652: {  	v1 =	vld.idx.msk [tilespmem:v9+s25+$0x0], $0xffff;
	(erf) = vrcp.f32 v11  }
0x653: {  	v2 =	vld.idx.msk [tilespmem:v12+s25+$0x0], $0xffff;
	[tilespmem:s20+$0x20] =	vst v4  }
0x654: {  	v4 =	vld [tilespmem:s7+$0x30]  }
0x655: {  	v7 =	vld [tilespmem:s7+$0xB0]  }
0x656: {  	v9 =	vld [tilespmem:s18+$0xFFFFFFD0]  }
0x657: {  	v3 =	vadd.f32 v5, v3;
	v10 =	vld.idx.msk [tilespmem:v6+s25+$0x0], $0xffff  }
0x658: {  	v5 =	vld.idx.msk [tilespmem:v8+s25+$0x0], $0xffff  }
0x659: {  	v2 =	vadd.f32 v2, v1;
	v3 =	vmul.f32 $5.000000000e-01, v3;
	v1 =	vld [tilespmem:s22+$0xFFFFFF70]  }
0x65a: {  	v8 =	vld [tilespmem:s29+$0x30];
	v6 =	vpop (erf)  }
0x65b: {  	v11 =	vmul.f32 $5.000000000e-01, v2;
	v12 =	vpop (erf);
	v3 =	vmul.f32 v6, v3;
	v2 =	vld [tilespmem:s22+$0xFFFFFFF0];
	s22 =	smov.u32 s28;
	s28 =	smov.u32 s7  }
.Ltmp9:
0x65c: {  	v6 =	vld.idx.msk [tilespmem:v4+s25+$0x0], $0xffff;
	(erf) = vrcp.f32 v9;
	(pc) =	sbr.rel @p1 .LBB2_16-.Ltmp9, $4  }
0x65d: {  	v4 =	vmul.f32 v12, v11;
	v7 =	vld.idx.msk [tilespmem:v7+s25+$0x0], $0xffff;
	[tilespmem:s26+$0x60] =	vst v3  }
0x65e: {  	v9 =	vadd.f32 v5, v10;
	v3 =	vld [tilespmem:s22+$0x70]  }
0x65f: {  	[tilespmem:s20+$0xFFFFFFA0] =	vst v4;
	(erf) = vrcp.f32 v8;
	v4 =	vld [tilespmem:s22+$0xF0]  }
0x660: {  	s7 =	sadd.s32 $0x200, s7;
	v8 =	vmul.f32 $5.000000000e-01, v9;
	v5 =	vld [tilespmem:s28+$0xFFFFFF30]  }
0x661: {  	_ =	sdelay $0x3  }
0x662: {  	v6 =	vadd.f32 v7, v6;
	_ =	sdelay $0x1  }
0x663: {  	v6 =	vmul.f32 $5.000000000e-01, v6;
	v7 =	vpop (erf)  }
0x664: {  	v9 =	vpop (erf)  }
0x665: {  	v6 =	vmul.f32 v9, v6;
	_ =	sdelay $0x1  }
0x666: {  	v11 =	vld [tilespmem:s28+$0xFFFFFFB0];
	[tilespmem:s20+$0x30] =	vst v6  }
0x667: {  	v6 =	vld [tilespmem:s28+$0x40]  }
0x668: {  	v10 =	vld [tilespmem:s28+$0xC0]  }
0x669: {  	v9 =	vld [tilespmem:s18+$0x70]  }
0x66a: {  	v12 =	vld [tilespmem:s13+$0x40];
	_ =	sdelay $0x1  }
0x66b: {  	v13 =	vld [tilespmem:s13+$0xFFFFFFB0];
	_ =	sdelay $0x1  }
0x66c: {  	(erf) = vrcp.f32 v9  }
0x66d: {  	(erf) = vrcp.f32 v12;
	v6 =	vld.idx.msk [tilespmem:v6+s25+$0x0], $0xffff  }
0x66e: {  	v9 =	vld.idx.msk [tilespmem:v10+s25+$0x0], $0xffff  }
0x66f: {  	v5 =	vld.idx.msk [tilespmem:v5+s25+$0x0], $0xffff;
	(erf) = vrcp.f32 v13  }
0x670: {  	v10 =	vld.idx.msk [tilespmem:v11+s25+$0x0], $0xffff;
	_ =	sdelay $0x2  }
0x671: {  	v6 =	vadd.f32 v9, v6;
	_ =	sdelay $0x1  }
0x672: {  	v7 =	vmul.f32 v7, v8;
	v8 =	vpop (erf);
	v5 =	vadd.f32 v10, v5;
	v6 =	vmul.f32 $5.000000000e-01, v6  }
0x673: {  	v9 =	vpop (erf)  }
0x674: {  	[tilespmem:s26+$0xFFFFFFD0] =	vst v7;
	v5 =	vmul.f32 $5.000000000e-01, v5;
	v6 =	vmul.f32 v9, v6  }
0x675: {  	v7 =	vld [tilespmem:s18+$0xFFFFFFE0];
	v9 =	vpop (erf)  }
0x676: {  	v10 =	vld [tilespmem:s19+$0xFFFFFFF0];
	v5 =	vmul.f32 v9, v5;
	[tilespmem:s17+$0x40] =	vst v6  }
0x677: {  	v6 =	vld [tilespmem:s28+$0x50]  }
0x678: {  	[tilespmem:s17+$0xFFFFFFB0] =	vst v5;
	v5 =	vld [tilespmem:s28+$0xD0]  }
0x679: {  	v11 =	vld [tilespmem:s13+$0x50]  }
0x67a: {  	v9 =	vld [tilespmem:s28+$0xFFFFFF40]  }
0x67b: {  	v38 =	vld [tilespmem:s28+$0xFFFFFFC0];
	_ =	sdelay $0x1  }
0x67c: {  	v39 =	vld [tilespmem:s13+$0xFFFFFFC0]  }
0x67d: {  	(erf) = vrcp.f32 v7  }
0x67e: {  	(erf) = vrcp.f32 v10  }
0x67f: {  	(erf) = vrcp.f32 v11;
	v6 =	vld.idx.msk [tilespmem:v6+s25+$0x0], $0xffff  }
0x680: {  	v5 =	vld.idx.msk [tilespmem:v5+s25+$0x0], $0xffff  }
0x681: {  	(erf) = vrcp.f32 v39;
	v7 =	vld.idx.msk [tilespmem:v9+s25+$0x0], $0xffff  }
0x682: {  	v9 =	vld.idx.msk [tilespmem:v38+s25+$0x0], $0xffff;
	_ =	sdelay $0x2  }
0x683: {  	v5 =	vadd.f32 v5, v6  }
0x684: {  	v6 =	vpop (erf)  }
0x685: {  	v10 =	vpop (erf);
	v7 =	vadd.f32 v9, v7;
	v5 =	vmul.f32 $5.000000000e-01, v5  }
0x686: {  	v9 =	vpop (erf)  }
0x687: {  	v7 =	vmul.f32 $5.000000000e-01, v7;
	v5 =	vmul.f32 v9, v5  }
0x688: {  	v9 =	vpop (erf)  }
0x689: {  	[tilespmem:s17+$0x50] =	vst v5;
	v5 =	vmul.f32 v9, v7  }
0x68a: {  	v7 =	vld [tilespmem:s28+$0x60]  }
0x68b: {  	v9 =	vld [tilespmem:s28+$0xE0];
	[tilespmem:s17+$0xFFFFFFC0] =	vst v5  }
0x68c: {  	v5 =	vld [tilespmem:s28+$0xFFFFFF50]  }
0x68d: {  	v11 =	vld [tilespmem:s28+$0xFFFFFFD0]  }
0x68e: {  	v40 =	vld [tilespmem:s13+$0x60]  }
0x68f: {  	v41 =	vld [tilespmem:s13+$0xFFFFFFD0];
	_ =	sdelay $0x3  }
0x690: {  	(erf) = vrcp.f32 v40  }
0x691: {  	(erf) = vrcp.f32 v41;
	v5 =	vld.idx.msk [tilespmem:v5+s25+$0x0], $0xffff  }
0x692: {  	v11 =	vld.idx.msk [tilespmem:v11+s25+$0x0], $0xffff  }
0x693: {  	v7 =	vld.idx.msk [tilespmem:v7+s25+$0x0], $0xffff  }
0x694: {  	v9 =	vld.idx.msk [tilespmem:v9+s25+$0x0], $0xffff;
	_ =	sdelay $0x2  }
0x695: {  	v5 =	vadd.f32 v11, v5;
	_ =	sdelay $0x1  }
0x696: {  	v7 =	vadd.f32 v9, v7;
	v9 =	vpop (erf);
	v5 =	vmul.f32 $5.000000000e-01, v5  }
0x697: {  	v11 =	vpop (erf)  }
0x698: {  	v7 =	vmul.f32 $5.000000000e-01, v7;
	v5 =	vmul.f32 v11, v5  }
0x699: {  	v42 =	vld [tilespmem:s22+$0xFFFFFFE0]  }
0x69a: {  	v7 =	vmul.f32 v9, v7;
	v11 =	vld [tilespmem:s22+$0xFFFFFF60];
	[tilespmem:s17+$0xFFFFFFD0] =	vst v5  }
0x69b: {  	v5 =	vld [tilespmem:s28+$0xFFFFFF60]  }
0x69c: {  	[tilespmem:s17+$0x60] =	vst v7;
	v7 =	vld [tilespmem:s28+$0xFFFFFFE0]  }
0x69d: {  	v9 =	vld [tilespmem:s13+$0x70]  }
0x69e: {  	v43 =	vld [tilespmem:s13+$0xFFFFFFE0];
	_ =	sdelay $0x2  }
0x69f: {  	v12 =	vld.idx.msk [tilespmem:v42+s25+$0x0], $0xffff  }
0x6a0: {  	(erf) = vrcp.f32 v9;
	v11 =	vld.idx.msk [tilespmem:v11+s25+$0x0], $0xffff  }
0x6a1: {  	(erf) = vrcp.f32 v43;
	v5 =	vld.idx.msk [tilespmem:v5+s25+$0x0], $0xffff  }
0x6a2: {  	v7 =	vld.idx.msk [tilespmem:v7+s25+$0x0], $0xffff;
	_ =	sdelay $0x2  }
0x6a3: {  	v9 =	vadd.f32 v12, v11  }
0x6a4: {  	v1 =	vld.idx.msk [tilespmem:v1+s25+$0x0], $0xffff  }
0x6a5: {  	v2 =	vld.idx.msk [tilespmem:v2+s25+$0x0], $0xffff;
	v9 =	vmul.f32 $5.000000000e-01, v9;
	v5 =	vadd.f32 v7, v5  }
0x6a6: {  	v3 =	vld.idx.msk [tilespmem:v3+s25+$0x0], $0xffff  }
0x6a7: {  	v4 =	vld.idx.msk [tilespmem:v4+s25+$0x0], $0xffff;
	v7 =	vpop (erf);
	v6 =	vmul.f32 v6, v9;
	v5 =	vmul.f32 $5.000000000e-01, v5  }
0x6a8: {  	v9 =	vld [tilespmem:s28+$0x70];
	v11 =	vpop (erf)  }
0x6a9: {  	[tilespmem:s26+$0xFFFFFFE0] =	vst v6;
	v6 =	vld [tilespmem:s28+$0xF0];
	v5 =	vmul.f32 v11, v5  }
0x6aa: {  	v11 =	vld [tilespmem:s22+$0xFFFFFF70]  }
0x6ab: {  	v44 =	vld [tilespmem:s22+$0xFFFFFFF0];
	[tilespmem:s17+$0xFFFFFFE0] =	vst v5  }
0x6ac: {  	v5 =	vld [tilespmem:s28+$0xFFFFFF70]  }
0x6ad: {  	v45 =	vld [tilespmem:s28+$0xFFFFFFF0]  }
0x6ae: {  	v14 =	vld [tilespmem:s18+$0xFFFFFFF0]  }
0x6af: {  	v15 =	vld [tilespmem:s13+$0xFFFFFFF0]  }
0x6b0: {  	v9 =	vld.idx.msk [tilespmem:v9+s25+$0x0], $0xffff  }
0x6b1: {  	v6 =	vld.idx.msk [tilespmem:v6+s25+$0x0], $0xffff  }
0x6b2: {  	v11 =	vld.idx.msk [tilespmem:v11+s25+$0x0], $0xffff  }
0x6b3: {  	(erf) = vrcp.f32 v14;
	v12 =	vld.idx.msk [tilespmem:v44+s25+$0x0], $0xffff  }
0x6b4: {  	v3 =	vadd.f32 v4, v3;
	(erf) = vrcp.f32 v15;
	v5 =	vld.idx.msk [tilespmem:v5+s25+$0x0], $0xffff  }
0x6b5: {  	v13 =	vld.idx.msk [tilespmem:v45+s25+$0x0], $0xffff  }
0x6b6: {  	v1 =	vadd.f32 v2, v1;
	v2 =	vmul.f32 $5.000000000e-01, v3;
	v3 =	vadd.f32 v6, v9;
	_ =	sdelay $0x1  }
0x6b7: {  	v3 =	vmul.f32 $5.000000000e-01, v3  }
0x6b8: {  	v1 =	vmul.f32 $5.000000000e-01, v1;
	v4 =	vadd.f32 v12, v11  }
0x6b9: {  	v2 =	vmul.f32 v8, v2;
	v5 =	vadd.f32 v13, v5  }
0x6ba: {  	v1 =	vmul.f32 v10, v1;
	v4 =	vmul.f32 $5.000000000e-01, v4  }
0x6bb: {  	[tilespmem:s26+$0x70] =	vst v2;
	v2 =	vmul.f32 v7, v3;
	v3 =	vpop (erf);
	v5 =	vmul.f32 $5.000000000e-01, v5  }
0x6bc: {  	[tilespmem:s21+$0xFFFFFFF0] =	vst v1;
	v1 =	vmul.f32 v3, v4;
	v3 =	vpop (erf)  }
0x6bd: {  	[tilespmem:s17+$0x70] =	vst v2;
	v2 =	vmul.f32 v3, v5  }
0x6be: {  	[tilespmem:s26+$0xFFFFFFF0] =	vst v1  }
0x6bf: {  	[tilespmem:s17+$0xFFFFFFF0] =	vst v2  }
0x6c0: {  	s7 =	rddreg [dreg:$0xf]  }
0x6c1: {  	[hbm4b:s7+s6] =	stream.linear.scatter [tilespmem:s10], [sflag:$0x4], $0x800, $0x38;
	[tilespmem:$0x1FF90] =	vst v63  }
0x6c2: {  	_ =	swait.ge [sflag:s23], $0x800  }
0x6c3: {  	[sflag:s23] =	ssyncset.done $0x0  }
0x6c4: {  	s21 =	simm.s32 $0x5;
	[sflag:s23] =	ssyncadd.s32 $0xFFFFF800  }
0x6c5: {  	_ =	swait.ge [sflag:s21], $0x800  }
0x6c6: {  	[sflag:s21] =	ssyncset.done $0x0  }
0x6c7: {  	s22 =	simm.s32 $0x6;
	[sflag:s21] =	ssyncadd.s32 $0xFFFFF800  }
0x6c8: {  	_ =	swait.ge [sflag:s22], $0x800  }
0x6c9: {  	[sflag:s22] =	ssyncset.done $0x0  }
0x6ca: {  	s23 =	rddreg [dreg:$0x10];
	[sflag:s22] =	ssyncadd.s32 $0xFFFFF800  }
0x6cb: {  	[tilespmem:s24], [sflag:$0x7] =	stream.linear.gather [hbm4b:s23+s6], $0xA00, $0x38;
	[tilespmem:$0x1FF90] =	vst v63  }
0x6cc: {  	s23 =	simm.s32 $0x7  }
0x6cd: {  	_ =	swait.ge [sflag:s23], $0xA00  }
0x6ce: {  	[sflag:s23] =	ssyncset.done $0x0  }
0x6cf: {  	s30 =	simm.s32 $0x1B720;
	s26 =	rddreg [dreg:$0x11];
	[sflag:s23] =	ssyncadd.s32 $0xFFFFF600  }
0x6d0: {  	[tilespmem:s30], [sflag:$0x7] =	stream.linear.gather [hbm4b:s26+s6], $0x500, $0x38;
	[tilespmem:$0x1FF90] =	vst v63  }
0x6d1: {  	_ =	swait.ge [sflag:s23], $0x500  }
0x6d2: {  	[sflag:s23] =	ssyncset.done $0x0  }
0x6d3: {  	s31 =	simm.s32 $0x18820;
	[sflag:s23] =	ssyncadd.s32 $0xFFFFFB00  }
0x6d4: {  	v1 =	vld [tilespmem:s31+$0x0]  }
0x6d5: {  	v2 =	vld [tilespmem:s31+$0x80]  }
0x6d6: {  	s19 =	simm.s32 $0x1B7A0  }
0x6d7: {  	v3 =	vld [tilespmem:s19+$0x0];
	_ =	sdelay $0x4  }
0x6d8: {  	(erf) = vrcp.f32 v3;
	v1 =	vld.idx.msk [tilespmem:v1+s25+$0x0], $0xffff  }
0x6d9: {  	v2 =	vld.idx.msk [tilespmem:v2+s25+$0x0], $0xffff;
	_ =	sdelay $0x4  }
0x6da: {  	v1 =	vadd.f32 v2, v1;
	_ =	sdelay $0x1  }
0x6db: {  	v3 =	vld [tilespmem:s31+$0xFFFFFF80];
	v1 =	vmul.f32 $5.000000000e-01, v1  }
0x6dc: {  	v2 =	vpop (erf)  }
0x6dd: {  	v1 =	vmul.f32 v2, v1;
	v2 =	vld [tilespmem:s31+$0xFFFFFF00];
	_ =	sdelay $0x1  }
0x6de: {  	s21 =	simm.s32 $0x1CFA0;
	v4 =	vld [tilespmem:s19+$0xFFFFFF80]  }
0x6df: {  	[tilespmem:s21+$0x0] =	vst v1  }
0x6e0: {  	v1 =	vld [tilespmem:s31+$0x10]  }
0x6e1: {  	v5 =	vld [tilespmem:s31+$0x90]  }
0x6e2: {  	v3 =	vld.idx.msk [tilespmem:v3+s25+$0x0], $0xffff  }
0x6e3: {  	(erf) = vrcp.f32 v4;
	v6 =	vld [tilespmem:s19+$0x10]  }
0x6e4: {  	v2 =	vld.idx.msk [tilespmem:v2+s25+$0x0], $0xffff;
	_ =	sdelay $0x3  }
0x6e5: {  	(erf) = vrcp.f32 v6;
	v1 =	vld.idx.msk [tilespmem:v1+s25+$0x0], $0xffff  }
0x6e6: {  	v4 =	vld.idx.msk [tilespmem:v5+s25+$0x0], $0xffff;
	v2 =	vadd.f32 v3, v2;
	_ =	sdelay $0x1  }
0x6e7: {  	v2 =	vmul.f32 $5.000000000e-01, v2  }
0x6e8: {  	v3 =	vpop (erf)  }
0x6e9: {  	v2 =	vmul.f32 v3, v2  }
0x6ea: {  	v1 =	vadd.f32 v4, v1;
	_ =	sdelay $0x1  }
0x6eb: {  	v1 =	vmul.f32 $5.000000000e-01, v1  }
0x6ec: {  	[tilespmem:s21+$0xFFFFFF80] =	vst v2;
	v2 =	vpop (erf)  }
0x6ed: {  	v3 =	vld [tilespmem:s31+$0xFFFFFF10];
	v1 =	vmul.f32 v2, v1  }
0x6ee: {  	v4 =	vld [tilespmem:s19+$0xFFFFFF90]  }
0x6ef: {  	v2 =	vld [tilespmem:s31+$0xFFFFFF90];
	[tilespmem:s21+$0x10] =	vst v1  }
0x6f0: {  	v1 =	vld [tilespmem:s31+$0x20]  }
0x6f1: {  	v5 =	vld [tilespmem:s31+$0xA0];
	_ =	sdelay $0x1  }
0x6f2: {  	v6 =	vld [tilespmem:s19+$0x20];
	_ =	sdelay $0x2  }
0x6f3: {  	(erf) = vrcp.f32 v4;
	v3 =	vld.idx.msk [tilespmem:v3+s25+$0x0], $0xffff  }
0x6f4: {  	v2 =	vld.idx.msk [tilespmem:v2+s25+$0x0], $0xffff  }
0x6f5: {  	(erf) = vrcp.f32 v6;
	v1 =	vld.idx.msk [tilespmem:v1+s25+$0x0], $0xffff  }
0x6f6: {  	v4 =	vld.idx.msk [tilespmem:v5+s25+$0x0], $0xffff;
	_ =	sdelay $0x2  }
0x6f7: {  	v2 =	vadd.f32 v2, v3;
	_ =	sdelay $0x1  }
0x6f8: {  	v2 =	vmul.f32 $5.000000000e-01, v2;
	v1 =	vadd.f32 v4, v1  }
0x6f9: {  	v3 =	vpop (erf)  }
0x6fa: {  	v2 =	vmul.f32 v3, v2;
	v1 =	vmul.f32 $5.000000000e-01, v1  }
0x6fb: {  	v3 =	vpop (erf)  }
0x6fc: {  	[tilespmem:s21+$0xFFFFFF90] =	vst v2;
	v1 =	vmul.f32 v3, v1  }
0x6fd: {  	v2 =	vld [tilespmem:s31+$0xFFFFFF20]  }
0x6fe: {  	v3 =	vld [tilespmem:s31+$0xFFFFFFA0];
	[tilespmem:s21+$0x20] =	vst v1  }
0x6ff: {  	v1 =	vld [tilespmem:s31+$0x30]  }
0x700: {  	v4 =	vld [tilespmem:s31+$0xB0]  }
0x701: {  	v5 =	vld [tilespmem:s19+$0xFFFFFFA0]  }
0x702: {  	v6 =	vld [tilespmem:s19+$0x30];
	_ =	sdelay $0x2  }
0x703: {  	s22 =	simm.s32 $0x18A20  }
0x704: {  	(erf) = vrcp.f32 v5;
	v5 =	vld [tilespmem:s22+$0x0]  }
0x705: {  	(erf) = vrcp.f32 v6;
	v1 =	vld.idx.msk [tilespmem:v1+s25+$0x0], $0xffff  }
0x706: {  	v4 =	vld.idx.msk [tilespmem:v4+s25+$0x0], $0xffff  }
0x707: {  	v2 =	vld.idx.msk [tilespmem:v2+s25+$0x0], $0xffff  }
0x708: {  	v3 =	vld.idx.msk [tilespmem:v3+s25+$0x0], $0xffff  }
0x709: {  	v6 =	vld [tilespmem:s22+$0x80]  }
0x70a: {  	s18 =	simm.s32 $0x1B8A0  }
0x70b: {  	v7 =	vld [tilespmem:s18+$0x0];
	v1 =	vadd.f32 v4, v1  }
0x70c: {  	v8 =	vld [tilespmem:s22+$0xFFFFFF00]  }
0x70d: {  	v2 =	vadd.f32 v3, v2;
	v3 =	vpop (erf);
	v1 =	vmul.f32 $5.000000000e-01, v1  }
0x70e: {  	v10 =	vld [tilespmem:s18+$0xFFFFFF80];
	v9 =	vpop (erf)  }
0x70f: {  	v2 =	vmul.f32 $5.000000000e-01, v2;
	v4 =	vld [tilespmem:s22+$0xFFFFFF80];
	v1 =	vmul.f32 v9, v1  }
0x710: {  	v5 =	vld.idx.msk [tilespmem:v5+s25+$0x0], $0xffff;
	(erf) = vrcp.f32 v7  }
0x711: {  	v2 =	vmul.f32 v3, v2;
	v3 =	vld.idx.msk [tilespmem:v6+s25+$0x0], $0xffff;
	[tilespmem:s21+$0x30] =	vst v1  }
0x712: {  	v1 =	vld [tilespmem:s31+$0x40]  }
0x713: {  	[tilespmem:s21+$0xFFFFFFA0] =	vst v2;
	v2 =	vld [tilespmem:s31+$0xC0]  }
0x714: {  	v8 =	vld.idx.msk [tilespmem:v8+s25+$0x0], $0xffff  }
0x715: {  	v6 =	vld [tilespmem:s31+$0xFFFFFF30]  }
0x716: {  	(erf) = vrcp.f32 v10;
	v3 =	vadd.f32 v3, v5;
	v7 =	vld [tilespmem:s19+$0x40]  }
0x717: {  	v4 =	vld.idx.msk [tilespmem:v4+s25+$0x0], $0xffff  }
0x718: {  	v9 =	vld [tilespmem:s19+$0xFFFFFFB0];
	v3 =	vmul.f32 $5.000000000e-01, v3  }
0x719: {  	v5 =	vld [tilespmem:s31+$0xFFFFFFB0];
	v10 =	vpop (erf)  }
0x71a: {  	v3 =	vmul.f32 v10, v3;
	v1 =	vld.idx.msk [tilespmem:v1+s25+$0x0], $0xffff  }
0x71b: {  	s26 =	simm.s32 $0x1D0A0;
	(erf) = vrcp.f32 v7;
	v2 =	vld.idx.msk [tilespmem:v2+s25+$0x0], $0xffff  }
0x71c: {  	[tilespmem:s26+$0x0] =	vst v3;
	v3 =	vadd.f32 v4, v8;
	_ =	sdelay $0x1  }
0x71d: {  	v4 =	vld [tilespmem:s22+$0x10];
	v3 =	vmul.f32 $5.000000000e-01, v3  }
0x71e: {  	v8 =	vpop (erf);
	v7 =	vld [tilespmem:s22+$0x90]  }
0x71f: {  	v6 =	vld.idx.msk [tilespmem:v6+s25+$0x0], $0xffff;
	(erf) = vrcp.f32 v9;
	v1 =	vadd.f32 v2, v1;
	v2 =	vmul.f32 v8, v3  }
0x720: {  	v5 =	vld.idx.msk [tilespmem:v5+s25+$0x0], $0xffff  }
0x721: {  	v3 =	vld [tilespmem:s18+$0x10]  }
0x722: {  	v1 =	vmul.f32 $5.000000000e-01, v1  }
0x723: {  	[tilespmem:s26+$0xFFFFFF80] =	vst v2;
	v2 =	vpop (erf)  }
0x724: {  	v8 =	vld [tilespmem:s22+$0xFFFFFF10];
	v1 =	vmul.f32 v2, v1  }
0x725: {  	v4 =	vld.idx.msk [tilespmem:v4+s25+$0x0], $0xffff;
	v2 =	vadd.f32 v5, v6  }
0x726: {  	v5 =	vld.idx.msk [tilespmem:v7+s25+$0x0], $0xffff;
	(erf) = vrcp.f32 v3;
	[tilespmem:s21+$0x40] =	vst v1  }
0x727: {  	v1 =	vmul.f32 $5.000000000e-01, v2;
	v2 =	vld [tilespmem:s31+$0x50]  }
0x728: {  	v3 =	vpop (erf);
	v6 =	vld [tilespmem:s31+$0xD0]  }
0x729: {  	v7 =	vld [tilespmem:s22+$0xFFFFFF90];
	v1 =	vmul.f32 v3, v1  }
0x72a: {  	v3 =	vld [tilespmem:s18+$0xFFFFFF90]  }
0x72b: {  	[tilespmem:s21+$0xFFFFFFB0] =	vst v1;
	v1 =	vld [tilespmem:s19+$0x50]  }
0x72c: {  	v4 =	vadd.f32 v5, v4;
	v5 =	vld.idx.msk [tilespmem:v8+s25+$0x0], $0xffff  }
0x72d: {  	v9 =	vld [tilespmem:s31+$0xFFFFFF40]  }
0x72e: {  	v4 =	vmul.f32 $5.000000000e-01, v4;
	v8 =	vld [tilespmem:s31+$0xFFFFFFC0]  }
0x72f: {  	(erf) = vrcp.f32 v3;
	v3 =	vpop (erf);
	v2 =	vld.idx.msk [tilespmem:v2+s25+$0x0], $0xffff  }
0x730: {  	v3 =	vmul.f32 v3, v4;
	v4 =	vld.idx.msk [tilespmem:v6+s25+$0x0], $0xffff;
	(erf) = vrcp.f32 v1  }
0x731: {  	v1 =	vld [tilespmem:s19+$0xFFFFFFC0]  }
0x732: {  	v6 =	vld.idx.msk [tilespmem:v7+s25+$0x0], $0xffff;
	[tilespmem:s26+$0x10] =	vst v3  }
0x733: {  	v3 =	vld [tilespmem:s22+$0x20]  }
0x734: {  	v7 =	vld [tilespmem:s22+$0xA0]  }
0x735: {  	v9 =	vld.idx.msk [tilespmem:v9+s25+$0x0], $0xffff  }
0x736: {  	v2 =	vadd.f32 v4, v2;
	(erf) = vrcp.f32 v1;
	v1 =	vld [tilespmem:s18+$0x20]  }
0x737: {  	v4 =	vld.idx.msk [tilespmem:v8+s25+$0x0], $0xffff  }
0x738: {  	v5 =	vadd.f32 v6, v5;
	v6 =	vpop (erf);
	v2 =	vmul.f32 $5.000000000e-01, v2  }
0x739: {  	v8 =	vpop (erf)  }
0x73a: {  	v5 =	vmul.f32 $5.000000000e-01, v5;
	v2 =	vmul.f32 v8, v2  }
0x73b: {  	v3 =	vld.idx.msk [tilespmem:v3+s25+$0x0], $0xffff  }
0x73c: {  	(erf) = vrcp.f32 v1;
	v1 =	vmul.f32 v6, v5;
	v5 =	vld.idx.msk [tilespmem:v7+s25+$0x0], $0xffff;
	v4 =	vadd.f32 v4, v9;
	[tilespmem:s21+$0x50] =	vst v2  }
0x73d: {  	v2 =	vld [tilespmem:s31+$0x60]  }
0x73e: {  	[tilespmem:s26+$0xFFFFFF90] =	vst v1;
	v1 =	vmul.f32 $5.000000000e-01, v4;
	v4 =	vld [tilespmem:s31+$0xE0]  }
0x73f: {  	v6 =	vld [tilespmem:s22+$0xFFFFFF20]  }
0x740: {  	v8 =	vld [tilespmem:s22+$0xFFFFFFA0]  }
0x741: {  	s28 =	simm.s32 $0x18C20  }
0x742: {  	v11 =	vld [tilespmem:s28+$0xFFFFFF80];
	v7 =	vpop (erf);
	v3 =	vadd.f32 v5, v3  }
0x743: {  	v1 =	vmul.f32 v7, v1;
	v7 =	vld [tilespmem:s19+$0x60]  }
0x744: {  	v5 =	vld [tilespmem:s18+$0xFFFFFFA0];
	v3 =	vmul.f32 $5.000000000e-01, v3  }
0x745: {  	v10 =	vpop (erf);
	v2 =	vld.idx.msk [tilespmem:v2+s25+$0x0], $0xffff  }
0x746: {  	v3 =	vmul.f32 v10, v3;
	v4 =	vld.idx.msk [tilespmem:v4+s25+$0x0], $0xffff  }
0x747: {  	v6 =	vld.idx.msk [tilespmem:v6+s25+$0x0], $0xffff  }
0x748: {  	(erf) = vrcp.f32 v7;
	v8 =	vld.idx.msk [tilespmem:v8+s25+$0x0], $0xffff;
	[tilespmem:s26+$0x20] =	vst v3  }
0x749: {  	v3 =	vld [tilespmem:s22+$0x30]  }
0x74a: {  	[tilespmem:s21+$0xFFFFFFC0] =	vst v1;
	(erf) = vrcp.f32 v5;
	v7 =	vld [tilespmem:s22+$0xB0]  }
0x74b: {  	v5 =	vld [tilespmem:s19+$0xFFFFFFD0]  }
0x74c: {  	v2 =	vadd.f32 v4, v2;
	v4 =	vld [tilespmem:s18+$0x30]  }
0x74d: {  	v47 =	vld [tilespmem:s28+$0xFFFFFF00]  }
0x74e: {  	v1 =	vld [tilespmem:s31+$0xFFFFFF50]  }
0x74f: {  	v9 =	vld [tilespmem:s31+$0xFFFFFFD0]  }
0x750: {  	(erf) = vrcp.f32 v5;
	v5 =	vadd.f32 v8, v6;
	v8 =	vld [tilespmem:s28+$0x0];
	v2 =	vmul.f32 $5.000000000e-01, v2  }
0x751: {  	v10 =	vpop (erf);
	v3 =	vld.idx.msk [tilespmem:v3+s25+$0x0], $0xffff;
	(erf) = vrcp.f32 v4  }
0x752: {  	v2 =	vmul.f32 v10, v2;
	v6 =	vld.idx.msk [tilespmem:v7+s25+$0x0], $0xffff;
	v4 =	vmul.f32 $5.000000000e-01, v5  }
0x753: {  	v11 =	vld.idx.msk [tilespmem:v11+s25+$0x0], $0xffff;
	v7 =	vpop (erf)  }
0x754: {  	[tilespmem:s21+$0x60] =	vst v2;
	v4 =	vmul.f32 v7, v4;
	v7 =	vld [tilespmem:s28+$0x80]  }
0x755: {  	s29 =	simm.s32 $0x1B9A0;
	v10 =	vld [tilespmem:s19+$0x70]  }
0x756: {  	[tilespmem:s26+$0xFFFFFFA0] =	vst v4;
	v4 =	vld [tilespmem:s29+$0x0]  }
0x757: {  	v1 =	vld.idx.msk [tilespmem:v1+s25+$0x0], $0xffff;
	v3 =	vadd.f32 v6, v3  }
0x758: {  	v9 =	vld.idx.msk [tilespmem:v9+s25+$0x0], $0xffff  }
0x759: {  	v2 =	vld [tilespmem:s31+$0x70];
	v46 =	vpop (erf);
	v3 =	vmul.f32 $5.000000000e-01, v3  }
0x75a: {  	v8 =	vld.idx.msk [tilespmem:v8+s25+$0x0], $0xffff;
	(erf) = vrcp.f32 v10;
	v48 =	vpop (erf)  }
0x75b: {  	v6 =	vld [tilespmem:s22+$0xFFFFFF30];
	(erf) = vrcp.f32 v4;
	v3 =	vmul.f32 v48, v3  }
0x75c: {  	v4 =	vld.idx.msk [tilespmem:v7+s25+$0x0], $0xffff  }
0x75d: {  	v10 =	vld [tilespmem:s29+$0xFFFFFF80];
	[tilespmem:s26+$0x30] =	vst v3  }
0x75e: {  	v7 =	vld [tilespmem:s22+$0x40]  }
0x75f: {  	v49 =	vld [tilespmem:s22+$0xC0]  }
0x760: {  	v5 =	vld [tilespmem:s31+$0xF0]  }
0x761: {  	v50 =	vld [tilespmem:s18+$0x40];
	v4 =	vadd.f32 v4, v8  }
0x762: {  	(erf) = vrcp.f32 v10;
	v8 =	vld [tilespmem:s22+$0xFFFFFFB0]  }
0x763: {  	v10 =	vld.idx.msk [tilespmem:v47+s25+$0x0], $0xffff;
	v3 =	vpop (erf);
	v4 =	vmul.f32 $5.000000000e-01, v4  }
0x764: {  	v1 =	vadd.f32 v9, v1;
	v9 =	vld [tilespmem:s18+$0xFFFFFFB0];
	v51 =	vpop (erf)  }
0x765: {  	v6 =	vld.idx.msk [tilespmem:v6+s25+$0x0], $0xffff;
	v4 =	vmul.f32 v51, v4  }
0x766: {  	s20 =	simm.s32 $0x1D1A0;
	v1 =	vmul.f32 $5.000000000e-01, v1;
	v7 =	vld.idx.msk [tilespmem:v7+s25+$0x0], $0xffff  }
0x767: {  	(erf) = vrcp.f32 v50;
	v52 =	vld.idx.msk [tilespmem:v49+s25+$0x0], $0xffff;
	[tilespmem:s20+$0x0] =	vst v4  }
0x768: {  	v1 =	vmul.f32 v46, v1;
	v4 =	vadd.f32 v11, v10;
	v10 =	vld [tilespmem:s28+$0x10]  }
0x769: {  	(erf) = vrcp.f32 v9;
	v11 =	vld [tilespmem:s28+$0x90]  }
0x76a: {  	[tilespmem:s21+$0xFFFFFFD0] =	vst v1;
	v1 =	vld.idx.msk [tilespmem:v8+s25+$0x0], $0xffff;
	v4 =	vmul.f32 $5.000000000e-01, v4  }
0x76b: {  	v9 =	vld [tilespmem:s19+$0xFFFFFFE0];
	v8 =	vpop (erf)  }
0x76c: {  	v53 =	vld [tilespmem:s31+$0xFFFFFF60];
	v4 =	vmul.f32 v8, v4  }
0x76d: {  	v8 =	vld [tilespmem:s29+$0x10];
	v7 =	vadd.f32 v52, v7  }
0x76e: {  	v54 =	vld [tilespmem:s31+$0xFFFFFFE0];
	[tilespmem:s20+$0xFFFFFF80] =	vst v4  }
0x76f: {  	v7 =	vmul.f32 $5.000000000e-01, v7;
	v55 =	vld [tilespmem:s28+$0xFFFFFF10];
	v1 =	vadd.f32 v1, v6  }
0x770: {  	v4 =	vpop (erf);
	(erf) = vrcp.f32 v9;
	v6 =	vld.idx.msk [tilespmem:v10+s25+$0x0], $0xffff  }
0x771: {  	v4 =	vmul.f32 v4, v7;
	v7 =	vld.idx.msk [tilespmem:v11+s25+$0x0], $0xffff;
	v1 =	vmul.f32 $5.000000000e-01, v1  }
0x772: {  	(erf) = vrcp.f32 v8;
	v8 =	vpop (erf);
	v10 =	vld [tilespmem:s28+$0xFFFFFF90]  }
0x773: {  	[tilespmem:s26+$0x40] =	vst v4;
	v1 =	vmul.f32 v8, v1;
	v8 =	vld [tilespmem:s29+$0xFFFFFF90]  }
0x774: {  	v4 =	vld [tilespmem:s22+$0x50]  }
0x775: {  	v9 =	vld [tilespmem:s22+$0xD0]  }
0x776: {  	[tilespmem:s26+$0xFFFFFFB0] =	vst v1;
	v1 =	vld [tilespmem:s18+$0x50]  }
0x777: {  	v2 =	vld.idx.msk [tilespmem:v2+s25+$0x0], $0xffff  }
0x778: {  	v11 =	vld [tilespmem:s22+$0xFFFFFF40];
	v6 =	vadd.f32 v7, v6  }
0x779: {  	v56 =	vld [tilespmem:s22+$0xFFFFFFC0]  }
0x77a: {  	v7 =	vld.idx.msk [tilespmem:v55+s25+$0x0], $0xffff;
	v6 =	vmul.f32 $5.000000000e-01, v6;
	v57 =	vpop (erf);
	(erf) = vrcp.f32 v8  }
0x77b: {  	v8 =	vpop (erf);
	(erf) = vrcp.f32 v1;
	v1 =	vld [tilespmem:s18+$0xFFFFFFC0]  }
0x77c: {  	v6 =	vmul.f32 v8, v6;
	v4 =	vld.idx.msk [tilespmem:v4+s25+$0x0], $0xffff  }
0x77d: {  	v8 =	vld.idx.msk [tilespmem:v9+s25+$0x0], $0xffff  }
0x77e: {  	v9 =	vld.idx.msk [tilespmem:v10+s25+$0x0], $0xffff;
	[tilespmem:s20+$0x10] =	vst v6  }
0x77f: {  	v6 =	vld [tilespmem:s28+$0x20]  }
0x780: {  	v10 =	vld [tilespmem:s28+$0xA0]  }
0x781: {  	v11 =	vld.idx.msk [tilespmem:v11+s25+$0x0], $0xffff  }
0x782: {  	v14 =	vld.idx.msk [tilespmem:v56+s25+$0x0], $0xffff;
	(erf) = vrcp.f32 v1;
	v4 =	vadd.f32 v8, v4  }
0x783: {  	v1 =	vld [tilespmem:s29+$0x20]  }
0x784: {  	v5 =	vld.idx.msk [tilespmem:v5+s25+$0x0], $0xffff;
	v7 =	vadd.f32 v9, v7;
	v8 =	vpop (erf);
	v4 =	vmul.f32 $5.000000000e-01, v4  }
0x785: {  	v13 =	vld.idx.msk [tilespmem:v54+s25+$0x0], $0xffff;
	v58 =	vpop (erf)  }
0x786: {  	v9 =	vld.idx.msk [tilespmem:v53+s25+$0x0], $0xffff;
	v7 =	vmul.f32 $5.000000000e-01, v7;
	v4 =	vmul.f32 v58, v4  }
0x787: {  	v6 =	vld.idx.msk [tilespmem:v6+s25+$0x0], $0xffff  }
0x788: {  	(erf) = vrcp.f32 v1;
	v1 =	vadd.f32 v14, v11;
	v7 =	vmul.f32 v8, v7;
	v8 =	vld.idx.msk [tilespmem:v10+s25+$0x0], $0xffff;
	[tilespmem:s26+$0x50] =	vst v4  }
0x789: {  	v4 =	vld [tilespmem:s22+$0x60]  }
0x78a: {  	v1 =	vmul.f32 $5.000000000e-01, v1;
	[tilespmem:s20+$0xFFFFFF90] =	vst v7;
	v7 =	vld [tilespmem:s22+$0xE0]  }
0x78b: {  	v10 =	vld [tilespmem:s28+$0xFFFFFF20];
	v11 =	vpop (erf)  }
0x78c: {  	v59 =	vld [tilespmem:s28+$0xFFFFFFA0];
	v1 =	vmul.f32 v11, v1  }
0x78d: {  	v11 =	vld [tilespmem:s18+$0x60]  }
0x78e: {  	v60 =	vld [tilespmem:s29+$0xFFFFFFA0];
	v6 =	vadd.f32 v8, v6;
	[tilespmem:s26+$0xFFFFFFC0] =	vst v1  }
0x78f: {  	v1 =	vld [tilespmem:s22+$0xFFFFFF50]  }
0x790: {  	v8 =	vld [tilespmem:s22+$0xFFFFFFD0];
	v6 =	vmul.f32 $5.000000000e-01, v6  }
0x791: {  	v16 =	vpop (erf);
	v4 =	vld.idx.msk [tilespmem:v4+s25+$0x0], $0xffff  }
0x792: {  	(erf) = vrcp.f32 v11;
	v6 =	vmul.f32 v16, v6;
	v7 =	vld.idx.msk [tilespmem:v7+s25+$0x0], $0xffff  }
0x793: {  	v9 =	vadd.f32 v13, v9;
	v10 =	vld.idx.msk [tilespmem:v10+s25+$0x0], $0xffff  }
0x794: {  	(erf) = vrcp.f32 v60;
	v11 =	vld.idx.msk [tilespmem:v59+s25+$0x0], $0xffff;
	[tilespmem:s20+$0x20] =	vst v6  }
0x795: {  	v6 =	vmul.f32 $5.000000000e-01, v9;
	v9 =	vld [tilespmem:s28+$0x30]  }
0x796: {  	v61 =	vld [tilespmem:s28+$0xB0]  }
0x797: {  	v63 =	vld.idx.msk [tilespmem:v1+s25+$0x0], $0xffff;
	v1 =	vadd.f32 v7, v4  }
0x798: {  	v62 =	vld [tilespmem:s18+$0xFFFFFFD0];
	v6 =	vmul.f32 v57, v6  }
0x799: {  	v4 =	vld.idx.msk [tilespmem:v8+s25+$0x0], $0xffff;
	v7 =	vmul.f32 $5.000000000e-01, v1  }
0x79a: {  	[tilespmem:s21+$0xFFFFFFE0] =	vst v6;
	v6 =	vadd.f32 v11, v10;
	v8 =	vld [tilespmem:s29+$0x30]  }
0x79b: {  	v5 =	vadd.f32 v5, v2;
	v1 =	vld [tilespmem:s31+$0xFFFFFF70];
	v2 =	vpop (erf)  }
0x79c: {  	v10 =	vmul.f32 $5.000000000e-01, v6;
	v11 =	vmul.f32 v2, v7;
	v2 =	vld [tilespmem:s31+$0xFFFFFFF0]  }
0x79d: {  	v5 =	vmul.f32 $5.000000000e-01, v5;
	(erf) = vrcp.f32 v62;
	v6 =	vld.idx.msk [tilespmem:v9+s25+$0x0], $0xffff;
	v7 =	vpop (erf)  }
0x79e: {  	[tilespmem:s26+$0x60] =	vst v11;
	v9 =	vmul.f32 v7, v10;
	v7 =	vld.idx.msk [tilespmem:v61+s25+$0x0], $0xffff  }
0x79f: {  	v5 =	vmul.f32 v3, v5;
	v10 =	vadd.f32 v4, v63;
	v3 =	vld [tilespmem:s22+$0x70]  }
0x7a0: {  	s16 =	simm.s32 $0x4;
	(erf) = vrcp.f32 v8;
	v4 =	vld [tilespmem:s22+$0xF0];
	[tilespmem:s20+$0xFFFFFFA0] =	vst v9  }
0x7a1: {  	s13 =	simm.s32 $0x1B9A0;
	s17 =	simm.s32 $0x1D1A0;
	s7 =	simm.s32 $0x18E20;
	[tilespmem:s21+$0x70] =	vst v5;
	v8 =	vmul.f32 $5.000000000e-01, v10;
	v5 =	vld [tilespmem:s28+$0xFFFFFF30]  }
.LBB2_18:
0x7a2: {  	v9 =	vld [tilespmem:s7+$0x0]  }
0x7a3: {  	v10 =	vld [tilespmem:s18+$0x70]  }
0x7a4: {  	v11 =	vld [tilespmem:s7+$0x80]  }
0x7a5: {  	s29 =	sadd.s32 $0x100, s29;
	v12 =	vld [tilespmem:s7+$0xFFFFFF80]  }
0x7a6: {  	v6 =	vadd.f32 v7, v6;
	v13 =	vld [tilespmem:s29+$0x0];
	v7 =	vpop (erf)  }
0x7a7: {  	v7 =	vmul.f32 v7, v8;
	v3 =	vld.idx.msk [tilespmem:v3+s25+$0x0], $0xffff  }
0x7a8: {  	v6 =	vmul.f32 $5.000000000e-01, v6;
	v4 =	vld.idx.msk [tilespmem:v4+s25+$0x0], $0xffff;
	(erf) = vrcp.f32 v10  }
0x7a9: {  	v8 =	vld [tilespmem:s7+$0xFFFFFF00];
	v10 =	vpop (erf);
	[tilespmem:s26+$0xFFFFFFD0] =	vst v7  }
0x7aa: {  	v7 =	vld [tilespmem:s29+$0xFFFFFF80];
	v6 =	vmul.f32 v10, v6  }
0x7ab: {  	v9 =	vld.idx.msk [tilespmem:v9+s25+$0x0], $0xffff  }
0x7ac: {  	v10 =	vld.idx.msk [tilespmem:v11+s25+$0x0], $0xffff;
	(erf) = vrcp.f32 v13;
	[tilespmem:s20+$0x30] =	vst v6  }
0x7ad: {  	s16 =	sadd.s32 $0x2, s16;
	v6 =	vld [tilespmem:s28+$0x40]  }
0x7ae: {  	p1 =	slt.u32 s16, $0x8;
	v3 =	vadd.f32 v4, v3;
	v11 =	vld [tilespmem:s28+$0xC0]  }
0x7af: {  	v4 =	vld.idx.msk [tilespmem:v12+s25+$0x0], $0xffff;
	(erf) = vrcp.f32 v7  }
0x7b0: {  	v3 =	vmul.f32 $5.000000000e-01, v3;
	v7 =	vld [tilespmem:s28+$0xFFFFFFB0]  }
0x7b1: {  	v12 =	vld [tilespmem:s13+$0x40];
	v13 =	vpop (erf)  }
0x7b2: {  	v9 =	vadd.f32 v10, v9;
	v8 =	vld.idx.msk [tilespmem:v8+s25+$0x0], $0xffff;
	v13 =	vmul.f32 v13, v3  }
0x7b3: {  	v10 =	vld [tilespmem:s13+$0xFFFFFFB0]  }
0x7b4: {  	v9 =	vmul.f32 $5.000000000e-01, v9;
	v5 =	vld.idx.msk [tilespmem:v5+s25+$0x0], $0xffff;
	[tilespmem:s26+$0x70] =	vst v13  }
0x7b5: {  	v3 =	vpop (erf);
	v6 =	vld.idx.msk [tilespmem:v6+s25+$0x0], $0xffff  }
0x7b6: {  	v13 =	vmul.f32 v3, v9;
	v9 =	vld.idx.msk [tilespmem:v11+s25+$0x0], $0xffff;
	(erf) = vrcp.f32 v12  }
0x7b7: {  	s20 =	sadd.s32 $0x100, s20;
	v11 =	vld [tilespmem:s22+$0xFFFFFF60]  }
0x7b8: {  	v4 =	vadd.f32 v4, v8;
	[tilespmem:s20+$0x0] =	vst v13;
	v3 =	vpop (erf);
	v7 =	vld.idx.msk [tilespmem:v7+s25+$0x0], $0xffff;
	(erf) = vrcp.f32 v10  }
0x7b9: {  	v8 =	vld [tilespmem:s7+$0x10]  }
0x7ba: {  	v4 =	vmul.f32 $5.000000000e-01, v4;
	v10 =	vld [tilespmem:s7+$0x90]  }
0x7bb: {  	v12 =	vld [tilespmem:s22+$0xFFFFFFE0]  }
0x7bc: {  	v3 =	vmul.f32 v3, v4;
	v4 =	vadd.f32 v9, v6;
	v6 =	vld [tilespmem:s18+$0xFFFFFFE0]  }
0x7bd: {  	v9 =	vld [tilespmem:s29+$0x10]  }
0x7be: {  	v4 =	vmul.f32 $5.000000000e-01, v4;
	[tilespmem:s20+$0xFFFFFF80] =	vst v3;
	v3 =	vadd.f32 v7, v5;
	v5 =	vld [tilespmem:s19+$0xFFFFFFF0];
	s19 =	smov.u32 s18;
	s18 =	smov.u32 s13;
	s13 =	smov.u32 s29  }
0x7bf: {  	v7 =	vld [tilespmem:s7+$0xFFFFFF10];
	v13 =	vpop (erf)  }
0x7c0: {  	v14 =	vld [tilespmem:s7+$0xFFFFFF90];
	v3 =	vmul.f32 $5.000000000e-01, v3;
	v4 =	vmul.f32 v13, v4  }
0x7c1: {  	v8 =	vld.idx.msk [tilespmem:v8+s25+$0x0], $0xffff;
	v13 =	vpop (erf);
	(erf) = vrcp.f32 v6  }
0x7c2: {  	v6 =	vld.idx.msk [tilespmem:v10+s25+$0x0], $0xffff;
	(erf) = vrcp.f32 v9;
	v3 =	vmul.f32 v13, v3;
	[tilespmem:s17+$0x40] =	vst v4  }
0x7c3: {  	v4 =	vld [tilespmem:s28+$0x50];
	(erf) = vrcp.f32 v5  }
0x7c4: {  	[tilespmem:s17+$0xFFFFFFB0] =	vst v3;
	v3 =	vld [tilespmem:s28+$0xD0]  }
0x7c5: {  	v5 =	vld [tilespmem:s29+$0xFFFFFF90]  }
0x7c6: {  	v9 =	vld [tilespmem:s28+$0xFFFFFF40]  }
0x7c7: {  	v10 =	vld [tilespmem:s18+$0x50]  }
0x7c8: {  	v6 =	vadd.f32 v6, v8;
	v7 =	vld.idx.msk [tilespmem:v7+s25+$0x0], $0xffff  }
0x7c9: {  	v8 =	vld.idx.msk [tilespmem:v14+s25+$0x0], $0xffff  }
0x7ca: {  	v6 =	vmul.f32 $5.000000000e-01, v6;
	(erf) = vrcp.f32 v5;
	v5 =	vld [tilespmem:s28+$0xFFFFFFC0];
	v13 =	vpop (erf)  }
0x7cb: {  	v14 =	vpop (erf);
	v4 =	vld.idx.msk [tilespmem:v4+s25+$0x0], $0xffff  }
0x7cc: {  	v6 =	vmul.f32 v14, v6;
	v3 =	vld.idx.msk [tilespmem:v3+s25+$0x0], $0xffff;
	(erf) = vrcp.f32 v10;
	v10 =	vpop (erf)  }
0x7cd: {  	v14 =	vld [tilespmem:s18+$0xFFFFFFC0]  }
0x7ce: {  	[tilespmem:s20+$0x10] =	vst v6;
	v6 =	vld.idx.msk [tilespmem:v9+s25+$0x0], $0xffff  }
0x7cf: {  	v7 =	vadd.f32 v8, v7;
	v8 =	vld [tilespmem:s7+$0x20]  }
0x7d0: {  	v9 =	vld [tilespmem:s7+$0xA0]  }
0x7d1: {  	v7 =	vmul.f32 $5.000000000e-01, v7;
	v11 =	vld.idx.msk [tilespmem:v11+s25+$0x0], $0xffff  }
0x7d2: {  	v3 =	vadd.f32 v3, v4;
	v5 =	vld.idx.msk [tilespmem:v5+s25+$0x0], $0xffff;
	(erf) = vrcp.f32 v14  }
0x7d3: {  	v4 =	vld [tilespmem:s29+$0x20];
	v14 =	vpop (erf)  }
0x7d4: {  	v3 =	vmul.f32 $5.000000000e-01, v3;
	v7 =	vmul.f32 v14, v7;
	v12 =	vld.idx.msk [tilespmem:v12+s25+$0x0], $0xffff  }
0x7d5: {  	v14 =	vpop (erf);
	v1 =	vld.idx.msk [tilespmem:v1+s25+$0x0], $0xffff  }
0x7d6: {  	[tilespmem:s20+$0xFFFFFF90] =	vst v7;
	v3 =	vmul.f32 v14, v3;
	v2 =	vld.idx.msk [tilespmem:v2+s25+$0x0], $0xffff  }
0x7d7: {  	v7 =	vld.idx.msk [tilespmem:v8+s25+$0x0], $0xffff  }
0x7d8: {  	v8 =	vld.idx.msk [tilespmem:v9+s25+$0x0], $0xffff;
	(erf) = vrcp.f32 v4;
	v4 =	vadd.f32 v5, v6;
	[tilespmem:s17+$0x50] =	vst v3  }
0x7d9: {  	v3 =	vld [tilespmem:s28+$0x60]  }
0x7da: {  	v6 =	vadd.f32 v12, v11;
	v4 =	vmul.f32 $5.000000000e-01, v4;
	v5 =	vld [tilespmem:s28+$0xE0]  }
0x7db: {  	v9 =	vld [tilespmem:s7+$0xFFFFFF20];
	v11 =	vpop (erf)  }
0x7dc: {  	v6 =	vmul.f32 $5.000000000e-01, v6;
	v1 =	vadd.f32 v2, v1;
	v12 =	vld [tilespmem:s7+$0xFFFFFFA0];
	v4 =	vmul.f32 v11, v4  }
0x7dd: {  	v2 =	vld [tilespmem:s18+$0x60]  }
0x7de: {  	v7 =	vadd.f32 v8, v7;
	v13 =	vmul.f32 v13, v6;
	v1 =	vmul.f32 $5.000000000e-01, v1;
	v11 =	vld [tilespmem:s29+$0xFFFFFFA0];
	[tilespmem:s17+$0xFFFFFFC0] =	vst v4  }
0x7df: {  	v6 =	vld [tilespmem:s28+$0xFFFFFF50]  }
0x7e0: {  	v7 =	vmul.f32 $5.000000000e-01, v7;
	v1 =	vmul.f32 v10, v1;
	v8 =	vld [tilespmem:s28+$0xFFFFFFD0];
	[tilespmem:s26+$0xFFFFFFE0] =	vst v13  }
0x7e1: {  	v4 =	vpop (erf);
	v3 =	vld.idx.msk [tilespmem:v3+s25+$0x0], $0xffff  }
0x7e2: {  	v4 =	vmul.f32 v4, v7;
	v5 =	vld.idx.msk [tilespmem:v5+s25+$0x0], $0xffff;
	(erf) = vrcp.f32 v2;
	[tilespmem:s21+$0xFFFFFFF0] =	vst v1;
	s21 =	smov.u32 s26;
	s26 =	smov.u32 s17;
	s17 =	smov.u32 s20  }
0x7e3: {  	v1 =	vld.idx.msk [tilespmem:v9+s25+$0x0], $0xffff;
	(erf) = vrcp.f32 v11  }
0x7e4: {  	v2 =	vld.idx.msk [tilespmem:v12+s25+$0x0], $0xffff;
	[tilespmem:s20+$0x20] =	vst v4  }
0x7e5: {  	v4 =	vld [tilespmem:s7+$0x30]  }
0x7e6: {  	v7 =	vld [tilespmem:s7+$0xB0]  }
0x7e7: {  	v9 =	vld [tilespmem:s18+$0xFFFFFFD0]  }
0x7e8: {  	v3 =	vadd.f32 v5, v3;
	v10 =	vld.idx.msk [tilespmem:v6+s25+$0x0], $0xffff  }
0x7e9: {  	v5 =	vld.idx.msk [tilespmem:v8+s25+$0x0], $0xffff  }
0x7ea: {  	v2 =	vadd.f32 v2, v1;
	v3 =	vmul.f32 $5.000000000e-01, v3;
	v1 =	vld [tilespmem:s22+$0xFFFFFF70]  }
0x7eb: {  	v8 =	vld [tilespmem:s29+$0x30];
	v6 =	vpop (erf)  }
0x7ec: {  	v11 =	vmul.f32 $5.000000000e-01, v2;
	v12 =	vpop (erf);
	v3 =	vmul.f32 v6, v3;
	v2 =	vld [tilespmem:s22+$0xFFFFFFF0];
	s22 =	smov.u32 s28;
	s28 =	smov.u32 s7  }
.Ltmp10:
0x7ed: {  	v6 =	vld.idx.msk [tilespmem:v4+s25+$0x0], $0xffff;
	(erf) = vrcp.f32 v9;
	(pc) =	sbr.rel @p1 .LBB2_18-.Ltmp10, $4  }
0x7ee: {  	v4 =	vmul.f32 v12, v11;
	v7 =	vld.idx.msk [tilespmem:v7+s25+$0x0], $0xffff;
	[tilespmem:s26+$0x60] =	vst v3  }
0x7ef: {  	v9 =	vadd.f32 v5, v10;
	v3 =	vld [tilespmem:s22+$0x70]  }
0x7f0: {  	[tilespmem:s20+$0xFFFFFFA0] =	vst v4;
	(erf) = vrcp.f32 v8;
	v4 =	vld [tilespmem:s22+$0xF0]  }
0x7f1: {  	s7 =	sadd.s32 $0x200, s7;
	v8 =	vmul.f32 $5.000000000e-01, v9;
	v5 =	vld [tilespmem:s28+$0xFFFFFF30]  }
0x7f2: {  	_ =	sdelay $0x3  }
0x7f3: {  	v6 =	vadd.f32 v7, v6;
	_ =	sdelay $0x1  }
0x7f4: {  	v6 =	vmul.f32 $5.000000000e-01, v6;
	v24 =	vpop (erf)  }
0x7f5: {  	v9 =	vpop (erf)  }
0x7f6: {  	v25 =	vld [tilespmem:s18+$0x70];
	v6 =	vmul.f32 v9, v6  }
0x7f7: {  	v11 =	vld [tilespmem:s28+$0xFFFFFFB0]  }
0x7f8: {  	v13 =	vld [tilespmem:s13+$0xFFFFFFB0];
	[tilespmem:s20+$0x30] =	vst v6  }
0x7f9: {  	v6 =	vld [tilespmem:s28+$0x40]  }
0x7fa: {  	v12 =	vld [tilespmem:s13+$0x40]  }
0x7fb: {  	v10 =	vld [tilespmem:s28+$0xC0];
	_ =	sdelay $0x2  }
0x7fc: {  	(erf) = vrcp.f32 v25  }
0x7fd: {  	(erf) = vrcp.f32 v12  }
0x7fe: {  	v5 =	vld.idx.msk [tilespmem:v5+s25+$0x0], $0xffff;
	(erf) = vrcp.f32 v13  }
0x7ff: {  	v27 =	vld.idx.msk [tilespmem:v11+s25+$0x0], $0xffff  }
0x800: {  	v6 =	vld.idx.msk [tilespmem:v6+s25+$0x0], $0xffff  }
0x801: {  	v26 =	vld.idx.msk [tilespmem:v10+s25+$0x0], $0xffff;
	_ =	sdelay $0x2  }
0x802: {  	v5 =	vadd.f32 v27, v5  }
0x803: {  	v28 =	vpop (erf)  }
0x804: {  	v5 =	vmul.f32 $5.000000000e-01, v5;
	v6 =	vadd.f32 v26, v6;
	v29 =	vpop (erf)  }
0x805: {  	v7 =	vmul.f32 v24, v8;
	v30 =	vpop (erf)  }
0x806: {  	v6 =	vmul.f32 $5.000000000e-01, v6;
	v5 =	vmul.f32 v30, v5  }
0x807: {  	v31 =	vld [tilespmem:s19+$0xFFFFFFF0];
	[tilespmem:s26+$0xFFFFFFD0] =	vst v7  }
0x808: {  	v7 =	vld [tilespmem:s18+$0xFFFFFFE0];
	v6 =	vmul.f32 v29, v6;
	[tilespmem:s17+$0xFFFFFFB0] =	vst v5  }
0x809: {  	v33 =	vld [tilespmem:s28+$0xFFFFFF40]  }
0x80a: {  	[tilespmem:s17+$0x40] =	vst v6;
	v35 =	vld [tilespmem:s28+$0xFFFFFFC0]  }
0x80b: {  	v6 =	vld [tilespmem:s28+$0x50]  }
0x80c: {  	v32 =	vld [tilespmem:s28+$0xD0]  }
0x80d: {  	v34 =	vld [tilespmem:s13+$0x50]  }
0x80e: {  	v36 =	vld [tilespmem:s13+$0xFFFFFFC0];
	_ =	sdelay $0x1  }
0x80f: {  	(erf) = vrcp.f32 v7  }
0x810: {  	(erf) = vrcp.f32 v31  }
0x811: {  	(erf) = vrcp.f32 v34;
	v37 =	vld.idx.msk [tilespmem:v33+s25+$0x0], $0xffff  }
0x812: {  	(erf) = vrcp.f32 v36;
	v38 =	vld.idx.msk [tilespmem:v35+s25+$0x0], $0xffff  }
0x813: {  	v6 =	vld.idx.msk [tilespmem:v6+s25+$0x0], $0xffff  }
0x814: {  	v5 =	vld.idx.msk [tilespmem:v32+s25+$0x0], $0xffff;
	_ =	sdelay $0x3  }
0x815: {  	v39 =	vpop (erf);
	v7 =	vadd.f32 v38, v37  }
0x816: {  	v10 =	vpop (erf);
	v5 =	vadd.f32 v5, v6  }
0x817: {  	v40 =	vpop (erf);
	v7 =	vmul.f32 $5.000000000e-01, v7  }
0x818: {  	v5 =	vmul.f32 $5.000000000e-01, v5;
	v41 =	vpop (erf)  }
0x819: {  	v42 =	vmul.f32 v41, v7  }
0x81a: {  	v5 =	vmul.f32 v40, v5  }
0x81b: {  	[tilespmem:s17+$0xFFFFFFC0] =	vst v42  }
0x81c: {  	[tilespmem:s17+$0x50] =	vst v5;
	v5 =	vld [tilespmem:s28+$0xFFFFFF50]  }
0x81d: {  	v45 =	vld [tilespmem:s28+$0xFFFFFFD0]  }
0x81e: {  	v47 =	vld [tilespmem:s13+$0xFFFFFFD0]  }
0x81f: {  	v43 =	vld [tilespmem:s28+$0x60]  }
0x820: {  	v46 =	vld [tilespmem:s13+$0x60]  }
0x821: {  	v44 =	vld [tilespmem:s28+$0xE0];
	_ =	sdelay $0x3  }
0x822: {  	(erf) = vrcp.f32 v46  }
0x823: {  	(erf) = vrcp.f32 v47;
	v5 =	vld.idx.msk [tilespmem:v5+s25+$0x0], $0xffff  }
0x824: {  	v11 =	vld.idx.msk [tilespmem:v45+s25+$0x0], $0xffff  }
0x825: {  	v7 =	vld.idx.msk [tilespmem:v43+s25+$0x0], $0xffff  }
0x826: {  	v9 =	vld.idx.msk [tilespmem:v44+s25+$0x0], $0xffff;
	_ =	sdelay $0x2  }
0x827: {  	v5 =	vadd.f32 v11, v5;
	_ =	sdelay $0x1  }
0x828: {  	v7 =	vadd.f32 v9, v7;
	v48 =	vpop (erf);
	v5 =	vmul.f32 $5.000000000e-01, v5  }
0x829: {  	v49 =	vpop (erf)  }
0x82a: {  	v7 =	vmul.f32 $5.000000000e-01, v7;
	v5 =	vmul.f32 v49, v5  }
0x82b: {  	v51 =	vld [tilespmem:s22+$0xFFFFFFE0]  }
0x82c: {  	v50 =	vld [tilespmem:s22+$0xFFFFFF60];
	v7 =	vmul.f32 v48, v7;
	[tilespmem:s17+$0xFFFFFFD0] =	vst v5  }
0x82d: {  	v5 =	vld [tilespmem:s28+$0xFFFFFF60]  }
0x82e: {  	[tilespmem:s17+$0x60] =	vst v7;
	v52 =	vld [tilespmem:s28+$0xFFFFFFE0]  }
0x82f: {  	v53 =	vld [tilespmem:s13+$0x70]  }
0x830: {  	v54 =	vld [tilespmem:s13+$0xFFFFFFE0];
	_ =	sdelay $0x2  }
0x831: {  	v12 =	vld.idx.msk [tilespmem:v51+s25+$0x0], $0xffff  }
0x832: {  	v11 =	vld.idx.msk [tilespmem:v50+s25+$0x0], $0xffff;
	(erf) = vrcp.f32 v53  }
0x833: {  	(erf) = vrcp.f32 v54;
	v5 =	vld.idx.msk [tilespmem:v5+s25+$0x0], $0xffff  }
0x834: {  	v7 =	vld.idx.msk [tilespmem:v52+s25+$0x0], $0xffff;
	_ =	sdelay $0x2  }
0x835: {  	v55 =	vadd.f32 v12, v11  }
0x836: {  	v1 =	vld.idx.msk [tilespmem:v1+s25+$0x0], $0xffff  }
0x837: {  	v2 =	vld.idx.msk [tilespmem:v2+s25+$0x0], $0xffff;
	v9 =	vmul.f32 $5.000000000e-01, v55;
	v5 =	vadd.f32 v7, v5  }
0x838: {  	v3 =	vld.idx.msk [tilespmem:v3+s25+$0x0], $0xffff  }
0x839: {  	v4 =	vld.idx.msk [tilespmem:v4+s25+$0x0], $0xffff;
	v6 =	vmul.f32 v39, v9;
	v56 =	vpop (erf);
	v5 =	vmul.f32 $5.000000000e-01, v5  }
0x83a: {  	v57 =	vld [tilespmem:s28+$0x70];
	v58 =	vpop (erf)  }
0x83b: {  	v59 =	vld [tilespmem:s28+$0xF0];
	[tilespmem:s26+$0xFFFFFFE0] =	vst v6;
	v5 =	vmul.f32 v58, v5  }
0x83c: {  	v60 =	vld [tilespmem:s22+$0xFFFFFF70]  }
0x83d: {  	v61 =	vld [tilespmem:s22+$0xFFFFFFF0];
	[tilespmem:s17+$0xFFFFFFE0] =	vst v5  }
0x83e: {  	v5 =	vld [tilespmem:s28+$0xFFFFFF70]  }
0x83f: {  	v62 =	vld [tilespmem:s28+$0xFFFFFFF0]  }
0x840: {  	v14 =	vld [tilespmem:s18+$0xFFFFFFF0]  }
0x841: {  	v15 =	vld [tilespmem:s13+$0xFFFFFFF0]  }
0x842: {  	v9 =	vld.idx.msk [tilespmem:v57+s25+$0x0], $0xffff  }
0x843: {  	v6 =	vld.idx.msk [tilespmem:v59+s25+$0x0], $0xffff  }
0x844: {  	v11 =	vld.idx.msk [tilespmem:v60+s25+$0x0], $0xffff  }
0x845: {  	v12 =	vld.idx.msk [tilespmem:v61+s25+$0x0], $0xffff;
	(erf) = vrcp.f32 v14  }
0x846: {  	v3 =	vadd.f32 v4, v3;
	(erf) = vrcp.f32 v15;
	v5 =	vld.idx.msk [tilespmem:v5+s25+$0x0], $0xffff  }
0x847: {  	v13 =	vld.idx.msk [tilespmem:v62+s25+$0x0], $0xffff  }
0x848: {  	v1 =	vadd.f32 v2, v1;
	v2 =	vmul.f32 $5.000000000e-01, v3;
	v3 =	vadd.f32 v6, v9;
	_ =	sdelay $0x1  }
0x849: {  	v3 =	vmul.f32 $5.000000000e-01, v3  }
0x84a: {  	v1 =	vmul.f32 $5.000000000e-01, v1;
	v63 =	vadd.f32 v12, v11  }
0x84b: {  	v2 =	vmul.f32 v28, v2;
	v5 =	vadd.f32 v13, v5  }
0x84c: {  	v1 =	vmul.f32 v10, v1;
	v4 =	vmul.f32 $5.000000000e-01, v63  }
0x84d: {  	[tilespmem:s26+$0x70] =	vst v2;
	v2 =	vmul.f32 v56, v3;
	v3 =	vpop (erf);
	v5 =	vmul.f32 $5.000000000e-01, v5  }
0x84e: {  	[tilespmem:s21+$0xFFFFFFF0] =	vst v1;
	v1 =	vmul.f32 v3, v4;
	v3 =	vpop (erf)  }
0x84f: {  	[tilespmem:s17+$0x70] =	vst v2;
	v2 =	vmul.f32 v3, v5  }
0x850: {  	[tilespmem:s26+$0xFFFFFFF0] =	vst v1  }
0x851: {  	[tilespmem:s17+$0xFFFFFFF0] =	vst v2  }
.Ltmp11:
0x852: {  	s7 =	rddreg [dreg:$0x12];
	(pc) =	sbr.rel @p0 .LBB2_21-.Ltmp11, $4  }
0x853: {  	[hbm4b:s7+s6] =	stream.linear.scatter [tilespmem:s10], [sflag:$0x7], $0x500, $0x38;
	[tilespmem:$0x1FF90] =	vst v63  }
0x854: {  	_ =	swait.ge [sflag:s23], $0x500  }
0x855: {  	[sflag:s23] =	ssyncset.done $0x0  }
0x856: {  	s16 =	rddreg [dreg:$0x1b];
	[sflag:s23] =	ssyncadd.s32 $0xFFFFFB00  }
0x857: {  	s7 =	rddreg [dreg:$0x13]  }
0x858: {  	[tilespmem:s24], [sflag:$0x7] =	stream.linear.gather [hbm4b:s7+s6], $0x100, $0x38;
	[tilespmem:$0x1FF90] =	vst v63  }
0x859: {  	_ =	swait.ge [sflag:s23], $0x100  }
0x85a: {  	[sflag:s23] =	ssyncset.done $0x0  }
0x85b: {  	s13 =	simm.s32 $0x1B720;
	s30 =	rddreg [dreg:$0x14];
	[sflag:s23] =	ssyncadd.s32 $0xFFFFFF00  }
0x85c: {  	[tilespmem:s13], [sflag:$0x7] =	stream.linear.gather [hbm4b:s30+s6], $0x80, $0x38;
	[tilespmem:$0x1FF90] =	vst v63  }
0x85d: {  	_ =	swait.ge [sflag:s23], $0x80  }
0x85e: {  	[sflag:s23] =	ssyncset.done $0x0  }
0x85f: {  	[sflag:s23] =	ssyncadd.s32 $0xFFFFFF80  }
0x860: {  	v1 =	vld [tilespmem:$0x18720]  }
0x861: {  	v2 =	vld [tilespmem:$0x187A0];
	_ =	sdelay $0x1  }
0x862: {  	v3 =	vld [tilespmem:$0x1B720];
	_ =	sdelay $0x4  }
0x863: {  	(erf) = vrcp.f32 v3;
	v1 =	vld.idx.msk [tilespmem:v1+s25+$0x0], $0xffff  }
0x864: {  	v2 =	vld.idx.msk [tilespmem:v2+s25+$0x0], $0xffff;
	_ =	sdelay $0x3  }
0x865: {  	v3 =	vld [tilespmem:$0x18730]  }
0x866: {  	v1 =	vadd.f32 v2, v1;
	v2 =	vld [tilespmem:$0x187B0];
	_ =	sdelay $0x1  }
0x867: {  	v4 =	vld [tilespmem:$0x1B730];
	v1 =	vmul.f32 $5.000000000e-01, v1  }
0x868: {  	v5 =	vpop (erf)  }
0x869: {  	v1 =	vmul.f32 v5, v1;
	_ =	sdelay $0x1  }
0x86a: {  	[tilespmem:$0x1CF20] =	vst v1  }
0x86b: {  	(erf) = vrcp.f32 v4;
	v1 =	vld.idx.msk [tilespmem:v3+s25+$0x0], $0xffff  }
0x86c: {  	v2 =	vld.idx.msk [tilespmem:v2+s25+$0x0], $0xffff;
	_ =	sdelay $0x3  }
0x86d: {  	v3 =	vld [tilespmem:$0x18740]  }
0x86e: {  	v1 =	vadd.f32 v2, v1;
	v2 =	vld [tilespmem:$0x187C0];
	_ =	sdelay $0x1  }
0x86f: {  	v52 =	vld [tilespmem:$0x1B740];
	v1 =	vmul.f32 $5.000000000e-01, v1  }
0x870: {  	v53 =	vpop (erf)  }
0x871: {  	v1 =	vmul.f32 v53, v1;
	_ =	sdelay $0x1  }
0x872: {  	[tilespmem:$0x1CF30] =	vst v1  }
0x873: {  	(erf) = vrcp.f32 v52;
	v1 =	vld.idx.msk [tilespmem:v3+s25+$0x0], $0xffff  }
0x874: {  	v2 =	vld.idx.msk [tilespmem:v2+s25+$0x0], $0xffff;
	_ =	sdelay $0x3  }
0x875: {  	v3 =	vld [tilespmem:$0x18750]  }
0x876: {  	v1 =	vadd.f32 v2, v1;
	v2 =	vld [tilespmem:$0x187D0];
	_ =	sdelay $0x1  }
0x877: {  	v54 =	vld [tilespmem:$0x1B750];
	v1 =	vmul.f32 $5.000000000e-01, v1  }
0x878: {  	v55 =	vpop (erf)  }
0x879: {  	v1 =	vmul.f32 v55, v1;
	_ =	sdelay $0x1  }
0x87a: {  	[tilespmem:$0x1CF40] =	vst v1  }
0x87b: {  	(erf) = vrcp.f32 v54;
	v1 =	vld.idx.msk [tilespmem:v3+s25+$0x0], $0xffff  }
0x87c: {  	v2 =	vld.idx.msk [tilespmem:v2+s25+$0x0], $0xffff;
	_ =	sdelay $0x3  }
0x87d: {  	v3 =	vld [tilespmem:$0x18760]  }
0x87e: {  	v1 =	vadd.f32 v2, v1;
	v2 =	vld [tilespmem:$0x187E0];
	_ =	sdelay $0x1  }
0x87f: {  	v56 =	vld [tilespmem:$0x1B760];
	v1 =	vmul.f32 $5.000000000e-01, v1  }
0x880: {  	v57 =	vpop (erf)  }
0x881: {  	v1 =	vmul.f32 v57, v1;
	_ =	sdelay $0x1  }
0x882: {  	[tilespmem:$0x1CF50] =	vst v1  }
0x883: {  	(erf) = vrcp.f32 v56;
	v1 =	vld.idx.msk [tilespmem:v3+s25+$0x0], $0xffff  }
0x884: {  	v2 =	vld.idx.msk [tilespmem:v2+s25+$0x0], $0xffff;
	_ =	sdelay $0x3  }
0x885: {  	v3 =	vld [tilespmem:$0x18770]  }
0x886: {  	v1 =	vadd.f32 v2, v1;
	v2 =	vld [tilespmem:$0x187F0];
	_ =	sdelay $0x1  }
0x887: {  	v58 =	vld [tilespmem:$0x1B770];
	v1 =	vmul.f32 $5.000000000e-01, v1  }
0x888: {  	v59 =	vpop (erf)  }
0x889: {  	v1 =	vmul.f32 v59, v1;
	_ =	sdelay $0x1  }
0x88a: {  	[tilespmem:$0x1CF60] =	vst v1  }
0x88b: {  	(erf) = vrcp.f32 v58;
	v1 =	vld.idx.msk [tilespmem:v3+s25+$0x0], $0xffff  }
0x88c: {  	v2 =	vld.idx.msk [tilespmem:v2+s25+$0x0], $0xffff;
	_ =	sdelay $0x3  }
0x88d: {  	v3 =	vld [tilespmem:$0x18780]  }
0x88e: {  	v1 =	vadd.f32 v2, v1;
	v2 =	vld [tilespmem:$0x18800];
	_ =	sdelay $0x1  }
0x88f: {  	v60 =	vld [tilespmem:$0x1B780];
	v1 =	vmul.f32 $5.000000000e-01, v1  }
0x890: {  	v61 =	vpop (erf)  }
0x891: {  	v1 =	vmul.f32 v61, v1;
	_ =	sdelay $0x1  }
0x892: {  	[tilespmem:$0x1CF70] =	vst v1  }
0x893: {  	(erf) = vrcp.f32 v60;
	v1 =	vld.idx.msk [tilespmem:v3+s25+$0x0], $0xffff  }
0x894: {  	v2 =	vld.idx.msk [tilespmem:v2+s25+$0x0], $0xffff;
	_ =	sdelay $0x3  }
0x895: {  	v3 =	vld [tilespmem:$0x18790]  }
0x896: {  	v1 =	vadd.f32 v2, v1;
	v2 =	vld [tilespmem:$0x18810];
	_ =	sdelay $0x1  }
0x897: {  	v62 =	vld [tilespmem:$0x1B790];
	v1 =	vmul.f32 $5.000000000e-01, v1  }
0x898: {  	v63 =	vpop (erf)  }
0x899: {  	v1 =	vmul.f32 v63, v1;
	_ =	sdelay $0x1  }
0x89a: {  	[tilespmem:$0x1CF80] =	vst v1  }
0x89b: {  	(erf) = vrcp.f32 v62;
	v1 =	vld.idx.msk [tilespmem:v3+s25+$0x0], $0xffff  }
0x89c: {  	v2 =	vld.idx.msk [tilespmem:v2+s25+$0x0], $0xffff;
	_ =	sdelay $0x4  }
0x89d: {  	v1 =	vadd.f32 v2, v1;
	_ =	sdelay $0x1  }
0x89e: {  	v1 =	vmul.f32 $5.000000000e-01, v1  }
0x89f: {  	v2 =	vpop (erf)  }
0x8a0: {  	v1 =	vmul.f32 v2, v1;
	_ =	sdelay $0x1  }
.Ltmp12:
0x8a1: {  	s31 =	rddreg [dreg:$0x15];
	[tilespmem:$0x1CF90] =	vst v1;
	(pc) =	sbr.rel .LBB2_21-.Ltmp12, $4  }
0x8a2: {  	[hbm4b:s31+s6] =	stream.linear.scatter [tilespmem:s10], [sflag:$0x7], $0x80, $0x38;
	[tilespmem:$0x1FF90] =	vst v63  }
0x8a3: {  	_ =	swait.ge [sflag:s23], $0x80  }
0x8a4: {  	[sflag:s23] =	ssyncset.done $0x0  }
0x8a5: {  	[sflag:s23] =	ssyncadd.s32 $0xFFFFFF80  }
.LBB2_22:
0x8a6: {  	_ =	sfence.sel $0x180000  }
0x8a7: {  	[bflag:$0x0] =	sbarrier.arrive $0xFFFF  }
0x8a8: {  	_ =	strace $0x90000047  }
0x8a9: {  	s0 =	stileid.u32;
	[bflag:$0x2] =	sbarrier.arrive $0xFFFF  }
0x8aa: {  	p0 =	sne.s32 s0, $0x0;
	s0 =	rddreg [dreg:$0x5]  }
0x8ab: {  	s0 =	sadd.s32 @!p0 $0x100000, s0  }
0x8ac: {  	[sflag:s0] =	ssyncadd.tile.s32 @!p0 $0x1;
	_ =	shalt  }
.Lfunc_end2:
_tile_overlayer_lowered:
.L_overlay_start_2:
0x8ad: {  	(tag) =	ssettag $0x2  }
0x8ae: {  	s0 =	rddreg [dreg:$0x0];
	s2 =	stileid.u32  }
0x8af: {  	s1 =	rddreg [dreg:$0x1];
	p0 =	sne.s32 s2, $0x0  }
0x8b0: {  	s3 =	rddreg [dreg:$0x2];
	[bflag:$0x3] =	sbarrier.arrive $0xFFFF;
	s2 =	simm.s32 @!p0 $0x1C07  }
0x8b1: {  	[timem:s3], [sflag:s2] =	dma.local @!p0 [hbm:s0], s1  }
0x8b2: {  	s0 =	simm.s32 @!p0 $0x7  }
0x8b3: {  	_ =	swait.ge @!p0 [sflag:s0], s1  }
0x8b4: {  	s1 =	ssub.s32 @!p0 $0x0, s1;
	[sflag:s0] =	ssyncset.done @!p0 $0x0  }
0x8b5: {  	[sflag:s0] =	ssyncadd.s32 @!p0 s1  }
0x8b6: {  	[bflag:$0x3] =	sbarrier.arrive $0xFFFF  }
0x8b7: {  	_ =	shalt  }

</sc_bundles>
